<compile_context>
chip_gen: v7x
topology: tpu7x:2x2x1
jax: 0.10.2.dev20260603
libtpu: 0.0.44.dev20260713+nightly
codegen_flags: <defaults>
</compile_context>

<pallas_src>
import functools

import jax
import jax.numpy as jnp
from jax import lax
from jax.experimental import pallas as pl
from jax.experimental.pallas import tpu as pltpu
from jax.experimental.pallas import tpu_sc as plsc

TEMP = 0.8
TOP_P = 0.9
TOP_K = 50
EXPAND = 3

B = 256
V = 100000
CHUNK = 128
NCH = 782
NCH_PAD = 896
NEG = -3.0e38

CAP_CH = 64
CAP_CAND = 120
NSRT = 64
R16 = V // 16
NROWS16 = B * R16

NC_SC = 2
NS_SC = 16
NW = NC_SC * NS_SC
ROWS_PER_W = B // NW


def _tc1_body(x_ref, cm_ref):
    x = x_ref[...]
    main = x[:, : (NCH - 1) * CHUNK]
    cmain = jnp.max(main.reshape(8, NCH - 1, CHUNK), axis=-1)
    tail = jnp.max(x[:, (NCH - 1) * CHUNK:], axis=-1, keepdims=True)
    pad = jnp.full((8, NCH_PAD - NCH), NEG, jnp.float32)
    cm_ref[...] = jnp.concatenate([cmain, tail, pad], axis=-1)


def _tc1(x2d):
    return pl.pallas_call(
        _tc1_body,
        grid=(B // 8,),
        in_specs=[pl.BlockSpec((8, V), lambda i: (i, 0))],
        out_specs=pl.BlockSpec((8, NCH_PAD), lambda i: (i, 0)),
        out_shape=jax.ShapeDtypeStruct((B, NCH_PAD), jnp.float32),
    )(x2d)


def _splat(ref, idx_scalar):
    idx = jnp.full((16,), idx_scalar, jnp.int32)
    return plsc.load_gather(ref, [idx])


def _sc_row(r, x16, cm_hbm, os_hbm, osi_hbm,
            cm_v, key_v, ids_v, idx8_v, gath_v, pos_v, cand_v, candi_v,
            srt_v, srti_v, sem):
    iota = lax.iota(jnp.int32, 16)

    for k in range(NSRT // 16):
        srt_v[pl.ds(k * 16, 16)] = jnp.full((16,), NEG, jnp.float32)
        srti_v[pl.ds(k * 16, 16)] = jnp.zeros((16,), jnp.int32)

    pltpu.sync_copy(cm_hbm.at[r], cm_v)

    imin = jnp.int32(-2147483648)

    for k in range(NCH_PAD // 16):
        b = lax.bitcast_convert_type(cm_v[pl.ds(k * 16, 16)], jnp.int32)
        key_v[pl.ds(k * 16, 16)] = jnp.where(b >= 0, b, imin - b)

    def bbody(_, lh):
        lo, hi = lh
        mid = (lo >> 1) + (hi >> 1) + (lo & hi & 1)
        mid_s = jnp.full((16,), mid, jnp.int32)

        acc = jnp.zeros((16,), jnp.int32)
        for k in range(NCH_PAD // 16):
            kv = key_v[pl.ds(k * 16, 16)]
            acc = acc + jnp.where(kv >= mid_s, 1, 0)
        cnt = jnp.sum(acc)
        ge = cnt >= TOP_K
        return jnp.where(ge, mid, lo), jnp.where(ge, hi, mid)

    t0k, _ = lax.fori_loop(0, 32, bbody,
                           (imin, jnp.int32(2147483647)))
    t0k_s = jnp.full((16,), t0k, jnp.int32)
    t0b = jnp.where(t0k_s >= 0, t0k_s, imin - t0k_s)
    t0x = lax.bitcast_convert_type(t0b, jnp.float32)

    def qbody(k, cnt):
        v = cm_v[pl.ds(k * 16, 16)]
        mask = v >= t0x
        ids = iota + k * 16
        plsc.store_compressed(ids_v.at[pl.ds(cnt, 16)], ids, mask=mask)
        pc = plsc.all_reduce_population_count(mask)[0]
        return jnp.minimum(cnt + pc, CAP_CH)

    nch = jnp.int32(0)
    for k in range(NCH_PAD // 16):
        nch = qbody(k, nch)

    base = r * R16

    for j2 in range(CAP_CH // 2):
        sel = (iota >> 3) + 2 * j2
        idv = plsc.load_gather(ids_v, [sel])
        idv = jnp.clip(idv, 0, NCH - 1)
        rows = base + idv * (CHUNK // 16) + (iota & 7)
        rows = jnp.minimum(rows, NROWS16 - 1)
        idx8_v[j2 >> 3, pl.ds((j2 & 7) * 16, 16)] = rows

    copies = []
    for j in range(4):
        copies.append(pltpu.async_copy(
            x16.at[idx8_v.at[j]], gath_v.at[pl.ds(j * 128, 128)], sem))
    for c in copies:
        c.wait()

    def cbody(q, cc):
        for s in range(4):
            g = q * 4 + s
            v = gath_v[g]
            mask = v >= t0x
            pos = iota + g * 16
            plsc.store_compressed(pos_v.at[pl.ds(cc, 16)], pos, mask=mask)
            pc = plsc.all_reduce_population_count(mask)[0]
            cc = jnp.minimum(cc + pc, 2 * CAP_CAND)
        return cc

    ccnt = lax.fori_loop(0, nch * (CHUNK // 64), cbody, jnp.int32(0))

    def rbody(k, nc):
        pp = pos_v[pl.ds(k * 16, 16)]
        lanev = (iota + k * 16) < ccnt
        pp = jnp.where(lanev, pp, 0)
        cid = plsc.load_gather(ids_v, [pp >> 7])
        voc = cid * CHUNK + (pp & 127)
        val = plsc.load_gather(gath_v, [pp >> 4, pp & 15])
        valid = lanev & (voc < V)
        plsc.store_compressed(cand_v.at[pl.ds(nc, 16)], val, mask=valid)
        plsc.store_compressed(candi_v.at[pl.ds(nc, 16)], voc, mask=valid)
        pc = plsc.all_reduce_population_count(valid)[0]
        return jnp.minimum(nc + pc, CAP_CAND)

    nc = jnp.int32(0)
    for k in range((2 * CAP_CAND) // 16):
        nc = rbody(k, nc)

    def ibody(i, _):
        vi = _splat(cand_v, i)
        ii = _splat(candi_v, i)

        acc = jnp.zeros((16,), jnp.int32)
        for k in range(CAP_CAND // 16 + 1):
            cv = cand_v[pl.ds(k * 16, 16)]
            ci = candi_v[pl.ds(k * 16, 16)]
            lanev = (iota + k * 16) < nc
            gt = (cv > vi) | ((cv == vi) & (ci < ii))
            acc = acc + jnp.where(gt & lanev, 1, 0)
        rank = jnp.full((16,), jnp.sum(acc), jnp.int32)
        lane0 = iota == 0
        plsc.store_scatter(srt_v, [rank], vi, mask=lane0)
        plsc.store_scatter(srti_v, [rank], ii, mask=lane0)
        return 0

    lax.fori_loop(0, nc, ibody, 0)

    pltpu.sync_copy(srt_v.at[pl.ds(0, NSRT)], os_hbm.at[r])
    pltpu.sync_copy(srti_v.at[pl.ds(0, NSRT)], osi_hbm.at[r])


def _sc_select(x16, cm):
    mesh = plsc.VectorSubcoreMesh(core_axis_name="c", subcore_axis_name="s")

    @functools.partial(
        pl.kernel,
        mesh=mesh,
        compiler_params=pltpu.CompilerParams(
            needs_layout_passes=False, use_tc_tiling_on_sc=False),
        out_type=[
            jax.ShapeDtypeStruct((B, NSRT), jnp.float32),
            jax.ShapeDtypeStruct((B, NSRT), jnp.int32),
        ],
        scratch_types=[
            pltpu.VMEM((NCH_PAD,), jnp.float32),
            pltpu.VMEM((NCH_PAD,), jnp.int32),
            pltpu.VMEM((CAP_CH + 16,), jnp.int32),
            pltpu.VMEM((4, 128), jnp.int32),
            pltpu.VMEM((512, 16), jnp.float32),
            pltpu.VMEM((2 * CAP_CAND + 16,), jnp.int32),
            pltpu.VMEM((CAP_CAND + 16,), jnp.float32),
            pltpu.VMEM((CAP_CAND + 16,), jnp.int32),
            pltpu.VMEM((CAP_CAND + 16,), jnp.float32),
            pltpu.VMEM((CAP_CAND + 16,), jnp.int32),
            pltpu.SemaphoreType.DMA,
        ],
    )
    def k(x16_hbm, cm_hbm, os_hbm, osi_hbm, *scratch):
        wid = lax.axis_index("s") * NC_SC + lax.axis_index("c")

        def rowbody(j, _):
            _sc_row(wid * ROWS_PER_W + j, x16_hbm, cm_hbm,
                    os_hbm, osi_hbm, *scratch)
            return 0

        lax.fori_loop(0, ROWS_PER_W, rowbody, 0)

    return k(x16, cm)


def _tc2_body(x_ref, s_ref, si_ref, out_ref, t3i_ref, t3p_ref):
    f32 = jnp.float32
    srt = s_ref[...]
    srti = si_ref[...]
    slg = jnp.maximum(srt, f32(-1e30)) * f32(1.0 / TEMP)
    slg0 = slg[:, 0:1]
    jlane = lax.broadcasted_iota(jnp.int32, (8, NSRT), 1)

    v50 = srt[:, TOP_K - 1:TOP_K]
    n50 = jnp.sum((srt >= v50).astype(jnp.int32), axis=1, keepdims=True)
    n50 = jnp.minimum(n50, NSRT)

    wmask = jlane < n50
    w = jnp.where(wmask, jnp.exp(slg - slg0), f32(0))
    tri = (lax.broadcasted_iota(jnp.int32, (NSRT, NSRT), 0)
           <= lax.broadcasted_iota(jnp.int32, (NSRT, NSRT), 1)).astype(f32)
    cum = jax.lax.dot_general(w, tri, (((1,), (0,)), ((), ())),
                              preferred_element_type=f32)
    s_tot = jnp.max(cum, axis=1, keepdims=True)
    cond = ((cum / s_tot) <= f32(TOP_P)) & (jlane < (n50 - 1))
    m = 1 + jnp.sum(cond.astype(jnp.int32), axis=1, keepdims=True)
    onehot = jlane == (m - 1)
    zden = jnp.sum(jnp.where(onehot, cum, f32(0)), axis=1, keepdims=True)
    t_keep = jnp.sum(jnp.where(onehot, slg, f32(0)), axis=1, keepdims=True)
    i_keep = jnp.sum(jnp.where(onehot, srti, 0), axis=1, keepdims=True)

    i0 = srti[:, 0:1]
    i1 = srti[:, 1:2]
    i2 = srti[:, 2:3]
    m2 = m >= 2
    a0, a1, a2, a3 = [(i0 != t) & (~m2 | (i1 != t)) for t in range(4)]
    f0 = jnp.where(a0, 0, jnp.where(a1, 1, jnp.where(a2, 2, 3)))
    c01 = a0.astype(jnp.int32) + a1.astype(jnp.int32)
    f1 = jnp.where(a0 & a1, 1, jnp.where(a2 & (c01 == 1), 2, 3))
    o_i1 = jnp.where(m2, i1, f0)
    o_i2 = jnp.where(m >= 3, i2, jnp.where(m == 2, f0, f1))
    p0 = w[:, 0:1] / zden
    o_p1 = jnp.where(m2, w[:, 1:2] / zden, f32(0))
    o_p2 = jnp.where(m >= 3, w[:, 2:3] / zden, f32(0))
    t3i_ref[...] = jnp.where(jlane == 0, i0,
                   jnp.where(jlane == 1, o_i1,
                   jnp.where(jlane == 2, o_i2, 0)))
    t3p_ref[...] = jnp.where(jlane == 0, p0,
                   jnp.where(jlane == 1, o_p1,
                   jnp.where(jlane == 2, o_p2, f32(0))))

    x = x_ref[...]
    lg = x * f32(1.0 / TEMP)
    idx = lax.broadcasted_iota(jnp.int32, (8, V), 1)
    keep = (lg > t_keep) | ((lg == t_keep) & (idx <= i_keep))
    e = jnp.exp(lg - slg0)
    rz = f32(1.0) / zden
    out_ref[...] = jnp.where(keep, e * rz, f32(0))


def _tc2(x2d, srt, srti):
    return pl.pallas_call(
        _tc2_body,
        grid=(B // 8,),
        in_specs=[
            pl.BlockSpec((8, V), lambda i: (i, 0)),
            pl.BlockSpec((8, NSRT), lambda i: (i, 0)),
            pl.BlockSpec((8, NSRT), lambda i: (i, 0)),
        ],
        out_specs=[
            pl.BlockSpec((8, V), lambda i: (i, 0)),
            pl.BlockSpec((8, NSRT), lambda i: (i, 0)),
            pl.BlockSpec((8, NSRT), lambda i: (i, 0)),
        ],
        out_shape=[
            jax.ShapeDtypeStruct((B, V), jnp.float32),
            jax.ShapeDtypeStruct((B, NSRT), jnp.int32),
            jax.ShapeDtypeStruct((B, NSRT), jnp.float32),
        ],
    )(x2d, srt, srti)


def kernel(logits):
    x2d = logits.reshape(B, V)
    x16 = logits.reshape(NROWS16, 16)
    cm = _tc1(x2d)
    srt, srti = _sc_select(x16, cm)
    probs, t3i, t3p = _tc2(x2d, srt, srti)
    topk_index = t3i[:, :EXPAND].reshape(32, 8, EXPAND)
    topk_p = t3p[:, :EXPAND].reshape(32, 8, EXPAND)
    return topk_index, topk_p, probs.reshape(32, 8, V)

# --- scband reference (transcript-rebuilt; emitter-appended) ---
"""Pipeline reference for scband-ta-ta-60060822667545 (READ-ONLY COPY).

The authoritative reference and input builder live on the scoring server;
editing this copy changes nothing except your own understanding.
"""

import jax, jax.numpy as jnp
import numpy as np

TEMPERATURE = 0.8
TOP_P = 0.9
TOP_K = 50
EXPAND = 3


def setup_inputs(seed: int = 0) -> dict:
    key = jax.random.key(seed)
    logits = jax.random.normal(key, (32, 8, 100000), dtype=jnp.float32) * 2.0
    return {"logits": logits}


def reference(logits):
    # decoding_jacobi_token with temperature>0, top_k>0, 0<top_p<1 (the sampling-filter path)
    lg = logits / TEMPERATURE
    # ---- top-k filtering ----
    k = min(int(TOP_K), lg.shape[-1])
    vals, _ = jax.lax.top_k(lg, k)
    min_vals = vals[..., -1:]
    lg = jnp.where(lg >= min_vals, lg, -jnp.inf)
    # ---- top-p (nucleus) filtering ----
    sorted_lg = -jnp.sort(-lg, axis=-1)            # descending sort
    sorted_idx = jnp.argsort(-lg, axis=-1)
    cum = jnp.cumsum(jax.nn.softmax(sorted_lg, axis=-1), axis=-1)
    rm = cum > TOP_P
    # shift right so the first token above threshold is kept
    rm = jnp.concatenate([jnp.zeros_like(rm[..., :1]), rm[..., :-1]], axis=-1)
    # scatter the sorted-order removal mask back to original vocab order
    inv = jnp.argsort(sorted_idx, axis=-1)
    rm_orig = jnp.take_along_axis(rm, inv, axis=-1)
    lg = jnp.where(rm_orig, -jnp.inf, lg)
    # ---- final distribution + top-`expand` candidates ----
    probs = jax.nn.softmax(lg, axis=-1)
    topk_p, topk_index = jax.lax.top_k(probs, EXPAND)
    return (topk_index, topk_p, probs)

if __name__ == "__main__":
    import jax
    _d = setup_inputs()
    print(jax.jit(kernel)(*tuple(_d.values())))

</pallas_src>

<mosaic_0001>
#map = affine_map<(d0, d1) -> (0, 0)>
module attributes {stable_mosaic.version = 14 : i64} {
  func.func @k(%arg0: i32, %arg1: i32, %arg2: memref<1600000x16xf32, #tpu.memory_space<hbm>>, %arg3: memref<256x896xf32, #tpu.memory_space<hbm>>, %arg4: memref<256x64xf32, #tpu.memory_space<hbm>>, %arg5: memref<256x64xi32, #tpu.memory_space<hbm>>, %arg6: memref<896xf32, #tpu.memory_space<vmem>>, %arg7: memref<896xi32, #tpu.memory_space<vmem>>, %arg8: memref<80xi32, #tpu.memory_space<vmem>>, %arg9: memref<4x128xi32, #tpu.memory_space<vmem>>, %arg10: memref<512x16xf32, #tpu.memory_space<vmem>>, %arg11: memref<256xi32, #tpu.memory_space<vmem>>, %arg12: memref<136xf32, #tpu.memory_space<vmem>>, %arg13: memref<136xi32, #tpu.memory_space<vmem>>, %arg14: memref<136xf32, #tpu.memory_space<vmem>>, %arg15: memref<136xi32, #tpu.memory_space<vmem>>, %arg16: memref<!tpu.dma_semaphore, #tpu.memory_space<semaphore_mem>>) attributes {dimension_semantics = [#tpu.dimension_semantics<core_parallel>, #tpu.dimension_semantics<subcore_parallel>], iteration_bounds = array<i64: 2, 16>, scalar_prefetch = 0 : i64, scratch_operands = 11 : i64, tpu.core_type = #tpu.core_type<sc_vector_subcore>, window_params = [{transform_indices = #map}, {transform_indices = #map}, {transform_indices = #map}, {transform_indices = #map}]} {
    %mul3A = arith.constant 2 : i32
    %mul3A_0 = arith.muli %arg1, %mul3A : i32
    %add3A = arith.addi %mul3A_0, %arg0 : i32
    %scan3A = arith.constant 0 : i32
    %scan3A_1 = arith.constant 0 : i32
    %scan3A_2 = arith.constant 8 : i32
    %scan3A_3 = arith.addi %scan3A_1, %scan3A_2 : i32
    %scan3A_4 = arith.constant 1 : i32
    %scan3A_5 = scf.for %scan3A_7 = %scan3A_1 to %scan3A_3 step %scan3A_4 iter_args(%scan3A_8 = %scan3A) -> (i32)  : i32 {
      %mul3A_9 = arith.constant 8 : i32
      %mul3A_10 = arith.muli %add3A, %mul3A_9 : i32
      %add3A_11 = arith.addi %mul3A_10, %scan3A_7 : i32
      %iota3A = tpu.iota {dimensions = array<i32: 0>} : vector<16xi32>
      %broadcast_in_dim3A = arith.constant -3.000000e+38 : f32
      %broadcast_in_dim3A_12 = vector.broadcast %broadcast_in_dim3A : f32 to vector<16xf32>
      %swap3A = arith.constant 0 : index
      %swap3A_13 = tpu.vector_load %arg14[%swap3A] {strides = array<i32>} : memref<136xf32, #tpu.memory_space<vmem>>, vector<16xf32>,
      tpu.vector_store %arg14[%swap3A], %broadcast_in_dim3A_12 {strides = array<i32>} : memref<136xf32, #tpu.memory_space<vmem>>, vector<16xf32>,
      %broadcast_in_dim3A_14 = arith.constant 0 : i32
      %broadcast_in_dim3A_15 = vector.broadcast %broadcast_in_dim3A_14 : i32 to vector<16xi32>
      %swap3A_16 = arith.constant 0 : index
      %swap3A_17 = tpu.vector_load %arg15[%swap3A_16] {strides = array<i32>} : memref<136xi32, #tpu.memory_space<vmem>>, vector<16xi32>,
      tpu.vector_store %arg15[%swap3A_16], %broadcast_in_dim3A_15 {strides = array<i32>} : memref<136xi32, #tpu.memory_space<vmem>>, vector<16xi32>,
      %broadcast_in_dim3A_18 = arith.constant -3.000000e+38 : f32
      %broadcast_in_dim3A_19 = vector.broadcast %broadcast_in_dim3A_18 : f32 to vector<16xf32>
      %swap3A_20 = arith.constant 16 : index
      %swap3A_21 = tpu.vector_load %arg14[%swap3A_20] {strides = array<i32>} : memref<136xf32, #tpu.memory_space<vmem>>, vector<16xf32>,
      tpu.vector_store %arg14[%swap3A_20], %broadcast_in_dim3A_19 {strides = array<i32>} : memref<136xf32, #tpu.memory_space<vmem>>, vector<16xf32>,
      %broadcast_in_dim3A_22 = arith.constant 0 : i32
      %broadcast_in_dim3A_23 = vector.broadcast %broadcast_in_dim3A_22 : i32 to vector<16xi32>
      %swap3A_24 = arith.constant 16 : index
      %swap3A_25 = tpu.vector_load %arg15[%swap3A_24] {strides = array<i32>} : memref<136xi32, #tpu.memory_space<vmem>>, vector<16xi32>,
      tpu.vector_store %arg15[%swap3A_24], %broadcast_in_dim3A_23 {strides = array<i32>} : memref<136xi32, #tpu.memory_space<vmem>>, vector<16xi32>,
      %broadcast_in_dim3A_26 = arith.constant -3.000000e+38 : f32
      %broadcast_in_dim3A_27 = vector.broadcast %broadcast_in_dim3A_26 : f32 to vector<16xf32>
      %swap3A_28 = arith.constant 32 : index
      %swap3A_29 = tpu.vector_load %arg14[%swap3A_28] {strides = array<i32>} : memref<136xf32, #tpu.memory_space<vmem>>, vector<16xf32>,
      tpu.vector_store %arg14[%swap3A_28], %broadcast_in_dim3A_27 {strides = array<i32>} : memref<136xf32, #tpu.memory_space<vmem>>, vector<16xf32>,
      %broadcast_in_dim3A_30 = arith.constant 0 : i32
      %broadcast_in_dim3A_31 = vector.broadcast %broadcast_in_dim3A_30 : i32 to vector<16xi32>
      %swap3A_32 = arith.constant 32 : index
      %swap3A_33 = tpu.vector_load %arg15[%swap3A_32] {strides = array<i32>} : memref<136xi32, #tpu.memory_space<vmem>>, vector<16xi32>,
      tpu.vector_store %arg15[%swap3A_32], %broadcast_in_dim3A_31 {strides = array<i32>} : memref<136xi32, #tpu.memory_space<vmem>>, vector<16xi32>,
      %broadcast_in_dim3A_34 = arith.constant -3.000000e+38 : f32
      %broadcast_in_dim3A_35 = vector.broadcast %broadcast_in_dim3A_34 : f32 to vector<16xf32>
      %swap3A_36 = arith.constant 48 : index
      %swap3A_37 = tpu.vector_load %arg14[%swap3A_36] {strides = array<i32>} : memref<136xf32, #tpu.memory_space<vmem>>, vector<16xf32>,
      tpu.vector_store %arg14[%swap3A_36], %broadcast_in_dim3A_35 {strides = array<i32>} : memref<136xf32, #tpu.memory_space<vmem>>, vector<16xf32>,
      %broadcast_in_dim3A_38 = arith.constant 0 : i32
      %broadcast_in_dim3A_39 = vector.broadcast %broadcast_in_dim3A_38 : i32 to vector<16xi32>
      %swap3A_40 = arith.constant 48 : index
      %swap3A_41 = tpu.vector_load %arg15[%swap3A_40] {strides = array<i32>} : memref<136xi32, #tpu.memory_space<vmem>>, vector<16xi32>,
      tpu.vector_store %arg15[%swap3A_40], %broadcast_in_dim3A_39 {strides = array<i32>} : memref<136xi32, #tpu.memory_space<vmem>>, vector<16xi32>,
      "tpu.region"() ({
        %run_scoped3A = tpu.sem_alloc : memref<!tpu.dma_semaphore, #tpu.memory_space<semaphore_mem>>
        %dma_start3A_3169 = arith.constant 0 : i32
        %dma_start3A_3170 = tpu.memref_slice %arg3[%add3A_11, %dma_start3A_3169] : memref<256x896xf32, #tpu.memory_space<hbm>> -> memref<1x896xf32, #tpu.memory_space<hbm>>
        %dma_start3A_3171 = tpu.memref_squeeze %dma_start3A_3170 : memref<1x896xf32, #tpu.memory_space<hbm>> -> memref<896xf32, #tpu.memory_space<hbm>>
        %dma_start3A_3172 = arith.constant 0 : i32
        %dma_start3A_3173 = tpu.memref_slice %arg3[%add3A_11, %dma_start3A_3172] : memref<256x896xf32, #tpu.memory_space<hbm>> -> memref<1x896xf32, #tpu.memory_space<hbm>>
        %dma_start3A_3174 = tpu.memref_squeeze %dma_start3A_3173 : memref<1x896xf32, #tpu.memory_space<hbm>> -> memref<896xf32, #tpu.memory_space<hbm>>
        tpu.enqueue_dma source(%dma_start3A_3174 : memref<896xf32, #tpu.memory_space<hbm>>) target(%arg6 : memref<896xf32, #tpu.memory_space<vmem>>) target_semaphore(%run_scoped3A : memref<!tpu.dma_semaphore, #tpu.memory_space<semaphore_mem>>)
        %dma_wait3A_3175 = arith.constant 0 : i32
        %dma_wait3A_3176 = tpu.memref_slice %arg3[%add3A_11, %dma_wait3A_3175] : memref<256x896xf32, #tpu.memory_space<hbm>> -> memref<1x896xf32, #tpu.memory_space<hbm>>
        %dma_wait3A_3177 = tpu.memref_squeeze %dma_wait3A_3176 : memref<1x896xf32, #tpu.memory_space<hbm>> -> memref<896xf32, #tpu.memory_space<hbm>>
        %dma_wait3A_3178 = arith.constant 0 : i32
        %dma_wait3A_3179 = tpu.memref_slice %arg3[%add3A_11, %dma_wait3A_3178] : memref<256x896xf32, #tpu.memory_space<hbm>> -> memref<1x896xf32, #tpu.memory_space<hbm>>
        %dma_wait3A_3180 = tpu.memref_squeeze %dma_wait3A_3179 : memref<1x896xf32, #tpu.memory_space<hbm>> -> memref<896xf32, #tpu.memory_space<hbm>>
        tpu.wait_dma2 semaphore(%run_scoped3A : memref<!tpu.dma_semaphore, #tpu.memory_space<semaphore_mem>>) src(%dma_wait3A_3180 : memref<896xf32, #tpu.memory_space<hbm>>) dst(%arg6 : memref<896xf32, #tpu.memory_space<vmem>>)
        tpu.yield
      }) : () -> ()
      %get3A = arith.constant 0 : index
      %get3A_42 = tpu.vector_load %arg6[%get3A] {strides = array<i32>} : memref<896xf32, #tpu.memory_space<vmem>>, vector<16xf32>,
      %bitcast_convert_type3A = tpu.bitcast %get3A_42 : vector<16xf32> -> vector<16xi32>
      %ge3A = arith.constant 0 : i32
      %ge3A_43 = vector.broadcast %ge3A : i32 to vector<16xi32>
      %ge3A_44 = arith.cmpi sge, %bitcast_convert_type3A, %ge3A_43 : vector<16xi32>
      %sub3A = arith.constant -2147483648 : i32
      %sub3A_45 = vector.broadcast %sub3A : i32 to vector<16xi32>
      %sub3A_46 = arith.subi %sub3A_45, %bitcast_convert_type3A : vector<16xi32>
      %select_n3A = arith.select %ge3A_44, %bitcast_convert_type3A, %sub3A_46 : vector<16xi1>, vector<16xi32>
      %swap3A_47 = arith.constant 0 : index
      %swap3A_48 = tpu.vector_load %arg7[%swap3A_47] {strides = array<i32>} : memref<896xi32, #tpu.memory_space<vmem>>, vector<16xi32>,
      tpu.vector_store %arg7[%swap3A_47], %select_n3A {strides = array<i32>} : memref<896xi32, #tpu.memory_space<vmem>>, vector<16xi32>,
      %get3A_49 = arith.constant 16 : index
      %get3A_50 = tpu.vector_load %arg6[%get3A_49] {strides = array<i32>} : memref<896xf32, #tpu.memory_space<vmem>>, vector<16xf32>,
      %bitcast_convert_type3A_51 = tpu.bitcast %get3A_50 : vector<16xf32> -> vector<16xi32>
      %ge3A_52 = arith.constant 0 : i32
      %ge3A_53 = vector.broadcast %ge3A_52 : i32 to vector<16xi32>
      %ge3A_54 = arith.cmpi sge, %bitcast_convert_type3A_51, %ge3A_53 : vector<16xi32>
      %sub3A_55 = arith.constant -2147483648 : i32
      %sub3A_56 = vector.broadcast %sub3A_55 : i32 to vector<16xi32>
      %sub3A_57 = arith.subi %sub3A_56, %bitcast_convert_type3A_51 : vector<16xi32>
      %select_n3A_58 = arith.select %ge3A_54, %bitcast_convert_type3A_51, %sub3A_57 : vector<16xi1>, vector<16xi32>
      %swap3A_59 = arith.constant 16 : index
      %swap3A_60 = tpu.vector_load %arg7[%swap3A_59] {strides = array<i32>} : memref<896xi32, #tpu.memory_space<vmem>>, vector<16xi32>,
      tpu.vector_store %arg7[%swap3A_59], %select_n3A_58 {strides = array<i32>} : memref<896xi32, #tpu.memory_space<vmem>>, vector<16xi32>,
      %get3A_61 = arith.constant 32 : index
      %get3A_62 = tpu.vector_load %arg6[%get3A_61] {strides = array<i32>} : memref<896xf32, #tpu.memory_space<vmem>>, vector<16xf32>,
      %bitcast_convert_type3A_63 = tpu.bitcast %get3A_62 : vector<16xf32> -> vector<16xi32>
      %ge3A_64 = arith.constant 0 : i32
      %ge3A_65 = vector.broadcast %ge3A_64 : i32 to vector<16xi32>
      %ge3A_66 = arith.cmpi sge, %bitcast_convert_type3A_63, %ge3A_65 : vector<16xi32>
      %sub3A_67 = arith.constant -2147483648 : i32
      %sub3A_68 = vector.broadcast %sub3A_67 : i32 to vector<16xi32>
      %sub3A_69 = arith.subi %sub3A_68, %bitcast_convert_type3A_63 : vector<16xi32>
      %select_n3A_70 = arith.select %ge3A_66, %bitcast_convert_type3A_63, %sub3A_69 : vector<16xi1>, vector<16xi32>
      %swap3A_71 = arith.constant 32 : index
      %swap3A_72 = tpu.vector_load %arg7[%swap3A_71] {strides = array<i32>} : memref<896xi32, #tpu.memory_space<vmem>>, vector<16xi32>,
      tpu.vector_store %arg7[%swap3A_71], %select_n3A_70 {strides = array<i32>} : memref<896xi32, #tpu.memory_space<vmem>>, vector<16xi32>,
      %get3A_73 = arith.constant 48 : index
      %get3A_74 = tpu.vector_load %arg6[%get3A_73] {strides = array<i32>} : memref<896xf32, #tpu.memory_space<vmem>>, vector<16xf32>,
      %bitcast_convert_type3A_75 = tpu.bitcast %get3A_74 : vector<16xf32> -> vector<16xi32>
      %ge3A_76 = arith.constant 0 : i32
      %ge3A_77 = vector.broadcast %ge3A_76 : i32 to vector<16xi32>
      %ge3A_78 = arith.cmpi sge, %bitcast_convert_type3A_75, %ge3A_77 : vector<16xi32>
      %sub3A_79 = arith.constant -2147483648 : i32
      %sub3A_80 = vector.broadcast %sub3A_79 : i32 to vector<16xi32>
      %sub3A_81 = arith.subi %sub3A_80, %bitcast_convert_type3A_75 : vector<16xi32>
      %select_n3A_82 = arith.select %ge3A_78, %bitcast_convert_type3A_75, %sub3A_81 : vector<16xi1>, vector<16xi32>
      %swap3A_83 = arith.constant 48 : index
      %swap3A_84 = tpu.vector_load %arg7[%swap3A_83] {strides = array<i32>} : memref<896xi32, #tpu.memory_space<vmem>>, vector<16xi32>,
      tpu.vector_store %arg7[%swap3A_83], %select_n3A_82 {strides = array<i32>} : memref<896xi32, #tpu.memory_space<vmem>>, vector<16xi32>,
      %get3A_85 = arith.constant 64 : index
      %get3A_86 = tpu.vector_load %arg6[%get3A_85] {strides = array<i32>} : memref<896xf32, #tpu.memory_space<vmem>>, vector<16xf32>,
      %bitcast_convert_type3A_87 = tpu.bitcast %get3A_86 : vector<16xf32> -> vector<16xi32>
      %ge3A_88 = arith.constant 0 : i32
      %ge3A_89 = vector.broadcast %ge3A_88 : i32 to vector<16xi32>
      %ge3A_90 = arith.cmpi sge, %bitcast_convert_type3A_87, %ge3A_89 : vector<16xi32>
      %sub3A_91 = arith.constant -2147483648 : i32
      %sub3A_92 = vector.broadcast %sub3A_91 : i32 to vector<16xi32>
      %sub3A_93 = arith.subi %sub3A_92, %bitcast_convert_type3A_87 : vector<16xi32>
      %select_n3A_94 = arith.select %ge3A_90, %bitcast_convert_type3A_87, %sub3A_93 : vector<16xi1>, vector<16xi32>
      %swap3A_95 = arith.constant 64 : index
      %swap3A_96 = tpu.vector_load %arg7[%swap3A_95] {strides = array<i32>} : memref<896xi32, #tpu.memory_space<vmem>>, vector<16xi32>,
      tpu.vector_store %arg7[%swap3A_95], %select_n3A_94 {strides = array<i32>} : memref<896xi32, #tpu.memory_space<vmem>>, vector<16xi32>,
      %get3A_97 = arith.constant 80 : index
      %get3A_98 = tpu.vector_load %arg6[%get3A_97] {strides = array<i32>} : memref<896xf32, #tpu.memory_space<vmem>>, vector<16xf32>,
      %bitcast_convert_type3A_99 = tpu.bitcast %get3A_98 : vector<16xf32> -> vector<16xi32>
      %ge3A_100 = arith.constant 0 : i32
      %ge3A_101 = vector.broadcast %ge3A_100 : i32 to vector<16xi32>
      %ge3A_102 = arith.cmpi sge, %bitcast_convert_type3A_99, %ge3A_101 : vector<16xi32>
      %sub3A_103 = arith.constant -2147483648 : i32
      %sub3A_104 = vector.broadcast %sub3A_103 : i32 to vector<16xi32>
      %sub3A_105 = arith.subi %sub3A_104, %bitcast_convert_type3A_99 : vector<16xi32>
      %select_n3A_106 = arith.select %ge3A_102, %bitcast_convert_type3A_99, %sub3A_105 : vector<16xi1>, vector<16xi32>
      %swap3A_107 = arith.constant 80 : index
      %swap3A_108 = tpu.vector_load %arg7[%swap3A_107] {strides = array<i32>} : memref<896xi32, #tpu.memory_space<vmem>>, vector<16xi32>,
      tpu.vector_store %arg7[%swap3A_107], %select_n3A_106 {strides = array<i32>} : memref<896xi32, #tpu.memory_space<vmem>>, vector<16xi32>,
      %get3A_109 = arith.constant 96 : index
      %get3A_110 = tpu.vector_load %arg6[%get3A_109] {strides = array<i32>} : memref<896xf32, #tpu.memory_space<vmem>>, vector<16xf32>,
      %bitcast_convert_type3A_111 = tpu.bitcast %get3A_110 : vector<16xf32> -> vector<16xi32>
      %ge3A_112 = arith.constant 0 : i32
      %ge3A_113 = vector.broadcast %ge3A_112 : i32 to vector<16xi32>
      %ge3A_114 = arith.cmpi sge, %bitcast_convert_type3A_111, %ge3A_113 : vector<16xi32>
      %sub3A_115 = arith.constant -2147483648 : i32
      %sub3A_116 = vector.broadcast %sub3A_115 : i32 to vector<16xi32>
      %sub3A_117 = arith.subi %sub3A_116, %bitcast_convert_type3A_111 : vector<16xi32>
      %select_n3A_118 = arith.select %ge3A_114, %bitcast_convert_type3A_111, %sub3A_117 : vector<16xi1>, vector<16xi32>
      %swap3A_119 = arith.constant 96 : index
      %swap3A_120 = tpu.vector_load %arg7[%swap3A_119] {strides = array<i32>} : memref<896xi32, #tpu.memory_space<vmem>>, vector<16xi32>,
      tpu.vector_store %arg7[%swap3A_119], %select_n3A_118 {strides = array<i32>} : memref<896xi32, #tpu.memory_space<vmem>>, vector<16xi32>,
      %get3A_121 = arith.constant 112 : index
      %get3A_122 = tpu.vector_load %arg6[%get3A_121] {strides = array<i32>} : memref<896xf32, #tpu.memory_space<vmem>>, vector<16xf32>,
      %bitcast_convert_type3A_123 = tpu.bitcast %get3A_122 : vector<16xf32> -> vector<16xi32>
      %ge3A_124 = arith.constant 0 : i32
      %ge3A_125 = vector.broadcast %ge3A_124 : i32 to vector<16xi32>
      %ge3A_126 = arith.cmpi sge, %bitcast_convert_type3A_123, %ge3A_125 : vector<16xi32>
      %sub3A_127 = arith.constant -2147483648 : i32
      %sub3A_128 = vector.broadcast %sub3A_127 : i32 to vector<16xi32>
      %sub3A_129 = arith.subi %sub3A_128, %bitcast_convert_type3A_123 : vector<16xi32>
      %select_n3A_130 = arith.select %ge3A_126, %bitcast_convert_type3A_123, %sub3A_129 : vector<16xi1>, vector<16xi32>
      %swap3A_131 = arith.constant 112 : index
      %swap3A_132 = tpu.vector_load %arg7[%swap3A_131] {strides = array<i32>} : memref<896xi32, #tpu.memory_space<vmem>>, vector<16xi32>,
      tpu.vector_store %arg7[%swap3A_131], %select_n3A_130 {strides = array<i32>} : memref<896xi32, #tpu.memory_space<vmem>>, vector<16xi32>,
      %get3A_133 = arith.constant 128 : index
      %get3A_134 = tpu.vector_load %arg6[%get3A_133] {strides = array<i32>} : memref<896xf32, #tpu.memory_space<vmem>>, vector<16xf32>,
      %bitcast_convert_type3A_135 = tpu.bitcast %get3A_134 : vector<16xf32> -> vector<16xi32>
      %ge3A_136 = arith.constant 0 : i32
      %ge3A_137 = vector.broadcast %ge3A_136 : i32 to vector<16xi32>
      %ge3A_138 = arith.cmpi sge, %bitcast_convert_type3A_135, %ge3A_137 : vector<16xi32>
      %sub3A_139 = arith.constant -2147483648 : i32
      %sub3A_140 = vector.broadcast %sub3A_139 : i32 to vector<16xi32>
      %sub3A_141 = arith.subi %sub3A_140, %bitcast_convert_type3A_135 : vector<16xi32>
      %select_n3A_142 = arith.select %ge3A_138, %bitcast_convert_type3A_135, %sub3A_141 : vector<16xi1>, vector<16xi32>
      %swap3A_143 = arith.constant 128 : index
      %swap3A_144 = tpu.vector_load %arg7[%swap3A_143] {strides = array<i32>} : memref<896xi32, #tpu.memory_space<vmem>>, vector<16xi32>,
      tpu.vector_store %arg7[%swap3A_143], %select_n3A_142 {strides = array<i32>} : memref<896xi32, #tpu.memory_space<vmem>>, vector<16xi32>,
      %get3A_145 = arith.constant 144 : index
      %get3A_146 = tpu.vector_load %arg6[%get3A_145] {strides = array<i32>} : memref<896xf32, #tpu.memory_space<vmem>>, vector<16xf32>,
      %bitcast_convert_type3A_147 = tpu.bitcast %get3A_146 : vector<16xf32> -> vector<16xi32>
      %ge3A_148 = arith.constant 0 : i32
      %ge3A_149 = vector.broadcast %ge3A_148 : i32 to vector<16xi32>
      %ge3A_150 = arith.cmpi sge, %bitcast_convert_type3A_147, %ge3A_149 : vector<16xi32>
      %sub3A_151 = arith.constant -2147483648 : i32
      %sub3A_152 = vector.broadcast %sub3A_151 : i32 to vector<16xi32>
      %sub3A_153 = arith.subi %sub3A_152, %bitcast_convert_type3A_147 : vector<16xi32>
      %select_n3A_154 = arith.select %ge3A_150, %bitcast_convert_type3A_147, %sub3A_153 : vector<16xi1>, vector<16xi32>
      %swap3A_155 = arith.constant 144 : index
      %swap3A_156 = tpu.vector_load %arg7[%swap3A_155] {strides = array<i32>} : memref<896xi32, #tpu.memory_space<vmem>>, vector<16xi32>,
      tpu.vector_store %arg7[%swap3A_155], %select_n3A_154 {strides = array<i32>} : memref<896xi32, #tpu.memory_space<vmem>>, vector<16xi32>,
      %get3A_157 = arith.constant 160 : index
      %get3A_158 = tpu.vector_load %arg6[%get3A_157] {strides = array<i32>} : memref<896xf32, #tpu.memory_space<vmem>>, vector<16xf32>,
      %bitcast_convert_type3A_159 = tpu.bitcast %get3A_158 : vector<16xf32> -> vector<16xi32>
      %ge3A_160 = arith.constant 0 : i32
      %ge3A_161 = vector.broadcast %ge3A_160 : i32 to vector<16xi32>
      %ge3A_162 = arith.cmpi sge, %bitcast_convert_type3A_159, %ge3A_161 : vector<16xi32>
      %sub3A_163 = arith.constant -2147483648 : i32
      %sub3A_164 = vector.broadcast %sub3A_163 : i32 to vector<16xi32>
      %sub3A_165 = arith.subi %sub3A_164, %bitcast_convert_type3A_159 : vector<16xi32>
      %select_n3A_166 = arith.select %ge3A_162, %bitcast_convert_type3A_159, %sub3A_165 : vector<16xi1>, vector<16xi32>
      %swap3A_167 = arith.constant 160 : index
      %swap3A_168 = tpu.vector_load %arg7[%swap3A_167] {strides = array<i32>} : memref<896xi32, #tpu.memory_space<vmem>>, vector<16xi32>,
      tpu.vector_store %arg7[%swap3A_167], %select_n3A_166 {strides = array<i32>} : memref<896xi32, #tpu.memory_space<vmem>>, vector<16xi32>,
      %get3A_169 = arith.constant 176 : index
      %get3A_170 = tpu.vector_load %arg6[%get3A_169] {strides = array<i32>} : memref<896xf32, #tpu.memory_space<vmem>>, vector<16xf32>,
      %bitcast_convert_type3A_171 = tpu.bitcast %get3A_170 : vector<16xf32> -> vector<16xi32>
      %ge3A_172 = arith.constant 0 : i32
      %ge3A_173 = vector.broadcast %ge3A_172 : i32 to vector<16xi32>
      %ge3A_174 = arith.cmpi sge, %bitcast_convert_type3A_171, %ge3A_173 : vector<16xi32>
      %sub3A_175 = arith.constant -2147483648 : i32
      %sub3A_176 = vector.broadcast %sub3A_175 : i32 to vector<16xi32>
      %sub3A_177 = arith.subi %sub3A_176, %bitcast_convert_type3A_171 : vector<16xi32>
      %select_n3A_178 = arith.select %ge3A_174, %bitcast_convert_type3A_171, %sub3A_177 : vector<16xi1>, vector<16xi32>
      %swap3A_179 = arith.constant 176 : index
      %swap3A_180 = tpu.vector_load %arg7[%swap3A_179] {strides = array<i32>} : memref<896xi32, #tpu.memory_space<vmem>>, vector<16xi32>,
      tpu.vector_store %arg7[%swap3A_179], %select_n3A_178 {strides = array<i32>} : memref<896xi32, #tpu.memory_space<vmem>>, vector<16xi32>,
      %get3A_181 = arith.constant 192 : index
      %get3A_182 = tpu.vector_load %arg6[%get3A_181] {strides = array<i32>} : memref<896xf32, #tpu.memory_space<vmem>>, vector<16xf32>,
      %bitcast_convert_type3A_183 = tpu.bitcast %get3A_182 : vector<16xf32> -> vector<16xi32>
      %ge3A_184 = arith.constant 0 : i32
      %ge3A_185 = vector.broadcast %ge3A_184 : i32 to vector<16xi32>
      %ge3A_186 = arith.cmpi sge, %bitcast_convert_type3A_183, %ge3A_185 : vector<16xi32>
      %sub3A_187 = arith.constant -2147483648 : i32
      %sub3A_188 = vector.broadcast %sub3A_187 : i32 to vector<16xi32>
      %sub3A_189 = arith.subi %sub3A_188, %bitcast_convert_type3A_183 : vector<16xi32>
      %select_n3A_190 = arith.select %ge3A_186, %bitcast_convert_type3A_183, %sub3A_189 : vector<16xi1>, vector<16xi32>
      %swap3A_191 = arith.constant 192 : index
      %swap3A_192 = tpu.vector_load %arg7[%swap3A_191] {strides = array<i32>} : memref<896xi32, #tpu.memory_space<vmem>>, vector<16xi32>,
      tpu.vector_store %arg7[%swap3A_191], %select_n3A_190 {strides = array<i32>} : memref<896xi32, #tpu.memory_space<vmem>>, vector<16xi32>,
      %get3A_193 = arith.constant 208 : index
      %get3A_194 = tpu.vector_load %arg6[%get3A_193] {strides = array<i32>} : memref<896xf32, #tpu.memory_space<vmem>>, vector<16xf32>,
      %bitcast_convert_type3A_195 = tpu.bitcast %get3A_194 : vector<16xf32> -> vector<16xi32>
      %ge3A_196 = arith.constant 0 : i32
      %ge3A_197 = vector.broadcast %ge3A_196 : i32 to vector<16xi32>
      %ge3A_198 = arith.cmpi sge, %bitcast_convert_type3A_195, %ge3A_197 : vector<16xi32>
      %sub3A_199 = arith.constant -2147483648 : i32
      %sub3A_200 = vector.broadcast %sub3A_199 : i32 to vector<16xi32>
      %sub3A_201 = arith.subi %sub3A_200, %bitcast_convert_type3A_195 : vector<16xi32>
      %select_n3A_202 = arith.select %ge3A_198, %bitcast_convert_type3A_195, %sub3A_201 : vector<16xi1>, vector<16xi32>
      %swap3A_203 = arith.constant 208 : index
      %swap3A_204 = tpu.vector_load %arg7[%swap3A_203] {strides = array<i32>} : memref<896xi32, #tpu.memory_space<vmem>>, vector<16xi32>,
      tpu.vector_store %arg7[%swap3A_203], %select_n3A_202 {strides = array<i32>} : memref<896xi32, #tpu.memory_space<vmem>>, vector<16xi32>,
      %get3A_205 = arith.constant 224 : index
      %get3A_206 = tpu.vector_load %arg6[%get3A_205] {strides = array<i32>} : memref<896xf32, #tpu.memory_space<vmem>>, vector<16xf32>,
      %bitcast_convert_type3A_207 = tpu.bitcast %get3A_206 : vector<16xf32> -> vector<16xi32>
      %ge3A_208 = arith.constant 0 : i32
      %ge3A_209 = vector.broadcast %ge3A_208 : i32 to vector<16xi32>
      %ge3A_210 = arith.cmpi sge, %bitcast_convert_type3A_207, %ge3A_209 : vector<16xi32>
      %sub3A_211 = arith.constant -2147483648 : i32
      %sub3A_212 = vector.broadcast %sub3A_211 : i32 to vector<16xi32>
      %sub3A_213 = arith.subi %sub3A_212, %bitcast_convert_type3A_207 : vector<16xi32>
      %select_n3A_214 = arith.select %ge3A_210, %bitcast_convert_type3A_207, %sub3A_213 : vector<16xi1>, vector<16xi32>
      %swap3A_215 = arith.constant 224 : index
      %swap3A_216 = tpu.vector_load %arg7[%swap3A_215] {strides = array<i32>} : memref<896xi32, #tpu.memory_space<vmem>>, vector<16xi32>,
      tpu.vector_store %arg7[%swap3A_215], %select_n3A_214 {strides = array<i32>} : memref<896xi32, #tpu.memory_space<vmem>>, vector<16xi32>,
      %get3A_217 = arith.constant 240 : index
      %get3A_218 = tpu.vector_load %arg6[%get3A_217] {strides = array<i32>} : memref<896xf32, #tpu.memory_space<vmem>>, vector<16xf32>,
      %bitcast_convert_type3A_219 = tpu.bitcast %get3A_218 : vector<16xf32> -> vector<16xi32>
      %ge3A_220 = arith.constant 0 : i32
      %ge3A_221 = vector.broadcast %ge3A_220 : i32 to vector<16xi32>
      %ge3A_222 = arith.cmpi sge, %bitcast_convert_type3A_219, %ge3A_221 : vector<16xi32>
      %sub3A_223 = arith.constant -2147483648 : i32
      %sub3A_224 = vector.broadcast %sub3A_223 : i32 to vector<16xi32>
      %sub3A_225 = arith.subi %sub3A_224, %bitcast_convert_type3A_219 : vector<16xi32>
      %select_n3A_226 = arith.select %ge3A_222, %bitcast_convert_type3A_219, %sub3A_225 : vector<16xi1>, vector<16xi32>
      %swap3A_227 = arith.constant 240 : index
      %swap3A_228 = tpu.vector_load %arg7[%swap3A_227] {strides = array<i32>} : memref<896xi32, #tpu.memory_space<vmem>>, vector<16xi32>,
      tpu.vector_store %arg7[%swap3A_227], %select_n3A_226 {strides = array<i32>} : memref<896xi32, #tpu.memory_space<vmem>>, vector<16xi32>,
      %get3A_229 = arith.constant 256 : index
      %get3A_230 = tpu.vector_load %arg6[%get3A_229] {strides = array<i32>} : memref<896xf32, #tpu.memory_space<vmem>>, vector<16xf32>,
      %bitcast_convert_type3A_231 = tpu.bitcast %get3A_230 : vector<16xf32> -> vector<16xi32>
      %ge3A_232 = arith.constant 0 : i32
      %ge3A_233 = vector.broadcast %ge3A_232 : i32 to vector<16xi32>
      %ge3A_234 = arith.cmpi sge, %bitcast_convert_type3A_231, %ge3A_233 : vector<16xi32>
      %sub3A_235 = arith.constant -2147483648 : i32
      %sub3A_236 = vector.broadcast %sub3A_235 : i32 to vector<16xi32>
      %sub3A_237 = arith.subi %sub3A_236, %bitcast_convert_type3A_231 : vector<16xi32>
      %select_n3A_238 = arith.select %ge3A_234, %bitcast_convert_type3A_231, %sub3A_237 : vector<16xi1>, vector<16xi32>
      %swap3A_239 = arith.constant 256 : index
      %swap3A_240 = tpu.vector_load %arg7[%swap3A_239] {strides = array<i32>} : memref<896xi32, #tpu.memory_space<vmem>>, vector<16xi32>,
      tpu.vector_store %arg7[%swap3A_239], %select_n3A_238 {strides = array<i32>} : memref<896xi32, #tpu.memory_space<vmem>>, vector<16xi32>,
      %get3A_241 = arith.constant 272 : index
      %get3A_242 = tpu.vector_load %arg6[%get3A_241] {strides = array<i32>} : memref<896xf32, #tpu.memory_space<vmem>>, vector<16xf32>,
      %bitcast_convert_type3A_243 = tpu.bitcast %get3A_242 : vector<16xf32> -> vector<16xi32>
      %ge3A_244 = arith.constant 0 : i32
      %ge3A_245 = vector.broadcast %ge3A_244 : i32 to vector<16xi32>
      %ge3A_246 = arith.cmpi sge, %bitcast_convert_type3A_243, %ge3A_245 : vector<16xi32>
      %sub3A_247 = arith.constant -2147483648 : i32
      %sub3A_248 = vector.broadcast %sub3A_247 : i32 to vector<16xi32>
      %sub3A_249 = arith.subi %sub3A_248, %bitcast_convert_type3A_243 : vector<16xi32>
      %select_n3A_250 = arith.select %ge3A_246, %bitcast_convert_type3A_243, %sub3A_249 : vector<16xi1>, vector<16xi32>
      %swap3A_251 = arith.constant 272 : index
      %swap3A_252 = tpu.vector_load %arg7[%swap3A_251] {strides = array<i32>} : memref<896xi32, #tpu.memory_space<vmem>>, vector<16xi32>,
      tpu.vector_store %arg7[%swap3A_251], %select_n3A_250 {strides = array<i32>} : memref<896xi32, #tpu.memory_space<vmem>>, vector<16xi32>,
      %get3A_253 = arith.constant 288 : index
      %get3A_254 = tpu.vector_load %arg6[%get3A_253] {strides = array<i32>} : memref<896xf32, #tpu.memory_space<vmem>>, vector<16xf32>,
      %bitcast_convert_type3A_255 = tpu.bitcast %get3A_254 : vector<16xf32> -> vector<16xi32>
      %ge3A_256 = arith.constant 0 : i32
      %ge3A_257 = vector.broadcast %ge3A_256 : i32 to vector<16xi32>
      %ge3A_258 = arith.cmpi sge, %bitcast_convert_type3A_255, %ge3A_257 : vector<16xi32>
      %sub3A_259 = arith.constant -2147483648 : i32
      %sub3A_260 = vector.broadcast %sub3A_259 : i32 to vector<16xi32>
      %sub3A_261 = arith.subi %sub3A_260, %bitcast_convert_type3A_255 : vector<16xi32>
      %select_n3A_262 = arith.select %ge3A_258, %bitcast_convert_type3A_255, %sub3A_261 : vector<16xi1>, vector<16xi32>
      %swap3A_263 = arith.constant 288 : index
      %swap3A_264 = tpu.vector_load %arg7[%swap3A_263] {strides = array<i32>} : memref<896xi32, #tpu.memory_space<vmem>>, vector<16xi32>,
      tpu.vector_store %arg7[%swap3A_263], %select_n3A_262 {strides = array<i32>} : memref<896xi32, #tpu.memory_space<vmem>>, vector<16xi32>,
      %get3A_265 = arith.constant 304 : index
      %get3A_266 = tpu.vector_load %arg6[%get3A_265] {strides = array<i32>} : memref<896xf32, #tpu.memory_space<vmem>>, vector<16xf32>,
      %bitcast_convert_type3A_267 = tpu.bitcast %get3A_266 : vector<16xf32> -> vector<16xi32>
      %ge3A_268 = arith.constant 0 : i32
      %ge3A_269 = vector.broadcast %ge3A_268 : i32 to vector<16xi32>
      %ge3A_270 = arith.cmpi sge, %bitcast_convert_type3A_267, %ge3A_269 : vector<16xi32>
      %sub3A_271 = arith.constant -2147483648 : i32
      %sub3A_272 = vector.broadcast %sub3A_271 : i32 to vector<16xi32>
      %sub3A_273 = arith.subi %sub3A_272, %bitcast_convert_type3A_267 : vector<16xi32>
      %select_n3A_274 = arith.select %ge3A_270, %bitcast_convert_type3A_267, %sub3A_273 : vector<16xi1>, vector<16xi32>
      %swap3A_275 = arith.constant 304 : index
      %swap3A_276 = tpu.vector_load %arg7[%swap3A_275] {strides = array<i32>} : memref<896xi32, #tpu.memory_space<vmem>>, vector<16xi32>,
      tpu.vector_store %arg7[%swap3A_275], %select_n3A_274 {strides = array<i32>} : memref<896xi32, #tpu.memory_space<vmem>>, vector<16xi32>,
      %get3A_277 = arith.constant 320 : index
      %get3A_278 = tpu.vector_load %arg6[%get3A_277] {strides = array<i32>} : memref<896xf32, #tpu.memory_space<vmem>>, vector<16xf32>,
      %bitcast_convert_type3A_279 = tpu.bitcast %get3A_278 : vector<16xf32> -> vector<16xi32>
      %ge3A_280 = arith.constant 0 : i32
      %ge3A_281 = vector.broadcast %ge3A_280 : i32 to vector<16xi32>
      %ge3A_282 = arith.cmpi sge, %bitcast_convert_type3A_279, %ge3A_281 : vector<16xi32>
      %sub3A_283 = arith.constant -2147483648 : i32
      %sub3A_284 = vector.broadcast %sub3A_283 : i32 to vector<16xi32>
      %sub3A_285 = arith.subi %sub3A_284, %bitcast_convert_type3A_279 : vector<16xi32>
      %select_n3A_286 = arith.select %ge3A_282, %bitcast_convert_type3A_279, %sub3A_285 : vector<16xi1>, vector<16xi32>
      %swap3A_287 = arith.constant 320 : index
      %swap3A_288 = tpu.vector_load %arg7[%swap3A_287] {strides = array<i32>} : memref<896xi32, #tpu.memory_space<vmem>>, vector<16xi32>,
      tpu.vector_store %arg7[%swap3A_287], %select_n3A_286 {strides = array<i32>} : memref<896xi32, #tpu.memory_space<vmem>>, vector<16xi32>,
      %get3A_289 = arith.constant 336 : index
      %get3A_290 = tpu.vector_load %arg6[%get3A_289] {strides = array<i32>} : memref<896xf32, #tpu.memory_space<vmem>>, vector<16xf32>,
      %bitcast_convert_type3A_291 = tpu.bitcast %get3A_290 : vector<16xf32> -> vector<16xi32>
      %ge3A_292 = arith.constant 0 : i32
      %ge3A_293 = vector.broadcast %ge3A_292 : i32 to vector<16xi32>
      %ge3A_294 = arith.cmpi sge, %bitcast_convert_type3A_291, %ge3A_293 : vector<16xi32>
      %sub3A_295 = arith.constant -2147483648 : i32
      %sub3A_296 = vector.broadcast %sub3A_295 : i32 to vector<16xi32>
      %sub3A_297 = arith.subi %sub3A_296, %bitcast_convert_type3A_291 : vector<16xi32>
      %select_n3A_298 = arith.select %ge3A_294, %bitcast_convert_type3A_291, %sub3A_297 : vector<16xi1>, vector<16xi32>
      %swap3A_299 = arith.constant 336 : index
      %swap3A_300 = tpu.vector_load %arg7[%swap3A_299] {strides = array<i32>} : memref<896xi32, #tpu.memory_space<vmem>>, vector<16xi32>,
      tpu.vector_store %arg7[%swap3A_299], %select_n3A_298 {strides = array<i32>} : memref<896xi32, #tpu.memory_space<vmem>>, vector<16xi32>,
      %get3A_301 = arith.constant 352 : index
      %get3A_302 = tpu.vector_load %arg6[%get3A_301] {strides = array<i32>} : memref<896xf32, #tpu.memory_space<vmem>>, vector<16xf32>,
      %bitcast_convert_type3A_303 = tpu.bitcast %get3A_302 : vector<16xf32> -> vector<16xi32>
      %ge3A_304 = arith.constant 0 : i32
      %ge3A_305 = vector.broadcast %ge3A_304 : i32 to vector<16xi32>
      %ge3A_306 = arith.cmpi sge, %bitcast_convert_type3A_303, %ge3A_305 : vector<16xi32>
      %sub3A_307 = arith.constant -2147483648 : i32
      %sub3A_308 = vector.broadcast %sub3A_307 : i32 to vector<16xi32>
      %sub3A_309 = arith.subi %sub3A_308, %bitcast_convert_type3A_303 : vector<16xi32>
      %select_n3A_310 = arith.select %ge3A_306, %bitcast_convert_type3A_303, %sub3A_309 : vector<16xi1>, vector<16xi32>
      %swap3A_311 = arith.constant 352 : index
      %swap3A_312 = tpu.vector_load %arg7[%swap3A_311] {strides = array<i32>} : memref<896xi32, #tpu.memory_space<vmem>>, vector<16xi32>,
      tpu.vector_store %arg7[%swap3A_311], %select_n3A_310 {strides = array<i32>} : memref<896xi32, #tpu.memory_space<vmem>>, vector<16xi32>,
      %get3A_313 = arith.constant 368 : index
      %get3A_314 = tpu.vector_load %arg6[%get3A_313] {strides = array<i32>} : memref<896xf32, #tpu.memory_space<vmem>>, vector<16xf32>,
      %bitcast_convert_type3A_315 = tpu.bitcast %get3A_314 : vector<16xf32> -> vector<16xi32>
      %ge3A_316 = arith.constant 0 : i32
      %ge3A_317 = vector.broadcast %ge3A_316 : i32 to vector<16xi32>
      %ge3A_318 = arith.cmpi sge, %bitcast_convert_type3A_315, %ge3A_317 : vector<16xi32>
      %sub3A_319 = arith.constant -2147483648 : i32
      %sub3A_320 = vector.broadcast %sub3A_319 : i32 to vector<16xi32>
      %sub3A_321 = arith.subi %sub3A_320, %bitcast_convert_type3A_315 : vector<16xi32>
      %select_n3A_322 = arith.select %ge3A_318, %bitcast_convert_type3A_315, %sub3A_321 : vector<16xi1>, vector<16xi32>
      %swap3A_323 = arith.constant 368 : index
      %swap3A_324 = tpu.vector_load %arg7[%swap3A_323] {strides = array<i32>} : memref<896xi32, #tpu.memory_space<vmem>>, vector<16xi32>,
      tpu.vector_store %arg7[%swap3A_323], %select_n3A_322 {strides = array<i32>} : memref<896xi32, #tpu.memory_space<vmem>>, vector<16xi32>,
      %get3A_325 = arith.constant 384 : index
      %get3A_326 = tpu.vector_load %arg6[%get3A_325] {strides = array<i32>} : memref<896xf32, #tpu.memory_space<vmem>>, vector<16xf32>,
      %bitcast_convert_type3A_327 = tpu.bitcast %get3A_326 : vector<16xf32> -> vector<16xi32>
      %ge3A_328 = arith.constant 0 : i32
      %ge3A_329 = vector.broadcast %ge3A_328 : i32 to vector<16xi32>
      %ge3A_330 = arith.cmpi sge, %bitcast_convert_type3A_327, %ge3A_329 : vector<16xi32>
      %sub3A_331 = arith.constant -2147483648 : i32
      %sub3A_332 = vector.broadcast %sub3A_331 : i32 to vector<16xi32>
      %sub3A_333 = arith.subi %sub3A_332, %bitcast_convert_type3A_327 : vector<16xi32>
      %select_n3A_334 = arith.select %ge3A_330, %bitcast_convert_type3A_327, %sub3A_333 : vector<16xi1>, vector<16xi32>
      %swap3A_335 = arith.constant 384 : index
      %swap3A_336 = tpu.vector_load %arg7[%swap3A_335] {strides = array<i32>} : memref<896xi32, #tpu.memory_space<vmem>>, vector<16xi32>,
      tpu.vector_store %arg7[%swap3A_335], %select_n3A_334 {strides = array<i32>} : memref<896xi32, #tpu.memory_space<vmem>>, vector<16xi32>,
      %get3A_337 = arith.constant 400 : index
      %get3A_338 = tpu.vector_load %arg6[%get3A_337] {strides = array<i32>} : memref<896xf32, #tpu.memory_space<vmem>>, vector<16xf32>,
      %bitcast_convert_type3A_339 = tpu.bitcast %get3A_338 : vector<16xf32> -> vector<16xi32>
      %ge3A_340 = arith.constant 0 : i32
      %ge3A_341 = vector.broadcast %ge3A_340 : i32 to vector<16xi32>
      %ge3A_342 = arith.cmpi sge, %bitcast_convert_type3A_339, %ge3A_341 : vector<16xi32>
      %sub3A_343 = arith.constant -2147483648 : i32
      %sub3A_344 = vector.broadcast %sub3A_343 : i32 to vector<16xi32>
      %sub3A_345 = arith.subi %sub3A_344, %bitcast_convert_type3A_339 : vector<16xi32>
      %select_n3A_346 = arith.select %ge3A_342, %bitcast_convert_type3A_339, %sub3A_345 : vector<16xi1>, vector<16xi32>
      %swap3A_347 = arith.constant 400 : index
      %swap3A_348 = tpu.vector_load %arg7[%swap3A_347] {strides = array<i32>} : memref<896xi32, #tpu.memory_space<vmem>>, vector<16xi32>,
      tpu.vector_store %arg7[%swap3A_347], %select_n3A_346 {strides = array<i32>} : memref<896xi32, #tpu.memory_space<vmem>>, vector<16xi32>,
      %get3A_349 = arith.constant 416 : index
      %get3A_350 = tpu.vector_load %arg6[%get3A_349] {strides = array<i32>} : memref<896xf32, #tpu.memory_space<vmem>>, vector<16xf32>,
      %bitcast_convert_type3A_351 = tpu.bitcast %get3A_350 : vector<16xf32> -> vector<16xi32>
      %ge3A_352 = arith.constant 0 : i32
      %ge3A_353 = vector.broadcast %ge3A_352 : i32 to vector<16xi32>
      %ge3A_354 = arith.cmpi sge, %bitcast_convert_type3A_351, %ge3A_353 : vector<16xi32>
      %sub3A_355 = arith.constant -2147483648 : i32
      %sub3A_356 = vector.broadcast %sub3A_355 : i32 to vector<16xi32>
      %sub3A_357 = arith.subi %sub3A_356, %bitcast_convert_type3A_351 : vector<16xi32>
      %select_n3A_358 = arith.select %ge3A_354, %bitcast_convert_type3A_351, %sub3A_357 : vector<16xi1>, vector<16xi32>
      %swap3A_359 = arith.constant 416 : index
      %swap3A_360 = tpu.vector_load %arg7[%swap3A_359] {strides = array<i32>} : memref<896xi32, #tpu.memory_space<vmem>>, vector<16xi32>,
      tpu.vector_store %arg7[%swap3A_359], %select_n3A_358 {strides = array<i32>} : memref<896xi32, #tpu.memory_space<vmem>>, vector<16xi32>,
      %get3A_361 = arith.constant 432 : index
      %get3A_362 = tpu.vector_load %arg6[%get3A_361] {strides = array<i32>} : memref<896xf32, #tpu.memory_space<vmem>>, vector<16xf32>,
      %bitcast_convert_type3A_363 = tpu.bitcast %get3A_362 : vector<16xf32> -> vector<16xi32>
      %ge3A_364 = arith.constant 0 : i32
      %ge3A_365 = vector.broadcast %ge3A_364 : i32 to vector<16xi32>
      %ge3A_366 = arith.cmpi sge, %bitcast_convert_type3A_363, %ge3A_365 : vector<16xi32>
      %sub3A_367 = arith.constant -2147483648 : i32
      %sub3A_368 = vector.broadcast %sub3A_367 : i32 to vector<16xi32>
      %sub3A_369 = arith.subi %sub3A_368, %bitcast_convert_type3A_363 : vector<16xi32>
      %select_n3A_370 = arith.select %ge3A_366, %bitcast_convert_type3A_363, %sub3A_369 : vector<16xi1>, vector<16xi32>
      %swap3A_371 = arith.constant 432 : index
      %swap3A_372 = tpu.vector_load %arg7[%swap3A_371] {strides = array<i32>} : memref<896xi32, #tpu.memory_space<vmem>>, vector<16xi32>,
      tpu.vector_store %arg7[%swap3A_371], %select_n3A_370 {strides = array<i32>} : memref<896xi32, #tpu.memory_space<vmem>>, vector<16xi32>,
      %get3A_373 = arith.constant 448 : index
      %get3A_374 = tpu.vector_load %arg6[%get3A_373] {strides = array<i32>} : memref<896xf32, #tpu.memory_space<vmem>>, vector<16xf32>,
      %bitcast_convert_type3A_375 = tpu.bitcast %get3A_374 : vector<16xf32> -> vector<16xi32>
      %ge3A_376 = arith.constant 0 : i32
      %ge3A_377 = vector.broadcast %ge3A_376 : i32 to vector<16xi32>
      %ge3A_378 = arith.cmpi sge, %bitcast_convert_type3A_375, %ge3A_377 : vector<16xi32>
      %sub3A_379 = arith.constant -2147483648 : i32
      %sub3A_380 = vector.broadcast %sub3A_379 : i32 to vector<16xi32>
      %sub3A_381 = arith.subi %sub3A_380, %bitcast_convert_type3A_375 : vector<16xi32>
      %select_n3A_382 = arith.select %ge3A_378, %bitcast_convert_type3A_375, %sub3A_381 : vector<16xi1>, vector<16xi32>
      %swap3A_383 = arith.constant 448 : index
      %swap3A_384 = tpu.vector_load %arg7[%swap3A_383] {strides = array<i32>} : memref<896xi32, #tpu.memory_space<vmem>>, vector<16xi32>,
      tpu.vector_store %arg7[%swap3A_383], %select_n3A_382 {strides = array<i32>} : memref<896xi32, #tpu.memory_space<vmem>>, vector<16xi32>,
      %get3A_385 = arith.constant 464 : index
      %get3A_386 = tpu.vector_load %arg6[%get3A_385] {strides = array<i32>} : memref<896xf32, #tpu.memory_space<vmem>>, vector<16xf32>,
      %bitcast_convert_type3A_387 = tpu.bitcast %get3A_386 : vector<16xf32> -> vector<16xi32>
      %ge3A_388 = arith.constant 0 : i32
      %ge3A_389 = vector.broadcast %ge3A_388 : i32 to vector<16xi32>
      %ge3A_390 = arith.cmpi sge, %bitcast_convert_type3A_387, %ge3A_389 : vector<16xi32>
      %sub3A_391 = arith.constant -2147483648 : i32
      %sub3A_392 = vector.broadcast %sub3A_391 : i32 to vector<16xi32>
      %sub3A_393 = arith.subi %sub3A_392, %bitcast_convert_type3A_387 : vector<16xi32>
      %select_n3A_394 = arith.select %ge3A_390, %bitcast_convert_type3A_387, %sub3A_393 : vector<16xi1>, vector<16xi32>
      %swap3A_395 = arith.constant 464 : index
      %swap3A_396 = tpu.vector_load %arg7[%swap3A_395] {strides = array<i32>} : memref<896xi32, #tpu.memory_space<vmem>>, vector<16xi32>,
      tpu.vector_store %arg7[%swap3A_395], %select_n3A_394 {strides = array<i32>} : memref<896xi32, #tpu.memory_space<vmem>>, vector<16xi32>,
      %get3A_397 = arith.constant 480 : index
      %get3A_398 = tpu.vector_load %arg6[%get3A_397] {strides = array<i32>} : memref<896xf32, #tpu.memory_space<vmem>>, vector<16xf32>,
      %bitcast_convert_type3A_399 = tpu.bitcast %get3A_398 : vector<16xf32> -> vector<16xi32>
      %ge3A_400 = arith.constant 0 : i32
      %ge3A_401 = vector.broadcast %ge3A_400 : i32 to vector<16xi32>
      %ge3A_402 = arith.cmpi sge, %bitcast_convert_type3A_399, %ge3A_401 : vector<16xi32>
      %sub3A_403 = arith.constant -2147483648 : i32
      %sub3A_404 = vector.broadcast %sub3A_403 : i32 to vector<16xi32>
      %sub3A_405 = arith.subi %sub3A_404, %bitcast_convert_type3A_399 : vector<16xi32>
      %select_n3A_406 = arith.select %ge3A_402, %bitcast_convert_type3A_399, %sub3A_405 : vector<16xi1>, vector<16xi32>
      %swap3A_407 = arith.constant 480 : index
      %swap3A_408 = tpu.vector_load %arg7[%swap3A_407] {strides = array<i32>} : memref<896xi32, #tpu.memory_space<vmem>>, vector<16xi32>,
      tpu.vector_store %arg7[%swap3A_407], %select_n3A_406 {strides = array<i32>} : memref<896xi32, #tpu.memory_space<vmem>>, vector<16xi32>,
      %get3A_409 = arith.constant 496 : index
      %get3A_410 = tpu.vector_load %arg6[%get3A_409] {strides = array<i32>} : memref<896xf32, #tpu.memory_space<vmem>>, vector<16xf32>,
      %bitcast_convert_type3A_411 = tpu.bitcast %get3A_410 : vector<16xf32> -> vector<16xi32>
      %ge3A_412 = arith.constant 0 : i32
      %ge3A_413 = vector.broadcast %ge3A_412 : i32 to vector<16xi32>
      %ge3A_414 = arith.cmpi sge, %bitcast_convert_type3A_411, %ge3A_413 : vector<16xi32>
      %sub3A_415 = arith.constant -2147483648 : i32
      %sub3A_416 = vector.broadcast %sub3A_415 : i32 to vector<16xi32>
      %sub3A_417 = arith.subi %sub3A_416, %bitcast_convert_type3A_411 : vector<16xi32>
      %select_n3A_418 = arith.select %ge3A_414, %bitcast_convert_type3A_411, %sub3A_417 : vector<16xi1>, vector<16xi32>
      %swap3A_419 = arith.constant 496 : index
      %swap3A_420 = tpu.vector_load %arg7[%swap3A_419] {strides = array<i32>} : memref<896xi32, #tpu.memory_space<vmem>>, vector<16xi32>,
      tpu.vector_store %arg7[%swap3A_419], %select_n3A_418 {strides = array<i32>} : memref<896xi32, #tpu.memory_space<vmem>>, vector<16xi32>,
      %get3A_421 = arith.constant 512 : index
      %get3A_422 = tpu.vector_load %arg6[%get3A_421] {strides = array<i32>} : memref<896xf32, #tpu.memory_space<vmem>>, vector<16xf32>,
      %bitcast_convert_type3A_423 = tpu.bitcast %get3A_422 : vector<16xf32> -> vector<16xi32>
      %ge3A_424 = arith.constant 0 : i32
      %ge3A_425 = vector.broadcast %ge3A_424 : i32 to vector<16xi32>
      %ge3A_426 = arith.cmpi sge, %bitcast_convert_type3A_423, %ge3A_425 : vector<16xi32>
      %sub3A_427 = arith.constant -2147483648 : i32
      %sub3A_428 = vector.broadcast %sub3A_427 : i32 to vector<16xi32>
      %sub3A_429 = arith.subi %sub3A_428, %bitcast_convert_type3A_423 : vector<16xi32>
      %select_n3A_430 = arith.select %ge3A_426, %bitcast_convert_type3A_423, %sub3A_429 : vector<16xi1>, vector<16xi32>
      %swap3A_431 = arith.constant 512 : index
      %swap3A_432 = tpu.vector_load %arg7[%swap3A_431] {strides = array<i32>} : memref<896xi32, #tpu.memory_space<vmem>>, vector<16xi32>,
      tpu.vector_store %arg7[%swap3A_431], %select_n3A_430 {strides = array<i32>} : memref<896xi32, #tpu.memory_space<vmem>>, vector<16xi32>,
      %get3A_433 = arith.constant 528 : index
      %get3A_434 = tpu.vector_load %arg6[%get3A_433] {strides = array<i32>} : memref<896xf32, #tpu.memory_space<vmem>>, vector<16xf32>,
      %bitcast_convert_type3A_435 = tpu.bitcast %get3A_434 : vector<16xf32> -> vector<16xi32>
      %ge3A_436 = arith.constant 0 : i32
      %ge3A_437 = vector.broadcast %ge3A_436 : i32 to vector<16xi32>
      %ge3A_438 = arith.cmpi sge, %bitcast_convert_type3A_435, %ge3A_437 : vector<16xi32>
      %sub3A_439 = arith.constant -2147483648 : i32
      %sub3A_440 = vector.broadcast %sub3A_439 : i32 to vector<16xi32>
      %sub3A_441 = arith.subi %sub3A_440, %bitcast_convert_type3A_435 : vector<16xi32>
      %select_n3A_442 = arith.select %ge3A_438, %bitcast_convert_type3A_435, %sub3A_441 : vector<16xi1>, vector<16xi32>
      %swap3A_443 = arith.constant 528 : index
      %swap3A_444 = tpu.vector_load %arg7[%swap3A_443] {strides = array<i32>} : memref<896xi32, #tpu.memory_space<vmem>>, vector<16xi32>,
      tpu.vector_store %arg7[%swap3A_443], %select_n3A_442 {strides = array<i32>} : memref<896xi32, #tpu.memory_space<vmem>>, vector<16xi32>,
      %get3A_445 = arith.constant 544 : index
      %get3A_446 = tpu.vector_load %arg6[%get3A_445] {strides = array<i32>} : memref<896xf32, #tpu.memory_space<vmem>>, vector<16xf32>,
      %bitcast_convert_type3A_447 = tpu.bitcast %get3A_446 : vector<16xf32> -> vector<16xi32>
      %ge3A_448 = arith.constant 0 : i32
      %ge3A_449 = vector.broadcast %ge3A_448 : i32 to vector<16xi32>
      %ge3A_450 = arith.cmpi sge, %bitcast_convert_type3A_447, %ge3A_449 : vector<16xi32>
      %sub3A_451 = arith.constant -2147483648 : i32
      %sub3A_452 = vector.broadcast %sub3A_451 : i32 to vector<16xi32>
      %sub3A_453 = arith.subi %sub3A_452, %bitcast_convert_type3A_447 : vector<16xi32>
      %select_n3A_454 = arith.select %ge3A_450, %bitcast_convert_type3A_447, %sub3A_453 : vector<16xi1>, vector<16xi32>
      %swap3A_455 = arith.constant 544 : index
      %swap3A_456 = tpu.vector_load %arg7[%swap3A_455] {strides = array<i32>} : memref<896xi32, #tpu.memory_space<vmem>>, vector<16xi32>,
      tpu.vector_store %arg7[%swap3A_455], %select_n3A_454 {strides = array<i32>} : memref<896xi32, #tpu.memory_space<vmem>>, vector<16xi32>,
      %get3A_457 = arith.constant 560 : index
      %get3A_458 = tpu.vector_load %arg6[%get3A_457] {strides = array<i32>} : memref<896xf32, #tpu.memory_space<vmem>>, vector<16xf32>,
      %bitcast_convert_type3A_459 = tpu.bitcast %get3A_458 : vector<16xf32> -> vector<16xi32>
      %ge3A_460 = arith.constant 0 : i32
      %ge3A_461 = vector.broadcast %ge3A_460 : i32 to vector<16xi32>
      %ge3A_462 = arith.cmpi sge, %bitcast_convert_type3A_459, %ge3A_461 : vector<16xi32>
      %sub3A_463 = arith.constant -2147483648 : i32
      %sub3A_464 = vector.broadcast %sub3A_463 : i32 to vector<16xi32>
      %sub3A_465 = arith.subi %sub3A_464, %bitcast_convert_type3A_459 : vector<16xi32>
      %select_n3A_466 = arith.select %ge3A_462, %bitcast_convert_type3A_459, %sub3A_465 : vector<16xi1>, vector<16xi32>
      %swap3A_467 = arith.constant 560 : index
      %swap3A_468 = tpu.vector_load %arg7[%swap3A_467] {strides = array<i32>} : memref<896xi32, #tpu.memory_space<vmem>>, vector<16xi32>,
      tpu.vector_store %arg7[%swap3A_467], %select_n3A_466 {strides = array<i32>} : memref<896xi32, #tpu.memory_space<vmem>>, vector<16xi32>,
      %get3A_469 = arith.constant 576 : index
      %get3A_470 = tpu.vector_load %arg6[%get3A_469] {strides = array<i32>} : memref<896xf32, #tpu.memory_space<vmem>>, vector<16xf32>,
      %bitcast_convert_type3A_471 = tpu.bitcast %get3A_470 : vector<16xf32> -> vector<16xi32>
      %ge3A_472 = arith.constant 0 : i32
      %ge3A_473 = vector.broadcast %ge3A_472 : i32 to vector<16xi32>
      %ge3A_474 = arith.cmpi sge, %bitcast_convert_type3A_471, %ge3A_473 : vector<16xi32>
      %sub3A_475 = arith.constant -2147483648 : i32
      %sub3A_476 = vector.broadcast %sub3A_475 : i32 to vector<16xi32>
      %sub3A_477 = arith.subi %sub3A_476, %bitcast_convert_type3A_471 : vector<16xi32>
      %select_n3A_478 = arith.select %ge3A_474, %bitcast_convert_type3A_471, %sub3A_477 : vector<16xi1>, vector<16xi32>
      %swap3A_479 = arith.constant 576 : index
      %swap3A_480 = tpu.vector_load %arg7[%swap3A_479] {strides = array<i32>} : memref<896xi32, #tpu.memory_space<vmem>>, vector<16xi32>,
      tpu.vector_store %arg7[%swap3A_479], %select_n3A_478 {strides = array<i32>} : memref<896xi32, #tpu.memory_space<vmem>>, vector<16xi32>,
      %get3A_481 = arith.constant 592 : index
      %get3A_482 = tpu.vector_load %arg6[%get3A_481] {strides = array<i32>} : memref<896xf32, #tpu.memory_space<vmem>>, vector<16xf32>,
      %bitcast_convert_type3A_483 = tpu.bitcast %get3A_482 : vector<16xf32> -> vector<16xi32>
      %ge3A_484 = arith.constant 0 : i32
      %ge3A_485 = vector.broadcast %ge3A_484 : i32 to vector<16xi32>
      %ge3A_486 = arith.cmpi sge, %bitcast_convert_type3A_483, %ge3A_485 : vector<16xi32>
      %sub3A_487 = arith.constant -2147483648 : i32
      %sub3A_488 = vector.broadcast %sub3A_487 : i32 to vector<16xi32>
      %sub3A_489 = arith.subi %sub3A_488, %bitcast_convert_type3A_483 : vector<16xi32>
      %select_n3A_490 = arith.select %ge3A_486, %bitcast_convert_type3A_483, %sub3A_489 : vector<16xi1>, vector<16xi32>
      %swap3A_491 = arith.constant 592 : index
      %swap3A_492 = tpu.vector_load %arg7[%swap3A_491] {strides = array<i32>} : memref<896xi32, #tpu.memory_space<vmem>>, vector<16xi32>,
      tpu.vector_store %arg7[%swap3A_491], %select_n3A_490 {strides = array<i32>} : memref<896xi32, #tpu.memory_space<vmem>>, vector<16xi32>,
      %get3A_493 = arith.constant 608 : index
      %get3A_494 = tpu.vector_load %arg6[%get3A_493] {strides = array<i32>} : memref<896xf32, #tpu.memory_space<vmem>>, vector<16xf32>,
      %bitcast_convert_type3A_495 = tpu.bitcast %get3A_494 : vector<16xf32> -> vector<16xi32>
      %ge3A_496 = arith.constant 0 : i32
      %ge3A_497 = vector.broadcast %ge3A_496 : i32 to vector<16xi32>
      %ge3A_498 = arith.cmpi sge, %bitcast_convert_type3A_495, %ge3A_497 : vector<16xi32>
      %sub3A_499 = arith.constant -2147483648 : i32
      %sub3A_500 = vector.broadcast %sub3A_499 : i32 to vector<16xi32>
      %sub3A_501 = arith.subi %sub3A_500, %bitcast_convert_type3A_495 : vector<16xi32>
      %select_n3A_502 = arith.select %ge3A_498, %bitcast_convert_type3A_495, %sub3A_501 : vector<16xi1>, vector<16xi32>
      %swap3A_503 = arith.constant 608 : index
      %swap3A_504 = tpu.vector_load %arg7[%swap3A_503] {strides = array<i32>} : memref<896xi32, #tpu.memory_space<vmem>>, vector<16xi32>,
      tpu.vector_store %arg7[%swap3A_503], %select_n3A_502 {strides = array<i32>} : memref<896xi32, #tpu.memory_space<vmem>>, vector<16xi32>,
      %get3A_505 = arith.constant 624 : index
      %get3A_506 = tpu.vector_load %arg6[%get3A_505] {strides = array<i32>} : memref<896xf32, #tpu.memory_space<vmem>>, vector<16xf32>,
      %bitcast_convert_type3A_507 = tpu.bitcast %get3A_506 : vector<16xf32> -> vector<16xi32>
      %ge3A_508 = arith.constant 0 : i32
      %ge3A_509 = vector.broadcast %ge3A_508 : i32 to vector<16xi32>
      %ge3A_510 = arith.cmpi sge, %bitcast_convert_type3A_507, %ge3A_509 : vector<16xi32>
      %sub3A_511 = arith.constant -2147483648 : i32
      %sub3A_512 = vector.broadcast %sub3A_511 : i32 to vector<16xi32>
      %sub3A_513 = arith.subi %sub3A_512, %bitcast_convert_type3A_507 : vector<16xi32>
      %select_n3A_514 = arith.select %ge3A_510, %bitcast_convert_type3A_507, %sub3A_513 : vector<16xi1>, vector<16xi32>
      %swap3A_515 = arith.constant 624 : index
      %swap3A_516 = tpu.vector_load %arg7[%swap3A_515] {strides = array<i32>} : memref<896xi32, #tpu.memory_space<vmem>>, vector<16xi32>,
      tpu.vector_store %arg7[%swap3A_515], %select_n3A_514 {strides = array<i32>} : memref<896xi32, #tpu.memory_space<vmem>>, vector<16xi32>,
      %get3A_517 = arith.constant 640 : index
      %get3A_518 = tpu.vector_load %arg6[%get3A_517] {strides = array<i32>} : memref<896xf32, #tpu.memory_space<vmem>>, vector<16xf32>,
      %bitcast_convert_type3A_519 = tpu.bitcast %get3A_518 : vector<16xf32> -> vector<16xi32>
      %ge3A_520 = arith.constant 0 : i32
      %ge3A_521 = vector.broadcast %ge3A_520 : i32 to vector<16xi32>
      %ge3A_522 = arith.cmpi sge, %bitcast_convert_type3A_519, %ge3A_521 : vector<16xi32>
      %sub3A_523 = arith.constant -2147483648 : i32
      %sub3A_524 = vector.broadcast %sub3A_523 : i32 to vector<16xi32>
      %sub3A_525 = arith.subi %sub3A_524, %bitcast_convert_type3A_519 : vector<16xi32>
      %select_n3A_526 = arith.select %ge3A_522, %bitcast_convert_type3A_519, %sub3A_525 : vector<16xi1>, vector<16xi32>
      %swap3A_527 = arith.constant 640 : index
      %swap3A_528 = tpu.vector_load %arg7[%swap3A_527] {strides = array<i32>} : memref<896xi32, #tpu.memory_space<vmem>>, vector<16xi32>,
      tpu.vector_store %arg7[%swap3A_527], %select_n3A_526 {strides = array<i32>} : memref<896xi32, #tpu.memory_space<vmem>>, vector<16xi32>,
      %get3A_529 = arith.constant 656 : index
      %get3A_530 = tpu.vector_load %arg6[%get3A_529] {strides = array<i32>} : memref<896xf32, #tpu.memory_space<vmem>>, vector<16xf32>,
      %bitcast_convert_type3A_531 = tpu.bitcast %get3A_530 : vector<16xf32> -> vector<16xi32>
      %ge3A_532 = arith.constant 0 : i32
      %ge3A_533 = vector.broadcast %ge3A_532 : i32 to vector<16xi32>
      %ge3A_534 = arith.cmpi sge, %bitcast_convert_type3A_531, %ge3A_533 : vector<16xi32>
      %sub3A_535 = arith.constant -2147483648 : i32
      %sub3A_536 = vector.broadcast %sub3A_535 : i32 to vector<16xi32>
      %sub3A_537 = arith.subi %sub3A_536, %bitcast_convert_type3A_531 : vector<16xi32>
      %select_n3A_538 = arith.select %ge3A_534, %bitcast_convert_type3A_531, %sub3A_537 : vector<16xi1>, vector<16xi32>
      %swap3A_539 = arith.constant 656 : index
      %swap3A_540 = tpu.vector_load %arg7[%swap3A_539] {strides = array<i32>} : memref<896xi32, #tpu.memory_space<vmem>>, vector<16xi32>,
      tpu.vector_store %arg7[%swap3A_539], %select_n3A_538 {strides = array<i32>} : memref<896xi32, #tpu.memory_space<vmem>>, vector<16xi32>,
      %get3A_541 = arith.constant 672 : index
      %get3A_542 = tpu.vector_load %arg6[%get3A_541] {strides = array<i32>} : memref<896xf32, #tpu.memory_space<vmem>>, vector<16xf32>,
      %bitcast_convert_type3A_543 = tpu.bitcast %get3A_542 : vector<16xf32> -> vector<16xi32>
      %ge3A_544 = arith.constant 0 : i32
      %ge3A_545 = vector.broadcast %ge3A_544 : i32 to vector<16xi32>
      %ge3A_546 = arith.cmpi sge, %bitcast_convert_type3A_543, %ge3A_545 : vector<16xi32>
      %sub3A_547 = arith.constant -2147483648 : i32
      %sub3A_548 = vector.broadcast %sub3A_547 : i32 to vector<16xi32>
      %sub3A_549 = arith.subi %sub3A_548, %bitcast_convert_type3A_543 : vector<16xi32>
      %select_n3A_550 = arith.select %ge3A_546, %bitcast_convert_type3A_543, %sub3A_549 : vector<16xi1>, vector<16xi32>
      %swap3A_551 = arith.constant 672 : index
      %swap3A_552 = tpu.vector_load %arg7[%swap3A_551] {strides = array<i32>} : memref<896xi32, #tpu.memory_space<vmem>>, vector<16xi32>,
      tpu.vector_store %arg7[%swap3A_551], %select_n3A_550 {strides = array<i32>} : memref<896xi32, #tpu.memory_space<vmem>>, vector<16xi32>,
      %get3A_553 = arith.constant 688 : index
      %get3A_554 = tpu.vector_load %arg6[%get3A_553] {strides = array<i32>} : memref<896xf32, #tpu.memory_space<vmem>>, vector<16xf32>,
      %bitcast_convert_type3A_555 = tpu.bitcast %get3A_554 : vector<16xf32> -> vector<16xi32>
      %ge3A_556 = arith.constant 0 : i32
      %ge3A_557 = vector.broadcast %ge3A_556 : i32 to vector<16xi32>
      %ge3A_558 = arith.cmpi sge, %bitcast_convert_type3A_555, %ge3A_557 : vector<16xi32>
      %sub3A_559 = arith.constant -2147483648 : i32
      %sub3A_560 = vector.broadcast %sub3A_559 : i32 to vector<16xi32>
      %sub3A_561 = arith.subi %sub3A_560, %bitcast_convert_type3A_555 : vector<16xi32>
      %select_n3A_562 = arith.select %ge3A_558, %bitcast_convert_type3A_555, %sub3A_561 : vector<16xi1>, vector<16xi32>
      %swap3A_563 = arith.constant 688 : index
      %swap3A_564 = tpu.vector_load %arg7[%swap3A_563] {strides = array<i32>} : memref<896xi32, #tpu.memory_space<vmem>>, vector<16xi32>,
      tpu.vector_store %arg7[%swap3A_563], %select_n3A_562 {strides = array<i32>} : memref<896xi32, #tpu.memory_space<vmem>>, vector<16xi32>,
      %get3A_565 = arith.constant 704 : index
      %get3A_566 = tpu.vector_load %arg6[%get3A_565] {strides = array<i32>} : memref<896xf32, #tpu.memory_space<vmem>>, vector<16xf32>,
      %bitcast_convert_type3A_567 = tpu.bitcast %get3A_566 : vector<16xf32> -> vector<16xi32>
      %ge3A_568 = arith.constant 0 : i32
      %ge3A_569 = vector.broadcast %ge3A_568 : i32 to vector<16xi32>
      %ge3A_570 = arith.cmpi sge, %bitcast_convert_type3A_567, %ge3A_569 : vector<16xi32>
      %sub3A_571 = arith.constant -2147483648 : i32
      %sub3A_572 = vector.broadcast %sub3A_571 : i32 to vector<16xi32>
      %sub3A_573 = arith.subi %sub3A_572, %bitcast_convert_type3A_567 : vector<16xi32>
      %select_n3A_574 = arith.select %ge3A_570, %bitcast_convert_type3A_567, %sub3A_573 : vector<16xi1>, vector<16xi32>
      %swap3A_575 = arith.constant 704 : index
      %swap3A_576 = tpu.vector_load %arg7[%swap3A_575] {strides = array<i32>} : memref<896xi32, #tpu.memory_space<vmem>>, vector<16xi32>,
      tpu.vector_store %arg7[%swap3A_575], %select_n3A_574 {strides = array<i32>} : memref<896xi32, #tpu.memory_space<vmem>>, vector<16xi32>,
      %get3A_577 = arith.constant 720 : index
      %get3A_578 = tpu.vector_load %arg6[%get3A_577] {strides = array<i32>} : memref<896xf32, #tpu.memory_space<vmem>>, vector<16xf32>,
      %bitcast_convert_type3A_579 = tpu.bitcast %get3A_578 : vector<16xf32> -> vector<16xi32>
      %ge3A_580 = arith.constant 0 : i32
      %ge3A_581 = vector.broadcast %ge3A_580 : i32 to vector<16xi32>
      %ge3A_582 = arith.cmpi sge, %bitcast_convert_type3A_579, %ge3A_581 : vector<16xi32>
      %sub3A_583 = arith.constant -2147483648 : i32
      %sub3A_584 = vector.broadcast %sub3A_583 : i32 to vector<16xi32>
      %sub3A_585 = arith.subi %sub3A_584, %bitcast_convert_type3A_579 : vector<16xi32>
      %select_n3A_586 = arith.select %ge3A_582, %bitcast_convert_type3A_579, %sub3A_585 : vector<16xi1>, vector<16xi32>
      %swap3A_587 = arith.constant 720 : index
      %swap3A_588 = tpu.vector_load %arg7[%swap3A_587] {strides = array<i32>} : memref<896xi32, #tpu.memory_space<vmem>>, vector<16xi32>,
      tpu.vector_store %arg7[%swap3A_587], %select_n3A_586 {strides = array<i32>} : memref<896xi32, #tpu.memory_space<vmem>>, vector<16xi32>,
      %get3A_589 = arith.constant 736 : index
      %get3A_590 = tpu.vector_load %arg6[%get3A_589] {strides = array<i32>} : memref<896xf32, #tpu.memory_space<vmem>>, vector<16xf32>,
      %bitcast_convert_type3A_591 = tpu.bitcast %get3A_590 : vector<16xf32> -> vector<16xi32>
      %ge3A_592 = arith.constant 0 : i32
      %ge3A_593 = vector.broadcast %ge3A_592 : i32 to vector<16xi32>
      %ge3A_594 = arith.cmpi sge, %bitcast_convert_type3A_591, %ge3A_593 : vector<16xi32>
      %sub3A_595 = arith.constant -2147483648 : i32
      %sub3A_596 = vector.broadcast %sub3A_595 : i32 to vector<16xi32>
      %sub3A_597 = arith.subi %sub3A_596, %bitcast_convert_type3A_591 : vector<16xi32>
      %select_n3A_598 = arith.select %ge3A_594, %bitcast_convert_type3A_591, %sub3A_597 : vector<16xi1>, vector<16xi32>
      %swap3A_599 = arith.constant 736 : index
      %swap3A_600 = tpu.vector_load %arg7[%swap3A_599] {strides = array<i32>} : memref<896xi32, #tpu.memory_space<vmem>>, vector<16xi32>,
      tpu.vector_store %arg7[%swap3A_599], %select_n3A_598 {strides = array<i32>} : memref<896xi32, #tpu.memory_space<vmem>>, vector<16xi32>,
      %get3A_601 = arith.constant 752 : index
      %get3A_602 = tpu.vector_load %arg6[%get3A_601] {strides = array<i32>} : memref<896xf32, #tpu.memory_space<vmem>>, vector<16xf32>,
      %bitcast_convert_type3A_603 = tpu.bitcast %get3A_602 : vector<16xf32> -> vector<16xi32>
      %ge3A_604 = arith.constant 0 : i32
      %ge3A_605 = vector.broadcast %ge3A_604 : i32 to vector<16xi32>
      %ge3A_606 = arith.cmpi sge, %bitcast_convert_type3A_603, %ge3A_605 : vector<16xi32>
      %sub3A_607 = arith.constant -2147483648 : i32
      %sub3A_608 = vector.broadcast %sub3A_607 : i32 to vector<16xi32>
      %sub3A_609 = arith.subi %sub3A_608, %bitcast_convert_type3A_603 : vector<16xi32>
      %select_n3A_610 = arith.select %ge3A_606, %bitcast_convert_type3A_603, %sub3A_609 : vector<16xi1>, vector<16xi32>
      %swap3A_611 = arith.constant 752 : index
      %swap3A_612 = tpu.vector_load %arg7[%swap3A_611] {strides = array<i32>} : memref<896xi32, #tpu.memory_space<vmem>>, vector<16xi32>,
      tpu.vector_store %arg7[%swap3A_611], %select_n3A_610 {strides = array<i32>} : memref<896xi32, #tpu.memory_space<vmem>>, vector<16xi32>,
      %get3A_613 = arith.constant 768 : index
      %get3A_614 = tpu.vector_load %arg6[%get3A_613] {strides = array<i32>} : memref<896xf32, #tpu.memory_space<vmem>>, vector<16xf32>,
      %bitcast_convert_type3A_615 = tpu.bitcast %get3A_614 : vector<16xf32> -> vector<16xi32>
      %ge3A_616 = arith.constant 0 : i32
      %ge3A_617 = vector.broadcast %ge3A_616 : i32 to vector<16xi32>
      %ge3A_618 = arith.cmpi sge, %bitcast_convert_type3A_615, %ge3A_617 : vector<16xi32>
      %sub3A_619 = arith.constant -2147483648 : i32
      %sub3A_620 = vector.broadcast %sub3A_619 : i32 to vector<16xi32>
      %sub3A_621 = arith.subi %sub3A_620, %bitcast_convert_type3A_615 : vector<16xi32>
      %select_n3A_622 = arith.select %ge3A_618, %bitcast_convert_type3A_615, %sub3A_621 : vector<16xi1>, vector<16xi32>
      %swap3A_623 = arith.constant 768 : index
      %swap3A_624 = tpu.vector_load %arg7[%swap3A_623] {strides = array<i32>} : memref<896xi32, #tpu.memory_space<vmem>>, vector<16xi32>,
      tpu.vector_store %arg7[%swap3A_623], %select_n3A_622 {strides = array<i32>} : memref<896xi32, #tpu.memory_space<vmem>>, vector<16xi32>,
      %get3A_625 = arith.constant 784 : index
      %get3A_626 = tpu.vector_load %arg6[%get3A_625] {strides = array<i32>} : memref<896xf32, #tpu.memory_space<vmem>>, vector<16xf32>,
      %bitcast_convert_type3A_627 = tpu.bitcast %get3A_626 : vector<16xf32> -> vector<16xi32>
      %ge3A_628 = arith.constant 0 : i32
      %ge3A_629 = vector.broadcast %ge3A_628 : i32 to vector<16xi32>
      %ge3A_630 = arith.cmpi sge, %bitcast_convert_type3A_627, %ge3A_629 : vector<16xi32>
      %sub3A_631 = arith.constant -2147483648 : i32
      %sub3A_632 = vector.broadcast %sub3A_631 : i32 to vector<16xi32>
      %sub3A_633 = arith.subi %sub3A_632, %bitcast_convert_type3A_627 : vector<16xi32>
      %select_n3A_634 = arith.select %ge3A_630, %bitcast_convert_type3A_627, %sub3A_633 : vector<16xi1>, vector<16xi32>
      %swap3A_635 = arith.constant 784 : index
      %swap3A_636 = tpu.vector_load %arg7[%swap3A_635] {strides = array<i32>} : memref<896xi32, #tpu.memory_space<vmem>>, vector<16xi32>,
      tpu.vector_store %arg7[%swap3A_635], %select_n3A_634 {strides = array<i32>} : memref<896xi32, #tpu.memory_space<vmem>>, vector<16xi32>,
      %get3A_637 = arith.constant 800 : index
      %get3A_638 = tpu.vector_load %arg6[%get3A_637] {strides = array<i32>} : memref<896xf32, #tpu.memory_space<vmem>>, vector<16xf32>,
      %bitcast_convert_type3A_639 = tpu.bitcast %get3A_638 : vector<16xf32> -> vector<16xi32>
      %ge3A_640 = arith.constant 0 : i32
      %ge3A_641 = vector.broadcast %ge3A_640 : i32 to vector<16xi32>
      %ge3A_642 = arith.cmpi sge, %bitcast_convert_type3A_639, %ge3A_641 : vector<16xi32>
      %sub3A_643 = arith.constant -2147483648 : i32
      %sub3A_644 = vector.broadcast %sub3A_643 : i32 to vector<16xi32>
      %sub3A_645 = arith.subi %sub3A_644, %bitcast_convert_type3A_639 : vector<16xi32>
      %select_n3A_646 = arith.select %ge3A_642, %bitcast_convert_type3A_639, %sub3A_645 : vector<16xi1>, vector<16xi32>
      %swap3A_647 = arith.constant 800 : index
      %swap3A_648 = tpu.vector_load %arg7[%swap3A_647] {strides = array<i32>} : memref<896xi32, #tpu.memory_space<vmem>>, vector<16xi32>,
      tpu.vector_store %arg7[%swap3A_647], %select_n3A_646 {strides = array<i32>} : memref<896xi32, #tpu.memory_space<vmem>>, vector<16xi32>,
      %get3A_649 = arith.constant 816 : index
      %get3A_650 = tpu.vector_load %arg6[%get3A_649] {strides = array<i32>} : memref<896xf32, #tpu.memory_space<vmem>>, vector<16xf32>,
      %bitcast_convert_type3A_651 = tpu.bitcast %get3A_650 : vector<16xf32> -> vector<16xi32>
      %ge3A_652 = arith.constant 0 : i32
      %ge3A_653 = vector.broadcast %ge3A_652 : i32 to vector<16xi32>
      %ge3A_654 = arith.cmpi sge, %bitcast_convert_type3A_651, %ge3A_653 : vector<16xi32>
      %sub3A_655 = arith.constant -2147483648 : i32
      %sub3A_656 = vector.broadcast %sub3A_655 : i32 to vector<16xi32>
      %sub3A_657 = arith.subi %sub3A_656, %bitcast_convert_type3A_651 : vector<16xi32>
      %select_n3A_658 = arith.select %ge3A_654, %bitcast_convert_type3A_651, %sub3A_657 : vector<16xi1>, vector<16xi32>
      %swap3A_659 = arith.constant 816 : index
      %swap3A_660 = tpu.vector_load %arg7[%swap3A_659] {strides = array<i32>} : memref<896xi32, #tpu.memory_space<vmem>>, vector<16xi32>,
      tpu.vector_store %arg7[%swap3A_659], %select_n3A_658 {strides = array<i32>} : memref<896xi32, #tpu.memory_space<vmem>>, vector<16xi32>,
      %get3A_661 = arith.constant 832 : index
      %get3A_662 = tpu.vector_load %arg6[%get3A_661] {strides = array<i32>} : memref<896xf32, #tpu.memory_space<vmem>>, vector<16xf32>,
      %bitcast_convert_type3A_663 = tpu.bitcast %get3A_662 : vector<16xf32> -> vector<16xi32>
      %ge3A_664 = arith.constant 0 : i32
      %ge3A_665 = vector.broadcast %ge3A_664 : i32 to vector<16xi32>
      %ge3A_666 = arith.cmpi sge, %bitcast_convert_type3A_663, %ge3A_665 : vector<16xi32>
      %sub3A_667 = arith.constant -2147483648 : i32
      %sub3A_668 = vector.broadcast %sub3A_667 : i32 to vector<16xi32>
      %sub3A_669 = arith.subi %sub3A_668, %bitcast_convert_type3A_663 : vector<16xi32>
      %select_n3A_670 = arith.select %ge3A_666, %bitcast_convert_type3A_663, %sub3A_669 : vector<16xi1>, vector<16xi32>
      %swap3A_671 = arith.constant 832 : index
      %swap3A_672 = tpu.vector_load %arg7[%swap3A_671] {strides = array<i32>} : memref<896xi32, #tpu.memory_space<vmem>>, vector<16xi32>,
      tpu.vector_store %arg7[%swap3A_671], %select_n3A_670 {strides = array<i32>} : memref<896xi32, #tpu.memory_space<vmem>>, vector<16xi32>,
      %get3A_673 = arith.constant 848 : index
      %get3A_674 = tpu.vector_load %arg6[%get3A_673] {strides = array<i32>} : memref<896xf32, #tpu.memory_space<vmem>>, vector<16xf32>,
      %bitcast_convert_type3A_675 = tpu.bitcast %get3A_674 : vector<16xf32> -> vector<16xi32>
      %ge3A_676 = arith.constant 0 : i32
      %ge3A_677 = vector.broadcast %ge3A_676 : i32 to vector<16xi32>
      %ge3A_678 = arith.cmpi sge, %bitcast_convert_type3A_675, %ge3A_677 : vector<16xi32>
      %sub3A_679 = arith.constant -2147483648 : i32
      %sub3A_680 = vector.broadcast %sub3A_679 : i32 to vector<16xi32>
      %sub3A_681 = arith.subi %sub3A_680, %bitcast_convert_type3A_675 : vector<16xi32>
      %select_n3A_682 = arith.select %ge3A_678, %bitcast_convert_type3A_675, %sub3A_681 : vector<16xi1>, vector<16xi32>
      %swap3A_683 = arith.constant 848 : index
      %swap3A_684 = tpu.vector_load %arg7[%swap3A_683] {strides = array<i32>} : memref<896xi32, #tpu.memory_space<vmem>>, vector<16xi32>,
      tpu.vector_store %arg7[%swap3A_683], %select_n3A_682 {strides = array<i32>} : memref<896xi32, #tpu.memory_space<vmem>>, vector<16xi32>,
      %get3A_685 = arith.constant 864 : index
      %get3A_686 = tpu.vector_load %arg6[%get3A_685] {strides = array<i32>} : memref<896xf32, #tpu.memory_space<vmem>>, vector<16xf32>,
      %bitcast_convert_type3A_687 = tpu.bitcast %get3A_686 : vector<16xf32> -> vector<16xi32>
      %ge3A_688 = arith.constant 0 : i32
      %ge3A_689 = vector.broadcast %ge3A_688 : i32 to vector<16xi32>
      %ge3A_690 = arith.cmpi sge, %bitcast_convert_type3A_687, %ge3A_689 : vector<16xi32>
      %sub3A_691 = arith.constant -2147483648 : i32
      %sub3A_692 = vector.broadcast %sub3A_691 : i32 to vector<16xi32>
      %sub3A_693 = arith.subi %sub3A_692, %bitcast_convert_type3A_687 : vector<16xi32>
      %select_n3A_694 = arith.select %ge3A_690, %bitcast_convert_type3A_687, %sub3A_693 : vector<16xi1>, vector<16xi32>
      %swap3A_695 = arith.constant 864 : index
      %swap3A_696 = tpu.vector_load %arg7[%swap3A_695] {strides = array<i32>} : memref<896xi32, #tpu.memory_space<vmem>>, vector<16xi32>,
      tpu.vector_store %arg7[%swap3A_695], %select_n3A_694 {strides = array<i32>} : memref<896xi32, #tpu.memory_space<vmem>>, vector<16xi32>,
      %get3A_697 = arith.constant 880 : index
      %get3A_698 = tpu.vector_load %arg6[%get3A_697] {strides = array<i32>} : memref<896xf32, #tpu.memory_space<vmem>>, vector<16xf32>,
      %bitcast_convert_type3A_699 = tpu.bitcast %get3A_698 : vector<16xf32> -> vector<16xi32>
      %ge3A_700 = arith.constant 0 : i32
      %ge3A_701 = vector.broadcast %ge3A_700 : i32 to vector<16xi32>
      %ge3A_702 = arith.cmpi sge, %bitcast_convert_type3A_699, %ge3A_701 : vector<16xi32>
      %sub3A_703 = arith.constant -2147483648 : i32
      %sub3A_704 = vector.broadcast %sub3A_703 : i32 to vector<16xi32>
      %sub3A_705 = arith.subi %sub3A_704, %bitcast_convert_type3A_699 : vector<16xi32>
      %select_n3A_706 = arith.select %ge3A_702, %bitcast_convert_type3A_699, %sub3A_705 : vector<16xi1>, vector<16xi32>
      %swap3A_707 = arith.constant 880 : index
      %swap3A_708 = tpu.vector_load %arg7[%swap3A_707] {strides = array<i32>} : memref<896xi32, #tpu.memory_space<vmem>>, vector<16xi32>,
      tpu.vector_store %arg7[%swap3A_707], %select_n3A_706 {strides = array<i32>} : memref<896xi32, #tpu.memory_space<vmem>>, vector<16xi32>,
      %scan3A_709 = arith.constant -2147483648 : i32
      %scan3A_710 = arith.constant 2147483647 : i32
      %scan3A_711 = arith.constant 0 : i32
      %scan3A_712 = arith.constant 32 : i32
      %scan3A_713 = arith.addi %scan3A_711, %scan3A_712 : i32
      %scan3A_714 = arith.constant 1 : i32
      %scan3A_715:2 = scf.for %scan3A_3169 = %scan3A_711 to %scan3A_713 step %scan3A_714 iter_args(%scan3A_3170 = %scan3A_709, %scan3A_3171 = %scan3A_710) -> (i32, i32)  : i32 {
        %shift_right_arithmetic3A_3172 = arith.constant 1 : i32
        %shift_right_arithmetic3A_3173 = arith.shrsi %scan3A_3170, %shift_right_arithmetic3A_3172 : i32
        %shift_right_arithmetic3A_3174 = arith.constant 1 : i32
        %shift_right_arithmetic3A_3175 = arith.shrsi %scan3A_3171, %shift_right_arithmetic3A_3174 : i32
        %add3A_3176 = arith.addi %shift_right_arithmetic3A_3173, %shift_right_arithmetic3A_3175 : i32
        %and3A_3177 = arith.andi %scan3A_3170, %scan3A_3171 : i32
        %and3A_3178 = arith.constant 1 : i32
        %and3A_3179 = arith.andi %and3A_3177, %and3A_3178 : i32
        %add3A_3180 = arith.addi %add3A_3176, %and3A_3179 : i32
        %broadcast_in_dim3A_3181 = vector.broadcast %add3A_3180 : i32 to vector<16xi32>
        %broadcast_in_dim3A_3182 = arith.constant 0 : i32
        %broadcast_in_dim3A_3183 = vector.broadcast %broadcast_in_dim3A_3182 : i32 to vector<16xi32>
        %get3A_3184 = arith.constant 0 : index
        %get3A_3185 = tpu.vector_load %arg7[%get3A_3184] {strides = array<i32>} : memref<896xi32, #tpu.memory_space<vmem>>, vector<16xi32>,
        %ge3A_3186 = arith.cmpi sge, %get3A_3185, %broadcast_in_dim3A_3181 : vector<16xi32>
        %jit3A_3187 = arith.constant 1 : i32
        %jit3A_3188 = arith.constant 0 : i32
        %broadcast_in_dim3A_3189 = vector.broadcast %jit3A_3187 : i32 to vector<16xi32>
        %broadcast_in_dim3A_3190 = vector.broadcast %jit3A_3188 : i32 to vector<16xi32>
        %select_n3A_3191 = arith.select %ge3A_3186, %broadcast_in_dim3A_3189, %broadcast_in_dim3A_3190 : vector<16xi1>, vector<16xi32>
        %add3A_3192 = arith.addi %broadcast_in_dim3A_3183, %select_n3A_3191 : vector<16xi32>
        %get3A_3193 = arith.constant 16 : index
        %get3A_3194 = tpu.vector_load %arg7[%get3A_3193] {strides = array<i32>} : memref<896xi32, #tpu.memory_space<vmem>>, vector<16xi32>,
        %ge3A_3195 = arith.cmpi sge, %get3A_3194, %broadcast_in_dim3A_3181 : vector<16xi32>
        %jit3A_3196 = arith.constant 1 : i32
        %jit3A_3197 = arith.constant 0 : i32
        %broadcast_in_dim3A_3198 = vector.broadcast %jit3A_3196 : i32 to vector<16xi32>
        %broadcast_in_dim3A_3199 = vector.broadcast %jit3A_3197 : i32 to vector<16xi32>
        %select_n3A_3200 = arith.select %ge3A_3195, %broadcast_in_dim3A_3198, %broadcast_in_dim3A_3199 : vector<16xi1>, vector<16xi32>
        %add3A_3201 = arith.addi %add3A_3192, %select_n3A_3200 : vector<16xi32>
        %get3A_3202 = arith.constant 32 : index
        %get3A_3203 = tpu.vector_load %arg7[%get3A_3202] {strides = array<i32>} : memref<896xi32, #tpu.memory_space<vmem>>, vector<16xi32>,
        %ge3A_3204 = arith.cmpi sge, %get3A_3203, %broadcast_in_dim3A_3181 : vector<16xi32>
        %jit3A_3205 = arith.constant 1 : i32
        %jit3A_3206 = arith.constant 0 : i32
        %broadcast_in_dim3A_3207 = vector.broadcast %jit3A_3205 : i32 to vector<16xi32>
        %broadcast_in_dim3A_3208 = vector.broadcast %jit3A_3206 : i32 to vector<16xi32>
        %select_n3A_3209 = arith.select %ge3A_3204, %broadcast_in_dim3A_3207, %broadcast_in_dim3A_3208 : vector<16xi1>, vector<16xi32>
        %add3A_3210 = arith.addi %add3A_3201, %select_n3A_3209 : vector<16xi32>
        %get3A_3211 = arith.constant 48 : index
        %get3A_3212 = tpu.vector_load %arg7[%get3A_3211] {strides = array<i32>} : memref<896xi32, #tpu.memory_space<vmem>>, vector<16xi32>,
        %ge3A_3213 = arith.cmpi sge, %get3A_3212, %broadcast_in_dim3A_3181 : vector<16xi32>
        %jit3A_3214 = arith.constant 1 : i32
        %jit3A_3215 = arith.constant 0 : i32
        %broadcast_in_dim3A_3216 = vector.broadcast %jit3A_3214 : i32 to vector<16xi32>
        %broadcast_in_dim3A_3217 = vector.broadcast %jit3A_3215 : i32 to vector<16xi32>
        %select_n3A_3218 = arith.select %ge3A_3213, %broadcast_in_dim3A_3216, %broadcast_in_dim3A_3217 : vector<16xi1>, vector<16xi32>
        %add3A_3219 = arith.addi %add3A_3210, %select_n3A_3218 : vector<16xi32>
        %get3A_3220 = arith.constant 64 : index
        %get3A_3221 = tpu.vector_load %arg7[%get3A_3220] {strides = array<i32>} : memref<896xi32, #tpu.memory_space<vmem>>, vector<16xi32>,
        %ge3A_3222 = arith.cmpi sge, %get3A_3221, %broadcast_in_dim3A_3181 : vector<16xi32>
        %jit3A_3223 = arith.constant 1 : i32
        %jit3A_3224 = arith.constant 0 : i32
        %broadcast_in_dim3A_3225 = vector.broadcast %jit3A_3223 : i32 to vector<16xi32>
        %broadcast_in_dim3A_3226 = vector.broadcast %jit3A_3224 : i32 to vector<16xi32>
        %select_n3A_3227 = arith.select %ge3A_3222, %broadcast_in_dim3A_3225, %broadcast_in_dim3A_3226 : vector<16xi1>, vector<16xi32>
        %add3A_3228 = arith.addi %add3A_3219, %select_n3A_3227 : vector<16xi32>
        %get3A_3229 = arith.constant 80 : index
        %get3A_3230 = tpu.vector_load %arg7[%get3A_3229] {strides = array<i32>} : memref<896xi32, #tpu.memory_space<vmem>>, vector<16xi32>,
        %ge3A_3231 = arith.cmpi sge, %get3A_3230, %broadcast_in_dim3A_3181 : vector<16xi32>
        %jit3A_3232 = arith.constant 1 : i32
        %jit3A_3233 = arith.constant 0 : i32
        %broadcast_in_dim3A_3234 = vector.broadcast %jit3A_3232 : i32 to vector<16xi32>
        %broadcast_in_dim3A_3235 = vector.broadcast %jit3A_3233 : i32 to vector<16xi32>
        %select_n3A_3236 = arith.select %ge3A_3231, %broadcast_in_dim3A_3234, %broadcast_in_dim3A_3235 : vector<16xi1>, vector<16xi32>
        %add3A_3237 = arith.addi %add3A_3228, %select_n3A_3236 : vector<16xi32>
        %get3A_3238 = arith.constant 96 : index
        %get3A_3239 = tpu.vector_load %arg7[%get3A_3238] {strides = array<i32>} : memref<896xi32, #tpu.memory_space<vmem>>, vector<16xi32>,
        %ge3A_3240 = arith.cmpi sge, %get3A_3239, %broadcast_in_dim3A_3181 : vector<16xi32>
        %jit3A_3241 = arith.constant 1 : i32
        %jit3A_3242 = arith.constant 0 : i32
        %broadcast_in_dim3A_3243 = vector.broadcast %jit3A_3241 : i32 to vector<16xi32>
        %broadcast_in_dim3A_3244 = vector.broadcast %jit3A_3242 : i32 to vector<16xi32>
        %select_n3A_3245 = arith.select %ge3A_3240, %broadcast_in_dim3A_3243, %broadcast_in_dim3A_3244 : vector<16xi1>, vector<16xi32>
        %add3A_3246 = arith.addi %add3A_3237, %select_n3A_3245 : vector<16xi32>
        %get3A_3247 = arith.constant 112 : index
        %get3A_3248 = tpu.vector_load %arg7[%get3A_3247] {strides = array<i32>} : memref<896xi32, #tpu.memory_space<vmem>>, vector<16xi32>,
        %ge3A_3249 = arith.cmpi sge, %get3A_3248, %broadcast_in_dim3A_3181 : vector<16xi32>
        %jit3A_3250 = arith.constant 1 : i32
        %jit3A_3251 = arith.constant 0 : i32
        %broadcast_in_dim3A_3252 = vector.broadcast %jit3A_3250 : i32 to vector<16xi32>
        %broadcast_in_dim3A_3253 = vector.broadcast %jit3A_3251 : i32 to vector<16xi32>
        %select_n3A_3254 = arith.select %ge3A_3249, %broadcast_in_dim3A_3252, %broadcast_in_dim3A_3253 : vector<16xi1>, vector<16xi32>
        %add3A_3255 = arith.addi %add3A_3246, %select_n3A_3254 : vector<16xi32>
        %get3A_3256 = arith.constant 128 : index
        %get3A_3257 = tpu.vector_load %arg7[%get3A_3256] {strides = array<i32>} : memref<896xi32, #tpu.memory_space<vmem>>, vector<16xi32>,
        %ge3A_3258 = arith.cmpi sge, %get3A_3257, %broadcast_in_dim3A_3181 : vector<16xi32>
        %jit3A_3259 = arith.constant 1 : i32
        %jit3A_3260 = arith.constant 0 : i32
        %broadcast_in_dim3A_3261 = vector.broadcast %jit3A_3259 : i32 to vector<16xi32>
        %broadcast_in_dim3A_3262 = vector.broadcast %jit3A_3260 : i32 to vector<16xi32>
        %select_n3A_3263 = arith.select %ge3A_3258, %broadcast_in_dim3A_3261, %broadcast_in_dim3A_3262 : vector<16xi1>, vector<16xi32>
        %add3A_3264 = arith.addi %add3A_3255, %select_n3A_3263 : vector<16xi32>
        %get3A_3265 = arith.constant 144 : index
        %get3A_3266 = tpu.vector_load %arg7[%get3A_3265] {strides = array<i32>} : memref<896xi32, #tpu.memory_space<vmem>>, vector<16xi32>,
        %ge3A_3267 = arith.cmpi sge, %get3A_3266, %broadcast_in_dim3A_3181 : vector<16xi32>
        %jit3A_3268 = arith.constant 1 : i32
        %jit3A_3269 = arith.constant 0 : i32
        %broadcast_in_dim3A_3270 = vector.broadcast %jit3A_3268 : i32 to vector<16xi32>
        %broadcast_in_dim3A_3271 = vector.broadcast %jit3A_3269 : i32 to vector<16xi32>
        %select_n3A_3272 = arith.select %ge3A_3267, %broadcast_in_dim3A_3270, %broadcast_in_dim3A_3271 : vector<16xi1>, vector<16xi32>
        %add3A_3273 = arith.addi %add3A_3264, %select_n3A_3272 : vector<16xi32>
        %get3A_3274 = arith.constant 160 : index
        %get3A_3275 = tpu.vector_load %arg7[%get3A_3274] {strides = array<i32>} : memref<896xi32, #tpu.memory_space<vmem>>, vector<16xi32>,
        %ge3A_3276 = arith.cmpi sge, %get3A_3275, %broadcast_in_dim3A_3181 : vector<16xi32>
        %jit3A_3277 = arith.constant 1 : i32
        %jit3A_3278 = arith.constant 0 : i32
        %broadcast_in_dim3A_3279 = vector.broadcast %jit3A_3277 : i32 to vector<16xi32>
        %broadcast_in_dim3A_3280 = vector.broadcast %jit3A_3278 : i32 to vector<16xi32>
        %select_n3A_3281 = arith.select %ge3A_3276, %broadcast_in_dim3A_3279, %broadcast_in_dim3A_3280 : vector<16xi1>, vector<16xi32>
        %add3A_3282 = arith.addi %add3A_3273, %select_n3A_3281 : vector<16xi32>
        %get3A_3283 = arith.constant 176 : index
        %get3A_3284 = tpu.vector_load %arg7[%get3A_3283] {strides = array<i32>} : memref<896xi32, #tpu.memory_space<vmem>>, vector<16xi32>,
        %ge3A_3285 = arith.cmpi sge, %get3A_3284, %broadcast_in_dim3A_3181 : vector<16xi32>
        %jit3A_3286 = arith.constant 1 : i32
        %jit3A_3287 = arith.constant 0 : i32
        %broadcast_in_dim3A_3288 = vector.broadcast %jit3A_3286 : i32 to vector<16xi32>
        %broadcast_in_dim3A_3289 = vector.broadcast %jit3A_3287 : i32 to vector<16xi32>
        %select_n3A_3290 = arith.select %ge3A_3285, %broadcast_in_dim3A_3288, %broadcast_in_dim3A_3289 : vector<16xi1>, vector<16xi32>
        %add3A_3291 = arith.addi %add3A_3282, %select_n3A_3290 : vector<16xi32>
        %get3A_3292 = arith.constant 192 : index
        %get3A_3293 = tpu.vector_load %arg7[%get3A_3292] {strides = array<i32>} : memref<896xi32, #tpu.memory_space<vmem>>, vector<16xi32>,
        %ge3A_3294 = arith.cmpi sge, %get3A_3293, %broadcast_in_dim3A_3181 : vector<16xi32>
        %jit3A_3295 = arith.constant 1 : i32
        %jit3A_3296 = arith.constant 0 : i32
        %broadcast_in_dim3A_3297 = vector.broadcast %jit3A_3295 : i32 to vector<16xi32>
        %broadcast_in_dim3A_3298 = vector.broadcast %jit3A_3296 : i32 to vector<16xi32>
        %select_n3A_3299 = arith.select %ge3A_3294, %broadcast_in_dim3A_3297, %broadcast_in_dim3A_3298 : vector<16xi1>, vector<16xi32>
        %add3A_3300 = arith.addi %add3A_3291, %select_n3A_3299 : vector<16xi32>
        %get3A_3301 = arith.constant 208 : index
        %get3A_3302 = tpu.vector_load %arg7[%get3A_3301] {strides = array<i32>} : memref<896xi32, #tpu.memory_space<vmem>>, vector<16xi32>,
        %ge3A_3303 = arith.cmpi sge, %get3A_3302, %broadcast_in_dim3A_3181 : vector<16xi32>
        %jit3A_3304 = arith.constant 1 : i32
        %jit3A_3305 = arith.constant 0 : i32
        %broadcast_in_dim3A_3306 = vector.broadcast %jit3A_3304 : i32 to vector<16xi32>
        %broadcast_in_dim3A_3307 = vector.broadcast %jit3A_3305 : i32 to vector<16xi32>
        %select_n3A_3308 = arith.select %ge3A_3303, %broadcast_in_dim3A_3306, %broadcast_in_dim3A_3307 : vector<16xi1>, vector<16xi32>
        %add3A_3309 = arith.addi %add3A_3300, %select_n3A_3308 : vector<16xi32>
        %get3A_3310 = arith.constant 224 : index
        %get3A_3311 = tpu.vector_load %arg7[%get3A_3310] {strides = array<i32>} : memref<896xi32, #tpu.memory_space<vmem>>, vector<16xi32>,
        %ge3A_3312 = arith.cmpi sge, %get3A_3311, %broadcast_in_dim3A_3181 : vector<16xi32>
        %jit3A_3313 = arith.constant 1 : i32
        %jit3A_3314 = arith.constant 0 : i32
        %broadcast_in_dim3A_3315 = vector.broadcast %jit3A_3313 : i32 to vector<16xi32>
        %broadcast_in_dim3A_3316 = vector.broadcast %jit3A_3314 : i32 to vector<16xi32>
        %select_n3A_3317 = arith.select %ge3A_3312, %broadcast_in_dim3A_3315, %broadcast_in_dim3A_3316 : vector<16xi1>, vector<16xi32>
        %add3A_3318 = arith.addi %add3A_3309, %select_n3A_3317 : vector<16xi32>
        %get3A_3319 = arith.constant 240 : index
        %get3A_3320 = tpu.vector_load %arg7[%get3A_3319] {strides = array<i32>} : memref<896xi32, #tpu.memory_space<vmem>>, vector<16xi32>,
        %ge3A_3321 = arith.cmpi sge, %get3A_3320, %broadcast_in_dim3A_3181 : vector<16xi32>
        %jit3A_3322 = arith.constant 1 : i32
        %jit3A_3323 = arith.constant 0 : i32
        %broadcast_in_dim3A_3324 = vector.broadcast %jit3A_3322 : i32 to vector<16xi32>
        %broadcast_in_dim3A_3325 = vector.broadcast %jit3A_3323 : i32 to vector<16xi32>
        %select_n3A_3326 = arith.select %ge3A_3321, %broadcast_in_dim3A_3324, %broadcast_in_dim3A_3325 : vector<16xi1>, vector<16xi32>
        %add3A_3327 = arith.addi %add3A_3318, %select_n3A_3326 : vector<16xi32>
        %get3A_3328 = arith.constant 256 : index
        %get3A_3329 = tpu.vector_load %arg7[%get3A_3328] {strides = array<i32>} : memref<896xi32, #tpu.memory_space<vmem>>, vector<16xi32>,
        %ge3A_3330 = arith.cmpi sge, %get3A_3329, %broadcast_in_dim3A_3181 : vector<16xi32>
        %jit3A_3331 = arith.constant 1 : i32
        %jit3A_3332 = arith.constant 0 : i32
        %broadcast_in_dim3A_3333 = vector.broadcast %jit3A_3331 : i32 to vector<16xi32>
        %broadcast_in_dim3A_3334 = vector.broadcast %jit3A_3332 : i32 to vector<16xi32>
        %select_n3A_3335 = arith.select %ge3A_3330, %broadcast_in_dim3A_3333, %broadcast_in_dim3A_3334 : vector<16xi1>, vector<16xi32>
        %add3A_3336 = arith.addi %add3A_3327, %select_n3A_3335 : vector<16xi32>
        %get3A_3337 = arith.constant 272 : index
        %get3A_3338 = tpu.vector_load %arg7[%get3A_3337] {strides = array<i32>} : memref<896xi32, #tpu.memory_space<vmem>>, vector<16xi32>,
        %ge3A_3339 = arith.cmpi sge, %get3A_3338, %broadcast_in_dim3A_3181 : vector<16xi32>
        %jit3A_3340 = arith.constant 1 : i32
        %jit3A_3341 = arith.constant 0 : i32
        %broadcast_in_dim3A_3342 = vector.broadcast %jit3A_3340 : i32 to vector<16xi32>
        %broadcast_in_dim3A_3343 = vector.broadcast %jit3A_3341 : i32 to vector<16xi32>
        %select_n3A_3344 = arith.select %ge3A_3339, %broadcast_in_dim3A_3342, %broadcast_in_dim3A_3343 : vector<16xi1>, vector<16xi32>
        %add3A_3345 = arith.addi %add3A_3336, %select_n3A_3344 : vector<16xi32>
        %get3A_3346 = arith.constant 288 : index
        %get3A_3347 = tpu.vector_load %arg7[%get3A_3346] {strides = array<i32>} : memref<896xi32, #tpu.memory_space<vmem>>, vector<16xi32>,
        %ge3A_3348 = arith.cmpi sge, %get3A_3347, %broadcast_in_dim3A_3181 : vector<16xi32>
        %jit3A_3349 = arith.constant 1 : i32
        %jit3A_3350 = arith.constant 0 : i32
        %broadcast_in_dim3A_3351 = vector.broadcast %jit3A_3349 : i32 to vector<16xi32>
        %broadcast_in_dim3A_3352 = vector.broadcast %jit3A_3350 : i32 to vector<16xi32>
        %select_n3A_3353 = arith.select %ge3A_3348, %broadcast_in_dim3A_3351, %broadcast_in_dim3A_3352 : vector<16xi1>, vector<16xi32>
        %add3A_3354 = arith.addi %add3A_3345, %select_n3A_3353 : vector<16xi32>
        %get3A_3355 = arith.constant 304 : index
        %get3A_3356 = tpu.vector_load %arg7[%get3A_3355] {strides = array<i32>} : memref<896xi32, #tpu.memory_space<vmem>>, vector<16xi32>,
        %ge3A_3357 = arith.cmpi sge, %get3A_3356, %broadcast_in_dim3A_3181 : vector<16xi32>
        %jit3A_3358 = arith.constant 1 : i32
        %jit3A_3359 = arith.constant 0 : i32
        %broadcast_in_dim3A_3360 = vector.broadcast %jit3A_3358 : i32 to vector<16xi32>
        %broadcast_in_dim3A_3361 = vector.broadcast %jit3A_3359 : i32 to vector<16xi32>
        %select_n3A_3362 = arith.select %ge3A_3357, %broadcast_in_dim3A_3360, %broadcast_in_dim3A_3361 : vector<16xi1>, vector<16xi32>
        %add3A_3363 = arith.addi %add3A_3354, %select_n3A_3362 : vector<16xi32>
        %get3A_3364 = arith.constant 320 : index
        %get3A_3365 = tpu.vector_load %arg7[%get3A_3364] {strides = array<i32>} : memref<896xi32, #tpu.memory_space<vmem>>, vector<16xi32>,
        %ge3A_3366 = arith.cmpi sge, %get3A_3365, %broadcast_in_dim3A_3181 : vector<16xi32>
        %jit3A_3367 = arith.constant 1 : i32
        %jit3A_3368 = arith.constant 0 : i32
        %broadcast_in_dim3A_3369 = vector.broadcast %jit3A_3367 : i32 to vector<16xi32>
        %broadcast_in_dim3A_3370 = vector.broadcast %jit3A_3368 : i32 to vector<16xi32>
        %select_n3A_3371 = arith.select %ge3A_3366, %broadcast_in_dim3A_3369, %broadcast_in_dim3A_3370 : vector<16xi1>, vector<16xi32>
        %add3A_3372 = arith.addi %add3A_3363, %select_n3A_3371 : vector<16xi32>
        %get3A_3373 = arith.constant 336 : index
        %get3A_3374 = tpu.vector_load %arg7[%get3A_3373] {strides = array<i32>} : memref<896xi32, #tpu.memory_space<vmem>>, vector<16xi32>,
        %ge3A_3375 = arith.cmpi sge, %get3A_3374, %broadcast_in_dim3A_3181 : vector<16xi32>
        %jit3A_3376 = arith.constant 1 : i32
        %jit3A_3377 = arith.constant 0 : i32
        %broadcast_in_dim3A_3378 = vector.broadcast %jit3A_3376 : i32 to vector<16xi32>
        %broadcast_in_dim3A_3379 = vector.broadcast %jit3A_3377 : i32 to vector<16xi32>
        %select_n3A_3380 = arith.select %ge3A_3375, %broadcast_in_dim3A_3378, %broadcast_in_dim3A_3379 : vector<16xi1>, vector<16xi32>
        %add3A_3381 = arith.addi %add3A_3372, %select_n3A_3380 : vector<16xi32>
        %get3A_3382 = arith.constant 352 : index
        %get3A_3383 = tpu.vector_load %arg7[%get3A_3382] {strides = array<i32>} : memref<896xi32, #tpu.memory_space<vmem>>, vector<16xi32>,
        %ge3A_3384 = arith.cmpi sge, %get3A_3383, %broadcast_in_dim3A_3181 : vector<16xi32>
        %jit3A_3385 = arith.constant 1 : i32
        %jit3A_3386 = arith.constant 0 : i32
        %broadcast_in_dim3A_3387 = vector.broadcast %jit3A_3385 : i32 to vector<16xi32>
        %broadcast_in_dim3A_3388 = vector.broadcast %jit3A_3386 : i32 to vector<16xi32>
        %select_n3A_3389 = arith.select %ge3A_3384, %broadcast_in_dim3A_3387, %broadcast_in_dim3A_3388 : vector<16xi1>, vector<16xi32>
        %add3A_3390 = arith.addi %add3A_3381, %select_n3A_3389 : vector<16xi32>
        %get3A_3391 = arith.constant 368 : index
        %get3A_3392 = tpu.vector_load %arg7[%get3A_3391] {strides = array<i32>} : memref<896xi32, #tpu.memory_space<vmem>>, vector<16xi32>,
        %ge3A_3393 = arith.cmpi sge, %get3A_3392, %broadcast_in_dim3A_3181 : vector<16xi32>
        %jit3A_3394 = arith.constant 1 : i32
        %jit3A_3395 = arith.constant 0 : i32
        %broadcast_in_dim3A_3396 = vector.broadcast %jit3A_3394 : i32 to vector<16xi32>
        %broadcast_in_dim3A_3397 = vector.broadcast %jit3A_3395 : i32 to vector<16xi32>
        %select_n3A_3398 = arith.select %ge3A_3393, %broadcast_in_dim3A_3396, %broadcast_in_dim3A_3397 : vector<16xi1>, vector<16xi32>
        %add3A_3399 = arith.addi %add3A_3390, %select_n3A_3398 : vector<16xi32>
        %get3A_3400 = arith.constant 384 : index
        %get3A_3401 = tpu.vector_load %arg7[%get3A_3400] {strides = array<i32>} : memref<896xi32, #tpu.memory_space<vmem>>, vector<16xi32>,
        %ge3A_3402 = arith.cmpi sge, %get3A_3401, %broadcast_in_dim3A_3181 : vector<16xi32>
        %jit3A_3403 = arith.constant 1 : i32
        %jit3A_3404 = arith.constant 0 : i32
        %broadcast_in_dim3A_3405 = vector.broadcast %jit3A_3403 : i32 to vector<16xi32>
        %broadcast_in_dim3A_3406 = vector.broadcast %jit3A_3404 : i32 to vector<16xi32>
        %select_n3A_3407 = arith.select %ge3A_3402, %broadcast_in_dim3A_3405, %broadcast_in_dim3A_3406 : vector<16xi1>, vector<16xi32>
        %add3A_3408 = arith.addi %add3A_3399, %select_n3A_3407 : vector<16xi32>
        %get3A_3409 = arith.constant 400 : index
        %get3A_3410 = tpu.vector_load %arg7[%get3A_3409] {strides = array<i32>} : memref<896xi32, #tpu.memory_space<vmem>>, vector<16xi32>,
        %ge3A_3411 = arith.cmpi sge, %get3A_3410, %broadcast_in_dim3A_3181 : vector<16xi32>
        %jit3A_3412 = arith.constant 1 : i32
        %jit3A_3413 = arith.constant 0 : i32
        %broadcast_in_dim3A_3414 = vector.broadcast %jit3A_3412 : i32 to vector<16xi32>
        %broadcast_in_dim3A_3415 = vector.broadcast %jit3A_3413 : i32 to vector<16xi32>
        %select_n3A_3416 = arith.select %ge3A_3411, %broadcast_in_dim3A_3414, %broadcast_in_dim3A_3415 : vector<16xi1>, vector<16xi32>
        %add3A_3417 = arith.addi %add3A_3408, %select_n3A_3416 : vector<16xi32>
        %get3A_3418 = arith.constant 416 : index
        %get3A_3419 = tpu.vector_load %arg7[%get3A_3418] {strides = array<i32>} : memref<896xi32, #tpu.memory_space<vmem>>, vector<16xi32>,
        %ge3A_3420 = arith.cmpi sge, %get3A_3419, %broadcast_in_dim3A_3181 : vector<16xi32>
        %jit3A_3421 = arith.constant 1 : i32
        %jit3A_3422 = arith.constant 0 : i32
        %broadcast_in_dim3A_3423 = vector.broadcast %jit3A_3421 : i32 to vector<16xi32>
        %broadcast_in_dim3A_3424 = vector.broadcast %jit3A_3422 : i32 to vector<16xi32>
        %select_n3A_3425 = arith.select %ge3A_3420, %broadcast_in_dim3A_3423, %broadcast_in_dim3A_3424 : vector<16xi1>, vector<16xi32>
        %add3A_3426 = arith.addi %add3A_3417, %select_n3A_3425 : vector<16xi32>
        %get3A_3427 = arith.constant 432 : index
        %get3A_3428 = tpu.vector_load %arg7[%get3A_3427] {strides = array<i32>} : memref<896xi32, #tpu.memory_space<vmem>>, vector<16xi32>,
        %ge3A_3429 = arith.cmpi sge, %get3A_3428, %broadcast_in_dim3A_3181 : vector<16xi32>
        %jit3A_3430 = arith.constant 1 : i32
        %jit3A_3431 = arith.constant 0 : i32
        %broadcast_in_dim3A_3432 = vector.broadcast %jit3A_3430 : i32 to vector<16xi32>
        %broadcast_in_dim3A_3433 = vector.broadcast %jit3A_3431 : i32 to vector<16xi32>
        %select_n3A_3434 = arith.select %ge3A_3429, %broadcast_in_dim3A_3432, %broadcast_in_dim3A_3433 : vector<16xi1>, vector<16xi32>
        %add3A_3435 = arith.addi %add3A_3426, %select_n3A_3434 : vector<16xi32>
        %get3A_3436 = arith.constant 448 : index
        %get3A_3437 = tpu.vector_load %arg7[%get3A_3436] {strides = array<i32>} : memref<896xi32, #tpu.memory_space<vmem>>, vector<16xi32>,
        %ge3A_3438 = arith.cmpi sge, %get3A_3437, %broadcast_in_dim3A_3181 : vector<16xi32>
        %jit3A_3439 = arith.constant 1 : i32
        %jit3A_3440 = arith.constant 0 : i32
        %broadcast_in_dim3A_3441 = vector.broadcast %jit3A_3439 : i32 to vector<16xi32>
        %broadcast_in_dim3A_3442 = vector.broadcast %jit3A_3440 : i32 to vector<16xi32>
        %select_n3A_3443 = arith.select %ge3A_3438, %broadcast_in_dim3A_3441, %broadcast_in_dim3A_3442 : vector<16xi1>, vector<16xi32>
        %add3A_3444 = arith.addi %add3A_3435, %select_n3A_3443 : vector<16xi32>
        %get3A_3445 = arith.constant 464 : index
        %get3A_3446 = tpu.vector_load %arg7[%get3A_3445] {strides = array<i32>} : memref<896xi32, #tpu.memory_space<vmem>>, vector<16xi32>,
        %ge3A_3447 = arith.cmpi sge, %get3A_3446, %broadcast_in_dim3A_3181 : vector<16xi32>
        %jit3A_3448 = arith.constant 1 : i32
        %jit3A_3449 = arith.constant 0 : i32
        %broadcast_in_dim3A_3450 = vector.broadcast %jit3A_3448 : i32 to vector<16xi32>
        %broadcast_in_dim3A_3451 = vector.broadcast %jit3A_3449 : i32 to vector<16xi32>
        %select_n3A_3452 = arith.select %ge3A_3447, %broadcast_in_dim3A_3450, %broadcast_in_dim3A_3451 : vector<16xi1>, vector<16xi32>
        %add3A_3453 = arith.addi %add3A_3444, %select_n3A_3452 : vector<16xi32>
        %get3A_3454 = arith.constant 480 : index
        %get3A_3455 = tpu.vector_load %arg7[%get3A_3454] {strides = array<i32>} : memref<896xi32, #tpu.memory_space<vmem>>, vector<16xi32>,
        %ge3A_3456 = arith.cmpi sge, %get3A_3455, %broadcast_in_dim3A_3181 : vector<16xi32>
        %jit3A_3457 = arith.constant 1 : i32
        %jit3A_3458 = arith.constant 0 : i32
        %broadcast_in_dim3A_3459 = vector.broadcast %jit3A_3457 : i32 to vector<16xi32>
        %broadcast_in_dim3A_3460 = vector.broadcast %jit3A_3458 : i32 to vector<16xi32>
        %select_n3A_3461 = arith.select %ge3A_3456, %broadcast_in_dim3A_3459, %broadcast_in_dim3A_3460 : vector<16xi1>, vector<16xi32>
        %add3A_3462 = arith.addi %add3A_3453, %select_n3A_3461 : vector<16xi32>
        %get3A_3463 = arith.constant 496 : index
        %get3A_3464 = tpu.vector_load %arg7[%get3A_3463] {strides = array<i32>} : memref<896xi32, #tpu.memory_space<vmem>>, vector<16xi32>,
        %ge3A_3465 = arith.cmpi sge, %get3A_3464, %broadcast_in_dim3A_3181 : vector<16xi32>
        %jit3A_3466 = arith.constant 1 : i32
        %jit3A_3467 = arith.constant 0 : i32
        %broadcast_in_dim3A_3468 = vector.broadcast %jit3A_3466 : i32 to vector<16xi32>
        %broadcast_in_dim3A_3469 = vector.broadcast %jit3A_3467 : i32 to vector<16xi32>
        %select_n3A_3470 = arith.select %ge3A_3465, %broadcast_in_dim3A_3468, %broadcast_in_dim3A_3469 : vector<16xi1>, vector<16xi32>
        %add3A_3471 = arith.addi %add3A_3462, %select_n3A_3470 : vector<16xi32>
        %get3A_3472 = arith.constant 512 : index
        %get3A_3473 = tpu.vector_load %arg7[%get3A_3472] {strides = array<i32>} : memref<896xi32, #tpu.memory_space<vmem>>, vector<16xi32>,
        %ge3A_3474 = arith.cmpi sge, %get3A_3473, %broadcast_in_dim3A_3181 : vector<16xi32>
        %jit3A_3475 = arith.constant 1 : i32
        %jit3A_3476 = arith.constant 0 : i32
        %broadcast_in_dim3A_3477 = vector.broadcast %jit3A_3475 : i32 to vector<16xi32>
        %broadcast_in_dim3A_3478 = vector.broadcast %jit3A_3476 : i32 to vector<16xi32>
        %select_n3A_3479 = arith.select %ge3A_3474, %broadcast_in_dim3A_3477, %broadcast_in_dim3A_3478 : vector<16xi1>, vector<16xi32>
        %add3A_3480 = arith.addi %add3A_3471, %select_n3A_3479 : vector<16xi32>
        %get3A_3481 = arith.constant 528 : index
        %get3A_3482 = tpu.vector_load %arg7[%get3A_3481] {strides = array<i32>} : memref<896xi32, #tpu.memory_space<vmem>>, vector<16xi32>,
        %ge3A_3483 = arith.cmpi sge, %get3A_3482, %broadcast_in_dim3A_3181 : vector<16xi32>
        %jit3A_3484 = arith.constant 1 : i32
        %jit3A_3485 = arith.constant 0 : i32
        %broadcast_in_dim3A_3486 = vector.broadcast %jit3A_3484 : i32 to vector<16xi32>
        %broadcast_in_dim3A_3487 = vector.broadcast %jit3A_3485 : i32 to vector<16xi32>
        %select_n3A_3488 = arith.select %ge3A_3483, %broadcast_in_dim3A_3486, %broadcast_in_dim3A_3487 : vector<16xi1>, vector<16xi32>
        %add3A_3489 = arith.addi %add3A_3480, %select_n3A_3488 : vector<16xi32>
        %get3A_3490 = arith.constant 544 : index
        %get3A_3491 = tpu.vector_load %arg7[%get3A_3490] {strides = array<i32>} : memref<896xi32, #tpu.memory_space<vmem>>, vector<16xi32>,
        %ge3A_3492 = arith.cmpi sge, %get3A_3491, %broadcast_in_dim3A_3181 : vector<16xi32>
        %jit3A_3493 = arith.constant 1 : i32
        %jit3A_3494 = arith.constant 0 : i32
        %broadcast_in_dim3A_3495 = vector.broadcast %jit3A_3493 : i32 to vector<16xi32>
        %broadcast_in_dim3A_3496 = vector.broadcast %jit3A_3494 : i32 to vector<16xi32>
        %select_n3A_3497 = arith.select %ge3A_3492, %broadcast_in_dim3A_3495, %broadcast_in_dim3A_3496 : vector<16xi1>, vector<16xi32>
        %add3A_3498 = arith.addi %add3A_3489, %select_n3A_3497 : vector<16xi32>
        %get3A_3499 = arith.constant 560 : index
        %get3A_3500 = tpu.vector_load %arg7[%get3A_3499] {strides = array<i32>} : memref<896xi32, #tpu.memory_space<vmem>>, vector<16xi32>,
        %ge3A_3501 = arith.cmpi sge, %get3A_3500, %broadcast_in_dim3A_3181 : vector<16xi32>
        %jit3A_3502 = arith.constant 1 : i32
        %jit3A_3503 = arith.constant 0 : i32
        %broadcast_in_dim3A_3504 = vector.broadcast %jit3A_3502 : i32 to vector<16xi32>
        %broadcast_in_dim3A_3505 = vector.broadcast %jit3A_3503 : i32 to vector<16xi32>
        %select_n3A_3506 = arith.select %ge3A_3501, %broadcast_in_dim3A_3504, %broadcast_in_dim3A_3505 : vector<16xi1>, vector<16xi32>
        %add3A_3507 = arith.addi %add3A_3498, %select_n3A_3506 : vector<16xi32>
        %get3A_3508 = arith.constant 576 : index
        %get3A_3509 = tpu.vector_load %arg7[%get3A_3508] {strides = array<i32>} : memref<896xi32, #tpu.memory_space<vmem>>, vector<16xi32>,
        %ge3A_3510 = arith.cmpi sge, %get3A_3509, %broadcast_in_dim3A_3181 : vector<16xi32>
        %jit3A_3511 = arith.constant 1 : i32
        %jit3A_3512 = arith.constant 0 : i32
        %broadcast_in_dim3A_3513 = vector.broadcast %jit3A_3511 : i32 to vector<16xi32>
        %broadcast_in_dim3A_3514 = vector.broadcast %jit3A_3512 : i32 to vector<16xi32>
        %select_n3A_3515 = arith.select %ge3A_3510, %broadcast_in_dim3A_3513, %broadcast_in_dim3A_3514 : vector<16xi1>, vector<16xi32>
        %add3A_3516 = arith.addi %add3A_3507, %select_n3A_3515 : vector<16xi32>
        %get3A_3517 = arith.constant 592 : index
        %get3A_3518 = tpu.vector_load %arg7[%get3A_3517] {strides = array<i32>} : memref<896xi32, #tpu.memory_space<vmem>>, vector<16xi32>,
        %ge3A_3519 = arith.cmpi sge, %get3A_3518, %broadcast_in_dim3A_3181 : vector<16xi32>
        %jit3A_3520 = arith.constant 1 : i32
        %jit3A_3521 = arith.constant 0 : i32
        %broadcast_in_dim3A_3522 = vector.broadcast %jit3A_3520 : i32 to vector<16xi32>
        %broadcast_in_dim3A_3523 = vector.broadcast %jit3A_3521 : i32 to vector<16xi32>
        %select_n3A_3524 = arith.select %ge3A_3519, %broadcast_in_dim3A_3522, %broadcast_in_dim3A_3523 : vector<16xi1>, vector<16xi32>
        %add3A_3525 = arith.addi %add3A_3516, %select_n3A_3524 : vector<16xi32>
        %get3A_3526 = arith.constant 608 : index
        %get3A_3527 = tpu.vector_load %arg7[%get3A_3526] {strides = array<i32>} : memref<896xi32, #tpu.memory_space<vmem>>, vector<16xi32>,
        %ge3A_3528 = arith.cmpi sge, %get3A_3527, %broadcast_in_dim3A_3181 : vector<16xi32>
        %jit3A_3529 = arith.constant 1 : i32
        %jit3A_3530 = arith.constant 0 : i32
        %broadcast_in_dim3A_3531 = vector.broadcast %jit3A_3529 : i32 to vector<16xi32>
        %broadcast_in_dim3A_3532 = vector.broadcast %jit3A_3530 : i32 to vector<16xi32>
        %select_n3A_3533 = arith.select %ge3A_3528, %broadcast_in_dim3A_3531, %broadcast_in_dim3A_3532 : vector<16xi1>, vector<16xi32>
        %add3A_3534 = arith.addi %add3A_3525, %select_n3A_3533 : vector<16xi32>
        %get3A_3535 = arith.constant 624 : index
        %get3A_3536 = tpu.vector_load %arg7[%get3A_3535] {strides = array<i32>} : memref<896xi32, #tpu.memory_space<vmem>>, vector<16xi32>,
        %ge3A_3537 = arith.cmpi sge, %get3A_3536, %broadcast_in_dim3A_3181 : vector<16xi32>
        %jit3A_3538 = arith.constant 1 : i32
        %jit3A_3539 = arith.constant 0 : i32
        %broadcast_in_dim3A_3540 = vector.broadcast %jit3A_3538 : i32 to vector<16xi32>
        %broadcast_in_dim3A_3541 = vector.broadcast %jit3A_3539 : i32 to vector<16xi32>
        %select_n3A_3542 = arith.select %ge3A_3537, %broadcast_in_dim3A_3540, %broadcast_in_dim3A_3541 : vector<16xi1>, vector<16xi32>
        %add3A_3543 = arith.addi %add3A_3534, %select_n3A_3542 : vector<16xi32>
        %get3A_3544 = arith.constant 640 : index
        %get3A_3545 = tpu.vector_load %arg7[%get3A_3544] {strides = array<i32>} : memref<896xi32, #tpu.memory_space<vmem>>, vector<16xi32>,
        %ge3A_3546 = arith.cmpi sge, %get3A_3545, %broadcast_in_dim3A_3181 : vector<16xi32>
        %jit3A_3547 = arith.constant 1 : i32
        %jit3A_3548 = arith.constant 0 : i32
        %broadcast_in_dim3A_3549 = vector.broadcast %jit3A_3547 : i32 to vector<16xi32>
        %broadcast_in_dim3A_3550 = vector.broadcast %jit3A_3548 : i32 to vector<16xi32>
        %select_n3A_3551 = arith.select %ge3A_3546, %broadcast_in_dim3A_3549, %broadcast_in_dim3A_3550 : vector<16xi1>, vector<16xi32>
        %add3A_3552 = arith.addi %add3A_3543, %select_n3A_3551 : vector<16xi32>
        %get3A_3553 = arith.constant 656 : index
        %get3A_3554 = tpu.vector_load %arg7[%get3A_3553] {strides = array<i32>} : memref<896xi32, #tpu.memory_space<vmem>>, vector<16xi32>,
        %ge3A_3555 = arith.cmpi sge, %get3A_3554, %broadcast_in_dim3A_3181 : vector<16xi32>
        %jit3A_3556 = arith.constant 1 : i32
        %jit3A_3557 = arith.constant 0 : i32
        %broadcast_in_dim3A_3558 = vector.broadcast %jit3A_3556 : i32 to vector<16xi32>
        %broadcast_in_dim3A_3559 = vector.broadcast %jit3A_3557 : i32 to vector<16xi32>
        %select_n3A_3560 = arith.select %ge3A_3555, %broadcast_in_dim3A_3558, %broadcast_in_dim3A_3559 : vector<16xi1>, vector<16xi32>
        %add3A_3561 = arith.addi %add3A_3552, %select_n3A_3560 : vector<16xi32>
        %get3A_3562 = arith.constant 672 : index
        %get3A_3563 = tpu.vector_load %arg7[%get3A_3562] {strides = array<i32>} : memref<896xi32, #tpu.memory_space<vmem>>, vector<16xi32>,
        %ge3A_3564 = arith.cmpi sge, %get3A_3563, %broadcast_in_dim3A_3181 : vector<16xi32>
        %jit3A_3565 = arith.constant 1 : i32
        %jit3A_3566 = arith.constant 0 : i32
        %broadcast_in_dim3A_3567 = vector.broadcast %jit3A_3565 : i32 to vector<16xi32>
        %broadcast_in_dim3A_3568 = vector.broadcast %jit3A_3566 : i32 to vector<16xi32>
        %select_n3A_3569 = arith.select %ge3A_3564, %broadcast_in_dim3A_3567, %broadcast_in_dim3A_3568 : vector<16xi1>, vector<16xi32>
        %add3A_3570 = arith.addi %add3A_3561, %select_n3A_3569 : vector<16xi32>
        %get3A_3571 = arith.constant 688 : index
        %get3A_3572 = tpu.vector_load %arg7[%get3A_3571] {strides = array<i32>} : memref<896xi32, #tpu.memory_space<vmem>>, vector<16xi32>,
        %ge3A_3573 = arith.cmpi sge, %get3A_3572, %broadcast_in_dim3A_3181 : vector<16xi32>
        %jit3A_3574 = arith.constant 1 : i32
        %jit3A_3575 = arith.constant 0 : i32
        %broadcast_in_dim3A_3576 = vector.broadcast %jit3A_3574 : i32 to vector<16xi32>
        %broadcast_in_dim3A_3577 = vector.broadcast %jit3A_3575 : i32 to vector<16xi32>
        %select_n3A_3578 = arith.select %ge3A_3573, %broadcast_in_dim3A_3576, %broadcast_in_dim3A_3577 : vector<16xi1>, vector<16xi32>
        %add3A_3579 = arith.addi %add3A_3570, %select_n3A_3578 : vector<16xi32>
        %get3A_3580 = arith.constant 704 : index
        %get3A_3581 = tpu.vector_load %arg7[%get3A_3580] {strides = array<i32>} : memref<896xi32, #tpu.memory_space<vmem>>, vector<16xi32>,
        %ge3A_3582 = arith.cmpi sge, %get3A_3581, %broadcast_in_dim3A_3181 : vector<16xi32>
        %jit3A_3583 = arith.constant 1 : i32
        %jit3A_3584 = arith.constant 0 : i32
        %broadcast_in_dim3A_3585 = vector.broadcast %jit3A_3583 : i32 to vector<16xi32>
        %broadcast_in_dim3A_3586 = vector.broadcast %jit3A_3584 : i32 to vector<16xi32>
        %select_n3A_3587 = arith.select %ge3A_3582, %broadcast_in_dim3A_3585, %broadcast_in_dim3A_3586 : vector<16xi1>, vector<16xi32>
        %add3A_3588 = arith.addi %add3A_3579, %select_n3A_3587 : vector<16xi32>
        %get3A_3589 = arith.constant 720 : index
        %get3A_3590 = tpu.vector_load %arg7[%get3A_3589] {strides = array<i32>} : memref<896xi32, #tpu.memory_space<vmem>>, vector<16xi32>,
        %ge3A_3591 = arith.cmpi sge, %get3A_3590, %broadcast_in_dim3A_3181 : vector<16xi32>
        %jit3A_3592 = arith.constant 1 : i32
        %jit3A_3593 = arith.constant 0 : i32
        %broadcast_in_dim3A_3594 = vector.broadcast %jit3A_3592 : i32 to vector<16xi32>
        %broadcast_in_dim3A_3595 = vector.broadcast %jit3A_3593 : i32 to vector<16xi32>
        %select_n3A_3596 = arith.select %ge3A_3591, %broadcast_in_dim3A_3594, %broadcast_in_dim3A_3595 : vector<16xi1>, vector<16xi32>
        %add3A_3597 = arith.addi %add3A_3588, %select_n3A_3596 : vector<16xi32>
        %get3A_3598 = arith.constant 736 : index
        %get3A_3599 = tpu.vector_load %arg7[%get3A_3598] {strides = array<i32>} : memref<896xi32, #tpu.memory_space<vmem>>, vector<16xi32>,
        %ge3A_3600 = arith.cmpi sge, %get3A_3599, %broadcast_in_dim3A_3181 : vector<16xi32>
        %jit3A_3601 = arith.constant 1 : i32
        %jit3A_3602 = arith.constant 0 : i32
        %broadcast_in_dim3A_3603 = vector.broadcast %jit3A_3601 : i32 to vector<16xi32>
        %broadcast_in_dim3A_3604 = vector.broadcast %jit3A_3602 : i32 to vector<16xi32>
        %select_n3A_3605 = arith.select %ge3A_3600, %broadcast_in_dim3A_3603, %broadcast_in_dim3A_3604 : vector<16xi1>, vector<16xi32>
        %add3A_3606 = arith.addi %add3A_3597, %select_n3A_3605 : vector<16xi32>
        %get3A_3607 = arith.constant 752 : index
        %get3A_3608 = tpu.vector_load %arg7[%get3A_3607] {strides = array<i32>} : memref<896xi32, #tpu.memory_space<vmem>>, vector<16xi32>,
        %ge3A_3609 = arith.cmpi sge, %get3A_3608, %broadcast_in_dim3A_3181 : vector<16xi32>
        %jit3A_3610 = arith.constant 1 : i32
        %jit3A_3611 = arith.constant 0 : i32
        %broadcast_in_dim3A_3612 = vector.broadcast %jit3A_3610 : i32 to vector<16xi32>
        %broadcast_in_dim3A_3613 = vector.broadcast %jit3A_3611 : i32 to vector<16xi32>
        %select_n3A_3614 = arith.select %ge3A_3609, %broadcast_in_dim3A_3612, %broadcast_in_dim3A_3613 : vector<16xi1>, vector<16xi32>
        %add3A_3615 = arith.addi %add3A_3606, %select_n3A_3614 : vector<16xi32>
        %get3A_3616 = arith.constant 768 : index
        %get3A_3617 = tpu.vector_load %arg7[%get3A_3616] {strides = array<i32>} : memref<896xi32, #tpu.memory_space<vmem>>, vector<16xi32>,
        %ge3A_3618 = arith.cmpi sge, %get3A_3617, %broadcast_in_dim3A_3181 : vector<16xi32>
        %jit3A_3619 = arith.constant 1 : i32
        %jit3A_3620 = arith.constant 0 : i32
        %broadcast_in_dim3A_3621 = vector.broadcast %jit3A_3619 : i32 to vector<16xi32>
        %broadcast_in_dim3A_3622 = vector.broadcast %jit3A_3620 : i32 to vector<16xi32>
        %select_n3A_3623 = arith.select %ge3A_3618, %broadcast_in_dim3A_3621, %broadcast_in_dim3A_3622 : vector<16xi1>, vector<16xi32>
        %add3A_3624 = arith.addi %add3A_3615, %select_n3A_3623 : vector<16xi32>
        %get3A_3625 = arith.constant 784 : index
        %get3A_3626 = tpu.vector_load %arg7[%get3A_3625] {strides = array<i32>} : memref<896xi32, #tpu.memory_space<vmem>>, vector<16xi32>,
        %ge3A_3627 = arith.cmpi sge, %get3A_3626, %broadcast_in_dim3A_3181 : vector<16xi32>
        %jit3A_3628 = arith.constant 1 : i32
        %jit3A_3629 = arith.constant 0 : i32
        %broadcast_in_dim3A_3630 = vector.broadcast %jit3A_3628 : i32 to vector<16xi32>
        %broadcast_in_dim3A_3631 = vector.broadcast %jit3A_3629 : i32 to vector<16xi32>
        %select_n3A_3632 = arith.select %ge3A_3627, %broadcast_in_dim3A_3630, %broadcast_in_dim3A_3631 : vector<16xi1>, vector<16xi32>
        %add3A_3633 = arith.addi %add3A_3624, %select_n3A_3632 : vector<16xi32>
        %get3A_3634 = arith.constant 800 : index
        %get3A_3635 = tpu.vector_load %arg7[%get3A_3634] {strides = array<i32>} : memref<896xi32, #tpu.memory_space<vmem>>, vector<16xi32>,
        %ge3A_3636 = arith.cmpi sge, %get3A_3635, %broadcast_in_dim3A_3181 : vector<16xi32>
        %jit3A_3637 = arith.constant 1 : i32
        %jit3A_3638 = arith.constant 0 : i32
        %broadcast_in_dim3A_3639 = vector.broadcast %jit3A_3637 : i32 to vector<16xi32>
        %broadcast_in_dim3A_3640 = vector.broadcast %jit3A_3638 : i32 to vector<16xi32>
        %select_n3A_3641 = arith.select %ge3A_3636, %broadcast_in_dim3A_3639, %broadcast_in_dim3A_3640 : vector<16xi1>, vector<16xi32>
        %add3A_3642 = arith.addi %add3A_3633, %select_n3A_3641 : vector<16xi32>
        %get3A_3643 = arith.constant 816 : index
        %get3A_3644 = tpu.vector_load %arg7[%get3A_3643] {strides = array<i32>} : memref<896xi32, #tpu.memory_space<vmem>>, vector<16xi32>,
        %ge3A_3645 = arith.cmpi sge, %get3A_3644, %broadcast_in_dim3A_3181 : vector<16xi32>
        %jit3A_3646 = arith.constant 1 : i32
        %jit3A_3647 = arith.constant 0 : i32
        %broadcast_in_dim3A_3648 = vector.broadcast %jit3A_3646 : i32 to vector<16xi32>
        %broadcast_in_dim3A_3649 = vector.broadcast %jit3A_3647 : i32 to vector<16xi32>
        %select_n3A_3650 = arith.select %ge3A_3645, %broadcast_in_dim3A_3648, %broadcast_in_dim3A_3649 : vector<16xi1>, vector<16xi32>
        %add3A_3651 = arith.addi %add3A_3642, %select_n3A_3650 : vector<16xi32>
        %get3A_3652 = arith.constant 832 : index
        %get3A_3653 = tpu.vector_load %arg7[%get3A_3652] {strides = array<i32>} : memref<896xi32, #tpu.memory_space<vmem>>, vector<16xi32>,
        %ge3A_3654 = arith.cmpi sge, %get3A_3653, %broadcast_in_dim3A_3181 : vector<16xi32>
        %jit3A_3655 = arith.constant 1 : i32
        %jit3A_3656 = arith.constant 0 : i32
        %broadcast_in_dim3A_3657 = vector.broadcast %jit3A_3655 : i32 to vector<16xi32>
        %broadcast_in_dim3A_3658 = vector.broadcast %jit3A_3656 : i32 to vector<16xi32>
        %select_n3A_3659 = arith.select %ge3A_3654, %broadcast_in_dim3A_3657, %broadcast_in_dim3A_3658 : vector<16xi1>, vector<16xi32>
        %add3A_3660 = arith.addi %add3A_3651, %select_n3A_3659 : vector<16xi32>
        %get3A_3661 = arith.constant 848 : index
        %get3A_3662 = tpu.vector_load %arg7[%get3A_3661] {strides = array<i32>} : memref<896xi32, #tpu.memory_space<vmem>>, vector<16xi32>,
        %ge3A_3663 = arith.cmpi sge, %get3A_3662, %broadcast_in_dim3A_3181 : vector<16xi32>
        %jit3A_3664 = arith.constant 1 : i32
        %jit3A_3665 = arith.constant 0 : i32
        %broadcast_in_dim3A_3666 = vector.broadcast %jit3A_3664 : i32 to vector<16xi32>
        %broadcast_in_dim3A_3667 = vector.broadcast %jit3A_3665 : i32 to vector<16xi32>
        %select_n3A_3668 = arith.select %ge3A_3663, %broadcast_in_dim3A_3666, %broadcast_in_dim3A_3667 : vector<16xi1>, vector<16xi32>
        %add3A_3669 = arith.addi %add3A_3660, %select_n3A_3668 : vector<16xi32>
        %get3A_3670 = arith.constant 864 : index
        %get3A_3671 = tpu.vector_load %arg7[%get3A_3670] {strides = array<i32>} : memref<896xi32, #tpu.memory_space<vmem>>, vector<16xi32>,
        %ge3A_3672 = arith.cmpi sge, %get3A_3671, %broadcast_in_dim3A_3181 : vector<16xi32>
        %jit3A_3673 = arith.constant 1 : i32
        %jit3A_3674 = arith.constant 0 : i32
        %broadcast_in_dim3A_3675 = vector.broadcast %jit3A_3673 : i32 to vector<16xi32>
        %broadcast_in_dim3A_3676 = vector.broadcast %jit3A_3674 : i32 to vector<16xi32>
        %select_n3A_3677 = arith.select %ge3A_3672, %broadcast_in_dim3A_3675, %broadcast_in_dim3A_3676 : vector<16xi1>, vector<16xi32>
        %add3A_3678 = arith.addi %add3A_3669, %select_n3A_3677 : vector<16xi32>
        %get3A_3679 = arith.constant 880 : index
        %get3A_3680 = tpu.vector_load %arg7[%get3A_3679] {strides = array<i32>} : memref<896xi32, #tpu.memory_space<vmem>>, vector<16xi32>,
        %ge3A_3681 = arith.cmpi sge, %get3A_3680, %broadcast_in_dim3A_3181 : vector<16xi32>
        %jit3A_3682 = arith.constant 1 : i32
        %jit3A_3683 = arith.constant 0 : i32
        %broadcast_in_dim3A_3684 = vector.broadcast %jit3A_3682 : i32 to vector<16xi32>
        %broadcast_in_dim3A_3685 = vector.broadcast %jit3A_3683 : i32 to vector<16xi32>
        %select_n3A_3686 = arith.select %ge3A_3681, %broadcast_in_dim3A_3684, %broadcast_in_dim3A_3685 : vector<16xi1>, vector<16xi32>
        %add3A_3687 = arith.addi %add3A_3678, %select_n3A_3686 : vector<16xi32>
        %reduce_sum3A = arith.constant true
        %reduce_sum3A_3688 = vector.broadcast %reduce_sum3A : i1 to vector<16xi1>
        %reduce_sum3A_3689 = tpu.scan <sum>, %add3A_3687 masked %reduce_sum3A_3688 : vector<16xi32>, vector<16xi1> -> vector<16xi32>
        %reduce_sum3A_3690 = vector.extract %reduce_sum3A_3689[15] : i32 from vector<16xi32>
        %ge3A_3691 = arith.constant 50 : i32
        %ge3A_3692 = arith.cmpi sge, %reduce_sum3A_3690, %ge3A_3691 : i32
        %select_n3A_3693 = arith.select %ge3A_3692, %add3A_3180, %scan3A_3170 : i32
        %select_n3A_3694 = arith.select %ge3A_3692, %scan3A_3171, %add3A_3180 : i32
        scf.yield %select_n3A_3693, %select_n3A_3694 : i32, i32
      }
      %scan3A_716 = arith.constant 32 : i32
      %broadcast_in_dim3A_717 = vector.broadcast %scan3A_715#0 : i32 to vector<16xi32>
      %ge3A_718 = arith.constant 0 : i32
      %ge3A_719 = vector.broadcast %ge3A_718 : i32 to vector<16xi32>
      %ge3A_720 = arith.cmpi sge, %broadcast_in_dim3A_717, %ge3A_719 : vector<16xi32>
      %sub3A_721 = arith.constant -2147483648 : i32
      %sub3A_722 = vector.broadcast %sub3A_721 : i32 to vector<16xi32>
      %sub3A_723 = arith.subi %sub3A_722, %broadcast_in_dim3A_717 : vector<16xi32>
      %select_n3A_724 = arith.select %ge3A_720, %broadcast_in_dim3A_717, %sub3A_723 : vector<16xi1>, vector<16xi32>
      %bitcast_convert_type3A_725 = tpu.bitcast %select_n3A_724 : vector<16xi32> -> vector<16xf32>
      %get3A_726 = arith.constant 0 : index
      %get3A_727 = tpu.vector_load %arg6[%get3A_726] {strides = array<i32>} : memref<896xf32, #tpu.memory_space<vmem>>, vector<16xf32>,
      %ge3A_728 = arith.cmpf oge, %get3A_727, %bitcast_convert_type3A_725 : vector<16xf32>
      %add3A_729 = arith.constant 0 : i32
      %add3A_730 = vector.broadcast %add3A_729 : i32 to vector<16xi32>
      %add3A_731 = arith.addi %iota3A, %add3A_730 : vector<16xi32>
      %swap3A_732 = arith.constant 0 : i32
      %swap3A_733 = arith.index_cast %swap3A_732 : i32 to index
      %swap3A_734 = tpu.vector_load %arg8[%swap3A_733] masked %ge3A_728 {strides = array<i32>} : memref<80xi32, #tpu.memory_space<vmem>>, vector<16xi32>, vector<16xi1>
      tpu.vector_store %arg8[%swap3A_733], %add3A_731 masked %ge3A_728 {strides = array<i32>} : memref<80xi32, #tpu.memory_space<vmem>>, vector<16xi32>, vector<16xi1>
      %all_reduce_population_count3A = tpu.all_reduce %ge3A_728 {dim = 0 : i64, kind = #tpu.reduction_kind<sum>} : vector<16xi1> -> vector<16xi32>
      %slice3A = vector.extract_strided_slice %all_reduce_population_count3A {offsets = [0], sizes = [1], strides = [1]} : vector<16xi32> to vector<1xi32>
      %squeeze3A = vector.extract %slice3A[0] : i32 from vector<1xi32>
      %add3A_735 = arith.constant 0 : i32
      %add3A_736 = arith.addi %add3A_735, %squeeze3A : i32
      %min3A = arith.constant 64 : i32
      %min3A_737 = arith.minsi %add3A_736, %min3A : i32
      %get3A_738 = arith.constant 16 : index
      %get3A_739 = tpu.vector_load %arg6[%get3A_738] {strides = array<i32>} : memref<896xf32, #tpu.memory_space<vmem>>, vector<16xf32>,
      %ge3A_740 = arith.cmpf oge, %get3A_739, %bitcast_convert_type3A_725 : vector<16xf32>
      %add3A_741 = arith.constant 16 : i32
      %add3A_742 = vector.broadcast %add3A_741 : i32 to vector<16xi32>
      %add3A_743 = arith.addi %iota3A, %add3A_742 : vector<16xi32>
      %swap3A_744 = arith.index_cast %min3A_737 : i32 to index
      %swap3A_745 = tpu.vector_load %arg8[%swap3A_744] masked %ge3A_740 {strides = array<i32>} : memref<80xi32, #tpu.memory_space<vmem>>, vector<16xi32>, vector<16xi1>
      tpu.vector_store %arg8[%swap3A_744], %add3A_743 masked %ge3A_740 {strides = array<i32>} : memref<80xi32, #tpu.memory_space<vmem>>, vector<16xi32>, vector<16xi1>
      %all_reduce_population_count3A_746 = tpu.all_reduce %ge3A_740 {dim = 0 : i64, kind = #tpu.reduction_kind<sum>} : vector<16xi1> -> vector<16xi32>
      %slice3A_747 = vector.extract_strided_slice %all_reduce_population_count3A_746 {offsets = [0], sizes = [1], strides = [1]} : vector<16xi32> to vector<1xi32>
      %squeeze3A_748 = vector.extract %slice3A_747[0] : i32 from vector<1xi32>
      %add3A_749 = arith.addi %min3A_737, %squeeze3A_748 : i32
      %min3A_750 = arith.constant 64 : i32
      %min3A_751 = arith.minsi %add3A_749, %min3A_750 : i32
      %get3A_752 = arith.constant 32 : index
      %get3A_753 = tpu.vector_load %arg6[%get3A_752] {strides = array<i32>} : memref<896xf32, #tpu.memory_space<vmem>>, vector<16xf32>,
      %ge3A_754 = arith.cmpf oge, %get3A_753, %bitcast_convert_type3A_725 : vector<16xf32>
      %add3A_755 = arith.constant 32 : i32
      %add3A_756 = vector.broadcast %add3A_755 : i32 to vector<16xi32>
      %add3A_757 = arith.addi %iota3A, %add3A_756 : vector<16xi32>
      %swap3A_758 = arith.index_cast %min3A_751 : i32 to index
      %swap3A_759 = tpu.vector_load %arg8[%swap3A_758] masked %ge3A_754 {strides = array<i32>} : memref<80xi32, #tpu.memory_space<vmem>>, vector<16xi32>, vector<16xi1>
      tpu.vector_store %arg8[%swap3A_758], %add3A_757 masked %ge3A_754 {strides = array<i32>} : memref<80xi32, #tpu.memory_space<vmem>>, vector<16xi32>, vector<16xi1>
      %all_reduce_population_count3A_760 = tpu.all_reduce %ge3A_754 {dim = 0 : i64, kind = #tpu.reduction_kind<sum>} : vector<16xi1> -> vector<16xi32>
      %slice3A_761 = vector.extract_strided_slice %all_reduce_population_count3A_760 {offsets = [0], sizes = [1], strides = [1]} : vector<16xi32> to vector<1xi32>
      %squeeze3A_762 = vector.extract %slice3A_761[0] : i32 from vector<1xi32>
      %add3A_763 = arith.addi %min3A_751, %squeeze3A_762 : i32
      %min3A_764 = arith.constant 64 : i32
      %min3A_765 = arith.minsi %add3A_763, %min3A_764 : i32
      %get3A_766 = arith.constant 48 : index
      %get3A_767 = tpu.vector_load %arg6[%get3A_766] {strides = array<i32>} : memref<896xf32, #tpu.memory_space<vmem>>, vector<16xf32>,
      %ge3A_768 = arith.cmpf oge, %get3A_767, %bitcast_convert_type3A_725 : vector<16xf32>
      %add3A_769 = arith.constant 48 : i32
      %add3A_770 = vector.broadcast %add3A_769 : i32 to vector<16xi32>
      %add3A_771 = arith.addi %iota3A, %add3A_770 : vector<16xi32>
      %swap3A_772 = arith.index_cast %min3A_765 : i32 to index
      %swap3A_773 = tpu.vector_load %arg8[%swap3A_772] masked %ge3A_768 {strides = array<i32>} : memref<80xi32, #tpu.memory_space<vmem>>, vector<16xi32>, vector<16xi1>
      tpu.vector_store %arg8[%swap3A_772], %add3A_771 masked %ge3A_768 {strides = array<i32>} : memref<80xi32, #tpu.memory_space<vmem>>, vector<16xi32>, vector<16xi1>
      %all_reduce_population_count3A_774 = tpu.all_reduce %ge3A_768 {dim = 0 : i64, kind = #tpu.reduction_kind<sum>} : vector<16xi1> -> vector<16xi32>
      %slice3A_775 = vector.extract_strided_slice %all_reduce_population_count3A_774 {offsets = [0], sizes = [1], strides = [1]} : vector<16xi32> to vector<1xi32>
      %squeeze3A_776 = vector.extract %slice3A_775[0] : i32 from vector<1xi32>
      %add3A_777 = arith.addi %min3A_765, %squeeze3A_776 : i32
      %min3A_778 = arith.constant 64 : i32
      %min3A_779 = arith.minsi %add3A_777, %min3A_778 : i32
      %get3A_780 = arith.constant 64 : index
      %get3A_781 = tpu.vector_load %arg6[%get3A_780] {strides = array<i32>} : memref<896xf32, #tpu.memory_space<vmem>>, vector<16xf32>,
      %ge3A_782 = arith.cmpf oge, %get3A_781, %bitcast_convert_type3A_725 : vector<16xf32>
      %add3A_783 = arith.constant 64 : i32
      %add3A_784 = vector.broadcast %add3A_783 : i32 to vector<16xi32>
      %add3A_785 = arith.addi %iota3A, %add3A_784 : vector<16xi32>
      %swap3A_786 = arith.index_cast %min3A_779 : i32 to index
      %swap3A_787 = tpu.vector_load %arg8[%swap3A_786] masked %ge3A_782 {strides = array<i32>} : memref<80xi32, #tpu.memory_space<vmem>>, vector<16xi32>, vector<16xi1>
      tpu.vector_store %arg8[%swap3A_786], %add3A_785 masked %ge3A_782 {strides = array<i32>} : memref<80xi32, #tpu.memory_space<vmem>>, vector<16xi32>, vector<16xi1>
      %all_reduce_population_count3A_788 = tpu.all_reduce %ge3A_782 {dim = 0 : i64, kind = #tpu.reduction_kind<sum>} : vector<16xi1> -> vector<16xi32>
      %slice3A_789 = vector.extract_strided_slice %all_reduce_population_count3A_788 {offsets = [0], sizes = [1], strides = [1]} : vector<16xi32> to vector<1xi32>
      %squeeze3A_790 = vector.extract %slice3A_789[0] : i32 from vector<1xi32>
      %add3A_791 = arith.addi %min3A_779, %squeeze3A_790 : i32
      %min3A_792 = arith.constant 64 : i32
      %min3A_793 = arith.minsi %add3A_791, %min3A_792 : i32
      %get3A_794 = arith.constant 80 : index
      %get3A_795 = tpu.vector_load %arg6[%get3A_794] {strides = array<i32>} : memref<896xf32, #tpu.memory_space<vmem>>, vector<16xf32>,
      %ge3A_796 = arith.cmpf oge, %get3A_795, %bitcast_convert_type3A_725 : vector<16xf32>
      %add3A_797 = arith.constant 80 : i32
      %add3A_798 = vector.broadcast %add3A_797 : i32 to vector<16xi32>
      %add3A_799 = arith.addi %iota3A, %add3A_798 : vector<16xi32>
      %swap3A_800 = arith.index_cast %min3A_793 : i32 to index
      %swap3A_801 = tpu.vector_load %arg8[%swap3A_800] masked %ge3A_796 {strides = array<i32>} : memref<80xi32, #tpu.memory_space<vmem>>, vector<16xi32>, vector<16xi1>
      tpu.vector_store %arg8[%swap3A_800], %add3A_799 masked %ge3A_796 {strides = array<i32>} : memref<80xi32, #tpu.memory_space<vmem>>, vector<16xi32>, vector<16xi1>
      %all_reduce_population_count3A_802 = tpu.all_reduce %ge3A_796 {dim = 0 : i64, kind = #tpu.reduction_kind<sum>} : vector<16xi1> -> vector<16xi32>
      %slice3A_803 = vector.extract_strided_slice %all_reduce_population_count3A_802 {offsets = [0], sizes = [1], strides = [1]} : vector<16xi32> to vector<1xi32>
      %squeeze3A_804 = vector.extract %slice3A_803[0] : i32 from vector<1xi32>
      %add3A_805 = arith.addi %min3A_793, %squeeze3A_804 : i32
      %min3A_806 = arith.constant 64 : i32
      %min3A_807 = arith.minsi %add3A_805, %min3A_806 : i32
      %get3A_808 = arith.constant 96 : index
      %get3A_809 = tpu.vector_load %arg6[%get3A_808] {strides = array<i32>} : memref<896xf32, #tpu.memory_space<vmem>>, vector<16xf32>,
      %ge3A_810 = arith.cmpf oge, %get3A_809, %bitcast_convert_type3A_725 : vector<16xf32>
      %add3A_811 = arith.constant 96 : i32
      %add3A_812 = vector.broadcast %add3A_811 : i32 to vector<16xi32>
      %add3A_813 = arith.addi %iota3A, %add3A_812 : vector<16xi32>
      %swap3A_814 = arith.index_cast %min3A_807 : i32 to index
      %swap3A_815 = tpu.vector_load %arg8[%swap3A_814] masked %ge3A_810 {strides = array<i32>} : memref<80xi32, #tpu.memory_space<vmem>>, vector<16xi32>, vector<16xi1>
      tpu.vector_store %arg8[%swap3A_814], %add3A_813 masked %ge3A_810 {strides = array<i32>} : memref<80xi32, #tpu.memory_space<vmem>>, vector<16xi32>, vector<16xi1>
      %all_reduce_population_count3A_816 = tpu.all_reduce %ge3A_810 {dim = 0 : i64, kind = #tpu.reduction_kind<sum>} : vector<16xi1> -> vector<16xi32>
      %slice3A_817 = vector.extract_strided_slice %all_reduce_population_count3A_816 {offsets = [0], sizes = [1], strides = [1]} : vector<16xi32> to vector<1xi32>
      %squeeze3A_818 = vector.extract %slice3A_817[0] : i32 from vector<1xi32>
      %add3A_819 = arith.addi %min3A_807, %squeeze3A_818 : i32
      %min3A_820 = arith.constant 64 : i32
      %min3A_821 = arith.minsi %add3A_819, %min3A_820 : i32
      %get3A_822 = arith.constant 112 : index
      %get3A_823 = tpu.vector_load %arg6[%get3A_822] {strides = array<i32>} : memref<896xf32, #tpu.memory_space<vmem>>, vector<16xf32>,
      %ge3A_824 = arith.cmpf oge, %get3A_823, %bitcast_convert_type3A_725 : vector<16xf32>
      %add3A_825 = arith.constant 112 : i32
      %add3A_826 = vector.broadcast %add3A_825 : i32 to vector<16xi32>
      %add3A_827 = arith.addi %iota3A, %add3A_826 : vector<16xi32>
      %swap3A_828 = arith.index_cast %min3A_821 : i32 to index
      %swap3A_829 = tpu.vector_load %arg8[%swap3A_828] masked %ge3A_824 {strides = array<i32>} : memref<80xi32, #tpu.memory_space<vmem>>, vector<16xi32>, vector<16xi1>
      tpu.vector_store %arg8[%swap3A_828], %add3A_827 masked %ge3A_824 {strides = array<i32>} : memref<80xi32, #tpu.memory_space<vmem>>, vector<16xi32>, vector<16xi1>
      %all_reduce_population_count3A_830 = tpu.all_reduce %ge3A_824 {dim = 0 : i64, kind = #tpu.reduction_kind<sum>} : vector<16xi1> -> vector<16xi32>
      %slice3A_831 = vector.extract_strided_slice %all_reduce_population_count3A_830 {offsets = [0], sizes = [1], strides = [1]} : vector<16xi32> to vector<1xi32>
      %squeeze3A_832 = vector.extract %slice3A_831[0] : i32 from vector<1xi32>
      %add3A_833 = arith.addi %min3A_821, %squeeze3A_832 : i32
      %min3A_834 = arith.constant 64 : i32
      %min3A_835 = arith.minsi %add3A_833, %min3A_834 : i32
      %get3A_836 = arith.constant 128 : index
      %get3A_837 = tpu.vector_load %arg6[%get3A_836] {strides = array<i32>} : memref<896xf32, #tpu.memory_space<vmem>>, vector<16xf32>,
      %ge3A_838 = arith.cmpf oge, %get3A_837, %bitcast_convert_type3A_725 : vector<16xf32>
      %add3A_839 = arith.constant 128 : i32
      %add3A_840 = vector.broadcast %add3A_839 : i32 to vector<16xi32>
      %add3A_841 = arith.addi %iota3A, %add3A_840 : vector<16xi32>
      %swap3A_842 = arith.index_cast %min3A_835 : i32 to index
      %swap3A_843 = tpu.vector_load %arg8[%swap3A_842] masked %ge3A_838 {strides = array<i32>} : memref<80xi32, #tpu.memory_space<vmem>>, vector<16xi32>, vector<16xi1>
      tpu.vector_store %arg8[%swap3A_842], %add3A_841 masked %ge3A_838 {strides = array<i32>} : memref<80xi32, #tpu.memory_space<vmem>>, vector<16xi32>, vector<16xi1>
      %all_reduce_population_count3A_844 = tpu.all_reduce %ge3A_838 {dim = 0 : i64, kind = #tpu.reduction_kind<sum>} : vector<16xi1> -> vector<16xi32>
      %slice3A_845 = vector.extract_strided_slice %all_reduce_population_count3A_844 {offsets = [0], sizes = [1], strides = [1]} : vector<16xi32> to vector<1xi32>
      %squeeze3A_846 = vector.extract %slice3A_845[0] : i32 from vector<1xi32>
      %add3A_847 = arith.addi %min3A_835, %squeeze3A_846 : i32
      %min3A_848 = arith.constant 64 : i32
      %min3A_849 = arith.minsi %add3A_847, %min3A_848 : i32
      %get3A_850 = arith.constant 144 : index
      %get3A_851 = tpu.vector_load %arg6[%get3A_850] {strides = array<i32>} : memref<896xf32, #tpu.memory_space<vmem>>, vector<16xf32>,
      %ge3A_852 = arith.cmpf oge, %get3A_851, %bitcast_convert_type3A_725 : vector<16xf32>
      %add3A_853 = arith.constant 144 : i32
      %add3A_854 = vector.broadcast %add3A_853 : i32 to vector<16xi32>
      %add3A_855 = arith.addi %iota3A, %add3A_854 : vector<16xi32>
      %swap3A_856 = arith.index_cast %min3A_849 : i32 to index
      %swap3A_857 = tpu.vector_load %arg8[%swap3A_856] masked %ge3A_852 {strides = array<i32>} : memref<80xi32, #tpu.memory_space<vmem>>, vector<16xi32>, vector<16xi1>
      tpu.vector_store %arg8[%swap3A_856], %add3A_855 masked %ge3A_852 {strides = array<i32>} : memref<80xi32, #tpu.memory_space<vmem>>, vector<16xi32>, vector<16xi1>
      %all_reduce_population_count3A_858 = tpu.all_reduce %ge3A_852 {dim = 0 : i64, kind = #tpu.reduction_kind<sum>} : vector<16xi1> -> vector<16xi32>
      %slice3A_859 = vector.extract_strided_slice %all_reduce_population_count3A_858 {offsets = [0], sizes = [1], strides = [1]} : vector<16xi32> to vector<1xi32>
      %squeeze3A_860 = vector.extract %slice3A_859[0] : i32 from vector<1xi32>
      %add3A_861 = arith.addi %min3A_849, %squeeze3A_860 : i32
      %min3A_862 = arith.constant 64 : i32
      %min3A_863 = arith.minsi %add3A_861, %min3A_862 : i32
      %get3A_864 = arith.constant 160 : index
      %get3A_865 = tpu.vector_load %arg6[%get3A_864] {strides = array<i32>} : memref<896xf32, #tpu.memory_space<vmem>>, vector<16xf32>,
      %ge3A_866 = arith.cmpf oge, %get3A_865, %bitcast_convert_type3A_725 : vector<16xf32>
      %add3A_867 = arith.constant 160 : i32
      %add3A_868 = vector.broadcast %add3A_867 : i32 to vector<16xi32>
      %add3A_869 = arith.addi %iota3A, %add3A_868 : vector<16xi32>
      %swap3A_870 = arith.index_cast %min3A_863 : i32 to index
      %swap3A_871 = tpu.vector_load %arg8[%swap3A_870] masked %ge3A_866 {strides = array<i32>} : memref<80xi32, #tpu.memory_space<vmem>>, vector<16xi32>, vector<16xi1>
      tpu.vector_store %arg8[%swap3A_870], %add3A_869 masked %ge3A_866 {strides = array<i32>} : memref<80xi32, #tpu.memory_space<vmem>>, vector<16xi32>, vector<16xi1>
      %all_reduce_population_count3A_872 = tpu.all_reduce %ge3A_866 {dim = 0 : i64, kind = #tpu.reduction_kind<sum>} : vector<16xi1> -> vector<16xi32>
      %slice3A_873 = vector.extract_strided_slice %all_reduce_population_count3A_872 {offsets = [0], sizes = [1], strides = [1]} : vector<16xi32> to vector<1xi32>
      %squeeze3A_874 = vector.extract %slice3A_873[0] : i32 from vector<1xi32>
      %add3A_875 = arith.addi %min3A_863, %squeeze3A_874 : i32
      %min3A_876 = arith.constant 64 : i32
      %min3A_877 = arith.minsi %add3A_875, %min3A_876 : i32
      %get3A_878 = arith.constant 176 : index
      %get3A_879 = tpu.vector_load %arg6[%get3A_878] {strides = array<i32>} : memref<896xf32, #tpu.memory_space<vmem>>, vector<16xf32>,
      %ge3A_880 = arith.cmpf oge, %get3A_879, %bitcast_convert_type3A_725 : vector<16xf32>
      %add3A_881 = arith.constant 176 : i32
      %add3A_882 = vector.broadcast %add3A_881 : i32 to vector<16xi32>
      %add3A_883 = arith.addi %iota3A, %add3A_882 : vector<16xi32>
      %swap3A_884 = arith.index_cast %min3A_877 : i32 to index
      %swap3A_885 = tpu.vector_load %arg8[%swap3A_884] masked %ge3A_880 {strides = array<i32>} : memref<80xi32, #tpu.memory_space<vmem>>, vector<16xi32>, vector<16xi1>
      tpu.vector_store %arg8[%swap3A_884], %add3A_883 masked %ge3A_880 {strides = array<i32>} : memref<80xi32, #tpu.memory_space<vmem>>, vector<16xi32>, vector<16xi1>
      %all_reduce_population_count3A_886 = tpu.all_reduce %ge3A_880 {dim = 0 : i64, kind = #tpu.reduction_kind<sum>} : vector<16xi1> -> vector<16xi32>
      %slice3A_887 = vector.extract_strided_slice %all_reduce_population_count3A_886 {offsets = [0], sizes = [1], strides = [1]} : vector<16xi32> to vector<1xi32>
      %squeeze3A_888 = vector.extract %slice3A_887[0] : i32 from vector<1xi32>
      %add3A_889 = arith.addi %min3A_877, %squeeze3A_888 : i32
      %min3A_890 = arith.constant 64 : i32
      %min3A_891 = arith.minsi %add3A_889, %min3A_890 : i32
      %get3A_892 = arith.constant 192 : index
      %get3A_893 = tpu.vector_load %arg6[%get3A_892] {strides = array<i32>} : memref<896xf32, #tpu.memory_space<vmem>>, vector<16xf32>,
      %ge3A_894 = arith.cmpf oge, %get3A_893, %bitcast_convert_type3A_725 : vector<16xf32>
      %add3A_895 = arith.constant 192 : i32
      %add3A_896 = vector.broadcast %add3A_895 : i32 to vector<16xi32>
      %add3A_897 = arith.addi %iota3A, %add3A_896 : vector<16xi32>
      %swap3A_898 = arith.index_cast %min3A_891 : i32 to index
      %swap3A_899 = tpu.vector_load %arg8[%swap3A_898] masked %ge3A_894 {strides = array<i32>} : memref<80xi32, #tpu.memory_space<vmem>>, vector<16xi32>, vector<16xi1>
      tpu.vector_store %arg8[%swap3A_898], %add3A_897 masked %ge3A_894 {strides = array<i32>} : memref<80xi32, #tpu.memory_space<vmem>>, vector<16xi32>, vector<16xi1>
      %all_reduce_population_count3A_900 = tpu.all_reduce %ge3A_894 {dim = 0 : i64, kind = #tpu.reduction_kind<sum>} : vector<16xi1> -> vector<16xi32>
      %slice3A_901 = vector.extract_strided_slice %all_reduce_population_count3A_900 {offsets = [0], sizes = [1], strides = [1]} : vector<16xi32> to vector<1xi32>
      %squeeze3A_902 = vector.extract %slice3A_901[0] : i32 from vector<1xi32>
      %add3A_903 = arith.addi %min3A_891, %squeeze3A_902 : i32
      %min3A_904 = arith.constant 64 : i32
      %min3A_905 = arith.minsi %add3A_903, %min3A_904 : i32
      %get3A_906 = arith.constant 208 : index
      %get3A_907 = tpu.vector_load %arg6[%get3A_906] {strides = array<i32>} : memref<896xf32, #tpu.memory_space<vmem>>, vector<16xf32>,
      %ge3A_908 = arith.cmpf oge, %get3A_907, %bitcast_convert_type3A_725 : vector<16xf32>
      %add3A_909 = arith.constant 208 : i32
      %add3A_910 = vector.broadcast %add3A_909 : i32 to vector<16xi32>
      %add3A_911 = arith.addi %iota3A, %add3A_910 : vector<16xi32>
      %swap3A_912 = arith.index_cast %min3A_905 : i32 to index
      %swap3A_913 = tpu.vector_load %arg8[%swap3A_912] masked %ge3A_908 {strides = array<i32>} : memref<80xi32, #tpu.memory_space<vmem>>, vector<16xi32>, vector<16xi1>
      tpu.vector_store %arg8[%swap3A_912], %add3A_911 masked %ge3A_908 {strides = array<i32>} : memref<80xi32, #tpu.memory_space<vmem>>, vector<16xi32>, vector<16xi1>
      %all_reduce_population_count3A_914 = tpu.all_reduce %ge3A_908 {dim = 0 : i64, kind = #tpu.reduction_kind<sum>} : vector<16xi1> -> vector<16xi32>
      %slice3A_915 = vector.extract_strided_slice %all_reduce_population_count3A_914 {offsets = [0], sizes = [1], strides = [1]} : vector<16xi32> to vector<1xi32>
      %squeeze3A_916 = vector.extract %slice3A_915[0] : i32 from vector<1xi32>
      %add3A_917 = arith.addi %min3A_905, %squeeze3A_916 : i32
      %min3A_918 = arith.constant 64 : i32
      %min3A_919 = arith.minsi %add3A_917, %min3A_918 : i32
      %get3A_920 = arith.constant 224 : index
      %get3A_921 = tpu.vector_load %arg6[%get3A_920] {strides = array<i32>} : memref<896xf32, #tpu.memory_space<vmem>>, vector<16xf32>,
      %ge3A_922 = arith.cmpf oge, %get3A_921, %bitcast_convert_type3A_725 : vector<16xf32>
      %add3A_923 = arith.constant 224 : i32
      %add3A_924 = vector.broadcast %add3A_923 : i32 to vector<16xi32>
      %add3A_925 = arith.addi %iota3A, %add3A_924 : vector<16xi32>
      %swap3A_926 = arith.index_cast %min3A_919 : i32 to index
      %swap3A_927 = tpu.vector_load %arg8[%swap3A_926] masked %ge3A_922 {strides = array<i32>} : memref<80xi32, #tpu.memory_space<vmem>>, vector<16xi32>, vector<16xi1>
      tpu.vector_store %arg8[%swap3A_926], %add3A_925 masked %ge3A_922 {strides = array<i32>} : memref<80xi32, #tpu.memory_space<vmem>>, vector<16xi32>, vector<16xi1>
      %all_reduce_population_count3A_928 = tpu.all_reduce %ge3A_922 {dim = 0 : i64, kind = #tpu.reduction_kind<sum>} : vector<16xi1> -> vector<16xi32>
      %slice3A_929 = vector.extract_strided_slice %all_reduce_population_count3A_928 {offsets = [0], sizes = [1], strides = [1]} : vector<16xi32> to vector<1xi32>
      %squeeze3A_930 = vector.extract %slice3A_929[0] : i32 from vector<1xi32>
      %add3A_931 = arith.addi %min3A_919, %squeeze3A_930 : i32
      %min3A_932 = arith.constant 64 : i32
      %min3A_933 = arith.minsi %add3A_931, %min3A_932 : i32
      %get3A_934 = arith.constant 240 : index
      %get3A_935 = tpu.vector_load %arg6[%get3A_934] {strides = array<i32>} : memref<896xf32, #tpu.memory_space<vmem>>, vector<16xf32>,
      %ge3A_936 = arith.cmpf oge, %get3A_935, %bitcast_convert_type3A_725 : vector<16xf32>
      %add3A_937 = arith.constant 240 : i32
      %add3A_938 = vector.broadcast %add3A_937 : i32 to vector<16xi32>
      %add3A_939 = arith.addi %iota3A, %add3A_938 : vector<16xi32>
      %swap3A_940 = arith.index_cast %min3A_933 : i32 to index
      %swap3A_941 = tpu.vector_load %arg8[%swap3A_940] masked %ge3A_936 {strides = array<i32>} : memref<80xi32, #tpu.memory_space<vmem>>, vector<16xi32>, vector<16xi1>
      tpu.vector_store %arg8[%swap3A_940], %add3A_939 masked %ge3A_936 {strides = array<i32>} : memref<80xi32, #tpu.memory_space<vmem>>, vector<16xi32>, vector<16xi1>
      %all_reduce_population_count3A_942 = tpu.all_reduce %ge3A_936 {dim = 0 : i64, kind = #tpu.reduction_kind<sum>} : vector<16xi1> -> vector<16xi32>
      %slice3A_943 = vector.extract_strided_slice %all_reduce_population_count3A_942 {offsets = [0], sizes = [1], strides = [1]} : vector<16xi32> to vector<1xi32>
      %squeeze3A_944 = vector.extract %slice3A_943[0] : i32 from vector<1xi32>
      %add3A_945 = arith.addi %min3A_933, %squeeze3A_944 : i32
      %min3A_946 = arith.constant 64 : i32
      %min3A_947 = arith.minsi %add3A_945, %min3A_946 : i32
      %get3A_948 = arith.constant 256 : index
      %get3A_949 = tpu.vector_load %arg6[%get3A_948] {strides = array<i32>} : memref<896xf32, #tpu.memory_space<vmem>>, vector<16xf32>,
      %ge3A_950 = arith.cmpf oge, %get3A_949, %bitcast_convert_type3A_725 : vector<16xf32>
      %add3A_951 = arith.constant 256 : i32
      %add3A_952 = vector.broadcast %add3A_951 : i32 to vector<16xi32>
      %add3A_953 = arith.addi %iota3A, %add3A_952 : vector<16xi32>
      %swap3A_954 = arith.index_cast %min3A_947 : i32 to index
      %swap3A_955 = tpu.vector_load %arg8[%swap3A_954] masked %ge3A_950 {strides = array<i32>} : memref<80xi32, #tpu.memory_space<vmem>>, vector<16xi32>, vector<16xi1>
      tpu.vector_store %arg8[%swap3A_954], %add3A_953 masked %ge3A_950 {strides = array<i32>} : memref<80xi32, #tpu.memory_space<vmem>>, vector<16xi32>, vector<16xi1>
      %all_reduce_population_count3A_956 = tpu.all_reduce %ge3A_950 {dim = 0 : i64, kind = #tpu.reduction_kind<sum>} : vector<16xi1> -> vector<16xi32>
      %slice3A_957 = vector.extract_strided_slice %all_reduce_population_count3A_956 {offsets = [0], sizes = [1], strides = [1]} : vector<16xi32> to vector<1xi32>
      %squeeze3A_958 = vector.extract %slice3A_957[0] : i32 from vector<1xi32>
      %add3A_959 = arith.addi %min3A_947, %squeeze3A_958 : i32
      %min3A_960 = arith.constant 64 : i32
      %min3A_961 = arith.minsi %add3A_959, %min3A_960 : i32
      %get3A_962 = arith.constant 272 : index
      %get3A_963 = tpu.vector_load %arg6[%get3A_962] {strides = array<i32>} : memref<896xf32, #tpu.memory_space<vmem>>, vector<16xf32>,
      %ge3A_964 = arith.cmpf oge, %get3A_963, %bitcast_convert_type3A_725 : vector<16xf32>
      %add3A_965 = arith.constant 272 : i32
      %add3A_966 = vector.broadcast %add3A_965 : i32 to vector<16xi32>
      %add3A_967 = arith.addi %iota3A, %add3A_966 : vector<16xi32>
      %swap3A_968 = arith.index_cast %min3A_961 : i32 to index
      %swap3A_969 = tpu.vector_load %arg8[%swap3A_968] masked %ge3A_964 {strides = array<i32>} : memref<80xi32, #tpu.memory_space<vmem>>, vector<16xi32>, vector<16xi1>
      tpu.vector_store %arg8[%swap3A_968], %add3A_967 masked %ge3A_964 {strides = array<i32>} : memref<80xi32, #tpu.memory_space<vmem>>, vector<16xi32>, vector<16xi1>
      %all_reduce_population_count3A_970 = tpu.all_reduce %ge3A_964 {dim = 0 : i64, kind = #tpu.reduction_kind<sum>} : vector<16xi1> -> vector<16xi32>
      %slice3A_971 = vector.extract_strided_slice %all_reduce_population_count3A_970 {offsets = [0], sizes = [1], strides = [1]} : vector<16xi32> to vector<1xi32>
      %squeeze3A_972 = vector.extract %slice3A_971[0] : i32 from vector<1xi32>
      %add3A_973 = arith.addi %min3A_961, %squeeze3A_972 : i32
      %min3A_974 = arith.constant 64 : i32
      %min3A_975 = arith.minsi %add3A_973, %min3A_974 : i32
      %get3A_976 = arith.constant 288 : index
      %get3A_977 = tpu.vector_load %arg6[%get3A_976] {strides = array<i32>} : memref<896xf32, #tpu.memory_space<vmem>>, vector<16xf32>,
      %ge3A_978 = arith.cmpf oge, %get3A_977, %bitcast_convert_type3A_725 : vector<16xf32>
      %add3A_979 = arith.constant 288 : i32
      %add3A_980 = vector.broadcast %add3A_979 : i32 to vector<16xi32>
      %add3A_981 = arith.addi %iota3A, %add3A_980 : vector<16xi32>
      %swap3A_982 = arith.index_cast %min3A_975 : i32 to index
      %swap3A_983 = tpu.vector_load %arg8[%swap3A_982] masked %ge3A_978 {strides = array<i32>} : memref<80xi32, #tpu.memory_space<vmem>>, vector<16xi32>, vector<16xi1>
      tpu.vector_store %arg8[%swap3A_982], %add3A_981 masked %ge3A_978 {strides = array<i32>} : memref<80xi32, #tpu.memory_space<vmem>>, vector<16xi32>, vector<16xi1>
      %all_reduce_population_count3A_984 = tpu.all_reduce %ge3A_978 {dim = 0 : i64, kind = #tpu.reduction_kind<sum>} : vector<16xi1> -> vector<16xi32>
      %slice3A_985 = vector.extract_strided_slice %all_reduce_population_count3A_984 {offsets = [0], sizes = [1], strides = [1]} : vector<16xi32> to vector<1xi32>
      %squeeze3A_986 = vector.extract %slice3A_985[0] : i32 from vector<1xi32>
      %add3A_987 = arith.addi %min3A_975, %squeeze3A_986 : i32
      %min3A_988 = arith.constant 64 : i32
      %min3A_989 = arith.minsi %add3A_987, %min3A_988 : i32
      %get3A_990 = arith.constant 304 : index
      %get3A_991 = tpu.vector_load %arg6[%get3A_990] {strides = array<i32>} : memref<896xf32, #tpu.memory_space<vmem>>, vector<16xf32>,
      %ge3A_992 = arith.cmpf oge, %get3A_991, %bitcast_convert_type3A_725 : vector<16xf32>
      %add3A_993 = arith.constant 304 : i32
      %add3A_994 = vector.broadcast %add3A_993 : i32 to vector<16xi32>
      %add3A_995 = arith.addi %iota3A, %add3A_994 : vector<16xi32>
      %swap3A_996 = arith.index_cast %min3A_989 : i32 to index
      %swap3A_997 = tpu.vector_load %arg8[%swap3A_996] masked %ge3A_992 {strides = array<i32>} : memref<80xi32, #tpu.memory_space<vmem>>, vector<16xi32>, vector<16xi1>
      tpu.vector_store %arg8[%swap3A_996], %add3A_995 masked %ge3A_992 {strides = array<i32>} : memref<80xi32, #tpu.memory_space<vmem>>, vector<16xi32>, vector<16xi1>
      %all_reduce_population_count3A_998 = tpu.all_reduce %ge3A_992 {dim = 0 : i64, kind = #tpu.reduction_kind<sum>} : vector<16xi1> -> vector<16xi32>
      %slice3A_999 = vector.extract_strided_slice %all_reduce_population_count3A_998 {offsets = [0], sizes = [1], strides = [1]} : vector<16xi32> to vector<1xi32>
      %squeeze3A_1000 = vector.extract %slice3A_999[0] : i32 from vector<1xi32>
      %add3A_1001 = arith.addi %min3A_989, %squeeze3A_1000 : i32
      %min3A_1002 = arith.constant 64 : i32
      %min3A_1003 = arith.minsi %add3A_1001, %min3A_1002 : i32
      %get3A_1004 = arith.constant 320 : index
      %get3A_1005 = tpu.vector_load %arg6[%get3A_1004] {strides = array<i32>} : memref<896xf32, #tpu.memory_space<vmem>>, vector<16xf32>,
      %ge3A_1006 = arith.cmpf oge, %get3A_1005, %bitcast_convert_type3A_725 : vector<16xf32>
      %add3A_1007 = arith.constant 320 : i32
      %add3A_1008 = vector.broadcast %add3A_1007 : i32 to vector<16xi32>
      %add3A_1009 = arith.addi %iota3A, %add3A_1008 : vector<16xi32>
      %swap3A_1010 = arith.index_cast %min3A_1003 : i32 to index
      %swap3A_1011 = tpu.vector_load %arg8[%swap3A_1010] masked %ge3A_1006 {strides = array<i32>} : memref<80xi32, #tpu.memory_space<vmem>>, vector<16xi32>, vector<16xi1>
      tpu.vector_store %arg8[%swap3A_1010], %add3A_1009 masked %ge3A_1006 {strides = array<i32>} : memref<80xi32, #tpu.memory_space<vmem>>, vector<16xi32>, vector<16xi1>
      %all_reduce_population_count3A_1012 = tpu.all_reduce %ge3A_1006 {dim = 0 : i64, kind = #tpu.reduction_kind<sum>} : vector<16xi1> -> vector<16xi32>
      %slice3A_1013 = vector.extract_strided_slice %all_reduce_population_count3A_1012 {offsets = [0], sizes = [1], strides = [1]} : vector<16xi32> to vector<1xi32>
      %squeeze3A_1014 = vector.extract %slice3A_1013[0] : i32 from vector<1xi32>
      %add3A_1015 = arith.addi %min3A_1003, %squeeze3A_1014 : i32
      %min3A_1016 = arith.constant 64 : i32
      %min3A_1017 = arith.minsi %add3A_1015, %min3A_1016 : i32
      %get3A_1018 = arith.constant 336 : index
      %get3A_1019 = tpu.vector_load %arg6[%get3A_1018] {strides = array<i32>} : memref<896xf32, #tpu.memory_space<vmem>>, vector<16xf32>,
      %ge3A_1020 = arith.cmpf oge, %get3A_1019, %bitcast_convert_type3A_725 : vector<16xf32>
      %add3A_1021 = arith.constant 336 : i32
      %add3A_1022 = vector.broadcast %add3A_1021 : i32 to vector<16xi32>
      %add3A_1023 = arith.addi %iota3A, %add3A_1022 : vector<16xi32>
      %swap3A_1024 = arith.index_cast %min3A_1017 : i32 to index
      %swap3A_1025 = tpu.vector_load %arg8[%swap3A_1024] masked %ge3A_1020 {strides = array<i32>} : memref<80xi32, #tpu.memory_space<vmem>>, vector<16xi32>, vector<16xi1>
      tpu.vector_store %arg8[%swap3A_1024], %add3A_1023 masked %ge3A_1020 {strides = array<i32>} : memref<80xi32, #tpu.memory_space<vmem>>, vector<16xi32>, vector<16xi1>
      %all_reduce_population_count3A_1026 = tpu.all_reduce %ge3A_1020 {dim = 0 : i64, kind = #tpu.reduction_kind<sum>} : vector<16xi1> -> vector<16xi32>
      %slice3A_1027 = vector.extract_strided_slice %all_reduce_population_count3A_1026 {offsets = [0], sizes = [1], strides = [1]} : vector<16xi32> to vector<1xi32>
      %squeeze3A_1028 = vector.extract %slice3A_1027[0] : i32 from vector<1xi32>
      %add3A_1029 = arith.addi %min3A_1017, %squeeze3A_1028 : i32
      %min3A_1030 = arith.constant 64 : i32
      %min3A_1031 = arith.minsi %add3A_1029, %min3A_1030 : i32
      %get3A_1032 = arith.constant 352 : index
      %get3A_1033 = tpu.vector_load %arg6[%get3A_1032] {strides = array<i32>} : memref<896xf32, #tpu.memory_space<vmem>>, vector<16xf32>,
      %ge3A_1034 = arith.cmpf oge, %get3A_1033, %bitcast_convert_type3A_725 : vector<16xf32>
      %add3A_1035 = arith.constant 352 : i32
      %add3A_1036 = vector.broadcast %add3A_1035 : i32 to vector<16xi32>
      %add3A_1037 = arith.addi %iota3A, %add3A_1036 : vector<16xi32>
      %swap3A_1038 = arith.index_cast %min3A_1031 : i32 to index
      %swap3A_1039 = tpu.vector_load %arg8[%swap3A_1038] masked %ge3A_1034 {strides = array<i32>} : memref<80xi32, #tpu.memory_space<vmem>>, vector<16xi32>, vector<16xi1>
      tpu.vector_store %arg8[%swap3A_1038], %add3A_1037 masked %ge3A_1034 {strides = array<i32>} : memref<80xi32, #tpu.memory_space<vmem>>, vector<16xi32>, vector<16xi1>
      %all_reduce_population_count3A_1040 = tpu.all_reduce %ge3A_1034 {dim = 0 : i64, kind = #tpu.reduction_kind<sum>} : vector<16xi1> -> vector<16xi32>
      %slice3A_1041 = vector.extract_strided_slice %all_reduce_population_count3A_1040 {offsets = [0], sizes = [1], strides = [1]} : vector<16xi32> to vector<1xi32>
      %squeeze3A_1042 = vector.extract %slice3A_1041[0] : i32 from vector<1xi32>
      %add3A_1043 = arith.addi %min3A_1031, %squeeze3A_1042 : i32
      %min3A_1044 = arith.constant 64 : i32
      %min3A_1045 = arith.minsi %add3A_1043, %min3A_1044 : i32
      %get3A_1046 = arith.constant 368 : index
      %get3A_1047 = tpu.vector_load %arg6[%get3A_1046] {strides = array<i32>} : memref<896xf32, #tpu.memory_space<vmem>>, vector<16xf32>,
      %ge3A_1048 = arith.cmpf oge, %get3A_1047, %bitcast_convert_type3A_725 : vector<16xf32>
      %add3A_1049 = arith.constant 368 : i32
      %add3A_1050 = vector.broadcast %add3A_1049 : i32 to vector<16xi32>
      %add3A_1051 = arith.addi %iota3A, %add3A_1050 : vector<16xi32>
      %swap3A_1052 = arith.index_cast %min3A_1045 : i32 to index
      %swap3A_1053 = tpu.vector_load %arg8[%swap3A_1052] masked %ge3A_1048 {strides = array<i32>} : memref<80xi32, #tpu.memory_space<vmem>>, vector<16xi32>, vector<16xi1>
      tpu.vector_store %arg8[%swap3A_1052], %add3A_1051 masked %ge3A_1048 {strides = array<i32>} : memref<80xi32, #tpu.memory_space<vmem>>, vector<16xi32>, vector<16xi1>
      %all_reduce_population_count3A_1054 = tpu.all_reduce %ge3A_1048 {dim = 0 : i64, kind = #tpu.reduction_kind<sum>} : vector<16xi1> -> vector<16xi32>
      %slice3A_1055 = vector.extract_strided_slice %all_reduce_population_count3A_1054 {offsets = [0], sizes = [1], strides = [1]} : vector<16xi32> to vector<1xi32>
      %squeeze3A_1056 = vector.extract %slice3A_1055[0] : i32 from vector<1xi32>
      %add3A_1057 = arith.addi %min3A_1045, %squeeze3A_1056 : i32
      %min3A_1058 = arith.constant 64 : i32
      %min3A_1059 = arith.minsi %add3A_1057, %min3A_1058 : i32
      %get3A_1060 = arith.constant 384 : index
      %get3A_1061 = tpu.vector_load %arg6[%get3A_1060] {strides = array<i32>} : memref<896xf32, #tpu.memory_space<vmem>>, vector<16xf32>,
      %ge3A_1062 = arith.cmpf oge, %get3A_1061, %bitcast_convert_type3A_725 : vector<16xf32>
      %add3A_1063 = arith.constant 384 : i32
      %add3A_1064 = vector.broadcast %add3A_1063 : i32 to vector<16xi32>
      %add3A_1065 = arith.addi %iota3A, %add3A_1064 : vector<16xi32>
      %swap3A_1066 = arith.index_cast %min3A_1059 : i32 to index
      %swap3A_1067 = tpu.vector_load %arg8[%swap3A_1066] masked %ge3A_1062 {strides = array<i32>} : memref<80xi32, #tpu.memory_space<vmem>>, vector<16xi32>, vector<16xi1>
      tpu.vector_store %arg8[%swap3A_1066], %add3A_1065 masked %ge3A_1062 {strides = array<i32>} : memref<80xi32, #tpu.memory_space<vmem>>, vector<16xi32>, vector<16xi1>
      %all_reduce_population_count3A_1068 = tpu.all_reduce %ge3A_1062 {dim = 0 : i64, kind = #tpu.reduction_kind<sum>} : vector<16xi1> -> vector<16xi32>
      %slice3A_1069 = vector.extract_strided_slice %all_reduce_population_count3A_1068 {offsets = [0], sizes = [1], strides = [1]} : vector<16xi32> to vector<1xi32>
      %squeeze3A_1070 = vector.extract %slice3A_1069[0] : i32 from vector<1xi32>
      %add3A_1071 = arith.addi %min3A_1059, %squeeze3A_1070 : i32
      %min3A_1072 = arith.constant 64 : i32
      %min3A_1073 = arith.minsi %add3A_1071, %min3A_1072 : i32
      %get3A_1074 = arith.constant 400 : index
      %get3A_1075 = tpu.vector_load %arg6[%get3A_1074] {strides = array<i32>} : memref<896xf32, #tpu.memory_space<vmem>>, vector<16xf32>,
      %ge3A_1076 = arith.cmpf oge, %get3A_1075, %bitcast_convert_type3A_725 : vector<16xf32>
      %add3A_1077 = arith.constant 400 : i32
      %add3A_1078 = vector.broadcast %add3A_1077 : i32 to vector<16xi32>
      %add3A_1079 = arith.addi %iota3A, %add3A_1078 : vector<16xi32>
      %swap3A_1080 = arith.index_cast %min3A_1073 : i32 to index
      %swap3A_1081 = tpu.vector_load %arg8[%swap3A_1080] masked %ge3A_1076 {strides = array<i32>} : memref<80xi32, #tpu.memory_space<vmem>>, vector<16xi32>, vector<16xi1>
      tpu.vector_store %arg8[%swap3A_1080], %add3A_1079 masked %ge3A_1076 {strides = array<i32>} : memref<80xi32, #tpu.memory_space<vmem>>, vector<16xi32>, vector<16xi1>
      %all_reduce_population_count3A_1082 = tpu.all_reduce %ge3A_1076 {dim = 0 : i64, kind = #tpu.reduction_kind<sum>} : vector<16xi1> -> vector<16xi32>
      %slice3A_1083 = vector.extract_strided_slice %all_reduce_population_count3A_1082 {offsets = [0], sizes = [1], strides = [1]} : vector<16xi32> to vector<1xi32>
      %squeeze3A_1084 = vector.extract %slice3A_1083[0] : i32 from vector<1xi32>
      %add3A_1085 = arith.addi %min3A_1073, %squeeze3A_1084 : i32
      %min3A_1086 = arith.constant 64 : i32
      %min3A_1087 = arith.minsi %add3A_1085, %min3A_1086 : i32
      %get3A_1088 = arith.constant 416 : index
      %get3A_1089 = tpu.vector_load %arg6[%get3A_1088] {strides = array<i32>} : memref<896xf32, #tpu.memory_space<vmem>>, vector<16xf32>,
      %ge3A_1090 = arith.cmpf oge, %get3A_1089, %bitcast_convert_type3A_725 : vector<16xf32>
      %add3A_1091 = arith.constant 416 : i32
      %add3A_1092 = vector.broadcast %add3A_1091 : i32 to vector<16xi32>
      %add3A_1093 = arith.addi %iota3A, %add3A_1092 : vector<16xi32>
      %swap3A_1094 = arith.index_cast %min3A_1087 : i32 to index
      %swap3A_1095 = tpu.vector_load %arg8[%swap3A_1094] masked %ge3A_1090 {strides = array<i32>} : memref<80xi32, #tpu.memory_space<vmem>>, vector<16xi32>, vector<16xi1>
      tpu.vector_store %arg8[%swap3A_1094], %add3A_1093 masked %ge3A_1090 {strides = array<i32>} : memref<80xi32, #tpu.memory_space<vmem>>, vector<16xi32>, vector<16xi1>
      %all_reduce_population_count3A_1096 = tpu.all_reduce %ge3A_1090 {dim = 0 : i64, kind = #tpu.reduction_kind<sum>} : vector<16xi1> -> vector<16xi32>
      %slice3A_1097 = vector.extract_strided_slice %all_reduce_population_count3A_1096 {offsets = [0], sizes = [1], strides = [1]} : vector<16xi32> to vector<1xi32>
      %squeeze3A_1098 = vector.extract %slice3A_1097[0] : i32 from vector<1xi32>
      %add3A_1099 = arith.addi %min3A_1087, %squeeze3A_1098 : i32
      %min3A_1100 = arith.constant 64 : i32
      %min3A_1101 = arith.minsi %add3A_1099, %min3A_1100 : i32
      %get3A_1102 = arith.constant 432 : index
      %get3A_1103 = tpu.vector_load %arg6[%get3A_1102] {strides = array<i32>} : memref<896xf32, #tpu.memory_space<vmem>>, vector<16xf32>,
      %ge3A_1104 = arith.cmpf oge, %get3A_1103, %bitcast_convert_type3A_725 : vector<16xf32>
      %add3A_1105 = arith.constant 432 : i32
      %add3A_1106 = vector.broadcast %add3A_1105 : i32 to vector<16xi32>
      %add3A_1107 = arith.addi %iota3A, %add3A_1106 : vector<16xi32>
      %swap3A_1108 = arith.index_cast %min3A_1101 : i32 to index
      %swap3A_1109 = tpu.vector_load %arg8[%swap3A_1108] masked %ge3A_1104 {strides = array<i32>} : memref<80xi32, #tpu.memory_space<vmem>>, vector<16xi32>, vector<16xi1>
      tpu.vector_store %arg8[%swap3A_1108], %add3A_1107 masked %ge3A_1104 {strides = array<i32>} : memref<80xi32, #tpu.memory_space<vmem>>, vector<16xi32>, vector<16xi1>
      %all_reduce_population_count3A_1110 = tpu.all_reduce %ge3A_1104 {dim = 0 : i64, kind = #tpu.reduction_kind<sum>} : vector<16xi1> -> vector<16xi32>
      %slice3A_1111 = vector.extract_strided_slice %all_reduce_population_count3A_1110 {offsets = [0], sizes = [1], strides = [1]} : vector<16xi32> to vector<1xi32>
      %squeeze3A_1112 = vector.extract %slice3A_1111[0] : i32 from vector<1xi32>
      %add3A_1113 = arith.addi %min3A_1101, %squeeze3A_1112 : i32
      %min3A_1114 = arith.constant 64 : i32
      %min3A_1115 = arith.minsi %add3A_1113, %min3A_1114 : i32
      %get3A_1116 = arith.constant 448 : index
      %get3A_1117 = tpu.vector_load %arg6[%get3A_1116] {strides = array<i32>} : memref<896xf32, #tpu.memory_space<vmem>>, vector<16xf32>,
      %ge3A_1118 = arith.cmpf oge, %get3A_1117, %bitcast_convert_type3A_725 : vector<16xf32>
      %add3A_1119 = arith.constant 448 : i32
      %add3A_1120 = vector.broadcast %add3A_1119 : i32 to vector<16xi32>
      %add3A_1121 = arith.addi %iota3A, %add3A_1120 : vector<16xi32>
      %swap3A_1122 = arith.index_cast %min3A_1115 : i32 to index
      %swap3A_1123 = tpu.vector_load %arg8[%swap3A_1122] masked %ge3A_1118 {strides = array<i32>} : memref<80xi32, #tpu.memory_space<vmem>>, vector<16xi32>, vector<16xi1>
      tpu.vector_store %arg8[%swap3A_1122], %add3A_1121 masked %ge3A_1118 {strides = array<i32>} : memref<80xi32, #tpu.memory_space<vmem>>, vector<16xi32>, vector<16xi1>
      %all_reduce_population_count3A_1124 = tpu.all_reduce %ge3A_1118 {dim = 0 : i64, kind = #tpu.reduction_kind<sum>} : vector<16xi1> -> vector<16xi32>
      %slice3A_1125 = vector.extract_strided_slice %all_reduce_population_count3A_1124 {offsets = [0], sizes = [1], strides = [1]} : vector<16xi32> to vector<1xi32>
      %squeeze3A_1126 = vector.extract %slice3A_1125[0] : i32 from vector<1xi32>
      %add3A_1127 = arith.addi %min3A_1115, %squeeze3A_1126 : i32
      %min3A_1128 = arith.constant 64 : i32
      %min3A_1129 = arith.minsi %add3A_1127, %min3A_1128 : i32
      %get3A_1130 = arith.constant 464 : index
      %get3A_1131 = tpu.vector_load %arg6[%get3A_1130] {strides = array<i32>} : memref<896xf32, #tpu.memory_space<vmem>>, vector<16xf32>,
      %ge3A_1132 = arith.cmpf oge, %get3A_1131, %bitcast_convert_type3A_725 : vector<16xf32>
      %add3A_1133 = arith.constant 464 : i32
      %add3A_1134 = vector.broadcast %add3A_1133 : i32 to vector<16xi32>
      %add3A_1135 = arith.addi %iota3A, %add3A_1134 : vector<16xi32>
      %swap3A_1136 = arith.index_cast %min3A_1129 : i32 to index
      %swap3A_1137 = tpu.vector_load %arg8[%swap3A_1136] masked %ge3A_1132 {strides = array<i32>} : memref<80xi32, #tpu.memory_space<vmem>>, vector<16xi32>, vector<16xi1>
      tpu.vector_store %arg8[%swap3A_1136], %add3A_1135 masked %ge3A_1132 {strides = array<i32>} : memref<80xi32, #tpu.memory_space<vmem>>, vector<16xi32>, vector<16xi1>
      %all_reduce_population_count3A_1138 = tpu.all_reduce %ge3A_1132 {dim = 0 : i64, kind = #tpu.reduction_kind<sum>} : vector<16xi1> -> vector<16xi32>
      %slice3A_1139 = vector.extract_strided_slice %all_reduce_population_count3A_1138 {offsets = [0], sizes = [1], strides = [1]} : vector<16xi32> to vector<1xi32>
      %squeeze3A_1140 = vector.extract %slice3A_1139[0] : i32 from vector<1xi32>
      %add3A_1141 = arith.addi %min3A_1129, %squeeze3A_1140 : i32
      %min3A_1142 = arith.constant 64 : i32
      %min3A_1143 = arith.minsi %add3A_1141, %min3A_1142 : i32
      %get3A_1144 = arith.constant 480 : index
      %get3A_1145 = tpu.vector_load %arg6[%get3A_1144] {strides = array<i32>} : memref<896xf32, #tpu.memory_space<vmem>>, vector<16xf32>,
      %ge3A_1146 = arith.cmpf oge, %get3A_1145, %bitcast_convert_type3A_725 : vector<16xf32>
      %add3A_1147 = arith.constant 480 : i32
      %add3A_1148 = vector.broadcast %add3A_1147 : i32 to vector<16xi32>
      %add3A_1149 = arith.addi %iota3A, %add3A_1148 : vector<16xi32>
      %swap3A_1150 = arith.index_cast %min3A_1143 : i32 to index
      %swap3A_1151 = tpu.vector_load %arg8[%swap3A_1150] masked %ge3A_1146 {strides = array<i32>} : memref<80xi32, #tpu.memory_space<vmem>>, vector<16xi32>, vector<16xi1>
      tpu.vector_store %arg8[%swap3A_1150], %add3A_1149 masked %ge3A_1146 {strides = array<i32>} : memref<80xi32, #tpu.memory_space<vmem>>, vector<16xi32>, vector<16xi1>
      %all_reduce_population_count3A_1152 = tpu.all_reduce %ge3A_1146 {dim = 0 : i64, kind = #tpu.reduction_kind<sum>} : vector<16xi1> -> vector<16xi32>
      %slice3A_1153 = vector.extract_strided_slice %all_reduce_population_count3A_1152 {offsets = [0], sizes = [1], strides = [1]} : vector<16xi32> to vector<1xi32>
      %squeeze3A_1154 = vector.extract %slice3A_1153[0] : i32 from vector<1xi32>
      %add3A_1155 = arith.addi %min3A_1143, %squeeze3A_1154 : i32
      %min3A_1156 = arith.constant 64 : i32
      %min3A_1157 = arith.minsi %add3A_1155, %min3A_1156 : i32
      %get3A_1158 = arith.constant 496 : index
      %get3A_1159 = tpu.vector_load %arg6[%get3A_1158] {strides = array<i32>} : memref<896xf32, #tpu.memory_space<vmem>>, vector<16xf32>,
      %ge3A_1160 = arith.cmpf oge, %get3A_1159, %bitcast_convert_type3A_725 : vector<16xf32>
      %add3A_1161 = arith.constant 496 : i32
      %add3A_1162 = vector.broadcast %add3A_1161 : i32 to vector<16xi32>
      %add3A_1163 = arith.addi %iota3A, %add3A_1162 : vector<16xi32>
      %swap3A_1164 = arith.index_cast %min3A_1157 : i32 to index
      %swap3A_1165 = tpu.vector_load %arg8[%swap3A_1164] masked %ge3A_1160 {strides = array<i32>} : memref<80xi32, #tpu.memory_space<vmem>>, vector<16xi32>, vector<16xi1>
      tpu.vector_store %arg8[%swap3A_1164], %add3A_1163 masked %ge3A_1160 {strides = array<i32>} : memref<80xi32, #tpu.memory_space<vmem>>, vector<16xi32>, vector<16xi1>
      %all_reduce_population_count3A_1166 = tpu.all_reduce %ge3A_1160 {dim = 0 : i64, kind = #tpu.reduction_kind<sum>} : vector<16xi1> -> vector<16xi32>
      %slice3A_1167 = vector.extract_strided_slice %all_reduce_population_count3A_1166 {offsets = [0], sizes = [1], strides = [1]} : vector<16xi32> to vector<1xi32>
      %squeeze3A_1168 = vector.extract %slice3A_1167[0] : i32 from vector<1xi32>
      %add3A_1169 = arith.addi %min3A_1157, %squeeze3A_1168 : i32
      %min3A_1170 = arith.constant 64 : i32
      %min3A_1171 = arith.minsi %add3A_1169, %min3A_1170 : i32
      %get3A_1172 = arith.constant 512 : index
      %get3A_1173 = tpu.vector_load %arg6[%get3A_1172] {strides = array<i32>} : memref<896xf32, #tpu.memory_space<vmem>>, vector<16xf32>,
      %ge3A_1174 = arith.cmpf oge, %get3A_1173, %bitcast_convert_type3A_725 : vector<16xf32>
      %add3A_1175 = arith.constant 512 : i32
      %add3A_1176 = vector.broadcast %add3A_1175 : i32 to vector<16xi32>
      %add3A_1177 = arith.addi %iota3A, %add3A_1176 : vector<16xi32>
      %swap3A_1178 = arith.index_cast %min3A_1171 : i32 to index
      %swap3A_1179 = tpu.vector_load %arg8[%swap3A_1178] masked %ge3A_1174 {strides = array<i32>} : memref<80xi32, #tpu.memory_space<vmem>>, vector<16xi32>, vector<16xi1>
      tpu.vector_store %arg8[%swap3A_1178], %add3A_1177 masked %ge3A_1174 {strides = array<i32>} : memref<80xi32, #tpu.memory_space<vmem>>, vector<16xi32>, vector<16xi1>
      %all_reduce_population_count3A_1180 = tpu.all_reduce %ge3A_1174 {dim = 0 : i64, kind = #tpu.reduction_kind<sum>} : vector<16xi1> -> vector<16xi32>
      %slice3A_1181 = vector.extract_strided_slice %all_reduce_population_count3A_1180 {offsets = [0], sizes = [1], strides = [1]} : vector<16xi32> to vector<1xi32>
      %squeeze3A_1182 = vector.extract %slice3A_1181[0] : i32 from vector<1xi32>
      %add3A_1183 = arith.addi %min3A_1171, %squeeze3A_1182 : i32
      %min3A_1184 = arith.constant 64 : i32
      %min3A_1185 = arith.minsi %add3A_1183, %min3A_1184 : i32
      %get3A_1186 = arith.constant 528 : index
      %get3A_1187 = tpu.vector_load %arg6[%get3A_1186] {strides = array<i32>} : memref<896xf32, #tpu.memory_space<vmem>>, vector<16xf32>,
      %ge3A_1188 = arith.cmpf oge, %get3A_1187, %bitcast_convert_type3A_725 : vector<16xf32>
      %add3A_1189 = arith.constant 528 : i32
      %add3A_1190 = vector.broadcast %add3A_1189 : i32 to vector<16xi32>
      %add3A_1191 = arith.addi %iota3A, %add3A_1190 : vector<16xi32>
      %swap3A_1192 = arith.index_cast %min3A_1185 : i32 to index
      %swap3A_1193 = tpu.vector_load %arg8[%swap3A_1192] masked %ge3A_1188 {strides = array<i32>} : memref<80xi32, #tpu.memory_space<vmem>>, vector<16xi32>, vector<16xi1>
      tpu.vector_store %arg8[%swap3A_1192], %add3A_1191 masked %ge3A_1188 {strides = array<i32>} : memref<80xi32, #tpu.memory_space<vmem>>, vector<16xi32>, vector<16xi1>
      %all_reduce_population_count3A_1194 = tpu.all_reduce %ge3A_1188 {dim = 0 : i64, kind = #tpu.reduction_kind<sum>} : vector<16xi1> -> vector<16xi32>
      %slice3A_1195 = vector.extract_strided_slice %all_reduce_population_count3A_1194 {offsets = [0], sizes = [1], strides = [1]} : vector<16xi32> to vector<1xi32>
      %squeeze3A_1196 = vector.extract %slice3A_1195[0] : i32 from vector<1xi32>
      %add3A_1197 = arith.addi %min3A_1185, %squeeze3A_1196 : i32
      %min3A_1198 = arith.constant 64 : i32
      %min3A_1199 = arith.minsi %add3A_1197, %min3A_1198 : i32
      %get3A_1200 = arith.constant 544 : index
      %get3A_1201 = tpu.vector_load %arg6[%get3A_1200] {strides = array<i32>} : memref<896xf32, #tpu.memory_space<vmem>>, vector<16xf32>,
      %ge3A_1202 = arith.cmpf oge, %get3A_1201, %bitcast_convert_type3A_725 : vector<16xf32>
      %add3A_1203 = arith.constant 544 : i32
      %add3A_1204 = vector.broadcast %add3A_1203 : i32 to vector<16xi32>
      %add3A_1205 = arith.addi %iota3A, %add3A_1204 : vector<16xi32>
      %swap3A_1206 = arith.index_cast %min3A_1199 : i32 to index
      %swap3A_1207 = tpu.vector_load %arg8[%swap3A_1206] masked %ge3A_1202 {strides = array<i32>} : memref<80xi32, #tpu.memory_space<vmem>>, vector<16xi32>, vector<16xi1>
      tpu.vector_store %arg8[%swap3A_1206], %add3A_1205 masked %ge3A_1202 {strides = array<i32>} : memref<80xi32, #tpu.memory_space<vmem>>, vector<16xi32>, vector<16xi1>
      %all_reduce_population_count3A_1208 = tpu.all_reduce %ge3A_1202 {dim = 0 : i64, kind = #tpu.reduction_kind<sum>} : vector<16xi1> -> vector<16xi32>
      %slice3A_1209 = vector.extract_strided_slice %all_reduce_population_count3A_1208 {offsets = [0], sizes = [1], strides = [1]} : vector<16xi32> to vector<1xi32>
      %squeeze3A_1210 = vector.extract %slice3A_1209[0] : i32 from vector<1xi32>
      %add3A_1211 = arith.addi %min3A_1199, %squeeze3A_1210 : i32
      %min3A_1212 = arith.constant 64 : i32
      %min3A_1213 = arith.minsi %add3A_1211, %min3A_1212 : i32
      %get3A_1214 = arith.constant 560 : index
      %get3A_1215 = tpu.vector_load %arg6[%get3A_1214] {strides = array<i32>} : memref<896xf32, #tpu.memory_space<vmem>>, vector<16xf32>,
      %ge3A_1216 = arith.cmpf oge, %get3A_1215, %bitcast_convert_type3A_725 : vector<16xf32>
      %add3A_1217 = arith.constant 560 : i32
      %add3A_1218 = vector.broadcast %add3A_1217 : i32 to vector<16xi32>
      %add3A_1219 = arith.addi %iota3A, %add3A_1218 : vector<16xi32>
      %swap3A_1220 = arith.index_cast %min3A_1213 : i32 to index
      %swap3A_1221 = tpu.vector_load %arg8[%swap3A_1220] masked %ge3A_1216 {strides = array<i32>} : memref<80xi32, #tpu.memory_space<vmem>>, vector<16xi32>, vector<16xi1>
      tpu.vector_store %arg8[%swap3A_1220], %add3A_1219 masked %ge3A_1216 {strides = array<i32>} : memref<80xi32, #tpu.memory_space<vmem>>, vector<16xi32>, vector<16xi1>
      %all_reduce_population_count3A_1222 = tpu.all_reduce %ge3A_1216 {dim = 0 : i64, kind = #tpu.reduction_kind<sum>} : vector<16xi1> -> vector<16xi32>
      %slice3A_1223 = vector.extract_strided_slice %all_reduce_population_count3A_1222 {offsets = [0], sizes = [1], strides = [1]} : vector<16xi32> to vector<1xi32>
      %squeeze3A_1224 = vector.extract %slice3A_1223[0] : i32 from vector<1xi32>
      %add3A_1225 = arith.addi %min3A_1213, %squeeze3A_1224 : i32
      %min3A_1226 = arith.constant 64 : i32
      %min3A_1227 = arith.minsi %add3A_1225, %min3A_1226 : i32
      %get3A_1228 = arith.constant 576 : index
      %get3A_1229 = tpu.vector_load %arg6[%get3A_1228] {strides = array<i32>} : memref<896xf32, #tpu.memory_space<vmem>>, vector<16xf32>,
      %ge3A_1230 = arith.cmpf oge, %get3A_1229, %bitcast_convert_type3A_725 : vector<16xf32>
      %add3A_1231 = arith.constant 576 : i32
      %add3A_1232 = vector.broadcast %add3A_1231 : i32 to vector<16xi32>
      %add3A_1233 = arith.addi %iota3A, %add3A_1232 : vector<16xi32>
      %swap3A_1234 = arith.index_cast %min3A_1227 : i32 to index
      %swap3A_1235 = tpu.vector_load %arg8[%swap3A_1234] masked %ge3A_1230 {strides = array<i32>} : memref<80xi32, #tpu.memory_space<vmem>>, vector<16xi32>, vector<16xi1>
      tpu.vector_store %arg8[%swap3A_1234], %add3A_1233 masked %ge3A_1230 {strides = array<i32>} : memref<80xi32, #tpu.memory_space<vmem>>, vector<16xi32>, vector<16xi1>
      %all_reduce_population_count3A_1236 = tpu.all_reduce %ge3A_1230 {dim = 0 : i64, kind = #tpu.reduction_kind<sum>} : vector<16xi1> -> vector<16xi32>
      %slice3A_1237 = vector.extract_strided_slice %all_reduce_population_count3A_1236 {offsets = [0], sizes = [1], strides = [1]} : vector<16xi32> to vector<1xi32>
      %squeeze3A_1238 = vector.extract %slice3A_1237[0] : i32 from vector<1xi32>
      %add3A_1239 = arith.addi %min3A_1227, %squeeze3A_1238 : i32
      %min3A_1240 = arith.constant 64 : i32
      %min3A_1241 = arith.minsi %add3A_1239, %min3A_1240 : i32
      %get3A_1242 = arith.constant 592 : index
      %get3A_1243 = tpu.vector_load %arg6[%get3A_1242] {strides = array<i32>} : memref<896xf32, #tpu.memory_space<vmem>>, vector<16xf32>,
      %ge3A_1244 = arith.cmpf oge, %get3A_1243, %bitcast_convert_type3A_725 : vector<16xf32>
      %add3A_1245 = arith.constant 592 : i32
      %add3A_1246 = vector.broadcast %add3A_1245 : i32 to vector<16xi32>
      %add3A_1247 = arith.addi %iota3A, %add3A_1246 : vector<16xi32>
      %swap3A_1248 = arith.index_cast %min3A_1241 : i32 to index
      %swap3A_1249 = tpu.vector_load %arg8[%swap3A_1248] masked %ge3A_1244 {strides = array<i32>} : memref<80xi32, #tpu.memory_space<vmem>>, vector<16xi32>, vector<16xi1>
      tpu.vector_store %arg8[%swap3A_1248], %add3A_1247 masked %ge3A_1244 {strides = array<i32>} : memref<80xi32, #tpu.memory_space<vmem>>, vector<16xi32>, vector<16xi1>
      %all_reduce_population_count3A_1250 = tpu.all_reduce %ge3A_1244 {dim = 0 : i64, kind = #tpu.reduction_kind<sum>} : vector<16xi1> -> vector<16xi32>
      %slice3A_1251 = vector.extract_strided_slice %all_reduce_population_count3A_1250 {offsets = [0], sizes = [1], strides = [1]} : vector<16xi32> to vector<1xi32>
      %squeeze3A_1252 = vector.extract %slice3A_1251[0] : i32 from vector<1xi32>
      %add3A_1253 = arith.addi %min3A_1241, %squeeze3A_1252 : i32
      %min3A_1254 = arith.constant 64 : i32
      %min3A_1255 = arith.minsi %add3A_1253, %min3A_1254 : i32
      %get3A_1256 = arith.constant 608 : index
      %get3A_1257 = tpu.vector_load %arg6[%get3A_1256] {strides = array<i32>} : memref<896xf32, #tpu.memory_space<vmem>>, vector<16xf32>,
      %ge3A_1258 = arith.cmpf oge, %get3A_1257, %bitcast_convert_type3A_725 : vector<16xf32>
      %add3A_1259 = arith.constant 608 : i32
      %add3A_1260 = vector.broadcast %add3A_1259 : i32 to vector<16xi32>
      %add3A_1261 = arith.addi %iota3A, %add3A_1260 : vector<16xi32>
      %swap3A_1262 = arith.index_cast %min3A_1255 : i32 to index
      %swap3A_1263 = tpu.vector_load %arg8[%swap3A_1262] masked %ge3A_1258 {strides = array<i32>} : memref<80xi32, #tpu.memory_space<vmem>>, vector<16xi32>, vector<16xi1>
      tpu.vector_store %arg8[%swap3A_1262], %add3A_1261 masked %ge3A_1258 {strides = array<i32>} : memref<80xi32, #tpu.memory_space<vmem>>, vector<16xi32>, vector<16xi1>
      %all_reduce_population_count3A_1264 = tpu.all_reduce %ge3A_1258 {dim = 0 : i64, kind = #tpu.reduction_kind<sum>} : vector<16xi1> -> vector<16xi32>
      %slice3A_1265 = vector.extract_strided_slice %all_reduce_population_count3A_1264 {offsets = [0], sizes = [1], strides = [1]} : vector<16xi32> to vector<1xi32>
      %squeeze3A_1266 = vector.extract %slice3A_1265[0] : i32 from vector<1xi32>
      %add3A_1267 = arith.addi %min3A_1255, %squeeze3A_1266 : i32
      %min3A_1268 = arith.constant 64 : i32
      %min3A_1269 = arith.minsi %add3A_1267, %min3A_1268 : i32
      %get3A_1270 = arith.constant 624 : index
      %get3A_1271 = tpu.vector_load %arg6[%get3A_1270] {strides = array<i32>} : memref<896xf32, #tpu.memory_space<vmem>>, vector<16xf32>,
      %ge3A_1272 = arith.cmpf oge, %get3A_1271, %bitcast_convert_type3A_725 : vector<16xf32>
      %add3A_1273 = arith.constant 624 : i32
      %add3A_1274 = vector.broadcast %add3A_1273 : i32 to vector<16xi32>
      %add3A_1275 = arith.addi %iota3A, %add3A_1274 : vector<16xi32>
      %swap3A_1276 = arith.index_cast %min3A_1269 : i32 to index
      %swap3A_1277 = tpu.vector_load %arg8[%swap3A_1276] masked %ge3A_1272 {strides = array<i32>} : memref<80xi32, #tpu.memory_space<vmem>>, vector<16xi32>, vector<16xi1>
      tpu.vector_store %arg8[%swap3A_1276], %add3A_1275 masked %ge3A_1272 {strides = array<i32>} : memref<80xi32, #tpu.memory_space<vmem>>, vector<16xi32>, vector<16xi1>
      %all_reduce_population_count3A_1278 = tpu.all_reduce %ge3A_1272 {dim = 0 : i64, kind = #tpu.reduction_kind<sum>} : vector<16xi1> -> vector<16xi32>
      %slice3A_1279 = vector.extract_strided_slice %all_reduce_population_count3A_1278 {offsets = [0], sizes = [1], strides = [1]} : vector<16xi32> to vector<1xi32>
      %squeeze3A_1280 = vector.extract %slice3A_1279[0] : i32 from vector<1xi32>
      %add3A_1281 = arith.addi %min3A_1269, %squeeze3A_1280 : i32
      %min3A_1282 = arith.constant 64 : i32
      %min3A_1283 = arith.minsi %add3A_1281, %min3A_1282 : i32
      %get3A_1284 = arith.constant 640 : index
      %get3A_1285 = tpu.vector_load %arg6[%get3A_1284] {strides = array<i32>} : memref<896xf32, #tpu.memory_space<vmem>>, vector<16xf32>,
      %ge3A_1286 = arith.cmpf oge, %get3A_1285, %bitcast_convert_type3A_725 : vector<16xf32>
      %add3A_1287 = arith.constant 640 : i32
      %add3A_1288 = vector.broadcast %add3A_1287 : i32 to vector<16xi32>
      %add3A_1289 = arith.addi %iota3A, %add3A_1288 : vector<16xi32>
      %swap3A_1290 = arith.index_cast %min3A_1283 : i32 to index
      %swap3A_1291 = tpu.vector_load %arg8[%swap3A_1290] masked %ge3A_1286 {strides = array<i32>} : memref<80xi32, #tpu.memory_space<vmem>>, vector<16xi32>, vector<16xi1>
      tpu.vector_store %arg8[%swap3A_1290], %add3A_1289 masked %ge3A_1286 {strides = array<i32>} : memref<80xi32, #tpu.memory_space<vmem>>, vector<16xi32>, vector<16xi1>
      %all_reduce_population_count3A_1292 = tpu.all_reduce %ge3A_1286 {dim = 0 : i64, kind = #tpu.reduction_kind<sum>} : vector<16xi1> -> vector<16xi32>
      %slice3A_1293 = vector.extract_strided_slice %all_reduce_population_count3A_1292 {offsets = [0], sizes = [1], strides = [1]} : vector<16xi32> to vector<1xi32>
      %squeeze3A_1294 = vector.extract %slice3A_1293[0] : i32 from vector<1xi32>
      %add3A_1295 = arith.addi %min3A_1283, %squeeze3A_1294 : i32
      %min3A_1296 = arith.constant 64 : i32
      %min3A_1297 = arith.minsi %add3A_1295, %min3A_1296 : i32
      %get3A_1298 = arith.constant 656 : index
      %get3A_1299 = tpu.vector_load %arg6[%get3A_1298] {strides = array<i32>} : memref<896xf32, #tpu.memory_space<vmem>>, vector<16xf32>,
      %ge3A_1300 = arith.cmpf oge, %get3A_1299, %bitcast_convert_type3A_725 : vector<16xf32>
      %add3A_1301 = arith.constant 656 : i32
      %add3A_1302 = vector.broadcast %add3A_1301 : i32 to vector<16xi32>
      %add3A_1303 = arith.addi %iota3A, %add3A_1302 : vector<16xi32>
      %swap3A_1304 = arith.index_cast %min3A_1297 : i32 to index
      %swap3A_1305 = tpu.vector_load %arg8[%swap3A_1304] masked %ge3A_1300 {strides = array<i32>} : memref<80xi32, #tpu.memory_space<vmem>>, vector<16xi32>, vector<16xi1>
      tpu.vector_store %arg8[%swap3A_1304], %add3A_1303 masked %ge3A_1300 {strides = array<i32>} : memref<80xi32, #tpu.memory_space<vmem>>, vector<16xi32>, vector<16xi1>
      %all_reduce_population_count3A_1306 = tpu.all_reduce %ge3A_1300 {dim = 0 : i64, kind = #tpu.reduction_kind<sum>} : vector<16xi1> -> vector<16xi32>
      %slice3A_1307 = vector.extract_strided_slice %all_reduce_population_count3A_1306 {offsets = [0], sizes = [1], strides = [1]} : vector<16xi32> to vector<1xi32>
      %squeeze3A_1308 = vector.extract %slice3A_1307[0] : i32 from vector<1xi32>
      %add3A_1309 = arith.addi %min3A_1297, %squeeze3A_1308 : i32
      %min3A_1310 = arith.constant 64 : i32
      %min3A_1311 = arith.minsi %add3A_1309, %min3A_1310 : i32
      %get3A_1312 = arith.constant 672 : index
      %get3A_1313 = tpu.vector_load %arg6[%get3A_1312] {strides = array<i32>} : memref<896xf32, #tpu.memory_space<vmem>>, vector<16xf32>,
      %ge3A_1314 = arith.cmpf oge, %get3A_1313, %bitcast_convert_type3A_725 : vector<16xf32>
      %add3A_1315 = arith.constant 672 : i32
      %add3A_1316 = vector.broadcast %add3A_1315 : i32 to vector<16xi32>
      %add3A_1317 = arith.addi %iota3A, %add3A_1316 : vector<16xi32>
      %swap3A_1318 = arith.index_cast %min3A_1311 : i32 to index
      %swap3A_1319 = tpu.vector_load %arg8[%swap3A_1318] masked %ge3A_1314 {strides = array<i32>} : memref<80xi32, #tpu.memory_space<vmem>>, vector<16xi32>, vector<16xi1>
      tpu.vector_store %arg8[%swap3A_1318], %add3A_1317 masked %ge3A_1314 {strides = array<i32>} : memref<80xi32, #tpu.memory_space<vmem>>, vector<16xi32>, vector<16xi1>
      %all_reduce_population_count3A_1320 = tpu.all_reduce %ge3A_1314 {dim = 0 : i64, kind = #tpu.reduction_kind<sum>} : vector<16xi1> -> vector<16xi32>
      %slice3A_1321 = vector.extract_strided_slice %all_reduce_population_count3A_1320 {offsets = [0], sizes = [1], strides = [1]} : vector<16xi32> to vector<1xi32>
      %squeeze3A_1322 = vector.extract %slice3A_1321[0] : i32 from vector<1xi32>
      %add3A_1323 = arith.addi %min3A_1311, %squeeze3A_1322 : i32
      %min3A_1324 = arith.constant 64 : i32
      %min3A_1325 = arith.minsi %add3A_1323, %min3A_1324 : i32
      %get3A_1326 = arith.constant 688 : index
      %get3A_1327 = tpu.vector_load %arg6[%get3A_1326] {strides = array<i32>} : memref<896xf32, #tpu.memory_space<vmem>>, vector<16xf32>,
      %ge3A_1328 = arith.cmpf oge, %get3A_1327, %bitcast_convert_type3A_725 : vector<16xf32>
      %add3A_1329 = arith.constant 688 : i32
      %add3A_1330 = vector.broadcast %add3A_1329 : i32 to vector<16xi32>
      %add3A_1331 = arith.addi %iota3A, %add3A_1330 : vector<16xi32>
      %swap3A_1332 = arith.index_cast %min3A_1325 : i32 to index
      %swap3A_1333 = tpu.vector_load %arg8[%swap3A_1332] masked %ge3A_1328 {strides = array<i32>} : memref<80xi32, #tpu.memory_space<vmem>>, vector<16xi32>, vector<16xi1>
      tpu.vector_store %arg8[%swap3A_1332], %add3A_1331 masked %ge3A_1328 {strides = array<i32>} : memref<80xi32, #tpu.memory_space<vmem>>, vector<16xi32>, vector<16xi1>
      %all_reduce_population_count3A_1334 = tpu.all_reduce %ge3A_1328 {dim = 0 : i64, kind = #tpu.reduction_kind<sum>} : vector<16xi1> -> vector<16xi32>
      %slice3A_1335 = vector.extract_strided_slice %all_reduce_population_count3A_1334 {offsets = [0], sizes = [1], strides = [1]} : vector<16xi32> to vector<1xi32>
      %squeeze3A_1336 = vector.extract %slice3A_1335[0] : i32 from vector<1xi32>
      %add3A_1337 = arith.addi %min3A_1325, %squeeze3A_1336 : i32
      %min3A_1338 = arith.constant 64 : i32
      %min3A_1339 = arith.minsi %add3A_1337, %min3A_1338 : i32
      %get3A_1340 = arith.constant 704 : index
      %get3A_1341 = tpu.vector_load %arg6[%get3A_1340] {strides = array<i32>} : memref<896xf32, #tpu.memory_space<vmem>>, vector<16xf32>,
      %ge3A_1342 = arith.cmpf oge, %get3A_1341, %bitcast_convert_type3A_725 : vector<16xf32>
      %add3A_1343 = arith.constant 704 : i32
      %add3A_1344 = vector.broadcast %add3A_1343 : i32 to vector<16xi32>
      %add3A_1345 = arith.addi %iota3A, %add3A_1344 : vector<16xi32>
      %swap3A_1346 = arith.index_cast %min3A_1339 : i32 to index
      %swap3A_1347 = tpu.vector_load %arg8[%swap3A_1346] masked %ge3A_1342 {strides = array<i32>} : memref<80xi32, #tpu.memory_space<vmem>>, vector<16xi32>, vector<16xi1>
      tpu.vector_store %arg8[%swap3A_1346], %add3A_1345 masked %ge3A_1342 {strides = array<i32>} : memref<80xi32, #tpu.memory_space<vmem>>, vector<16xi32>, vector<16xi1>
      %all_reduce_population_count3A_1348 = tpu.all_reduce %ge3A_1342 {dim = 0 : i64, kind = #tpu.reduction_kind<sum>} : vector<16xi1> -> vector<16xi32>
      %slice3A_1349 = vector.extract_strided_slice %all_reduce_population_count3A_1348 {offsets = [0], sizes = [1], strides = [1]} : vector<16xi32> to vector<1xi32>
      %squeeze3A_1350 = vector.extract %slice3A_1349[0] : i32 from vector<1xi32>
      %add3A_1351 = arith.addi %min3A_1339, %squeeze3A_1350 : i32
      %min3A_1352 = arith.constant 64 : i32
      %min3A_1353 = arith.minsi %add3A_1351, %min3A_1352 : i32
      %get3A_1354 = arith.constant 720 : index
      %get3A_1355 = tpu.vector_load %arg6[%get3A_1354] {strides = array<i32>} : memref<896xf32, #tpu.memory_space<vmem>>, vector<16xf32>,
      %ge3A_1356 = arith.cmpf oge, %get3A_1355, %bitcast_convert_type3A_725 : vector<16xf32>
      %add3A_1357 = arith.constant 720 : i32
      %add3A_1358 = vector.broadcast %add3A_1357 : i32 to vector<16xi32>
      %add3A_1359 = arith.addi %iota3A, %add3A_1358 : vector<16xi32>
      %swap3A_1360 = arith.index_cast %min3A_1353 : i32 to index
      %swap3A_1361 = tpu.vector_load %arg8[%swap3A_1360] masked %ge3A_1356 {strides = array<i32>} : memref<80xi32, #tpu.memory_space<vmem>>, vector<16xi32>, vector<16xi1>
      tpu.vector_store %arg8[%swap3A_1360], %add3A_1359 masked %ge3A_1356 {strides = array<i32>} : memref<80xi32, #tpu.memory_space<vmem>>, vector<16xi32>, vector<16xi1>
      %all_reduce_population_count3A_1362 = tpu.all_reduce %ge3A_1356 {dim = 0 : i64, kind = #tpu.reduction_kind<sum>} : vector<16xi1> -> vector<16xi32>
      %slice3A_1363 = vector.extract_strided_slice %all_reduce_population_count3A_1362 {offsets = [0], sizes = [1], strides = [1]} : vector<16xi32> to vector<1xi32>
      %squeeze3A_1364 = vector.extract %slice3A_1363[0] : i32 from vector<1xi32>
      %add3A_1365 = arith.addi %min3A_1353, %squeeze3A_1364 : i32
      %min3A_1366 = arith.constant 64 : i32
      %min3A_1367 = arith.minsi %add3A_1365, %min3A_1366 : i32
      %get3A_1368 = arith.constant 736 : index
      %get3A_1369 = tpu.vector_load %arg6[%get3A_1368] {strides = array<i32>} : memref<896xf32, #tpu.memory_space<vmem>>, vector<16xf32>,
      %ge3A_1370 = arith.cmpf oge, %get3A_1369, %bitcast_convert_type3A_725 : vector<16xf32>
      %add3A_1371 = arith.constant 736 : i32
      %add3A_1372 = vector.broadcast %add3A_1371 : i32 to vector<16xi32>
      %add3A_1373 = arith.addi %iota3A, %add3A_1372 : vector<16xi32>
      %swap3A_1374 = arith.index_cast %min3A_1367 : i32 to index
      %swap3A_1375 = tpu.vector_load %arg8[%swap3A_1374] masked %ge3A_1370 {strides = array<i32>} : memref<80xi32, #tpu.memory_space<vmem>>, vector<16xi32>, vector<16xi1>
      tpu.vector_store %arg8[%swap3A_1374], %add3A_1373 masked %ge3A_1370 {strides = array<i32>} : memref<80xi32, #tpu.memory_space<vmem>>, vector<16xi32>, vector<16xi1>
      %all_reduce_population_count3A_1376 = tpu.all_reduce %ge3A_1370 {dim = 0 : i64, kind = #tpu.reduction_kind<sum>} : vector<16xi1> -> vector<16xi32>
      %slice3A_1377 = vector.extract_strided_slice %all_reduce_population_count3A_1376 {offsets = [0], sizes = [1], strides = [1]} : vector<16xi32> to vector<1xi32>
      %squeeze3A_1378 = vector.extract %slice3A_1377[0] : i32 from vector<1xi32>
      %add3A_1379 = arith.addi %min3A_1367, %squeeze3A_1378 : i32
      %min3A_1380 = arith.constant 64 : i32
      %min3A_1381 = arith.minsi %add3A_1379, %min3A_1380 : i32
      %get3A_1382 = arith.constant 752 : index
      %get3A_1383 = tpu.vector_load %arg6[%get3A_1382] {strides = array<i32>} : memref<896xf32, #tpu.memory_space<vmem>>, vector<16xf32>,
      %ge3A_1384 = arith.cmpf oge, %get3A_1383, %bitcast_convert_type3A_725 : vector<16xf32>
      %add3A_1385 = arith.constant 752 : i32
      %add3A_1386 = vector.broadcast %add3A_1385 : i32 to vector<16xi32>
      %add3A_1387 = arith.addi %iota3A, %add3A_1386 : vector<16xi32>
      %swap3A_1388 = arith.index_cast %min3A_1381 : i32 to index
      %swap3A_1389 = tpu.vector_load %arg8[%swap3A_1388] masked %ge3A_1384 {strides = array<i32>} : memref<80xi32, #tpu.memory_space<vmem>>, vector<16xi32>, vector<16xi1>
      tpu.vector_store %arg8[%swap3A_1388], %add3A_1387 masked %ge3A_1384 {strides = array<i32>} : memref<80xi32, #tpu.memory_space<vmem>>, vector<16xi32>, vector<16xi1>
      %all_reduce_population_count3A_1390 = tpu.all_reduce %ge3A_1384 {dim = 0 : i64, kind = #tpu.reduction_kind<sum>} : vector<16xi1> -> vector<16xi32>
      %slice3A_1391 = vector.extract_strided_slice %all_reduce_population_count3A_1390 {offsets = [0], sizes = [1], strides = [1]} : vector<16xi32> to vector<1xi32>
      %squeeze3A_1392 = vector.extract %slice3A_1391[0] : i32 from vector<1xi32>
      %add3A_1393 = arith.addi %min3A_1381, %squeeze3A_1392 : i32
      %min3A_1394 = arith.constant 64 : i32
      %min3A_1395 = arith.minsi %add3A_1393, %min3A_1394 : i32
      %get3A_1396 = arith.constant 768 : index
      %get3A_1397 = tpu.vector_load %arg6[%get3A_1396] {strides = array<i32>} : memref<896xf32, #tpu.memory_space<vmem>>, vector<16xf32>,
      %ge3A_1398 = arith.cmpf oge, %get3A_1397, %bitcast_convert_type3A_725 : vector<16xf32>
      %add3A_1399 = arith.constant 768 : i32
      %add3A_1400 = vector.broadcast %add3A_1399 : i32 to vector<16xi32>
      %add3A_1401 = arith.addi %iota3A, %add3A_1400 : vector<16xi32>
      %swap3A_1402 = arith.index_cast %min3A_1395 : i32 to index
      %swap3A_1403 = tpu.vector_load %arg8[%swap3A_1402] masked %ge3A_1398 {strides = array<i32>} : memref<80xi32, #tpu.memory_space<vmem>>, vector<16xi32>, vector<16xi1>
      tpu.vector_store %arg8[%swap3A_1402], %add3A_1401 masked %ge3A_1398 {strides = array<i32>} : memref<80xi32, #tpu.memory_space<vmem>>, vector<16xi32>, vector<16xi1>
      %all_reduce_population_count3A_1404 = tpu.all_reduce %ge3A_1398 {dim = 0 : i64, kind = #tpu.reduction_kind<sum>} : vector<16xi1> -> vector<16xi32>
      %slice3A_1405 = vector.extract_strided_slice %all_reduce_population_count3A_1404 {offsets = [0], sizes = [1], strides = [1]} : vector<16xi32> to vector<1xi32>
      %squeeze3A_1406 = vector.extract %slice3A_1405[0] : i32 from vector<1xi32>
      %add3A_1407 = arith.addi %min3A_1395, %squeeze3A_1406 : i32
      %min3A_1408 = arith.constant 64 : i32
      %min3A_1409 = arith.minsi %add3A_1407, %min3A_1408 : i32
      %get3A_1410 = arith.constant 784 : index
      %get3A_1411 = tpu.vector_load %arg6[%get3A_1410] {strides = array<i32>} : memref<896xf32, #tpu.memory_space<vmem>>, vector<16xf32>,
      %ge3A_1412 = arith.cmpf oge, %get3A_1411, %bitcast_convert_type3A_725 : vector<16xf32>
      %add3A_1413 = arith.constant 784 : i32
      %add3A_1414 = vector.broadcast %add3A_1413 : i32 to vector<16xi32>
      %add3A_1415 = arith.addi %iota3A, %add3A_1414 : vector<16xi32>
      %swap3A_1416 = arith.index_cast %min3A_1409 : i32 to index
      %swap3A_1417 = tpu.vector_load %arg8[%swap3A_1416] masked %ge3A_1412 {strides = array<i32>} : memref<80xi32, #tpu.memory_space<vmem>>, vector<16xi32>, vector<16xi1>
      tpu.vector_store %arg8[%swap3A_1416], %add3A_1415 masked %ge3A_1412 {strides = array<i32>} : memref<80xi32, #tpu.memory_space<vmem>>, vector<16xi32>, vector<16xi1>
      %all_reduce_population_count3A_1418 = tpu.all_reduce %ge3A_1412 {dim = 0 : i64, kind = #tpu.reduction_kind<sum>} : vector<16xi1> -> vector<16xi32>
      %slice3A_1419 = vector.extract_strided_slice %all_reduce_population_count3A_1418 {offsets = [0], sizes = [1], strides = [1]} : vector<16xi32> to vector<1xi32>
      %squeeze3A_1420 = vector.extract %slice3A_1419[0] : i32 from vector<1xi32>
      %add3A_1421 = arith.addi %min3A_1409, %squeeze3A_1420 : i32
      %min3A_1422 = arith.constant 64 : i32
      %min3A_1423 = arith.minsi %add3A_1421, %min3A_1422 : i32
      %get3A_1424 = arith.constant 800 : index
      %get3A_1425 = tpu.vector_load %arg6[%get3A_1424] {strides = array<i32>} : memref<896xf32, #tpu.memory_space<vmem>>, vector<16xf32>,
      %ge3A_1426 = arith.cmpf oge, %get3A_1425, %bitcast_convert_type3A_725 : vector<16xf32>
      %add3A_1427 = arith.constant 800 : i32
      %add3A_1428 = vector.broadcast %add3A_1427 : i32 to vector<16xi32>
      %add3A_1429 = arith.addi %iota3A, %add3A_1428 : vector<16xi32>
      %swap3A_1430 = arith.index_cast %min3A_1423 : i32 to index
      %swap3A_1431 = tpu.vector_load %arg8[%swap3A_1430] masked %ge3A_1426 {strides = array<i32>} : memref<80xi32, #tpu.memory_space<vmem>>, vector<16xi32>, vector<16xi1>
      tpu.vector_store %arg8[%swap3A_1430], %add3A_1429 masked %ge3A_1426 {strides = array<i32>} : memref<80xi32, #tpu.memory_space<vmem>>, vector<16xi32>, vector<16xi1>
      %all_reduce_population_count3A_1432 = tpu.all_reduce %ge3A_1426 {dim = 0 : i64, kind = #tpu.reduction_kind<sum>} : vector<16xi1> -> vector<16xi32>
      %slice3A_1433 = vector.extract_strided_slice %all_reduce_population_count3A_1432 {offsets = [0], sizes = [1], strides = [1]} : vector<16xi32> to vector<1xi32>
      %squeeze3A_1434 = vector.extract %slice3A_1433[0] : i32 from vector<1xi32>
      %add3A_1435 = arith.addi %min3A_1423, %squeeze3A_1434 : i32
      %min3A_1436 = arith.constant 64 : i32
      %min3A_1437 = arith.minsi %add3A_1435, %min3A_1436 : i32
      %get3A_1438 = arith.constant 816 : index
      %get3A_1439 = tpu.vector_load %arg6[%get3A_1438] {strides = array<i32>} : memref<896xf32, #tpu.memory_space<vmem>>, vector<16xf32>,
      %ge3A_1440 = arith.cmpf oge, %get3A_1439, %bitcast_convert_type3A_725 : vector<16xf32>
      %add3A_1441 = arith.constant 816 : i32
      %add3A_1442 = vector.broadcast %add3A_1441 : i32 to vector<16xi32>
      %add3A_1443 = arith.addi %iota3A, %add3A_1442 : vector<16xi32>
      %swap3A_1444 = arith.index_cast %min3A_1437 : i32 to index
      %swap3A_1445 = tpu.vector_load %arg8[%swap3A_1444] masked %ge3A_1440 {strides = array<i32>} : memref<80xi32, #tpu.memory_space<vmem>>, vector<16xi32>, vector<16xi1>
      tpu.vector_store %arg8[%swap3A_1444], %add3A_1443 masked %ge3A_1440 {strides = array<i32>} : memref<80xi32, #tpu.memory_space<vmem>>, vector<16xi32>, vector<16xi1>
      %all_reduce_population_count3A_1446 = tpu.all_reduce %ge3A_1440 {dim = 0 : i64, kind = #tpu.reduction_kind<sum>} : vector<16xi1> -> vector<16xi32>
      %slice3A_1447 = vector.extract_strided_slice %all_reduce_population_count3A_1446 {offsets = [0], sizes = [1], strides = [1]} : vector<16xi32> to vector<1xi32>
      %squeeze3A_1448 = vector.extract %slice3A_1447[0] : i32 from vector<1xi32>
      %add3A_1449 = arith.addi %min3A_1437, %squeeze3A_1448 : i32
      %min3A_1450 = arith.constant 64 : i32
      %min3A_1451 = arith.minsi %add3A_1449, %min3A_1450 : i32
      %get3A_1452 = arith.constant 832 : index
      %get3A_1453 = tpu.vector_load %arg6[%get3A_1452] {strides = array<i32>} : memref<896xf32, #tpu.memory_space<vmem>>, vector<16xf32>,
      %ge3A_1454 = arith.cmpf oge, %get3A_1453, %bitcast_convert_type3A_725 : vector<16xf32>
      %add3A_1455 = arith.constant 832 : i32
      %add3A_1456 = vector.broadcast %add3A_1455 : i32 to vector<16xi32>
      %add3A_1457 = arith.addi %iota3A, %add3A_1456 : vector<16xi32>
      %swap3A_1458 = arith.index_cast %min3A_1451 : i32 to index
      %swap3A_1459 = tpu.vector_load %arg8[%swap3A_1458] masked %ge3A_1454 {strides = array<i32>} : memref<80xi32, #tpu.memory_space<vmem>>, vector<16xi32>, vector<16xi1>
      tpu.vector_store %arg8[%swap3A_1458], %add3A_1457 masked %ge3A_1454 {strides = array<i32>} : memref<80xi32, #tpu.memory_space<vmem>>, vector<16xi32>, vector<16xi1>
      %all_reduce_population_count3A_1460 = tpu.all_reduce %ge3A_1454 {dim = 0 : i64, kind = #tpu.reduction_kind<sum>} : vector<16xi1> -> vector<16xi32>
      %slice3A_1461 = vector.extract_strided_slice %all_reduce_population_count3A_1460 {offsets = [0], sizes = [1], strides = [1]} : vector<16xi32> to vector<1xi32>
      %squeeze3A_1462 = vector.extract %slice3A_1461[0] : i32 from vector<1xi32>
      %add3A_1463 = arith.addi %min3A_1451, %squeeze3A_1462 : i32
      %min3A_1464 = arith.constant 64 : i32
      %min3A_1465 = arith.minsi %add3A_1463, %min3A_1464 : i32
      %get3A_1466 = arith.constant 848 : index
      %get3A_1467 = tpu.vector_load %arg6[%get3A_1466] {strides = array<i32>} : memref<896xf32, #tpu.memory_space<vmem>>, vector<16xf32>,
      %ge3A_1468 = arith.cmpf oge, %get3A_1467, %bitcast_convert_type3A_725 : vector<16xf32>
      %add3A_1469 = arith.constant 848 : i32
      %add3A_1470 = vector.broadcast %add3A_1469 : i32 to vector<16xi32>
      %add3A_1471 = arith.addi %iota3A, %add3A_1470 : vector<16xi32>
      %swap3A_1472 = arith.index_cast %min3A_1465 : i32 to index
      %swap3A_1473 = tpu.vector_load %arg8[%swap3A_1472] masked %ge3A_1468 {strides = array<i32>} : memref<80xi32, #tpu.memory_space<vmem>>, vector<16xi32>, vector<16xi1>
      tpu.vector_store %arg8[%swap3A_1472], %add3A_1471 masked %ge3A_1468 {strides = array<i32>} : memref<80xi32, #tpu.memory_space<vmem>>, vector<16xi32>, vector<16xi1>
      %all_reduce_population_count3A_1474 = tpu.all_reduce %ge3A_1468 {dim = 0 : i64, kind = #tpu.reduction_kind<sum>} : vector<16xi1> -> vector<16xi32>
      %slice3A_1475 = vector.extract_strided_slice %all_reduce_population_count3A_1474 {offsets = [0], sizes = [1], strides = [1]} : vector<16xi32> to vector<1xi32>
      %squeeze3A_1476 = vector.extract %slice3A_1475[0] : i32 from vector<1xi32>
      %add3A_1477 = arith.addi %min3A_1465, %squeeze3A_1476 : i32
      %min3A_1478 = arith.constant 64 : i32
      %min3A_1479 = arith.minsi %add3A_1477, %min3A_1478 : i32
      %get3A_1480 = arith.constant 864 : index
      %get3A_1481 = tpu.vector_load %arg6[%get3A_1480] {strides = array<i32>} : memref<896xf32, #tpu.memory_space<vmem>>, vector<16xf32>,
      %ge3A_1482 = arith.cmpf oge, %get3A_1481, %bitcast_convert_type3A_725 : vector<16xf32>
      %add3A_1483 = arith.constant 864 : i32
      %add3A_1484 = vector.broadcast %add3A_1483 : i32 to vector<16xi32>
      %add3A_1485 = arith.addi %iota3A, %add3A_1484 : vector<16xi32>
      %swap3A_1486 = arith.index_cast %min3A_1479 : i32 to index
      %swap3A_1487 = tpu.vector_load %arg8[%swap3A_1486] masked %ge3A_1482 {strides = array<i32>} : memref<80xi32, #tpu.memory_space<vmem>>, vector<16xi32>, vector<16xi1>
      tpu.vector_store %arg8[%swap3A_1486], %add3A_1485 masked %ge3A_1482 {strides = array<i32>} : memref<80xi32, #tpu.memory_space<vmem>>, vector<16xi32>, vector<16xi1>
      %all_reduce_population_count3A_1488 = tpu.all_reduce %ge3A_1482 {dim = 0 : i64, kind = #tpu.reduction_kind<sum>} : vector<16xi1> -> vector<16xi32>
      %slice3A_1489 = vector.extract_strided_slice %all_reduce_population_count3A_1488 {offsets = [0], sizes = [1], strides = [1]} : vector<16xi32> to vector<1xi32>
      %squeeze3A_1490 = vector.extract %slice3A_1489[0] : i32 from vector<1xi32>
      %add3A_1491 = arith.addi %min3A_1479, %squeeze3A_1490 : i32
      %min3A_1492 = arith.constant 64 : i32
      %min3A_1493 = arith.minsi %add3A_1491, %min3A_1492 : i32
      %get3A_1494 = arith.constant 880 : index
      %get3A_1495 = tpu.vector_load %arg6[%get3A_1494] {strides = array<i32>} : memref<896xf32, #tpu.memory_space<vmem>>, vector<16xf32>,
      %ge3A_1496 = arith.cmpf oge, %get3A_1495, %bitcast_convert_type3A_725 : vector<16xf32>
      %add3A_1497 = arith.constant 880 : i32
      %add3A_1498 = vector.broadcast %add3A_1497 : i32 to vector<16xi32>
      %add3A_1499 = arith.addi %iota3A, %add3A_1498 : vector<16xi32>
      %swap3A_1500 = arith.index_cast %min3A_1493 : i32 to index
      %swap3A_1501 = tpu.vector_load %arg8[%swap3A_1500] masked %ge3A_1496 {strides = array<i32>} : memref<80xi32, #tpu.memory_space<vmem>>, vector<16xi32>, vector<16xi1>
      tpu.vector_store %arg8[%swap3A_1500], %add3A_1499 masked %ge3A_1496 {strides = array<i32>} : memref<80xi32, #tpu.memory_space<vmem>>, vector<16xi32>, vector<16xi1>
      %all_reduce_population_count3A_1502 = tpu.all_reduce %ge3A_1496 {dim = 0 : i64, kind = #tpu.reduction_kind<sum>} : vector<16xi1> -> vector<16xi32>
      %slice3A_1503 = vector.extract_strided_slice %all_reduce_population_count3A_1502 {offsets = [0], sizes = [1], strides = [1]} : vector<16xi32> to vector<1xi32>
      %squeeze3A_1504 = vector.extract %slice3A_1503[0] : i32 from vector<1xi32>
      %add3A_1505 = arith.addi %min3A_1493, %squeeze3A_1504 : i32
      %min3A_1506 = arith.constant 64 : i32
      %min3A_1507 = arith.minsi %add3A_1505, %min3A_1506 : i32
      %mul3A_1508 = arith.constant 6250 : i32
      %mul3A_1509 = arith.muli %add3A_11, %mul3A_1508 : i32
      %shift_right_arithmetic3A = arith.constant 3 : i32
      %shift_right_arithmetic3A_1510 = vector.broadcast %shift_right_arithmetic3A : i32 to vector<16xi32>
      %shift_right_arithmetic3A_1511 = arith.shrsi %iota3A, %shift_right_arithmetic3A_1510 : vector<16xi32>
      %add3A_1512 = arith.constant 0 : i32
      %add3A_1513 = vector.broadcast %add3A_1512 : i32 to vector<16xi32>
      %add3A_1514 = arith.addi %shift_right_arithmetic3A_1511, %add3A_1513 : vector<16xi32>
      %gather3A = tpu.vector_load_idx %arg8[%add3A_1514] : memref<80xi32, #tpu.memory_space<vmem>>[vector<16xi32>], vector<16xi32>,
      %jit3A = arith.constant 0 : i32
      %jit3A_1515 = arith.constant 781 : i32
      %max3A = vector.broadcast %jit3A : i32 to vector<16xi32>
      %max3A_1516 = arith.maxsi %max3A, %gather3A : vector<16xi32>
      %min3A_1517 = vector.broadcast %jit3A_1515 : i32 to vector<16xi32>
      %min3A_1518 = arith.minsi %min3A_1517, %max3A_1516 : vector<16xi32>
      %mul3A_1519 = arith.constant 8 : i32
      %mul3A_1520 = vector.broadcast %mul3A_1519 : i32 to vector<16xi32>
      %mul3A_1521 = arith.muli %min3A_1518, %mul3A_1520 : vector<16xi32>
      %add3A_1522 = vector.broadcast %mul3A_1509 : i32 to vector<16xi32>
      %add3A_1523 = arith.addi %add3A_1522, %mul3A_1521 : vector<16xi32>
      %and3A = arith.constant 7 : i32
      %and3A_1524 = vector.broadcast %and3A : i32 to vector<16xi32>
      %and3A_1525 = arith.andi %iota3A, %and3A_1524 : vector<16xi32>
      %add3A_1526 = arith.addi %add3A_1523, %and3A_1525 : vector<16xi32>
      %min3A_1527 = arith.constant 1599999 : i32
      %min3A_1528 = vector.broadcast %min3A_1527 : i32 to vector<16xi32>
      %min3A_1529 = arith.minsi %add3A_1526, %min3A_1528 : vector<16xi32>
      %swap3A_1530 = arith.constant 0 : i32
      %swap3A_1531 = arith.index_cast %swap3A_1530 : i32 to index
      %swap3A_1532 = arith.constant 0 : index
      %swap3A_1533 = tpu.vector_load %arg9[%swap3A_1531, %swap3A_1532] {strides = array<i32>} : memref<4x128xi32, #tpu.memory_space<vmem>>, vector<16xi32>,
      tpu.vector_store %arg9[%swap3A_1531, %swap3A_1532], %min3A_1529 {strides = array<i32>} : memref<4x128xi32, #tpu.memory_space<vmem>>, vector<16xi32>,
      %shift_right_arithmetic3A_1534 = arith.constant 3 : i32
      %shift_right_arithmetic3A_1535 = vector.broadcast %shift_right_arithmetic3A_1534 : i32 to vector<16xi32>
      %shift_right_arithmetic3A_1536 = arith.shrsi %iota3A, %shift_right_arithmetic3A_1535 : vector<16xi32>
      %add3A_1537 = arith.constant 2 : i32
      %add3A_1538 = vector.broadcast %add3A_1537 : i32 to vector<16xi32>
      %add3A_1539 = arith.addi %shift_right_arithmetic3A_1536, %add3A_1538 : vector<16xi32>
      %gather3A_1540 = tpu.vector_load_idx %arg8[%add3A_1539] : memref<80xi32, #tpu.memory_space<vmem>>[vector<16xi32>], vector<16xi32>,
      %jit3A_1541 = arith.constant 0 : i32
      %jit3A_1542 = arith.constant 781 : i32
      %max3A_1543 = vector.broadcast %jit3A_1541 : i32 to vector<16xi32>
      %max3A_1544 = arith.maxsi %max3A_1543, %gather3A_1540 : vector<16xi32>
      %min3A_1545 = vector.broadcast %jit3A_1542 : i32 to vector<16xi32>
      %min3A_1546 = arith.minsi %min3A_1545, %max3A_1544 : vector<16xi32>
      %mul3A_1547 = arith.constant 8 : i32
      %mul3A_1548 = vector.broadcast %mul3A_1547 : i32 to vector<16xi32>
      %mul3A_1549 = arith.muli %min3A_1546, %mul3A_1548 : vector<16xi32>
      %add3A_1550 = vector.broadcast %mul3A_1509 : i32 to vector<16xi32>
      %add3A_1551 = arith.addi %add3A_1550, %mul3A_1549 : vector<16xi32>
      %and3A_1552 = arith.constant 7 : i32
      %and3A_1553 = vector.broadcast %and3A_1552 : i32 to vector<16xi32>
      %and3A_1554 = arith.andi %iota3A, %and3A_1553 : vector<16xi32>
      %add3A_1555 = arith.addi %add3A_1551, %and3A_1554 : vector<16xi32>
      %min3A_1556 = arith.constant 1599999 : i32
      %min3A_1557 = vector.broadcast %min3A_1556 : i32 to vector<16xi32>
      %min3A_1558 = arith.minsi %add3A_1555, %min3A_1557 : vector<16xi32>
      %swap3A_1559 = arith.constant 0 : i32
      %swap3A_1560 = arith.index_cast %swap3A_1559 : i32 to index
      %swap3A_1561 = arith.constant 16 : index
      %swap3A_1562 = tpu.vector_load %arg9[%swap3A_1560, %swap3A_1561] {strides = array<i32>} : memref<4x128xi32, #tpu.memory_space<vmem>>, vector<16xi32>,
      tpu.vector_store %arg9[%swap3A_1560, %swap3A_1561], %min3A_1558 {strides = array<i32>} : memref<4x128xi32, #tpu.memory_space<vmem>>, vector<16xi32>,
      %shift_right_arithmetic3A_1563 = arith.constant 3 : i32
      %shift_right_arithmetic3A_1564 = vector.broadcast %shift_right_arithmetic3A_1563 : i32 to vector<16xi32>
      %shift_right_arithmetic3A_1565 = arith.shrsi %iota3A, %shift_right_arithmetic3A_1564 : vector<16xi32>
      %add3A_1566 = arith.constant 4 : i32
      %add3A_1567 = vector.broadcast %add3A_1566 : i32 to vector<16xi32>
      %add3A_1568 = arith.addi %shift_right_arithmetic3A_1565, %add3A_1567 : vector<16xi32>
      %gather3A_1569 = tpu.vector_load_idx %arg8[%add3A_1568] : memref<80xi32, #tpu.memory_space<vmem>>[vector<16xi32>], vector<16xi32>,
      %jit3A_1570 = arith.constant 0 : i32
      %jit3A_1571 = arith.constant 781 : i32
      %max3A_1572 = vector.broadcast %jit3A_1570 : i32 to vector<16xi32>
      %max3A_1573 = arith.maxsi %max3A_1572, %gather3A_1569 : vector<16xi32>
      %min3A_1574 = vector.broadcast %jit3A_1571 : i32 to vector<16xi32>
      %min3A_1575 = arith.minsi %min3A_1574, %max3A_1573 : vector<16xi32>
      %mul3A_1576 = arith.constant 8 : i32
      %mul3A_1577 = vector.broadcast %mul3A_1576 : i32 to vector<16xi32>
      %mul3A_1578 = arith.muli %min3A_1575, %mul3A_1577 : vector<16xi32>
      %add3A_1579 = vector.broadcast %mul3A_1509 : i32 to vector<16xi32>
      %add3A_1580 = arith.addi %add3A_1579, %mul3A_1578 : vector<16xi32>
      %and3A_1581 = arith.constant 7 : i32
      %and3A_1582 = vector.broadcast %and3A_1581 : i32 to vector<16xi32>
      %and3A_1583 = arith.andi %iota3A, %and3A_1582 : vector<16xi32>
      %add3A_1584 = arith.addi %add3A_1580, %and3A_1583 : vector<16xi32>
      %min3A_1585 = arith.constant 1599999 : i32
      %min3A_1586 = vector.broadcast %min3A_1585 : i32 to vector<16xi32>
      %min3A_1587 = arith.minsi %add3A_1584, %min3A_1586 : vector<16xi32>
      %swap3A_1588 = arith.constant 0 : i32
      %swap3A_1589 = arith.index_cast %swap3A_1588 : i32 to index
      %swap3A_1590 = arith.constant 32 : index
      %swap3A_1591 = tpu.vector_load %arg9[%swap3A_1589, %swap3A_1590] {strides = array<i32>} : memref<4x128xi32, #tpu.memory_space<vmem>>, vector<16xi32>,
      tpu.vector_store %arg9[%swap3A_1589, %swap3A_1590], %min3A_1587 {strides = array<i32>} : memref<4x128xi32, #tpu.memory_space<vmem>>, vector<16xi32>,
      %shift_right_arithmetic3A_1592 = arith.constant 3 : i32
      %shift_right_arithmetic3A_1593 = vector.broadcast %shift_right_arithmetic3A_1592 : i32 to vector<16xi32>
      %shift_right_arithmetic3A_1594 = arith.shrsi %iota3A, %shift_right_arithmetic3A_1593 : vector<16xi32>
      %add3A_1595 = arith.constant 6 : i32
      %add3A_1596 = vector.broadcast %add3A_1595 : i32 to vector<16xi32>
      %add3A_1597 = arith.addi %shift_right_arithmetic3A_1594, %add3A_1596 : vector<16xi32>
      %gather3A_1598 = tpu.vector_load_idx %arg8[%add3A_1597] : memref<80xi32, #tpu.memory_space<vmem>>[vector<16xi32>], vector<16xi32>,
      %jit3A_1599 = arith.constant 0 : i32
      %jit3A_1600 = arith.constant 781 : i32
      %max3A_1601 = vector.broadcast %jit3A_1599 : i32 to vector<16xi32>
      %max3A_1602 = arith.maxsi %max3A_1601, %gather3A_1598 : vector<16xi32>
      %min3A_1603 = vector.broadcast %jit3A_1600 : i32 to vector<16xi32>
      %min3A_1604 = arith.minsi %min3A_1603, %max3A_1602 : vector<16xi32>
      %mul3A_1605 = arith.constant 8 : i32
      %mul3A_1606 = vector.broadcast %mul3A_1605 : i32 to vector<16xi32>
      %mul3A_1607 = arith.muli %min3A_1604, %mul3A_1606 : vector<16xi32>
      %add3A_1608 = vector.broadcast %mul3A_1509 : i32 to vector<16xi32>
      %add3A_1609 = arith.addi %add3A_1608, %mul3A_1607 : vector<16xi32>
      %and3A_1610 = arith.constant 7 : i32
      %and3A_1611 = vector.broadcast %and3A_1610 : i32 to vector<16xi32>
      %and3A_1612 = arith.andi %iota3A, %and3A_1611 : vector<16xi32>
      %add3A_1613 = arith.addi %add3A_1609, %and3A_1612 : vector<16xi32>
      %min3A_1614 = arith.constant 1599999 : i32
      %min3A_1615 = vector.broadcast %min3A_1614 : i32 to vector<16xi32>
      %min3A_1616 = arith.minsi %add3A_1613, %min3A_1615 : vector<16xi32>
      %swap3A_1617 = arith.constant 0 : i32
      %swap3A_1618 = arith.index_cast %swap3A_1617 : i32 to index
      %swap3A_1619 = arith.constant 48 : index
      %swap3A_1620 = tpu.vector_load %arg9[%swap3A_1618, %swap3A_1619] {strides = array<i32>} : memref<4x128xi32, #tpu.memory_space<vmem>>, vector<16xi32>,
      tpu.vector_store %arg9[%swap3A_1618, %swap3A_1619], %min3A_1616 {strides = array<i32>} : memref<4x128xi32, #tpu.memory_space<vmem>>, vector<16xi32>,
      %shift_right_arithmetic3A_1621 = arith.constant 3 : i32
      %shift_right_arithmetic3A_1622 = vector.broadcast %shift_right_arithmetic3A_1621 : i32 to vector<16xi32>
      %shift_right_arithmetic3A_1623 = arith.shrsi %iota3A, %shift_right_arithmetic3A_1622 : vector<16xi32>
      %add3A_1624 = arith.constant 8 : i32
      %add3A_1625 = vector.broadcast %add3A_1624 : i32 to vector<16xi32>
      %add3A_1626 = arith.addi %shift_right_arithmetic3A_1623, %add3A_1625 : vector<16xi32>
      %gather3A_1627 = tpu.vector_load_idx %arg8[%add3A_1626] : memref<80xi32, #tpu.memory_space<vmem>>[vector<16xi32>], vector<16xi32>,
      %jit3A_1628 = arith.constant 0 : i32
      %jit3A_1629 = arith.constant 781 : i32
      %max3A_1630 = vector.broadcast %jit3A_1628 : i32 to vector<16xi32>
      %max3A_1631 = arith.maxsi %max3A_1630, %gather3A_1627 : vector<16xi32>
      %min3A_1632 = vector.broadcast %jit3A_1629 : i32 to vector<16xi32>
      %min3A_1633 = arith.minsi %min3A_1632, %max3A_1631 : vector<16xi32>
      %mul3A_1634 = arith.constant 8 : i32
      %mul3A_1635 = vector.broadcast %mul3A_1634 : i32 to vector<16xi32>
      %mul3A_1636 = arith.muli %min3A_1633, %mul3A_1635 : vector<16xi32>
      %add3A_1637 = vector.broadcast %mul3A_1509 : i32 to vector<16xi32>
      %add3A_1638 = arith.addi %add3A_1637, %mul3A_1636 : vector<16xi32>
      %and3A_1639 = arith.constant 7 : i32
      %and3A_1640 = vector.broadcast %and3A_1639 : i32 to vector<16xi32>
      %and3A_1641 = arith.andi %iota3A, %and3A_1640 : vector<16xi32>
      %add3A_1642 = arith.addi %add3A_1638, %and3A_1641 : vector<16xi32>
      %min3A_1643 = arith.constant 1599999 : i32
      %min3A_1644 = vector.broadcast %min3A_1643 : i32 to vector<16xi32>
      %min3A_1645 = arith.minsi %add3A_1642, %min3A_1644 : vector<16xi32>
      %swap3A_1646 = arith.constant 0 : i32
      %swap3A_1647 = arith.index_cast %swap3A_1646 : i32 to index
      %swap3A_1648 = arith.constant 64 : index
      %swap3A_1649 = tpu.vector_load %arg9[%swap3A_1647, %swap3A_1648] {strides = array<i32>} : memref<4x128xi32, #tpu.memory_space<vmem>>, vector<16xi32>,
      tpu.vector_store %arg9[%swap3A_1647, %swap3A_1648], %min3A_1645 {strides = array<i32>} : memref<4x128xi32, #tpu.memory_space<vmem>>, vector<16xi32>,
      %shift_right_arithmetic3A_1650 = arith.constant 3 : i32
      %shift_right_arithmetic3A_1651 = vector.broadcast %shift_right_arithmetic3A_1650 : i32 to vector<16xi32>
      %shift_right_arithmetic3A_1652 = arith.shrsi %iota3A, %shift_right_arithmetic3A_1651 : vector<16xi32>
      %add3A_1653 = arith.constant 10 : i32
      %add3A_1654 = vector.broadcast %add3A_1653 : i32 to vector<16xi32>
      %add3A_1655 = arith.addi %shift_right_arithmetic3A_1652, %add3A_1654 : vector<16xi32>
      %gather3A_1656 = tpu.vector_load_idx %arg8[%add3A_1655] : memref<80xi32, #tpu.memory_space<vmem>>[vector<16xi32>], vector<16xi32>,
      %jit3A_1657 = arith.constant 0 : i32
      %jit3A_1658 = arith.constant 781 : i32
      %max3A_1659 = vector.broadcast %jit3A_1657 : i32 to vector<16xi32>
      %max3A_1660 = arith.maxsi %max3A_1659, %gather3A_1656 : vector<16xi32>
      %min3A_1661 = vector.broadcast %jit3A_1658 : i32 to vector<16xi32>
      %min3A_1662 = arith.minsi %min3A_1661, %max3A_1660 : vector<16xi32>
      %mul3A_1663 = arith.constant 8 : i32
      %mul3A_1664 = vector.broadcast %mul3A_1663 : i32 to vector<16xi32>
      %mul3A_1665 = arith.muli %min3A_1662, %mul3A_1664 : vector<16xi32>
      %add3A_1666 = vector.broadcast %mul3A_1509 : i32 to vector<16xi32>
      %add3A_1667 = arith.addi %add3A_1666, %mul3A_1665 : vector<16xi32>
      %and3A_1668 = arith.constant 7 : i32
      %and3A_1669 = vector.broadcast %and3A_1668 : i32 to vector<16xi32>
      %and3A_1670 = arith.andi %iota3A, %and3A_1669 : vector<16xi32>
      %add3A_1671 = arith.addi %add3A_1667, %and3A_1670 : vector<16xi32>
      %min3A_1672 = arith.constant 1599999 : i32
      %min3A_1673 = vector.broadcast %min3A_1672 : i32 to vector<16xi32>
      %min3A_1674 = arith.minsi %add3A_1671, %min3A_1673 : vector<16xi32>
      %swap3A_1675 = arith.constant 0 : i32
      %swap3A_1676 = arith.index_cast %swap3A_1675 : i32 to index
      %swap3A_1677 = arith.constant 80 : index
      %swap3A_1678 = tpu.vector_load %arg9[%swap3A_1676, %swap3A_1677] {strides = array<i32>} : memref<4x128xi32, #tpu.memory_space<vmem>>, vector<16xi32>,
      tpu.vector_store %arg9[%swap3A_1676, %swap3A_1677], %min3A_1674 {strides = array<i32>} : memref<4x128xi32, #tpu.memory_space<vmem>>, vector<16xi32>,
      %shift_right_arithmetic3A_1679 = arith.constant 3 : i32
      %shift_right_arithmetic3A_1680 = vector.broadcast %shift_right_arithmetic3A_1679 : i32 to vector<16xi32>
      %shift_right_arithmetic3A_1681 = arith.shrsi %iota3A, %shift_right_arithmetic3A_1680 : vector<16xi32>
      %add3A_1682 = arith.constant 12 : i32
      %add3A_1683 = vector.broadcast %add3A_1682 : i32 to vector<16xi32>
      %add3A_1684 = arith.addi %shift_right_arithmetic3A_1681, %add3A_1683 : vector<16xi32>
      %gather3A_1685 = tpu.vector_load_idx %arg8[%add3A_1684] : memref<80xi32, #tpu.memory_space<vmem>>[vector<16xi32>], vector<16xi32>,
      %jit3A_1686 = arith.constant 0 : i32
      %jit3A_1687 = arith.constant 781 : i32
      %max3A_1688 = vector.broadcast %jit3A_1686 : i32 to vector<16xi32>
      %max3A_1689 = arith.maxsi %max3A_1688, %gather3A_1685 : vector<16xi32>
      %min3A_1690 = vector.broadcast %jit3A_1687 : i32 to vector<16xi32>
      %min3A_1691 = arith.minsi %min3A_1690, %max3A_1689 : vector<16xi32>
      %mul3A_1692 = arith.constant 8 : i32
      %mul3A_1693 = vector.broadcast %mul3A_1692 : i32 to vector<16xi32>
      %mul3A_1694 = arith.muli %min3A_1691, %mul3A_1693 : vector<16xi32>
      %add3A_1695 = vector.broadcast %mul3A_1509 : i32 to vector<16xi32>
      %add3A_1696 = arith.addi %add3A_1695, %mul3A_1694 : vector<16xi32>
      %and3A_1697 = arith.constant 7 : i32
      %and3A_1698 = vector.broadcast %and3A_1697 : i32 to vector<16xi32>
      %and3A_1699 = arith.andi %iota3A, %and3A_1698 : vector<16xi32>
      %add3A_1700 = arith.addi %add3A_1696, %and3A_1699 : vector<16xi32>
      %min3A_1701 = arith.constant 1599999 : i32
      %min3A_1702 = vector.broadcast %min3A_1701 : i32 to vector<16xi32>
      %min3A_1703 = arith.minsi %add3A_1700, %min3A_1702 : vector<16xi32>
      %swap3A_1704 = arith.constant 0 : i32
      %swap3A_1705 = arith.index_cast %swap3A_1704 : i32 to index
      %swap3A_1706 = arith.constant 96 : index
      %swap3A_1707 = tpu.vector_load %arg9[%swap3A_1705, %swap3A_1706] {strides = array<i32>} : memref<4x128xi32, #tpu.memory_space<vmem>>, vector<16xi32>,
      tpu.vector_store %arg9[%swap3A_1705, %swap3A_1706], %min3A_1703 {strides = array<i32>} : memref<4x128xi32, #tpu.memory_space<vmem>>, vector<16xi32>,
      %shift_right_arithmetic3A_1708 = arith.constant 3 : i32
      %shift_right_arithmetic3A_1709 = vector.broadcast %shift_right_arithmetic3A_1708 : i32 to vector<16xi32>
      %shift_right_arithmetic3A_1710 = arith.shrsi %iota3A, %shift_right_arithmetic3A_1709 : vector<16xi32>
      %add3A_1711 = arith.constant 14 : i32
      %add3A_1712 = vector.broadcast %add3A_1711 : i32 to vector<16xi32>
      %add3A_1713 = arith.addi %shift_right_arithmetic3A_1710, %add3A_1712 : vector<16xi32>
      %gather3A_1714 = tpu.vector_load_idx %arg8[%add3A_1713] : memref<80xi32, #tpu.memory_space<vmem>>[vector<16xi32>], vector<16xi32>,
      %jit3A_1715 = arith.constant 0 : i32
      %jit3A_1716 = arith.constant 781 : i32
      %max3A_1717 = vector.broadcast %jit3A_1715 : i32 to vector<16xi32>
      %max3A_1718 = arith.maxsi %max3A_1717, %gather3A_1714 : vector<16xi32>
      %min3A_1719 = vector.broadcast %jit3A_1716 : i32 to vector<16xi32>
      %min3A_1720 = arith.minsi %min3A_1719, %max3A_1718 : vector<16xi32>
      %mul3A_1721 = arith.constant 8 : i32
      %mul3A_1722 = vector.broadcast %mul3A_1721 : i32 to vector<16xi32>
      %mul3A_1723 = arith.muli %min3A_1720, %mul3A_1722 : vector<16xi32>
      %add3A_1724 = vector.broadcast %mul3A_1509 : i32 to vector<16xi32>
      %add3A_1725 = arith.addi %add3A_1724, %mul3A_1723 : vector<16xi32>
      %and3A_1726 = arith.constant 7 : i32
      %and3A_1727 = vector.broadcast %and3A_1726 : i32 to vector<16xi32>
      %and3A_1728 = arith.andi %iota3A, %and3A_1727 : vector<16xi32>
      %add3A_1729 = arith.addi %add3A_1725, %and3A_1728 : vector<16xi32>
      %min3A_1730 = arith.constant 1599999 : i32
      %min3A_1731 = vector.broadcast %min3A_1730 : i32 to vector<16xi32>
      %min3A_1732 = arith.minsi %add3A_1729, %min3A_1731 : vector<16xi32>
      %swap3A_1733 = arith.constant 0 : i32
      %swap3A_1734 = arith.index_cast %swap3A_1733 : i32 to index
      %swap3A_1735 = arith.constant 112 : index
      %swap3A_1736 = tpu.vector_load %arg9[%swap3A_1734, %swap3A_1735] {strides = array<i32>} : memref<4x128xi32, #tpu.memory_space<vmem>>, vector<16xi32>,
      tpu.vector_store %arg9[%swap3A_1734, %swap3A_1735], %min3A_1732 {strides = array<i32>} : memref<4x128xi32, #tpu.memory_space<vmem>>, vector<16xi32>,
      %shift_right_arithmetic3A_1737 = arith.constant 3 : i32
      %shift_right_arithmetic3A_1738 = vector.broadcast %shift_right_arithmetic3A_1737 : i32 to vector<16xi32>
      %shift_right_arithmetic3A_1739 = arith.shrsi %iota3A, %shift_right_arithmetic3A_1738 : vector<16xi32>
      %add3A_1740 = arith.constant 16 : i32
      %add3A_1741 = vector.broadcast %add3A_1740 : i32 to vector<16xi32>
      %add3A_1742 = arith.addi %shift_right_arithmetic3A_1739, %add3A_1741 : vector<16xi32>
      %gather3A_1743 = tpu.vector_load_idx %arg8[%add3A_1742] : memref<80xi32, #tpu.memory_space<vmem>>[vector<16xi32>], vector<16xi32>,
      %jit3A_1744 = arith.constant 0 : i32
      %jit3A_1745 = arith.constant 781 : i32
      %max3A_1746 = vector.broadcast %jit3A_1744 : i32 to vector<16xi32>
      %max3A_1747 = arith.maxsi %max3A_1746, %gather3A_1743 : vector<16xi32>
      %min3A_1748 = vector.broadcast %jit3A_1745 : i32 to vector<16xi32>
      %min3A_1749 = arith.minsi %min3A_1748, %max3A_1747 : vector<16xi32>
      %mul3A_1750 = arith.constant 8 : i32
      %mul3A_1751 = vector.broadcast %mul3A_1750 : i32 to vector<16xi32>
      %mul3A_1752 = arith.muli %min3A_1749, %mul3A_1751 : vector<16xi32>
      %add3A_1753 = vector.broadcast %mul3A_1509 : i32 to vector<16xi32>
      %add3A_1754 = arith.addi %add3A_1753, %mul3A_1752 : vector<16xi32>
      %and3A_1755 = arith.constant 7 : i32
      %and3A_1756 = vector.broadcast %and3A_1755 : i32 to vector<16xi32>
      %and3A_1757 = arith.andi %iota3A, %and3A_1756 : vector<16xi32>
      %add3A_1758 = arith.addi %add3A_1754, %and3A_1757 : vector<16xi32>
      %min3A_1759 = arith.constant 1599999 : i32
      %min3A_1760 = vector.broadcast %min3A_1759 : i32 to vector<16xi32>
      %min3A_1761 = arith.minsi %add3A_1758, %min3A_1760 : vector<16xi32>
      %swap3A_1762 = arith.constant 1 : i32
      %swap3A_1763 = arith.index_cast %swap3A_1762 : i32 to index
      %swap3A_1764 = arith.constant 0 : index
      %swap3A_1765 = tpu.vector_load %arg9[%swap3A_1763, %swap3A_1764] {strides = array<i32>} : memref<4x128xi32, #tpu.memory_space<vmem>>, vector<16xi32>,
      tpu.vector_store %arg9[%swap3A_1763, %swap3A_1764], %min3A_1761 {strides = array<i32>} : memref<4x128xi32, #tpu.memory_space<vmem>>, vector<16xi32>,
      %shift_right_arithmetic3A_1766 = arith.constant 3 : i32
      %shift_right_arithmetic3A_1767 = vector.broadcast %shift_right_arithmetic3A_1766 : i32 to vector<16xi32>
      %shift_right_arithmetic3A_1768 = arith.shrsi %iota3A, %shift_right_arithmetic3A_1767 : vector<16xi32>
      %add3A_1769 = arith.constant 18 : i32
      %add3A_1770 = vector.broadcast %add3A_1769 : i32 to vector<16xi32>
      %add3A_1771 = arith.addi %shift_right_arithmetic3A_1768, %add3A_1770 : vector<16xi32>
      %gather3A_1772 = tpu.vector_load_idx %arg8[%add3A_1771] : memref<80xi32, #tpu.memory_space<vmem>>[vector<16xi32>], vector<16xi32>,
      %jit3A_1773 = arith.constant 0 : i32
      %jit3A_1774 = arith.constant 781 : i32
      %max3A_1775 = vector.broadcast %jit3A_1773 : i32 to vector<16xi32>
      %max3A_1776 = arith.maxsi %max3A_1775, %gather3A_1772 : vector<16xi32>
      %min3A_1777 = vector.broadcast %jit3A_1774 : i32 to vector<16xi32>
      %min3A_1778 = arith.minsi %min3A_1777, %max3A_1776 : vector<16xi32>
      %mul3A_1779 = arith.constant 8 : i32
      %mul3A_1780 = vector.broadcast %mul3A_1779 : i32 to vector<16xi32>
      %mul3A_1781 = arith.muli %min3A_1778, %mul3A_1780 : vector<16xi32>
      %add3A_1782 = vector.broadcast %mul3A_1509 : i32 to vector<16xi32>
      %add3A_1783 = arith.addi %add3A_1782, %mul3A_1781 : vector<16xi32>
      %and3A_1784 = arith.constant 7 : i32
      %and3A_1785 = vector.broadcast %and3A_1784 : i32 to vector<16xi32>
      %and3A_1786 = arith.andi %iota3A, %and3A_1785 : vector<16xi32>
      %add3A_1787 = arith.addi %add3A_1783, %and3A_1786 : vector<16xi32>
      %min3A_1788 = arith.constant 1599999 : i32
      %min3A_1789 = vector.broadcast %min3A_1788 : i32 to vector<16xi32>
      %min3A_1790 = arith.minsi %add3A_1787, %min3A_1789 : vector<16xi32>
      %swap3A_1791 = arith.constant 1 : i32
      %swap3A_1792 = arith.index_cast %swap3A_1791 : i32 to index
      %swap3A_1793 = arith.constant 16 : index
      %swap3A_1794 = tpu.vector_load %arg9[%swap3A_1792, %swap3A_1793] {strides = array<i32>} : memref<4x128xi32, #tpu.memory_space<vmem>>, vector<16xi32>,
      tpu.vector_store %arg9[%swap3A_1792, %swap3A_1793], %min3A_1790 {strides = array<i32>} : memref<4x128xi32, #tpu.memory_space<vmem>>, vector<16xi32>,
      %shift_right_arithmetic3A_1795 = arith.constant 3 : i32
      %shift_right_arithmetic3A_1796 = vector.broadcast %shift_right_arithmetic3A_1795 : i32 to vector<16xi32>
      %shift_right_arithmetic3A_1797 = arith.shrsi %iota3A, %shift_right_arithmetic3A_1796 : vector<16xi32>
      %add3A_1798 = arith.constant 20 : i32
      %add3A_1799 = vector.broadcast %add3A_1798 : i32 to vector<16xi32>
      %add3A_1800 = arith.addi %shift_right_arithmetic3A_1797, %add3A_1799 : vector<16xi32>
      %gather3A_1801 = tpu.vector_load_idx %arg8[%add3A_1800] : memref<80xi32, #tpu.memory_space<vmem>>[vector<16xi32>], vector<16xi32>,
      %jit3A_1802 = arith.constant 0 : i32
      %jit3A_1803 = arith.constant 781 : i32
      %max3A_1804 = vector.broadcast %jit3A_1802 : i32 to vector<16xi32>
      %max3A_1805 = arith.maxsi %max3A_1804, %gather3A_1801 : vector<16xi32>
      %min3A_1806 = vector.broadcast %jit3A_1803 : i32 to vector<16xi32>
      %min3A_1807 = arith.minsi %min3A_1806, %max3A_1805 : vector<16xi32>
      %mul3A_1808 = arith.constant 8 : i32
      %mul3A_1809 = vector.broadcast %mul3A_1808 : i32 to vector<16xi32>
      %mul3A_1810 = arith.muli %min3A_1807, %mul3A_1809 : vector<16xi32>
      %add3A_1811 = vector.broadcast %mul3A_1509 : i32 to vector<16xi32>
      %add3A_1812 = arith.addi %add3A_1811, %mul3A_1810 : vector<16xi32>
      %and3A_1813 = arith.constant 7 : i32
      %and3A_1814 = vector.broadcast %and3A_1813 : i32 to vector<16xi32>
      %and3A_1815 = arith.andi %iota3A, %and3A_1814 : vector<16xi32>
      %add3A_1816 = arith.addi %add3A_1812, %and3A_1815 : vector<16xi32>
      %min3A_1817 = arith.constant 1599999 : i32
      %min3A_1818 = vector.broadcast %min3A_1817 : i32 to vector<16xi32>
      %min3A_1819 = arith.minsi %add3A_1816, %min3A_1818 : vector<16xi32>
      %swap3A_1820 = arith.constant 1 : i32
      %swap3A_1821 = arith.index_cast %swap3A_1820 : i32 to index
      %swap3A_1822 = arith.constant 32 : index
      %swap3A_1823 = tpu.vector_load %arg9[%swap3A_1821, %swap3A_1822] {strides = array<i32>} : memref<4x128xi32, #tpu.memory_space<vmem>>, vector<16xi32>,
      tpu.vector_store %arg9[%swap3A_1821, %swap3A_1822], %min3A_1819 {strides = array<i32>} : memref<4x128xi32, #tpu.memory_space<vmem>>, vector<16xi32>,
      %shift_right_arithmetic3A_1824 = arith.constant 3 : i32
      %shift_right_arithmetic3A_1825 = vector.broadcast %shift_right_arithmetic3A_1824 : i32 to vector<16xi32>
      %shift_right_arithmetic3A_1826 = arith.shrsi %iota3A, %shift_right_arithmetic3A_1825 : vector<16xi32>
      %add3A_1827 = arith.constant 22 : i32
      %add3A_1828 = vector.broadcast %add3A_1827 : i32 to vector<16xi32>
      %add3A_1829 = arith.addi %shift_right_arithmetic3A_1826, %add3A_1828 : vector<16xi32>
      %gather3A_1830 = tpu.vector_load_idx %arg8[%add3A_1829] : memref<80xi32, #tpu.memory_space<vmem>>[vector<16xi32>], vector<16xi32>,
      %jit3A_1831 = arith.constant 0 : i32
      %jit3A_1832 = arith.constant 781 : i32
      %max3A_1833 = vector.broadcast %jit3A_1831 : i32 to vector<16xi32>
      %max3A_1834 = arith.maxsi %max3A_1833, %gather3A_1830 : vector<16xi32>
      %min3A_1835 = vector.broadcast %jit3A_1832 : i32 to vector<16xi32>
      %min3A_1836 = arith.minsi %min3A_1835, %max3A_1834 : vector<16xi32>
      %mul3A_1837 = arith.constant 8 : i32
      %mul3A_1838 = vector.broadcast %mul3A_1837 : i32 to vector<16xi32>
      %mul3A_1839 = arith.muli %min3A_1836, %mul3A_1838 : vector<16xi32>
      %add3A_1840 = vector.broadcast %mul3A_1509 : i32 to vector<16xi32>
      %add3A_1841 = arith.addi %add3A_1840, %mul3A_1839 : vector<16xi32>
      %and3A_1842 = arith.constant 7 : i32
      %and3A_1843 = vector.broadcast %and3A_1842 : i32 to vector<16xi32>
      %and3A_1844 = arith.andi %iota3A, %and3A_1843 : vector<16xi32>
      %add3A_1845 = arith.addi %add3A_1841, %and3A_1844 : vector<16xi32>
      %min3A_1846 = arith.constant 1599999 : i32
      %min3A_1847 = vector.broadcast %min3A_1846 : i32 to vector<16xi32>
      %min3A_1848 = arith.minsi %add3A_1845, %min3A_1847 : vector<16xi32>
      %swap3A_1849 = arith.constant 1 : i32
      %swap3A_1850 = arith.index_cast %swap3A_1849 : i32 to index
      %swap3A_1851 = arith.constant 48 : index
      %swap3A_1852 = tpu.vector_load %arg9[%swap3A_1850, %swap3A_1851] {strides = array<i32>} : memref<4x128xi32, #tpu.memory_space<vmem>>, vector<16xi32>,
      tpu.vector_store %arg9[%swap3A_1850, %swap3A_1851], %min3A_1848 {strides = array<i32>} : memref<4x128xi32, #tpu.memory_space<vmem>>, vector<16xi32>,
      %shift_right_arithmetic3A_1853 = arith.constant 3 : i32
      %shift_right_arithmetic3A_1854 = vector.broadcast %shift_right_arithmetic3A_1853 : i32 to vector<16xi32>
      %shift_right_arithmetic3A_1855 = arith.shrsi %iota3A, %shift_right_arithmetic3A_1854 : vector<16xi32>
      %add3A_1856 = arith.constant 24 : i32
      %add3A_1857 = vector.broadcast %add3A_1856 : i32 to vector<16xi32>
      %add3A_1858 = arith.addi %shift_right_arithmetic3A_1855, %add3A_1857 : vector<16xi32>
      %gather3A_1859 = tpu.vector_load_idx %arg8[%add3A_1858] : memref<80xi32, #tpu.memory_space<vmem>>[vector<16xi32>], vector<16xi32>,
      %jit3A_1860 = arith.constant 0 : i32
      %jit3A_1861 = arith.constant 781 : i32
      %max3A_1862 = vector.broadcast %jit3A_1860 : i32 to vector<16xi32>
      %max3A_1863 = arith.maxsi %max3A_1862, %gather3A_1859 : vector<16xi32>
      %min3A_1864 = vector.broadcast %jit3A_1861 : i32 to vector<16xi32>
      %min3A_1865 = arith.minsi %min3A_1864, %max3A_1863 : vector<16xi32>
      %mul3A_1866 = arith.constant 8 : i32
      %mul3A_1867 = vector.broadcast %mul3A_1866 : i32 to vector<16xi32>
      %mul3A_1868 = arith.muli %min3A_1865, %mul3A_1867 : vector<16xi32>
      %add3A_1869 = vector.broadcast %mul3A_1509 : i32 to vector<16xi32>
      %add3A_1870 = arith.addi %add3A_1869, %mul3A_1868 : vector<16xi32>
      %and3A_1871 = arith.constant 7 : i32
      %and3A_1872 = vector.broadcast %and3A_1871 : i32 to vector<16xi32>
      %and3A_1873 = arith.andi %iota3A, %and3A_1872 : vector<16xi32>
      %add3A_1874 = arith.addi %add3A_1870, %and3A_1873 : vector<16xi32>
      %min3A_1875 = arith.constant 1599999 : i32
      %min3A_1876 = vector.broadcast %min3A_1875 : i32 to vector<16xi32>
      %min3A_1877 = arith.minsi %add3A_1874, %min3A_1876 : vector<16xi32>
      %swap3A_1878 = arith.constant 1 : i32
      %swap3A_1879 = arith.index_cast %swap3A_1878 : i32 to index
      %swap3A_1880 = arith.constant 64 : index
      %swap3A_1881 = tpu.vector_load %arg9[%swap3A_1879, %swap3A_1880] {strides = array<i32>} : memref<4x128xi32, #tpu.memory_space<vmem>>, vector<16xi32>,
      tpu.vector_store %arg9[%swap3A_1879, %swap3A_1880], %min3A_1877 {strides = array<i32>} : memref<4x128xi32, #tpu.memory_space<vmem>>, vector<16xi32>,
      %shift_right_arithmetic3A_1882 = arith.constant 3 : i32
      %shift_right_arithmetic3A_1883 = vector.broadcast %shift_right_arithmetic3A_1882 : i32 to vector<16xi32>
      %shift_right_arithmetic3A_1884 = arith.shrsi %iota3A, %shift_right_arithmetic3A_1883 : vector<16xi32>
      %add3A_1885 = arith.constant 26 : i32
      %add3A_1886 = vector.broadcast %add3A_1885 : i32 to vector<16xi32>
      %add3A_1887 = arith.addi %shift_right_arithmetic3A_1884, %add3A_1886 : vector<16xi32>
      %gather3A_1888 = tpu.vector_load_idx %arg8[%add3A_1887] : memref<80xi32, #tpu.memory_space<vmem>>[vector<16xi32>], vector<16xi32>,
      %jit3A_1889 = arith.constant 0 : i32
      %jit3A_1890 = arith.constant 781 : i32
      %max3A_1891 = vector.broadcast %jit3A_1889 : i32 to vector<16xi32>
      %max3A_1892 = arith.maxsi %max3A_1891, %gather3A_1888 : vector<16xi32>
      %min3A_1893 = vector.broadcast %jit3A_1890 : i32 to vector<16xi32>
      %min3A_1894 = arith.minsi %min3A_1893, %max3A_1892 : vector<16xi32>
      %mul3A_1895 = arith.constant 8 : i32
      %mul3A_1896 = vector.broadcast %mul3A_1895 : i32 to vector<16xi32>
      %mul3A_1897 = arith.muli %min3A_1894, %mul3A_1896 : vector<16xi32>
      %add3A_1898 = vector.broadcast %mul3A_1509 : i32 to vector<16xi32>
      %add3A_1899 = arith.addi %add3A_1898, %mul3A_1897 : vector<16xi32>
      %and3A_1900 = arith.constant 7 : i32
      %and3A_1901 = vector.broadcast %and3A_1900 : i32 to vector<16xi32>
      %and3A_1902 = arith.andi %iota3A, %and3A_1901 : vector<16xi32>
      %add3A_1903 = arith.addi %add3A_1899, %and3A_1902 : vector<16xi32>
      %min3A_1904 = arith.constant 1599999 : i32
      %min3A_1905 = vector.broadcast %min3A_1904 : i32 to vector<16xi32>
      %min3A_1906 = arith.minsi %add3A_1903, %min3A_1905 : vector<16xi32>
      %swap3A_1907 = arith.constant 1 : i32
      %swap3A_1908 = arith.index_cast %swap3A_1907 : i32 to index
      %swap3A_1909 = arith.constant 80 : index
      %swap3A_1910 = tpu.vector_load %arg9[%swap3A_1908, %swap3A_1909] {strides = array<i32>} : memref<4x128xi32, #tpu.memory_space<vmem>>, vector<16xi32>,
      tpu.vector_store %arg9[%swap3A_1908, %swap3A_1909], %min3A_1906 {strides = array<i32>} : memref<4x128xi32, #tpu.memory_space<vmem>>, vector<16xi32>,
      %shift_right_arithmetic3A_1911 = arith.constant 3 : i32
      %shift_right_arithmetic3A_1912 = vector.broadcast %shift_right_arithmetic3A_1911 : i32 to vector<16xi32>
      %shift_right_arithmetic3A_1913 = arith.shrsi %iota3A, %shift_right_arithmetic3A_1912 : vector<16xi32>
      %add3A_1914 = arith.constant 28 : i32
      %add3A_1915 = vector.broadcast %add3A_1914 : i32 to vector<16xi32>
      %add3A_1916 = arith.addi %shift_right_arithmetic3A_1913, %add3A_1915 : vector<16xi32>
      %gather3A_1917 = tpu.vector_load_idx %arg8[%add3A_1916] : memref<80xi32, #tpu.memory_space<vmem>>[vector<16xi32>], vector<16xi32>,
      %jit3A_1918 = arith.constant 0 : i32
      %jit3A_1919 = arith.constant 781 : i32
      %max3A_1920 = vector.broadcast %jit3A_1918 : i32 to vector<16xi32>
      %max3A_1921 = arith.maxsi %max3A_1920, %gather3A_1917 : vector<16xi32>
      %min3A_1922 = vector.broadcast %jit3A_1919 : i32 to vector<16xi32>
      %min3A_1923 = arith.minsi %min3A_1922, %max3A_1921 : vector<16xi32>
      %mul3A_1924 = arith.constant 8 : i32
      %mul3A_1925 = vector.broadcast %mul3A_1924 : i32 to vector<16xi32>
      %mul3A_1926 = arith.muli %min3A_1923, %mul3A_1925 : vector<16xi32>
      %add3A_1927 = vector.broadcast %mul3A_1509 : i32 to vector<16xi32>
      %add3A_1928 = arith.addi %add3A_1927, %mul3A_1926 : vector<16xi32>
      %and3A_1929 = arith.constant 7 : i32
      %and3A_1930 = vector.broadcast %and3A_1929 : i32 to vector<16xi32>
      %and3A_1931 = arith.andi %iota3A, %and3A_1930 : vector<16xi32>
      %add3A_1932 = arith.addi %add3A_1928, %and3A_1931 : vector<16xi32>
      %min3A_1933 = arith.constant 1599999 : i32
      %min3A_1934 = vector.broadcast %min3A_1933 : i32 to vector<16xi32>
      %min3A_1935 = arith.minsi %add3A_1932, %min3A_1934 : vector<16xi32>
      %swap3A_1936 = arith.constant 1 : i32
      %swap3A_1937 = arith.index_cast %swap3A_1936 : i32 to index
      %swap3A_1938 = arith.constant 96 : index
      %swap3A_1939 = tpu.vector_load %arg9[%swap3A_1937, %swap3A_1938] {strides = array<i32>} : memref<4x128xi32, #tpu.memory_space<vmem>>, vector<16xi32>,
      tpu.vector_store %arg9[%swap3A_1937, %swap3A_1938], %min3A_1935 {strides = array<i32>} : memref<4x128xi32, #tpu.memory_space<vmem>>, vector<16xi32>,
      %shift_right_arithmetic3A_1940 = arith.constant 3 : i32
      %shift_right_arithmetic3A_1941 = vector.broadcast %shift_right_arithmetic3A_1940 : i32 to vector<16xi32>
      %shift_right_arithmetic3A_1942 = arith.shrsi %iota3A, %shift_right_arithmetic3A_1941 : vector<16xi32>
      %add3A_1943 = arith.constant 30 : i32
      %add3A_1944 = vector.broadcast %add3A_1943 : i32 to vector<16xi32>
      %add3A_1945 = arith.addi %shift_right_arithmetic3A_1942, %add3A_1944 : vector<16xi32>
      %gather3A_1946 = tpu.vector_load_idx %arg8[%add3A_1945] : memref<80xi32, #tpu.memory_space<vmem>>[vector<16xi32>], vector<16xi32>,
      %jit3A_1947 = arith.constant 0 : i32
      %jit3A_1948 = arith.constant 781 : i32
      %max3A_1949 = vector.broadcast %jit3A_1947 : i32 to vector<16xi32>
      %max3A_1950 = arith.maxsi %max3A_1949, %gather3A_1946 : vector<16xi32>
      %min3A_1951 = vector.broadcast %jit3A_1948 : i32 to vector<16xi32>
      %min3A_1952 = arith.minsi %min3A_1951, %max3A_1950 : vector<16xi32>
      %mul3A_1953 = arith.constant 8 : i32
      %mul3A_1954 = vector.broadcast %mul3A_1953 : i32 to vector<16xi32>
      %mul3A_1955 = arith.muli %min3A_1952, %mul3A_1954 : vector<16xi32>
      %add3A_1956 = vector.broadcast %mul3A_1509 : i32 to vector<16xi32>
      %add3A_1957 = arith.addi %add3A_1956, %mul3A_1955 : vector<16xi32>
      %and3A_1958 = arith.constant 7 : i32
      %and3A_1959 = vector.broadcast %and3A_1958 : i32 to vector<16xi32>
      %and3A_1960 = arith.andi %iota3A, %and3A_1959 : vector<16xi32>
      %add3A_1961 = arith.addi %add3A_1957, %and3A_1960 : vector<16xi32>
      %min3A_1962 = arith.constant 1599999 : i32
      %min3A_1963 = vector.broadcast %min3A_1962 : i32 to vector<16xi32>
      %min3A_1964 = arith.minsi %add3A_1961, %min3A_1963 : vector<16xi32>
      %swap3A_1965 = arith.constant 1 : i32
      %swap3A_1966 = arith.index_cast %swap3A_1965 : i32 to index
      %swap3A_1967 = arith.constant 112 : index
      %swap3A_1968 = tpu.vector_load %arg9[%swap3A_1966, %swap3A_1967] {strides = array<i32>} : memref<4x128xi32, #tpu.memory_space<vmem>>, vector<16xi32>,
      tpu.vector_store %arg9[%swap3A_1966, %swap3A_1967], %min3A_1964 {strides = array<i32>} : memref<4x128xi32, #tpu.memory_space<vmem>>, vector<16xi32>,
      %shift_right_arithmetic3A_1969 = arith.constant 3 : i32
      %shift_right_arithmetic3A_1970 = vector.broadcast %shift_right_arithmetic3A_1969 : i32 to vector<16xi32>
      %shift_right_arithmetic3A_1971 = arith.shrsi %iota3A, %shift_right_arithmetic3A_1970 : vector<16xi32>
      %add3A_1972 = arith.constant 32 : i32
      %add3A_1973 = vector.broadcast %add3A_1972 : i32 to vector<16xi32>
      %add3A_1974 = arith.addi %shift_right_arithmetic3A_1971, %add3A_1973 : vector<16xi32>
      %gather3A_1975 = tpu.vector_load_idx %arg8[%add3A_1974] : memref<80xi32, #tpu.memory_space<vmem>>[vector<16xi32>], vector<16xi32>,
      %jit3A_1976 = arith.constant 0 : i32
      %jit3A_1977 = arith.constant 781 : i32
      %max3A_1978 = vector.broadcast %jit3A_1976 : i32 to vector<16xi32>
      %max3A_1979 = arith.maxsi %max3A_1978, %gather3A_1975 : vector<16xi32>
      %min3A_1980 = vector.broadcast %jit3A_1977 : i32 to vector<16xi32>
      %min3A_1981 = arith.minsi %min3A_1980, %max3A_1979 : vector<16xi32>
      %mul3A_1982 = arith.constant 8 : i32
      %mul3A_1983 = vector.broadcast %mul3A_1982 : i32 to vector<16xi32>
      %mul3A_1984 = arith.muli %min3A_1981, %mul3A_1983 : vector<16xi32>
      %add3A_1985 = vector.broadcast %mul3A_1509 : i32 to vector<16xi32>
      %add3A_1986 = arith.addi %add3A_1985, %mul3A_1984 : vector<16xi32>
      %and3A_1987 = arith.constant 7 : i32
      %and3A_1988 = vector.broadcast %and3A_1987 : i32 to vector<16xi32>
      %and3A_1989 = arith.andi %iota3A, %and3A_1988 : vector<16xi32>
      %add3A_1990 = arith.addi %add3A_1986, %and3A_1989 : vector<16xi32>
      %min3A_1991 = arith.constant 1599999 : i32
      %min3A_1992 = vector.broadcast %min3A_1991 : i32 to vector<16xi32>
      %min3A_1993 = arith.minsi %add3A_1990, %min3A_1992 : vector<16xi32>
      %swap3A_1994 = arith.constant 2 : i32
      %swap3A_1995 = arith.index_cast %swap3A_1994 : i32 to index
      %swap3A_1996 = arith.constant 0 : index
      %swap3A_1997 = tpu.vector_load %arg9[%swap3A_1995, %swap3A_1996] {strides = array<i32>} : memref<4x128xi32, #tpu.memory_space<vmem>>, vector<16xi32>,
      tpu.vector_store %arg9[%swap3A_1995, %swap3A_1996], %min3A_1993 {strides = array<i32>} : memref<4x128xi32, #tpu.memory_space<vmem>>, vector<16xi32>,
      %shift_right_arithmetic3A_1998 = arith.constant 3 : i32
      %shift_right_arithmetic3A_1999 = vector.broadcast %shift_right_arithmetic3A_1998 : i32 to vector<16xi32>
      %shift_right_arithmetic3A_2000 = arith.shrsi %iota3A, %shift_right_arithmetic3A_1999 : vector<16xi32>
      %add3A_2001 = arith.constant 34 : i32
      %add3A_2002 = vector.broadcast %add3A_2001 : i32 to vector<16xi32>
      %add3A_2003 = arith.addi %shift_right_arithmetic3A_2000, %add3A_2002 : vector<16xi32>
      %gather3A_2004 = tpu.vector_load_idx %arg8[%add3A_2003] : memref<80xi32, #tpu.memory_space<vmem>>[vector<16xi32>], vector<16xi32>,
      %jit3A_2005 = arith.constant 0 : i32
      %jit3A_2006 = arith.constant 781 : i32
      %max3A_2007 = vector.broadcast %jit3A_2005 : i32 to vector<16xi32>
      %max3A_2008 = arith.maxsi %max3A_2007, %gather3A_2004 : vector<16xi32>
      %min3A_2009 = vector.broadcast %jit3A_2006 : i32 to vector<16xi32>
      %min3A_2010 = arith.minsi %min3A_2009, %max3A_2008 : vector<16xi32>
      %mul3A_2011 = arith.constant 8 : i32
      %mul3A_2012 = vector.broadcast %mul3A_2011 : i32 to vector<16xi32>
      %mul3A_2013 = arith.muli %min3A_2010, %mul3A_2012 : vector<16xi32>
      %add3A_2014 = vector.broadcast %mul3A_1509 : i32 to vector<16xi32>
      %add3A_2015 = arith.addi %add3A_2014, %mul3A_2013 : vector<16xi32>
      %and3A_2016 = arith.constant 7 : i32
      %and3A_2017 = vector.broadcast %and3A_2016 : i32 to vector<16xi32>
      %and3A_2018 = arith.andi %iota3A, %and3A_2017 : vector<16xi32>
      %add3A_2019 = arith.addi %add3A_2015, %and3A_2018 : vector<16xi32>
      %min3A_2020 = arith.constant 1599999 : i32
      %min3A_2021 = vector.broadcast %min3A_2020 : i32 to vector<16xi32>
      %min3A_2022 = arith.minsi %add3A_2019, %min3A_2021 : vector<16xi32>
      %swap3A_2023 = arith.constant 2 : i32
      %swap3A_2024 = arith.index_cast %swap3A_2023 : i32 to index
      %swap3A_2025 = arith.constant 16 : index
      %swap3A_2026 = tpu.vector_load %arg9[%swap3A_2024, %swap3A_2025] {strides = array<i32>} : memref<4x128xi32, #tpu.memory_space<vmem>>, vector<16xi32>,
      tpu.vector_store %arg9[%swap3A_2024, %swap3A_2025], %min3A_2022 {strides = array<i32>} : memref<4x128xi32, #tpu.memory_space<vmem>>, vector<16xi32>,
      %shift_right_arithmetic3A_2027 = arith.constant 3 : i32
      %shift_right_arithmetic3A_2028 = vector.broadcast %shift_right_arithmetic3A_2027 : i32 to vector<16xi32>
      %shift_right_arithmetic3A_2029 = arith.shrsi %iota3A, %shift_right_arithmetic3A_2028 : vector<16xi32>
      %add3A_2030 = arith.constant 36 : i32
      %add3A_2031 = vector.broadcast %add3A_2030 : i32 to vector<16xi32>
      %add3A_2032 = arith.addi %shift_right_arithmetic3A_2029, %add3A_2031 : vector<16xi32>
      %gather3A_2033 = tpu.vector_load_idx %arg8[%add3A_2032] : memref<80xi32, #tpu.memory_space<vmem>>[vector<16xi32>], vector<16xi32>,
      %jit3A_2034 = arith.constant 0 : i32
      %jit3A_2035 = arith.constant 781 : i32
      %max3A_2036 = vector.broadcast %jit3A_2034 : i32 to vector<16xi32>
      %max3A_2037 = arith.maxsi %max3A_2036, %gather3A_2033 : vector<16xi32>
      %min3A_2038 = vector.broadcast %jit3A_2035 : i32 to vector<16xi32>
      %min3A_2039 = arith.minsi %min3A_2038, %max3A_2037 : vector<16xi32>
      %mul3A_2040 = arith.constant 8 : i32
      %mul3A_2041 = vector.broadcast %mul3A_2040 : i32 to vector<16xi32>
      %mul3A_2042 = arith.muli %min3A_2039, %mul3A_2041 : vector<16xi32>
      %add3A_2043 = vector.broadcast %mul3A_1509 : i32 to vector<16xi32>
      %add3A_2044 = arith.addi %add3A_2043, %mul3A_2042 : vector<16xi32>
      %and3A_2045 = arith.constant 7 : i32
      %and3A_2046 = vector.broadcast %and3A_2045 : i32 to vector<16xi32>
      %and3A_2047 = arith.andi %iota3A, %and3A_2046 : vector<16xi32>
      %add3A_2048 = arith.addi %add3A_2044, %and3A_2047 : vector<16xi32>
      %min3A_2049 = arith.constant 1599999 : i32
      %min3A_2050 = vector.broadcast %min3A_2049 : i32 to vector<16xi32>
      %min3A_2051 = arith.minsi %add3A_2048, %min3A_2050 : vector<16xi32>
      %swap3A_2052 = arith.constant 2 : i32
      %swap3A_2053 = arith.index_cast %swap3A_2052 : i32 to index
      %swap3A_2054 = arith.constant 32 : index
      %swap3A_2055 = tpu.vector_load %arg9[%swap3A_2053, %swap3A_2054] {strides = array<i32>} : memref<4x128xi32, #tpu.memory_space<vmem>>, vector<16xi32>,
      tpu.vector_store %arg9[%swap3A_2053, %swap3A_2054], %min3A_2051 {strides = array<i32>} : memref<4x128xi32, #tpu.memory_space<vmem>>, vector<16xi32>,
      %shift_right_arithmetic3A_2056 = arith.constant 3 : i32
      %shift_right_arithmetic3A_2057 = vector.broadcast %shift_right_arithmetic3A_2056 : i32 to vector<16xi32>
      %shift_right_arithmetic3A_2058 = arith.shrsi %iota3A, %shift_right_arithmetic3A_2057 : vector<16xi32>
      %add3A_2059 = arith.constant 38 : i32
      %add3A_2060 = vector.broadcast %add3A_2059 : i32 to vector<16xi32>
      %add3A_2061 = arith.addi %shift_right_arithmetic3A_2058, %add3A_2060 : vector<16xi32>
      %gather3A_2062 = tpu.vector_load_idx %arg8[%add3A_2061] : memref<80xi32, #tpu.memory_space<vmem>>[vector<16xi32>], vector<16xi32>,
      %jit3A_2063 = arith.constant 0 : i32
      %jit3A_2064 = arith.constant 781 : i32
      %max3A_2065 = vector.broadcast %jit3A_2063 : i32 to vector<16xi32>
      %max3A_2066 = arith.maxsi %max3A_2065, %gather3A_2062 : vector<16xi32>
      %min3A_2067 = vector.broadcast %jit3A_2064 : i32 to vector<16xi32>
      %min3A_2068 = arith.minsi %min3A_2067, %max3A_2066 : vector<16xi32>
      %mul3A_2069 = arith.constant 8 : i32
      %mul3A_2070 = vector.broadcast %mul3A_2069 : i32 to vector<16xi32>
      %mul3A_2071 = arith.muli %min3A_2068, %mul3A_2070 : vector<16xi32>
      %add3A_2072 = vector.broadcast %mul3A_1509 : i32 to vector<16xi32>
      %add3A_2073 = arith.addi %add3A_2072, %mul3A_2071 : vector<16xi32>
      %and3A_2074 = arith.constant 7 : i32
      %and3A_2075 = vector.broadcast %and3A_2074 : i32 to vector<16xi32>
      %and3A_2076 = arith.andi %iota3A, %and3A_2075 : vector<16xi32>
      %add3A_2077 = arith.addi %add3A_2073, %and3A_2076 : vector<16xi32>
      %min3A_2078 = arith.constant 1599999 : i32
      %min3A_2079 = vector.broadcast %min3A_2078 : i32 to vector<16xi32>
      %min3A_2080 = arith.minsi %add3A_2077, %min3A_2079 : vector<16xi32>
      %swap3A_2081 = arith.constant 2 : i32
      %swap3A_2082 = arith.index_cast %swap3A_2081 : i32 to index
      %swap3A_2083 = arith.constant 48 : index
      %swap3A_2084 = tpu.vector_load %arg9[%swap3A_2082, %swap3A_2083] {strides = array<i32>} : memref<4x128xi32, #tpu.memory_space<vmem>>, vector<16xi32>,
      tpu.vector_store %arg9[%swap3A_2082, %swap3A_2083], %min3A_2080 {strides = array<i32>} : memref<4x128xi32, #tpu.memory_space<vmem>>, vector<16xi32>,
      %shift_right_arithmetic3A_2085 = arith.constant 3 : i32
      %shift_right_arithmetic3A_2086 = vector.broadcast %shift_right_arithmetic3A_2085 : i32 to vector<16xi32>
      %shift_right_arithmetic3A_2087 = arith.shrsi %iota3A, %shift_right_arithmetic3A_2086 : vector<16xi32>
      %add3A_2088 = arith.constant 40 : i32
      %add3A_2089 = vector.broadcast %add3A_2088 : i32 to vector<16xi32>
      %add3A_2090 = arith.addi %shift_right_arithmetic3A_2087, %add3A_2089 : vector<16xi32>
      %gather3A_2091 = tpu.vector_load_idx %arg8[%add3A_2090] : memref<80xi32, #tpu.memory_space<vmem>>[vector<16xi32>], vector<16xi32>,
      %jit3A_2092 = arith.constant 0 : i32
      %jit3A_2093 = arith.constant 781 : i32
      %max3A_2094 = vector.broadcast %jit3A_2092 : i32 to vector<16xi32>
      %max3A_2095 = arith.maxsi %max3A_2094, %gather3A_2091 : vector<16xi32>
      %min3A_2096 = vector.broadcast %jit3A_2093 : i32 to vector<16xi32>
      %min3A_2097 = arith.minsi %min3A_2096, %max3A_2095 : vector<16xi32>
      %mul3A_2098 = arith.constant 8 : i32
      %mul3A_2099 = vector.broadcast %mul3A_2098 : i32 to vector<16xi32>
      %mul3A_2100 = arith.muli %min3A_2097, %mul3A_2099 : vector<16xi32>
      %add3A_2101 = vector.broadcast %mul3A_1509 : i32 to vector<16xi32>
      %add3A_2102 = arith.addi %add3A_2101, %mul3A_2100 : vector<16xi32>
      %and3A_2103 = arith.constant 7 : i32
      %and3A_2104 = vector.broadcast %and3A_2103 : i32 to vector<16xi32>
      %and3A_2105 = arith.andi %iota3A, %and3A_2104 : vector<16xi32>
      %add3A_2106 = arith.addi %add3A_2102, %and3A_2105 : vector<16xi32>
      %min3A_2107 = arith.constant 1599999 : i32
      %min3A_2108 = vector.broadcast %min3A_2107 : i32 to vector<16xi32>
      %min3A_2109 = arith.minsi %add3A_2106, %min3A_2108 : vector<16xi32>
      %swap3A_2110 = arith.constant 2 : i32
      %swap3A_2111 = arith.index_cast %swap3A_2110 : i32 to index
      %swap3A_2112 = arith.constant 64 : index
      %swap3A_2113 = tpu.vector_load %arg9[%swap3A_2111, %swap3A_2112] {strides = array<i32>} : memref<4x128xi32, #tpu.memory_space<vmem>>, vector<16xi32>,
      tpu.vector_store %arg9[%swap3A_2111, %swap3A_2112], %min3A_2109 {strides = array<i32>} : memref<4x128xi32, #tpu.memory_space<vmem>>, vector<16xi32>,
      %shift_right_arithmetic3A_2114 = arith.constant 3 : i32
      %shift_right_arithmetic3A_2115 = vector.broadcast %shift_right_arithmetic3A_2114 : i32 to vector<16xi32>
      %shift_right_arithmetic3A_2116 = arith.shrsi %iota3A, %shift_right_arithmetic3A_2115 : vector<16xi32>
      %add3A_2117 = arith.constant 42 : i32
      %add3A_2118 = vector.broadcast %add3A_2117 : i32 to vector<16xi32>
      %add3A_2119 = arith.addi %shift_right_arithmetic3A_2116, %add3A_2118 : vector<16xi32>
      %gather3A_2120 = tpu.vector_load_idx %arg8[%add3A_2119] : memref<80xi32, #tpu.memory_space<vmem>>[vector<16xi32>], vector<16xi32>,
      %jit3A_2121 = arith.constant 0 : i32
      %jit3A_2122 = arith.constant 781 : i32
      %max3A_2123 = vector.broadcast %jit3A_2121 : i32 to vector<16xi32>
      %max3A_2124 = arith.maxsi %max3A_2123, %gather3A_2120 : vector<16xi32>
      %min3A_2125 = vector.broadcast %jit3A_2122 : i32 to vector<16xi32>
      %min3A_2126 = arith.minsi %min3A_2125, %max3A_2124 : vector<16xi32>
      %mul3A_2127 = arith.constant 8 : i32
      %mul3A_2128 = vector.broadcast %mul3A_2127 : i32 to vector<16xi32>
      %mul3A_2129 = arith.muli %min3A_2126, %mul3A_2128 : vector<16xi32>
      %add3A_2130 = vector.broadcast %mul3A_1509 : i32 to vector<16xi32>
      %add3A_2131 = arith.addi %add3A_2130, %mul3A_2129 : vector<16xi32>
      %and3A_2132 = arith.constant 7 : i32
      %and3A_2133 = vector.broadcast %and3A_2132 : i32 to vector<16xi32>
      %and3A_2134 = arith.andi %iota3A, %and3A_2133 : vector<16xi32>
      %add3A_2135 = arith.addi %add3A_2131, %and3A_2134 : vector<16xi32>
      %min3A_2136 = arith.constant 1599999 : i32
      %min3A_2137 = vector.broadcast %min3A_2136 : i32 to vector<16xi32>
      %min3A_2138 = arith.minsi %add3A_2135, %min3A_2137 : vector<16xi32>
      %swap3A_2139 = arith.constant 2 : i32
      %swap3A_2140 = arith.index_cast %swap3A_2139 : i32 to index
      %swap3A_2141 = arith.constant 80 : index
      %swap3A_2142 = tpu.vector_load %arg9[%swap3A_2140, %swap3A_2141] {strides = array<i32>} : memref<4x128xi32, #tpu.memory_space<vmem>>, vector<16xi32>,
      tpu.vector_store %arg9[%swap3A_2140, %swap3A_2141], %min3A_2138 {strides = array<i32>} : memref<4x128xi32, #tpu.memory_space<vmem>>, vector<16xi32>,
      %shift_right_arithmetic3A_2143 = arith.constant 3 : i32
      %shift_right_arithmetic3A_2144 = vector.broadcast %shift_right_arithmetic3A_2143 : i32 to vector<16xi32>
      %shift_right_arithmetic3A_2145 = arith.shrsi %iota3A, %shift_right_arithmetic3A_2144 : vector<16xi32>
      %add3A_2146 = arith.constant 44 : i32
      %add3A_2147 = vector.broadcast %add3A_2146 : i32 to vector<16xi32>
      %add3A_2148 = arith.addi %shift_right_arithmetic3A_2145, %add3A_2147 : vector<16xi32>
      %gather3A_2149 = tpu.vector_load_idx %arg8[%add3A_2148] : memref<80xi32, #tpu.memory_space<vmem>>[vector<16xi32>], vector<16xi32>,
      %jit3A_2150 = arith.constant 0 : i32
      %jit3A_2151 = arith.constant 781 : i32
      %max3A_2152 = vector.broadcast %jit3A_2150 : i32 to vector<16xi32>
      %max3A_2153 = arith.maxsi %max3A_2152, %gather3A_2149 : vector<16xi32>
      %min3A_2154 = vector.broadcast %jit3A_2151 : i32 to vector<16xi32>
      %min3A_2155 = arith.minsi %min3A_2154, %max3A_2153 : vector<16xi32>
      %mul3A_2156 = arith.constant 8 : i32
      %mul3A_2157 = vector.broadcast %mul3A_2156 : i32 to vector<16xi32>
      %mul3A_2158 = arith.muli %min3A_2155, %mul3A_2157 : vector<16xi32>
      %add3A_2159 = vector.broadcast %mul3A_1509 : i32 to vector<16xi32>
      %add3A_2160 = arith.addi %add3A_2159, %mul3A_2158 : vector<16xi32>
      %and3A_2161 = arith.constant 7 : i32
      %and3A_2162 = vector.broadcast %and3A_2161 : i32 to vector<16xi32>
      %and3A_2163 = arith.andi %iota3A, %and3A_2162 : vector<16xi32>
      %add3A_2164 = arith.addi %add3A_2160, %and3A_2163 : vector<16xi32>
      %min3A_2165 = arith.constant 1599999 : i32
      %min3A_2166 = vector.broadcast %min3A_2165 : i32 to vector<16xi32>
      %min3A_2167 = arith.minsi %add3A_2164, %min3A_2166 : vector<16xi32>
      %swap3A_2168 = arith.constant 2 : i32
      %swap3A_2169 = arith.index_cast %swap3A_2168 : i32 to index
      %swap3A_2170 = arith.constant 96 : index
      %swap3A_2171 = tpu.vector_load %arg9[%swap3A_2169, %swap3A_2170] {strides = array<i32>} : memref<4x128xi32, #tpu.memory_space<vmem>>, vector<16xi32>,
      tpu.vector_store %arg9[%swap3A_2169, %swap3A_2170], %min3A_2167 {strides = array<i32>} : memref<4x128xi32, #tpu.memory_space<vmem>>, vector<16xi32>,
      %shift_right_arithmetic3A_2172 = arith.constant 3 : i32
      %shift_right_arithmetic3A_2173 = vector.broadcast %shift_right_arithmetic3A_2172 : i32 to vector<16xi32>
      %shift_right_arithmetic3A_2174 = arith.shrsi %iota3A, %shift_right_arithmetic3A_2173 : vector<16xi32>
      %add3A_2175 = arith.constant 46 : i32
      %add3A_2176 = vector.broadcast %add3A_2175 : i32 to vector<16xi32>
      %add3A_2177 = arith.addi %shift_right_arithmetic3A_2174, %add3A_2176 : vector<16xi32>
      %gather3A_2178 = tpu.vector_load_idx %arg8[%add3A_2177] : memref<80xi32, #tpu.memory_space<vmem>>[vector<16xi32>], vector<16xi32>,
      %jit3A_2179 = arith.constant 0 : i32
      %jit3A_2180 = arith.constant 781 : i32
      %max3A_2181 = vector.broadcast %jit3A_2179 : i32 to vector<16xi32>
      %max3A_2182 = arith.maxsi %max3A_2181, %gather3A_2178 : vector<16xi32>
      %min3A_2183 = vector.broadcast %jit3A_2180 : i32 to vector<16xi32>
      %min3A_2184 = arith.minsi %min3A_2183, %max3A_2182 : vector<16xi32>
      %mul3A_2185 = arith.constant 8 : i32
      %mul3A_2186 = vector.broadcast %mul3A_2185 : i32 to vector<16xi32>
      %mul3A_2187 = arith.muli %min3A_2184, %mul3A_2186 : vector<16xi32>
      %add3A_2188 = vector.broadcast %mul3A_1509 : i32 to vector<16xi32>
      %add3A_2189 = arith.addi %add3A_2188, %mul3A_2187 : vector<16xi32>
      %and3A_2190 = arith.constant 7 : i32
      %and3A_2191 = vector.broadcast %and3A_2190 : i32 to vector<16xi32>
      %and3A_2192 = arith.andi %iota3A, %and3A_2191 : vector<16xi32>
      %add3A_2193 = arith.addi %add3A_2189, %and3A_2192 : vector<16xi32>
      %min3A_2194 = arith.constant 1599999 : i32
      %min3A_2195 = vector.broadcast %min3A_2194 : i32 to vector<16xi32>
      %min3A_2196 = arith.minsi %add3A_2193, %min3A_2195 : vector<16xi32>
      %swap3A_2197 = arith.constant 2 : i32
      %swap3A_2198 = arith.index_cast %swap3A_2197 : i32 to index
      %swap3A_2199 = arith.constant 112 : index
      %swap3A_2200 = tpu.vector_load %arg9[%swap3A_2198, %swap3A_2199] {strides = array<i32>} : memref<4x128xi32, #tpu.memory_space<vmem>>, vector<16xi32>,
      tpu.vector_store %arg9[%swap3A_2198, %swap3A_2199], %min3A_2196 {strides = array<i32>} : memref<4x128xi32, #tpu.memory_space<vmem>>, vector<16xi32>,
      %shift_right_arithmetic3A_2201 = arith.constant 3 : i32
      %shift_right_arithmetic3A_2202 = vector.broadcast %shift_right_arithmetic3A_2201 : i32 to vector<16xi32>
      %shift_right_arithmetic3A_2203 = arith.shrsi %iota3A, %shift_right_arithmetic3A_2202 : vector<16xi32>
      %add3A_2204 = arith.constant 48 : i32
      %add3A_2205 = vector.broadcast %add3A_2204 : i32 to vector<16xi32>
      %add3A_2206 = arith.addi %shift_right_arithmetic3A_2203, %add3A_2205 : vector<16xi32>
      %gather3A_2207 = tpu.vector_load_idx %arg8[%add3A_2206] : memref<80xi32, #tpu.memory_space<vmem>>[vector<16xi32>], vector<16xi32>,
      %jit3A_2208 = arith.constant 0 : i32
      %jit3A_2209 = arith.constant 781 : i32
      %max3A_2210 = vector.broadcast %jit3A_2208 : i32 to vector<16xi32>
      %max3A_2211 = arith.maxsi %max3A_2210, %gather3A_2207 : vector<16xi32>
      %min3A_2212 = vector.broadcast %jit3A_2209 : i32 to vector<16xi32>
      %min3A_2213 = arith.minsi %min3A_2212, %max3A_2211 : vector<16xi32>
      %mul3A_2214 = arith.constant 8 : i32
      %mul3A_2215 = vector.broadcast %mul3A_2214 : i32 to vector<16xi32>
      %mul3A_2216 = arith.muli %min3A_2213, %mul3A_2215 : vector<16xi32>
      %add3A_2217 = vector.broadcast %mul3A_1509 : i32 to vector<16xi32>
      %add3A_2218 = arith.addi %add3A_2217, %mul3A_2216 : vector<16xi32>
      %and3A_2219 = arith.constant 7 : i32
      %and3A_2220 = vector.broadcast %and3A_2219 : i32 to vector<16xi32>
      %and3A_2221 = arith.andi %iota3A, %and3A_2220 : vector<16xi32>
      %add3A_2222 = arith.addi %add3A_2218, %and3A_2221 : vector<16xi32>
      %min3A_2223 = arith.constant 1599999 : i32
      %min3A_2224 = vector.broadcast %min3A_2223 : i32 to vector<16xi32>
      %min3A_2225 = arith.minsi %add3A_2222, %min3A_2224 : vector<16xi32>
      %swap3A_2226 = arith.constant 3 : i32
      %swap3A_2227 = arith.index_cast %swap3A_2226 : i32 to index
      %swap3A_2228 = arith.constant 0 : index
      %swap3A_2229 = tpu.vector_load %arg9[%swap3A_2227, %swap3A_2228] {strides = array<i32>} : memref<4x128xi32, #tpu.memory_space<vmem>>, vector<16xi32>,
      tpu.vector_store %arg9[%swap3A_2227, %swap3A_2228], %min3A_2225 {strides = array<i32>} : memref<4x128xi32, #tpu.memory_space<vmem>>, vector<16xi32>,
      %shift_right_arithmetic3A_2230 = arith.constant 3 : i32
      %shift_right_arithmetic3A_2231 = vector.broadcast %shift_right_arithmetic3A_2230 : i32 to vector<16xi32>
      %shift_right_arithmetic3A_2232 = arith.shrsi %iota3A, %shift_right_arithmetic3A_2231 : vector<16xi32>
      %add3A_2233 = arith.constant 50 : i32
      %add3A_2234 = vector.broadcast %add3A_2233 : i32 to vector<16xi32>
      %add3A_2235 = arith.addi %shift_right_arithmetic3A_2232, %add3A_2234 : vector<16xi32>
      %gather3A_2236 = tpu.vector_load_idx %arg8[%add3A_2235] : memref<80xi32, #tpu.memory_space<vmem>>[vector<16xi32>], vector<16xi32>,
      %jit3A_2237 = arith.constant 0 : i32
      %jit3A_2238 = arith.constant 781 : i32
      %max3A_2239 = vector.broadcast %jit3A_2237 : i32 to vector<16xi32>
      %max3A_2240 = arith.maxsi %max3A_2239, %gather3A_2236 : vector<16xi32>
      %min3A_2241 = vector.broadcast %jit3A_2238 : i32 to vector<16xi32>
      %min3A_2242 = arith.minsi %min3A_2241, %max3A_2240 : vector<16xi32>
      %mul3A_2243 = arith.constant 8 : i32
      %mul3A_2244 = vector.broadcast %mul3A_2243 : i32 to vector<16xi32>
      %mul3A_2245 = arith.muli %min3A_2242, %mul3A_2244 : vector<16xi32>
      %add3A_2246 = vector.broadcast %mul3A_1509 : i32 to vector<16xi32>
      %add3A_2247 = arith.addi %add3A_2246, %mul3A_2245 : vector<16xi32>
      %and3A_2248 = arith.constant 7 : i32
      %and3A_2249 = vector.broadcast %and3A_2248 : i32 to vector<16xi32>
      %and3A_2250 = arith.andi %iota3A, %and3A_2249 : vector<16xi32>
      %add3A_2251 = arith.addi %add3A_2247, %and3A_2250 : vector<16xi32>
      %min3A_2252 = arith.constant 1599999 : i32
      %min3A_2253 = vector.broadcast %min3A_2252 : i32 to vector<16xi32>
      %min3A_2254 = arith.minsi %add3A_2251, %min3A_2253 : vector<16xi32>
      %swap3A_2255 = arith.constant 3 : i32
      %swap3A_2256 = arith.index_cast %swap3A_2255 : i32 to index
      %swap3A_2257 = arith.constant 16 : index
      %swap3A_2258 = tpu.vector_load %arg9[%swap3A_2256, %swap3A_2257] {strides = array<i32>} : memref<4x128xi32, #tpu.memory_space<vmem>>, vector<16xi32>,
      tpu.vector_store %arg9[%swap3A_2256, %swap3A_2257], %min3A_2254 {strides = array<i32>} : memref<4x128xi32, #tpu.memory_space<vmem>>, vector<16xi32>,
      %shift_right_arithmetic3A_2259 = arith.constant 3 : i32
      %shift_right_arithmetic3A_2260 = vector.broadcast %shift_right_arithmetic3A_2259 : i32 to vector<16xi32>
      %shift_right_arithmetic3A_2261 = arith.shrsi %iota3A, %shift_right_arithmetic3A_2260 : vector<16xi32>
      %add3A_2262 = arith.constant 52 : i32
      %add3A_2263 = vector.broadcast %add3A_2262 : i32 to vector<16xi32>
      %add3A_2264 = arith.addi %shift_right_arithmetic3A_2261, %add3A_2263 : vector<16xi32>
      %gather3A_2265 = tpu.vector_load_idx %arg8[%add3A_2264] : memref<80xi32, #tpu.memory_space<vmem>>[vector<16xi32>], vector<16xi32>,
      %jit3A_2266 = arith.constant 0 : i32
      %jit3A_2267 = arith.constant 781 : i32
      %max3A_2268 = vector.broadcast %jit3A_2266 : i32 to vector<16xi32>
      %max3A_2269 = arith.maxsi %max3A_2268, %gather3A_2265 : vector<16xi32>
      %min3A_2270 = vector.broadcast %jit3A_2267 : i32 to vector<16xi32>
      %min3A_2271 = arith.minsi %min3A_2270, %max3A_2269 : vector<16xi32>
      %mul3A_2272 = arith.constant 8 : i32
      %mul3A_2273 = vector.broadcast %mul3A_2272 : i32 to vector<16xi32>
      %mul3A_2274 = arith.muli %min3A_2271, %mul3A_2273 : vector<16xi32>
      %add3A_2275 = vector.broadcast %mul3A_1509 : i32 to vector<16xi32>
      %add3A_2276 = arith.addi %add3A_2275, %mul3A_2274 : vector<16xi32>
      %and3A_2277 = arith.constant 7 : i32
      %and3A_2278 = vector.broadcast %and3A_2277 : i32 to vector<16xi32>
      %and3A_2279 = arith.andi %iota3A, %and3A_2278 : vector<16xi32>
      %add3A_2280 = arith.addi %add3A_2276, %and3A_2279 : vector<16xi32>
      %min3A_2281 = arith.constant 1599999 : i32
      %min3A_2282 = vector.broadcast %min3A_2281 : i32 to vector<16xi32>
      %min3A_2283 = arith.minsi %add3A_2280, %min3A_2282 : vector<16xi32>
      %swap3A_2284 = arith.constant 3 : i32
      %swap3A_2285 = arith.index_cast %swap3A_2284 : i32 to index
      %swap3A_2286 = arith.constant 32 : index
      %swap3A_2287 = tpu.vector_load %arg9[%swap3A_2285, %swap3A_2286] {strides = array<i32>} : memref<4x128xi32, #tpu.memory_space<vmem>>, vector<16xi32>,
      tpu.vector_store %arg9[%swap3A_2285, %swap3A_2286], %min3A_2283 {strides = array<i32>} : memref<4x128xi32, #tpu.memory_space<vmem>>, vector<16xi32>,
      %shift_right_arithmetic3A_2288 = arith.constant 3 : i32
      %shift_right_arithmetic3A_2289 = vector.broadcast %shift_right_arithmetic3A_2288 : i32 to vector<16xi32>
      %shift_right_arithmetic3A_2290 = arith.shrsi %iota3A, %shift_right_arithmetic3A_2289 : vector<16xi32>
      %add3A_2291 = arith.constant 54 : i32
      %add3A_2292 = vector.broadcast %add3A_2291 : i32 to vector<16xi32>
      %add3A_2293 = arith.addi %shift_right_arithmetic3A_2290, %add3A_2292 : vector<16xi32>
      %gather3A_2294 = tpu.vector_load_idx %arg8[%add3A_2293] : memref<80xi32, #tpu.memory_space<vmem>>[vector<16xi32>], vector<16xi32>,
      %jit3A_2295 = arith.constant 0 : i32
      %jit3A_2296 = arith.constant 781 : i32
      %max3A_2297 = vector.broadcast %jit3A_2295 : i32 to vector<16xi32>
      %max3A_2298 = arith.maxsi %max3A_2297, %gather3A_2294 : vector<16xi32>
      %min3A_2299 = vector.broadcast %jit3A_2296 : i32 to vector<16xi32>
      %min3A_2300 = arith.minsi %min3A_2299, %max3A_2298 : vector<16xi32>
      %mul3A_2301 = arith.constant 8 : i32
      %mul3A_2302 = vector.broadcast %mul3A_2301 : i32 to vector<16xi32>
      %mul3A_2303 = arith.muli %min3A_2300, %mul3A_2302 : vector<16xi32>
      %add3A_2304 = vector.broadcast %mul3A_1509 : i32 to vector<16xi32>
      %add3A_2305 = arith.addi %add3A_2304, %mul3A_2303 : vector<16xi32>
      %and3A_2306 = arith.constant 7 : i32
      %and3A_2307 = vector.broadcast %and3A_2306 : i32 to vector<16xi32>
      %and3A_2308 = arith.andi %iota3A, %and3A_2307 : vector<16xi32>
      %add3A_2309 = arith.addi %add3A_2305, %and3A_2308 : vector<16xi32>
      %min3A_2310 = arith.constant 1599999 : i32
      %min3A_2311 = vector.broadcast %min3A_2310 : i32 to vector<16xi32>
      %min3A_2312 = arith.minsi %add3A_2309, %min3A_2311 : vector<16xi32>
      %swap3A_2313 = arith.constant 3 : i32
      %swap3A_2314 = arith.index_cast %swap3A_2313 : i32 to index
      %swap3A_2315 = arith.constant 48 : index
      %swap3A_2316 = tpu.vector_load %arg9[%swap3A_2314, %swap3A_2315] {strides = array<i32>} : memref<4x128xi32, #tpu.memory_space<vmem>>, vector<16xi32>,
      tpu.vector_store %arg9[%swap3A_2314, %swap3A_2315], %min3A_2312 {strides = array<i32>} : memref<4x128xi32, #tpu.memory_space<vmem>>, vector<16xi32>,
      %shift_right_arithmetic3A_2317 = arith.constant 3 : i32
      %shift_right_arithmetic3A_2318 = vector.broadcast %shift_right_arithmetic3A_2317 : i32 to vector<16xi32>
      %shift_right_arithmetic3A_2319 = arith.shrsi %iota3A, %shift_right_arithmetic3A_2318 : vector<16xi32>
      %add3A_2320 = arith.constant 56 : i32
      %add3A_2321 = vector.broadcast %add3A_2320 : i32 to vector<16xi32>
      %add3A_2322 = arith.addi %shift_right_arithmetic3A_2319, %add3A_2321 : vector<16xi32>
      %gather3A_2323 = tpu.vector_load_idx %arg8[%add3A_2322] : memref<80xi32, #tpu.memory_space<vmem>>[vector<16xi32>], vector<16xi32>,
      %jit3A_2324 = arith.constant 0 : i32
      %jit3A_2325 = arith.constant 781 : i32
      %max3A_2326 = vector.broadcast %jit3A_2324 : i32 to vector<16xi32>
      %max3A_2327 = arith.maxsi %max3A_2326, %gather3A_2323 : vector<16xi32>
      %min3A_2328 = vector.broadcast %jit3A_2325 : i32 to vector<16xi32>
      %min3A_2329 = arith.minsi %min3A_2328, %max3A_2327 : vector<16xi32>
      %mul3A_2330 = arith.constant 8 : i32
      %mul3A_2331 = vector.broadcast %mul3A_2330 : i32 to vector<16xi32>
      %mul3A_2332 = arith.muli %min3A_2329, %mul3A_2331 : vector<16xi32>
      %add3A_2333 = vector.broadcast %mul3A_1509 : i32 to vector<16xi32>
      %add3A_2334 = arith.addi %add3A_2333, %mul3A_2332 : vector<16xi32>
      %and3A_2335 = arith.constant 7 : i32
      %and3A_2336 = vector.broadcast %and3A_2335 : i32 to vector<16xi32>
      %and3A_2337 = arith.andi %iota3A, %and3A_2336 : vector<16xi32>
      %add3A_2338 = arith.addi %add3A_2334, %and3A_2337 : vector<16xi32>
      %min3A_2339 = arith.constant 1599999 : i32
      %min3A_2340 = vector.broadcast %min3A_2339 : i32 to vector<16xi32>
      %min3A_2341 = arith.minsi %add3A_2338, %min3A_2340 : vector<16xi32>
      %swap3A_2342 = arith.constant 3 : i32
      %swap3A_2343 = arith.index_cast %swap3A_2342 : i32 to index
      %swap3A_2344 = arith.constant 64 : index
      %swap3A_2345 = tpu.vector_load %arg9[%swap3A_2343, %swap3A_2344] {strides = array<i32>} : memref<4x128xi32, #tpu.memory_space<vmem>>, vector<16xi32>,
      tpu.vector_store %arg9[%swap3A_2343, %swap3A_2344], %min3A_2341 {strides = array<i32>} : memref<4x128xi32, #tpu.memory_space<vmem>>, vector<16xi32>,
      %shift_right_arithmetic3A_2346 = arith.constant 3 : i32
      %shift_right_arithmetic3A_2347 = vector.broadcast %shift_right_arithmetic3A_2346 : i32 to vector<16xi32>
      %shift_right_arithmetic3A_2348 = arith.shrsi %iota3A, %shift_right_arithmetic3A_2347 : vector<16xi32>
      %add3A_2349 = arith.constant 58 : i32
      %add3A_2350 = vector.broadcast %add3A_2349 : i32 to vector<16xi32>
      %add3A_2351 = arith.addi %shift_right_arithmetic3A_2348, %add3A_2350 : vector<16xi32>
      %gather3A_2352 = tpu.vector_load_idx %arg8[%add3A_2351] : memref<80xi32, #tpu.memory_space<vmem>>[vector<16xi32>], vector<16xi32>,
      %jit3A_2353 = arith.constant 0 : i32
      %jit3A_2354 = arith.constant 781 : i32
      %max3A_2355 = vector.broadcast %jit3A_2353 : i32 to vector<16xi32>
      %max3A_2356 = arith.maxsi %max3A_2355, %gather3A_2352 : vector<16xi32>
      %min3A_2357 = vector.broadcast %jit3A_2354 : i32 to vector<16xi32>
      %min3A_2358 = arith.minsi %min3A_2357, %max3A_2356 : vector<16xi32>
      %mul3A_2359 = arith.constant 8 : i32
      %mul3A_2360 = vector.broadcast %mul3A_2359 : i32 to vector<16xi32>
      %mul3A_2361 = arith.muli %min3A_2358, %mul3A_2360 : vector<16xi32>
      %add3A_2362 = vector.broadcast %mul3A_1509 : i32 to vector<16xi32>
      %add3A_2363 = arith.addi %add3A_2362, %mul3A_2361 : vector<16xi32>
      %and3A_2364 = arith.constant 7 : i32
      %and3A_2365 = vector.broadcast %and3A_2364 : i32 to vector<16xi32>
      %and3A_2366 = arith.andi %iota3A, %and3A_2365 : vector<16xi32>
      %add3A_2367 = arith.addi %add3A_2363, %and3A_2366 : vector<16xi32>
      %min3A_2368 = arith.constant 1599999 : i32
      %min3A_2369 = vector.broadcast %min3A_2368 : i32 to vector<16xi32>
      %min3A_2370 = arith.minsi %add3A_2367, %min3A_2369 : vector<16xi32>
      %swap3A_2371 = arith.constant 3 : i32
      %swap3A_2372 = arith.index_cast %swap3A_2371 : i32 to index
      %swap3A_2373 = arith.constant 80 : index
      %swap3A_2374 = tpu.vector_load %arg9[%swap3A_2372, %swap3A_2373] {strides = array<i32>} : memref<4x128xi32, #tpu.memory_space<vmem>>, vector<16xi32>,
      tpu.vector_store %arg9[%swap3A_2372, %swap3A_2373], %min3A_2370 {strides = array<i32>} : memref<4x128xi32, #tpu.memory_space<vmem>>, vector<16xi32>,
      %shift_right_arithmetic3A_2375 = arith.constant 3 : i32
      %shift_right_arithmetic3A_2376 = vector.broadcast %shift_right_arithmetic3A_2375 : i32 to vector<16xi32>
      %shift_right_arithmetic3A_2377 = arith.shrsi %iota3A, %shift_right_arithmetic3A_2376 : vector<16xi32>
      %add3A_2378 = arith.constant 60 : i32
      %add3A_2379 = vector.broadcast %add3A_2378 : i32 to vector<16xi32>
      %add3A_2380 = arith.addi %shift_right_arithmetic3A_2377, %add3A_2379 : vector<16xi32>
      %gather3A_2381 = tpu.vector_load_idx %arg8[%add3A_2380] : memref<80xi32, #tpu.memory_space<vmem>>[vector<16xi32>], vector<16xi32>,
      %jit3A_2382 = arith.constant 0 : i32
      %jit3A_2383 = arith.constant 781 : i32
      %max3A_2384 = vector.broadcast %jit3A_2382 : i32 to vector<16xi32>
      %max3A_2385 = arith.maxsi %max3A_2384, %gather3A_2381 : vector<16xi32>
      %min3A_2386 = vector.broadcast %jit3A_2383 : i32 to vector<16xi32>
      %min3A_2387 = arith.minsi %min3A_2386, %max3A_2385 : vector<16xi32>
      %mul3A_2388 = arith.constant 8 : i32
      %mul3A_2389 = vector.broadcast %mul3A_2388 : i32 to vector<16xi32>
      %mul3A_2390 = arith.muli %min3A_2387, %mul3A_2389 : vector<16xi32>
      %add3A_2391 = vector.broadcast %mul3A_1509 : i32 to vector<16xi32>
      %add3A_2392 = arith.addi %add3A_2391, %mul3A_2390 : vector<16xi32>
      %and3A_2393 = arith.constant 7 : i32
      %and3A_2394 = vector.broadcast %and3A_2393 : i32 to vector<16xi32>
      %and3A_2395 = arith.andi %iota3A, %and3A_2394 : vector<16xi32>
      %add3A_2396 = arith.addi %add3A_2392, %and3A_2395 : vector<16xi32>
      %min3A_2397 = arith.constant 1599999 : i32
      %min3A_2398 = vector.broadcast %min3A_2397 : i32 to vector<16xi32>
      %min3A_2399 = arith.minsi %add3A_2396, %min3A_2398 : vector<16xi32>
      %swap3A_2400 = arith.constant 3 : i32
      %swap3A_2401 = arith.index_cast %swap3A_2400 : i32 to index
      %swap3A_2402 = arith.constant 96 : index
      %swap3A_2403 = tpu.vector_load %arg9[%swap3A_2401, %swap3A_2402] {strides = array<i32>} : memref<4x128xi32, #tpu.memory_space<vmem>>, vector<16xi32>,
      tpu.vector_store %arg9[%swap3A_2401, %swap3A_2402], %min3A_2399 {strides = array<i32>} : memref<4x128xi32, #tpu.memory_space<vmem>>, vector<16xi32>,
      %shift_right_arithmetic3A_2404 = arith.constant 3 : i32
      %shift_right_arithmetic3A_2405 = vector.broadcast %shift_right_arithmetic3A_2404 : i32 to vector<16xi32>
      %shift_right_arithmetic3A_2406 = arith.shrsi %iota3A, %shift_right_arithmetic3A_2405 : vector<16xi32>
      %add3A_2407 = arith.constant 62 : i32
      %add3A_2408 = vector.broadcast %add3A_2407 : i32 to vector<16xi32>
      %add3A_2409 = arith.addi %shift_right_arithmetic3A_2406, %add3A_2408 : vector<16xi32>
      %gather3A_2410 = tpu.vector_load_idx %arg8[%add3A_2409] : memref<80xi32, #tpu.memory_space<vmem>>[vector<16xi32>], vector<16xi32>,
      %jit3A_2411 = arith.constant 0 : i32
      %jit3A_2412 = arith.constant 781 : i32
      %max3A_2413 = vector.broadcast %jit3A_2411 : i32 to vector<16xi32>
      %max3A_2414 = arith.maxsi %max3A_2413, %gather3A_2410 : vector<16xi32>
      %min3A_2415 = vector.broadcast %jit3A_2412 : i32 to vector<16xi32>
      %min3A_2416 = arith.minsi %min3A_2415, %max3A_2414 : vector<16xi32>
      %mul3A_2417 = arith.constant 8 : i32
      %mul3A_2418 = vector.broadcast %mul3A_2417 : i32 to vector<16xi32>
      %mul3A_2419 = arith.muli %min3A_2416, %mul3A_2418 : vector<16xi32>
      %add3A_2420 = vector.broadcast %mul3A_1509 : i32 to vector<16xi32>
      %add3A_2421 = arith.addi %add3A_2420, %mul3A_2419 : vector<16xi32>
      %and3A_2422 = arith.constant 7 : i32
      %and3A_2423 = vector.broadcast %and3A_2422 : i32 to vector<16xi32>
      %and3A_2424 = arith.andi %iota3A, %and3A_2423 : vector<16xi32>
      %add3A_2425 = arith.addi %add3A_2421, %and3A_2424 : vector<16xi32>
      %min3A_2426 = arith.constant 1599999 : i32
      %min3A_2427 = vector.broadcast %min3A_2426 : i32 to vector<16xi32>
      %min3A_2428 = arith.minsi %add3A_2425, %min3A_2427 : vector<16xi32>
      %swap3A_2429 = arith.constant 3 : i32
      %swap3A_2430 = arith.index_cast %swap3A_2429 : i32 to index
      %swap3A_2431 = arith.constant 112 : index
      %swap3A_2432 = tpu.vector_load %arg9[%swap3A_2430, %swap3A_2431] {strides = array<i32>} : memref<4x128xi32, #tpu.memory_space<vmem>>, vector<16xi32>,
      tpu.vector_store %arg9[%swap3A_2430, %swap3A_2431], %min3A_2428 {strides = array<i32>} : memref<4x128xi32, #tpu.memory_space<vmem>>, vector<16xi32>,
      %dma_start3A = arith.constant 0 : i32
      %dma_start3A_2433 = arith.constant 0 : i32
      %dma_start3A_2434 = arith.constant 0 : i32
      %dma_start3A_2435 = tpu.memref_slice %arg10[%dma_start3A_2433, %dma_start3A_2434] : memref<512x16xf32, #tpu.memory_space<vmem>> -> memref<128x16xf32, #tpu.memory_space<vmem>>
      %dma_start3A_2436 = arith.constant 0 : i32
      %dma_start3A_2437 = tpu.memref_slice %arg9[%dma_start3A, %dma_start3A_2436] : memref<4x128xi32, #tpu.memory_space<vmem>> -> memref<1x128xi32, #tpu.memory_space<vmem>>
      %dma_start3A_2438 = tpu.memref_squeeze %dma_start3A_2437 : memref<1x128xi32, #tpu.memory_space<vmem>> -> memref<128xi32, #tpu.memory_space<vmem>>
      %dma_start3A_2439 = arith.constant 0 : i32
      %dma_start3A_2440 = arith.constant 0 : i32
      %dma_start3A_2441 = tpu.memref_slice %arg2[%dma_start3A_2439, %dma_start3A_2440] : memref<1600000x16xf32, #tpu.memory_space<hbm>> -> memref<1600000x16xf32, #tpu.memory_space<hbm>>
      tpu.enqueue_indirect_dma source(%dma_start3A_2441 : memref<1600000x16xf32, #tpu.memory_space<hbm>>) target(%dma_start3A_2435 : memref<128x16xf32, #tpu.memory_space<vmem>>) offsets(%dma_start3A_2438 : memref<128xi32, #tpu.memory_space<vmem>>) semaphore(%arg16 : memref<!tpu.dma_semaphore, #tpu.memory_space<semaphore_mem>>)
      %dma_start3A_2442 = arith.constant 1 : i32
      %dma_start3A_2443 = arith.constant 128 : i32
      %dma_start3A_2444 = arith.constant 0 : i32
      %dma_start3A_2445 = tpu.memref_slice %arg10[%dma_start3A_2443, %dma_start3A_2444] : memref<512x16xf32, #tpu.memory_space<vmem>> -> memref<128x16xf32, #tpu.memory_space<vmem>>
      %dma_start3A_2446 = arith.constant 0 : i32
      %dma_start3A_2447 = tpu.memref_slice %arg9[%dma_start3A_2442, %dma_start3A_2446] : memref<4x128xi32, #tpu.memory_space<vmem>> -> memref<1x128xi32, #tpu.memory_space<vmem>>
      %dma_start3A_2448 = tpu.memref_squeeze %dma_start3A_2447 : memref<1x128xi32, #tpu.memory_space<vmem>> -> memref<128xi32, #tpu.memory_space<vmem>>
      %dma_start3A_2449 = arith.constant 0 : i32
      %dma_start3A_2450 = arith.constant 0 : i32
      %dma_start3A_2451 = tpu.memref_slice %arg2[%dma_start3A_2449, %dma_start3A_2450] : memref<1600000x16xf32, #tpu.memory_space<hbm>> -> memref<1600000x16xf32, #tpu.memory_space<hbm>>
      tpu.enqueue_indirect_dma source(%dma_start3A_2451 : memref<1600000x16xf32, #tpu.memory_space<hbm>>) target(%dma_start3A_2445 : memref<128x16xf32, #tpu.memory_space<vmem>>) offsets(%dma_start3A_2448 : memref<128xi32, #tpu.memory_space<vmem>>) semaphore(%arg16 : memref<!tpu.dma_semaphore, #tpu.memory_space<semaphore_mem>>)
      %dma_start3A_2452 = arith.constant 2 : i32
      %dma_start3A_2453 = arith.constant 256 : i32
      %dma_start3A_2454 = arith.constant 0 : i32
      %dma_start3A_2455 = tpu.memref_slice %arg10[%dma_start3A_2453, %dma_start3A_2454] : memref<512x16xf32, #tpu.memory_space<vmem>> -> memref<128x16xf32, #tpu.memory_space<vmem>>
      %dma_start3A_2456 = arith.constant 0 : i32
      %dma_start3A_2457 = tpu.memref_slice %arg9[%dma_start3A_2452, %dma_start3A_2456] : memref<4x128xi32, #tpu.memory_space<vmem>> -> memref<1x128xi32, #tpu.memory_space<vmem>>
      %dma_start3A_2458 = tpu.memref_squeeze %dma_start3A_2457 : memref<1x128xi32, #tpu.memory_space<vmem>> -> memref<128xi32, #tpu.memory_space<vmem>>
      %dma_start3A_2459 = arith.constant 0 : i32
      %dma_start3A_2460 = arith.constant 0 : i32
      %dma_start3A_2461 = tpu.memref_slice %arg2[%dma_start3A_2459, %dma_start3A_2460] : memref<1600000x16xf32, #tpu.memory_space<hbm>> -> memref<1600000x16xf32, #tpu.memory_space<hbm>>
      tpu.enqueue_indirect_dma source(%dma_start3A_2461 : memref<1600000x16xf32, #tpu.memory_space<hbm>>) target(%dma_start3A_2455 : memref<128x16xf32, #tpu.memory_space<vmem>>) offsets(%dma_start3A_2458 : memref<128xi32, #tpu.memory_space<vmem>>) semaphore(%arg16 : memref<!tpu.dma_semaphore, #tpu.memory_space<semaphore_mem>>)
      %dma_start3A_2462 = arith.constant 3 : i32
      %dma_start3A_2463 = arith.constant 384 : i32
      %dma_start3A_2464 = arith.constant 0 : i32
      %dma_start3A_2465 = tpu.memref_slice %arg10[%dma_start3A_2463, %dma_start3A_2464] : memref<512x16xf32, #tpu.memory_space<vmem>> -> memref<128x16xf32, #tpu.memory_space<vmem>>
      %dma_start3A_2466 = arith.constant 0 : i32
      %dma_start3A_2467 = tpu.memref_slice %arg9[%dma_start3A_2462, %dma_start3A_2466] : memref<4x128xi32, #tpu.memory_space<vmem>> -> memref<1x128xi32, #tpu.memory_space<vmem>>
      %dma_start3A_2468 = tpu.memref_squeeze %dma_start3A_2467 : memref<1x128xi32, #tpu.memory_space<vmem>> -> memref<128xi32, #tpu.memory_space<vmem>>
      %dma_start3A_2469 = arith.constant 0 : i32
      %dma_start3A_2470 = arith.constant 0 : i32
      %dma_start3A_2471 = tpu.memref_slice %arg2[%dma_start3A_2469, %dma_start3A_2470] : memref<1600000x16xf32, #tpu.memory_space<hbm>> -> memref<1600000x16xf32, #tpu.memory_space<hbm>>
      tpu.enqueue_indirect_dma source(%dma_start3A_2471 : memref<1600000x16xf32, #tpu.memory_space<hbm>>) target(%dma_start3A_2465 : memref<128x16xf32, #tpu.memory_space<vmem>>) offsets(%dma_start3A_2468 : memref<128xi32, #tpu.memory_space<vmem>>) semaphore(%arg16 : memref<!tpu.dma_semaphore, #tpu.memory_space<semaphore_mem>>)
      %dma_wait3A = arith.constant 0 : i32
      %dma_wait3A_2472 = arith.constant 0 : i32
      %dma_wait3A_2473 = arith.constant 0 : i32
      %dma_wait3A_2474 = tpu.memref_slice %arg10[%dma_wait3A_2472, %dma_wait3A_2473] : memref<512x16xf32, #tpu.memory_space<vmem>> -> memref<128x16xf32, #tpu.memory_space<vmem>>
      %dma_wait3A_2475 = arith.constant 0 : i32
      %dma_wait3A_2476 = tpu.memref_slice %arg9[%dma_wait3A, %dma_wait3A_2475] : memref<4x128xi32, #tpu.memory_space<vmem>> -> memref<1x128xi32, #tpu.memory_space<vmem>>
      %dma_wait3A_2477 = tpu.memref_squeeze %dma_wait3A_2476 : memref<1x128xi32, #tpu.memory_space<vmem>> -> memref<128xi32, #tpu.memory_space<vmem>>
      %dma_wait3A_2478 = arith.constant 0 : i32
      %dma_wait3A_2479 = arith.constant 0 : i32
      %dma_wait3A_2480 = tpu.memref_slice %arg2[%dma_wait3A_2478, %dma_wait3A_2479] : memref<1600000x16xf32, #tpu.memory_space<hbm>> -> memref<1600000x16xf32, #tpu.memory_space<hbm>>
      tpu.wait_indirect_dma semaphore(%arg16 : memref<!tpu.dma_semaphore, #tpu.memory_space<semaphore_mem>>) src(%dma_wait3A_2480 : memref<1600000x16xf32, #tpu.memory_space<hbm>>) dst(%dma_wait3A_2474 : memref<128x16xf32, #tpu.memory_space<vmem>>)
      %dma_wait3A_2481 = arith.constant 1 : i32
      %dma_wait3A_2482 = arith.constant 128 : i32
      %dma_wait3A_2483 = arith.constant 0 : i32
      %dma_wait3A_2484 = tpu.memref_slice %arg10[%dma_wait3A_2482, %dma_wait3A_2483] : memref<512x16xf32, #tpu.memory_space<vmem>> -> memref<128x16xf32, #tpu.memory_space<vmem>>
      %dma_wait3A_2485 = arith.constant 0 : i32
      %dma_wait3A_2486 = tpu.memref_slice %arg9[%dma_wait3A_2481, %dma_wait3A_2485] : memref<4x128xi32, #tpu.memory_space<vmem>> -> memref<1x128xi32, #tpu.memory_space<vmem>>
      %dma_wait3A_2487 = tpu.memref_squeeze %dma_wait3A_2486 : memref<1x128xi32, #tpu.memory_space<vmem>> -> memref<128xi32, #tpu.memory_space<vmem>>
      %dma_wait3A_2488 = arith.constant 0 : i32
      %dma_wait3A_2489 = arith.constant 0 : i32
      %dma_wait3A_2490 = tpu.memref_slice %arg2[%dma_wait3A_2488, %dma_wait3A_2489] : memref<1600000x16xf32, #tpu.memory_space<hbm>> -> memref<1600000x16xf32, #tpu.memory_space<hbm>>
      tpu.wait_indirect_dma semaphore(%arg16 : memref<!tpu.dma_semaphore, #tpu.memory_space<semaphore_mem>>) src(%dma_wait3A_2490 : memref<1600000x16xf32, #tpu.memory_space<hbm>>) dst(%dma_wait3A_2484 : memref<128x16xf32, #tpu.memory_space<vmem>>)
      %dma_wait3A_2491 = arith.constant 2 : i32
      %dma_wait3A_2492 = arith.constant 256 : i32
      %dma_wait3A_2493 = arith.constant 0 : i32
      %dma_wait3A_2494 = tpu.memref_slice %arg10[%dma_wait3A_2492, %dma_wait3A_2493] : memref<512x16xf32, #tpu.memory_space<vmem>> -> memref<128x16xf32, #tpu.memory_space<vmem>>
      %dma_wait3A_2495 = arith.constant 0 : i32
      %dma_wait3A_2496 = tpu.memref_slice %arg9[%dma_wait3A_2491, %dma_wait3A_2495] : memref<4x128xi32, #tpu.memory_space<vmem>> -> memref<1x128xi32, #tpu.memory_space<vmem>>
      %dma_wait3A_2497 = tpu.memref_squeeze %dma_wait3A_2496 : memref<1x128xi32, #tpu.memory_space<vmem>> -> memref<128xi32, #tpu.memory_space<vmem>>
      %dma_wait3A_2498 = arith.constant 0 : i32
      %dma_wait3A_2499 = arith.constant 0 : i32
      %dma_wait3A_2500 = tpu.memref_slice %arg2[%dma_wait3A_2498, %dma_wait3A_2499] : memref<1600000x16xf32, #tpu.memory_space<hbm>> -> memref<1600000x16xf32, #tpu.memory_space<hbm>>
      tpu.wait_indirect_dma semaphore(%arg16 : memref<!tpu.dma_semaphore, #tpu.memory_space<semaphore_mem>>) src(%dma_wait3A_2500 : memref<1600000x16xf32, #tpu.memory_space<hbm>>) dst(%dma_wait3A_2494 : memref<128x16xf32, #tpu.memory_space<vmem>>)
      %dma_wait3A_2501 = arith.constant 3 : i32
      %dma_wait3A_2502 = arith.constant 384 : i32
      %dma_wait3A_2503 = arith.constant 0 : i32
      %dma_wait3A_2504 = tpu.memref_slice %arg10[%dma_wait3A_2502, %dma_wait3A_2503] : memref<512x16xf32, #tpu.memory_space<vmem>> -> memref<128x16xf32, #tpu.memory_space<vmem>>
      %dma_wait3A_2505 = arith.constant 0 : i32
      %dma_wait3A_2506 = tpu.memref_slice %arg9[%dma_wait3A_2501, %dma_wait3A_2505] : memref<4x128xi32, #tpu.memory_space<vmem>> -> memref<1x128xi32, #tpu.memory_space<vmem>>
      %dma_wait3A_2507 = tpu.memref_squeeze %dma_wait3A_2506 : memref<1x128xi32, #tpu.memory_space<vmem>> -> memref<128xi32, #tpu.memory_space<vmem>>
      %dma_wait3A_2508 = arith.constant 0 : i32
      %dma_wait3A_2509 = arith.constant 0 : i32
      %dma_wait3A_2510 = tpu.memref_slice %arg2[%dma_wait3A_2508, %dma_wait3A_2509] : memref<1600000x16xf32, #tpu.memory_space<hbm>> -> memref<1600000x16xf32, #tpu.memory_space<hbm>>
      tpu.wait_indirect_dma semaphore(%arg16 : memref<!tpu.dma_semaphore, #tpu.memory_space<semaphore_mem>>) src(%dma_wait3A_2510 : memref<1600000x16xf32, #tpu.memory_space<hbm>>) dst(%dma_wait3A_2504 : memref<128x16xf32, #tpu.memory_space<vmem>>)
      %mul3A_2511 = arith.constant 2 : i32
      %mul3A_2512 = arith.muli %min3A_1507, %mul3A_2511 : i32
      %while3A = arith.constant 0 : i32
      %while3A_2513 = arith.constant 0 : i32
      %while3A_2514 = arith.subi %mul3A_2512, %while3A : i32
      %while3A_2515 = arith.addi %while3A, %while3A_2514 : i32
      %while3A_2516 = arith.constant 1 : i32
      %while3A_2517 = arith.divsi %while3A_2514, %while3A_2516 : i32
      %while3A_2518 = arith.muli %while3A_2517, %while3A_2516 : i32
      %while3A_2519 = arith.addi %while3A, %while3A_2518 : i32
      %while3A_2520 = arith.constant 1 : i32
      %while3A_2521 = scf.for %while3A_3169 = %while3A to %while3A_2519 step %while3A_2520 iter_args(%while3A_3170 = %while3A_2513) -> (i32)  : i32 {
        %mul3A_3171 = arith.constant 4 : i32
        %mul3A_3172 = arith.muli %while3A_3169, %mul3A_3171 : i32
        %add3A_3173 = arith.constant 0 : i32
        %add3A_3174 = arith.addi %mul3A_3172, %add3A_3173 : i32
        %get3A_3175 = arith.index_cast %add3A_3174 : i32 to index
        %get3A_3176 = arith.constant 0 : index
        %get3A_3177 = tpu.vector_load %arg10[%get3A_3175, %get3A_3176] {strides = array<i32>} : memref<512x16xf32, #tpu.memory_space<vmem>>, vector<16xf32>,
        %ge3A_3178 = arith.cmpf oge, %get3A_3177, %bitcast_convert_type3A_725 : vector<16xf32>
        %mul3A_3179 = arith.constant 16 : i32
        %mul3A_3180 = arith.muli %add3A_3174, %mul3A_3179 : i32
        %add3A_3181 = vector.broadcast %mul3A_3180 : i32 to vector<16xi32>
        %add3A_3182 = arith.addi %iota3A, %add3A_3181 : vector<16xi32>
        %swap3A_3183 = arith.index_cast %while3A_3170 : i32 to index
        %swap3A_3184 = tpu.vector_load %arg11[%swap3A_3183] masked %ge3A_3178 {strides = array<i32>} : memref<256xi32, #tpu.memory_space<vmem>>, vector<16xi32>, vector<16xi1>
        tpu.vector_store %arg11[%swap3A_3183], %add3A_3182 masked %ge3A_3178 {strides = array<i32>} : memref<256xi32, #tpu.memory_space<vmem>>, vector<16xi32>, vector<16xi1>
        %all_reduce_population_count3A_3185 = tpu.all_reduce %ge3A_3178 {dim = 0 : i64, kind = #tpu.reduction_kind<sum>} : vector<16xi1> -> vector<16xi32>
        %slice3A_3186 = vector.extract_strided_slice %all_reduce_population_count3A_3185 {offsets = [0], sizes = [1], strides = [1]} : vector<16xi32> to vector<1xi32>
        %squeeze3A_3187 = vector.extract %slice3A_3186[0] : i32 from vector<1xi32>
        %add3A_3188 = arith.addi %while3A_3170, %squeeze3A_3187 : i32
        %min3A_3189 = arith.constant 240 : i32
        %min3A_3190 = arith.minsi %add3A_3188, %min3A_3189 : i32
        %mul3A_3191 = arith.constant 4 : i32
        %mul3A_3192 = arith.muli %while3A_3169, %mul3A_3191 : i32
        %add3A_3193 = arith.constant 1 : i32
        %add3A_3194 = arith.addi %mul3A_3192, %add3A_3193 : i32
        %get3A_3195 = arith.index_cast %add3A_3194 : i32 to index
        %get3A_3196 = arith.constant 0 : index
        %get3A_3197 = tpu.vector_load %arg10[%get3A_3195, %get3A_3196] {strides = array<i32>} : memref<512x16xf32, #tpu.memory_space<vmem>>, vector<16xf32>,
        %ge3A_3198 = arith.cmpf oge, %get3A_3197, %bitcast_convert_type3A_725 : vector<16xf32>
        %mul3A_3199 = arith.constant 16 : i32
        %mul3A_3200 = arith.muli %add3A_3194, %mul3A_3199 : i32
        %add3A_3201 = vector.broadcast %mul3A_3200 : i32 to vector<16xi32>
        %add3A_3202 = arith.addi %iota3A, %add3A_3201 : vector<16xi32>
        %swap3A_3203 = arith.index_cast %min3A_3190 : i32 to index
        %swap3A_3204 = tpu.vector_load %arg11[%swap3A_3203] masked %ge3A_3198 {strides = array<i32>} : memref<256xi32, #tpu.memory_space<vmem>>, vector<16xi32>, vector<16xi1>
        tpu.vector_store %arg11[%swap3A_3203], %add3A_3202 masked %ge3A_3198 {strides = array<i32>} : memref<256xi32, #tpu.memory_space<vmem>>, vector<16xi32>, vector<16xi1>
        %all_reduce_population_count3A_3205 = tpu.all_reduce %ge3A_3198 {dim = 0 : i64, kind = #tpu.reduction_kind<sum>} : vector<16xi1> -> vector<16xi32>
        %slice3A_3206 = vector.extract_strided_slice %all_reduce_population_count3A_3205 {offsets = [0], sizes = [1], strides = [1]} : vector<16xi32> to vector<1xi32>
        %squeeze3A_3207 = vector.extract %slice3A_3206[0] : i32 from vector<1xi32>
        %add3A_3208 = arith.addi %min3A_3190, %squeeze3A_3207 : i32
        %min3A_3209 = arith.constant 240 : i32
        %min3A_3210 = arith.minsi %add3A_3208, %min3A_3209 : i32
        %mul3A_3211 = arith.constant 4 : i32
        %mul3A_3212 = arith.muli %while3A_3169, %mul3A_3211 : i32
        %add3A_3213 = arith.constant 2 : i32
        %add3A_3214 = arith.addi %mul3A_3212, %add3A_3213 : i32
        %get3A_3215 = arith.index_cast %add3A_3214 : i32 to index
        %get3A_3216 = arith.constant 0 : index
        %get3A_3217 = tpu.vector_load %arg10[%get3A_3215, %get3A_3216] {strides = array<i32>} : memref<512x16xf32, #tpu.memory_space<vmem>>, vector<16xf32>,
        %ge3A_3218 = arith.cmpf oge, %get3A_3217, %bitcast_convert_type3A_725 : vector<16xf32>
        %mul3A_3219 = arith.constant 16 : i32
        %mul3A_3220 = arith.muli %add3A_3214, %mul3A_3219 : i32
        %add3A_3221 = vector.broadcast %mul3A_3220 : i32 to vector<16xi32>
        %add3A_3222 = arith.addi %iota3A, %add3A_3221 : vector<16xi32>
        %swap3A_3223 = arith.index_cast %min3A_3210 : i32 to index
        %swap3A_3224 = tpu.vector_load %arg11[%swap3A_3223] masked %ge3A_3218 {strides = array<i32>} : memref<256xi32, #tpu.memory_space<vmem>>, vector<16xi32>, vector<16xi1>
        tpu.vector_store %arg11[%swap3A_3223], %add3A_3222 masked %ge3A_3218 {strides = array<i32>} : memref<256xi32, #tpu.memory_space<vmem>>, vector<16xi32>, vector<16xi1>
        %all_reduce_population_count3A_3225 = tpu.all_reduce %ge3A_3218 {dim = 0 : i64, kind = #tpu.reduction_kind<sum>} : vector<16xi1> -> vector<16xi32>
        %slice3A_3226 = vector.extract_strided_slice %all_reduce_population_count3A_3225 {offsets = [0], sizes = [1], strides = [1]} : vector<16xi32> to vector<1xi32>
        %squeeze3A_3227 = vector.extract %slice3A_3226[0] : i32 from vector<1xi32>
        %add3A_3228 = arith.addi %min3A_3210, %squeeze3A_3227 : i32
        %min3A_3229 = arith.constant 240 : i32
        %min3A_3230 = arith.minsi %add3A_3228, %min3A_3229 : i32
        %mul3A_3231 = arith.constant 4 : i32
        %mul3A_3232 = arith.muli %while3A_3169, %mul3A_3231 : i32
        %add3A_3233 = arith.constant 3 : i32
        %add3A_3234 = arith.addi %mul3A_3232, %add3A_3233 : i32
        %get3A_3235 = arith.index_cast %add3A_3234 : i32 to index
        %get3A_3236 = arith.constant 0 : index
        %get3A_3237 = tpu.vector_load %arg10[%get3A_3235, %get3A_3236] {strides = array<i32>} : memref<512x16xf32, #tpu.memory_space<vmem>>, vector<16xf32>,
        %ge3A_3238 = arith.cmpf oge, %get3A_3237, %bitcast_convert_type3A_725 : vector<16xf32>
        %mul3A_3239 = arith.constant 16 : i32
        %mul3A_3240 = arith.muli %add3A_3234, %mul3A_3239 : i32
        %add3A_3241 = vector.broadcast %mul3A_3240 : i32 to vector<16xi32>
        %add3A_3242 = arith.addi %iota3A, %add3A_3241 : vector<16xi32>
        %swap3A_3243 = arith.index_cast %min3A_3230 : i32 to index
        %swap3A_3244 = tpu.vector_load %arg11[%swap3A_3243] masked %ge3A_3238 {strides = array<i32>} : memref<256xi32, #tpu.memory_space<vmem>>, vector<16xi32>, vector<16xi1>
        tpu.vector_store %arg11[%swap3A_3243], %add3A_3242 masked %ge3A_3238 {strides = array<i32>} : memref<256xi32, #tpu.memory_space<vmem>>, vector<16xi32>, vector<16xi1>
        %all_reduce_population_count3A_3245 = tpu.all_reduce %ge3A_3238 {dim = 0 : i64, kind = #tpu.reduction_kind<sum>} : vector<16xi1> -> vector<16xi32>
        %slice3A_3246 = vector.extract_strided_slice %all_reduce_population_count3A_3245 {offsets = [0], sizes = [1], strides = [1]} : vector<16xi32> to vector<1xi32>
        %squeeze3A_3247 = vector.extract %slice3A_3246[0] : i32 from vector<1xi32>
        %add3A_3248 = arith.addi %min3A_3230, %squeeze3A_3247 : i32
        %min3A_3249 = arith.constant 240 : i32
        %min3A_3250 = arith.minsi %add3A_3248, %min3A_3249 : i32
        scf.yield %min3A_3250 : i32
      }
      %while3A_2522 = arith.constant 1 : i32
      %while3A_2523 = scf.for %while3A_3169 = %while3A_2519 to %while3A_2515 step %while3A_2522 iter_args(%while3A_3170 = %while3A_2521) -> (i32)  : i32 {
        %mul3A_3171 = arith.constant 4 : i32
        %mul3A_3172 = arith.muli %while3A_3169, %mul3A_3171 : i32
        %add3A_3173 = arith.constant 0 : i32
        %add3A_3174 = arith.addi %mul3A_3172, %add3A_3173 : i32
        %get3A_3175 = arith.index_cast %add3A_3174 : i32 to index
        %get3A_3176 = arith.constant 0 : index
        %get3A_3177 = tpu.vector_load %arg10[%get3A_3175, %get3A_3176] {strides = array<i32>} : memref<512x16xf32, #tpu.memory_space<vmem>>, vector<16xf32>,
        %ge3A_3178 = arith.cmpf oge, %get3A_3177, %bitcast_convert_type3A_725 : vector<16xf32>
        %mul3A_3179 = arith.constant 16 : i32
        %mul3A_3180 = arith.muli %add3A_3174, %mul3A_3179 : i32
        %add3A_3181 = vector.broadcast %mul3A_3180 : i32 to vector<16xi32>
        %add3A_3182 = arith.addi %iota3A, %add3A_3181 : vector<16xi32>
        %swap3A_3183 = arith.index_cast %while3A_3170 : i32 to index
        %swap3A_3184 = tpu.vector_load %arg11[%swap3A_3183] masked %ge3A_3178 {strides = array<i32>} : memref<256xi32, #tpu.memory_space<vmem>>, vector<16xi32>, vector<16xi1>
        tpu.vector_store %arg11[%swap3A_3183], %add3A_3182 masked %ge3A_3178 {strides = array<i32>} : memref<256xi32, #tpu.memory_space<vmem>>, vector<16xi32>, vector<16xi1>
        %all_reduce_population_count3A_3185 = tpu.all_reduce %ge3A_3178 {dim = 0 : i64, kind = #tpu.reduction_kind<sum>} : vector<16xi1> -> vector<16xi32>
        %slice3A_3186 = vector.extract_strided_slice %all_reduce_population_count3A_3185 {offsets = [0], sizes = [1], strides = [1]} : vector<16xi32> to vector<1xi32>
        %squeeze3A_3187 = vector.extract %slice3A_3186[0] : i32 from vector<1xi32>
        %add3A_3188 = arith.addi %while3A_3170, %squeeze3A_3187 : i32
        %min3A_3189 = arith.constant 240 : i32
        %min3A_3190 = arith.minsi %add3A_3188, %min3A_3189 : i32
        %mul3A_3191 = arith.constant 4 : i32
        %mul3A_3192 = arith.muli %while3A_3169, %mul3A_3191 : i32
        %add3A_3193 = arith.constant 1 : i32
        %add3A_3194 = arith.addi %mul3A_3192, %add3A_3193 : i32
        %get3A_3195 = arith.index_cast %add3A_3194 : i32 to index
        %get3A_3196 = arith.constant 0 : index
        %get3A_3197 = tpu.vector_load %arg10[%get3A_3195, %get3A_3196] {strides = array<i32>} : memref<512x16xf32, #tpu.memory_space<vmem>>, vector<16xf32>,
        %ge3A_3198 = arith.cmpf oge, %get3A_3197, %bitcast_convert_type3A_725 : vector<16xf32>
        %mul3A_3199 = arith.constant 16 : i32
        %mul3A_3200 = arith.muli %add3A_3194, %mul3A_3199 : i32
        %add3A_3201 = vector.broadcast %mul3A_3200 : i32 to vector<16xi32>
        %add3A_3202 = arith.addi %iota3A, %add3A_3201 : vector<16xi32>
        %swap3A_3203 = arith.index_cast %min3A_3190 : i32 to index
        %swap3A_3204 = tpu.vector_load %arg11[%swap3A_3203] masked %ge3A_3198 {strides = array<i32>} : memref<256xi32, #tpu.memory_space<vmem>>, vector<16xi32>, vector<16xi1>
        tpu.vector_store %arg11[%swap3A_3203], %add3A_3202 masked %ge3A_3198 {strides = array<i32>} : memref<256xi32, #tpu.memory_space<vmem>>, vector<16xi32>, vector<16xi1>
        %all_reduce_population_count3A_3205 = tpu.all_reduce %ge3A_3198 {dim = 0 : i64, kind = #tpu.reduction_kind<sum>} : vector<16xi1> -> vector<16xi32>
        %slice3A_3206 = vector.extract_strided_slice %all_reduce_population_count3A_3205 {offsets = [0], sizes = [1], strides = [1]} : vector<16xi32> to vector<1xi32>
        %squeeze3A_3207 = vector.extract %slice3A_3206[0] : i32 from vector<1xi32>
        %add3A_3208 = arith.addi %min3A_3190, %squeeze3A_3207 : i32
        %min3A_3209 = arith.constant 240 : i32
        %min3A_3210 = arith.minsi %add3A_3208, %min3A_3209 : i32
        %mul3A_3211 = arith.constant 4 : i32
        %mul3A_3212 = arith.muli %while3A_3169, %mul3A_3211 : i32
        %add3A_3213 = arith.constant 2 : i32
        %add3A_3214 = arith.addi %mul3A_3212, %add3A_3213 : i32
        %get3A_3215 = arith.index_cast %add3A_3214 : i32 to index
        %get3A_3216 = arith.constant 0 : index
        %get3A_3217 = tpu.vector_load %arg10[%get3A_3215, %get3A_3216] {strides = array<i32>} : memref<512x16xf32, #tpu.memory_space<vmem>>, vector<16xf32>,
        %ge3A_3218 = arith.cmpf oge, %get3A_3217, %bitcast_convert_type3A_725 : vector<16xf32>
        %mul3A_3219 = arith.constant 16 : i32
        %mul3A_3220 = arith.muli %add3A_3214, %mul3A_3219 : i32
        %add3A_3221 = vector.broadcast %mul3A_3220 : i32 to vector<16xi32>
        %add3A_3222 = arith.addi %iota3A, %add3A_3221 : vector<16xi32>
        %swap3A_3223 = arith.index_cast %min3A_3210 : i32 to index
        %swap3A_3224 = tpu.vector_load %arg11[%swap3A_3223] masked %ge3A_3218 {strides = array<i32>} : memref<256xi32, #tpu.memory_space<vmem>>, vector<16xi32>, vector<16xi1>
        tpu.vector_store %arg11[%swap3A_3223], %add3A_3222 masked %ge3A_3218 {strides = array<i32>} : memref<256xi32, #tpu.memory_space<vmem>>, vector<16xi32>, vector<16xi1>
        %all_reduce_population_count3A_3225 = tpu.all_reduce %ge3A_3218 {dim = 0 : i64, kind = #tpu.reduction_kind<sum>} : vector<16xi1> -> vector<16xi32>
        %slice3A_3226 = vector.extract_strided_slice %all_reduce_population_count3A_3225 {offsets = [0], sizes = [1], strides = [1]} : vector<16xi32> to vector<1xi32>
        %squeeze3A_3227 = vector.extract %slice3A_3226[0] : i32 from vector<1xi32>
        %add3A_3228 = arith.addi %min3A_3210, %squeeze3A_3227 : i32
        %min3A_3229 = arith.constant 240 : i32
        %min3A_3230 = arith.minsi %add3A_3228, %min3A_3229 : i32
        %mul3A_3231 = arith.constant 4 : i32
        %mul3A_3232 = arith.muli %while3A_3169, %mul3A_3231 : i32
        %add3A_3233 = arith.constant 3 : i32
        %add3A_3234 = arith.addi %mul3A_3232, %add3A_3233 : i32
        %get3A_3235 = arith.index_cast %add3A_3234 : i32 to index
        %get3A_3236 = arith.constant 0 : index
        %get3A_3237 = tpu.vector_load %arg10[%get3A_3235, %get3A_3236] {strides = array<i32>} : memref<512x16xf32, #tpu.memory_space<vmem>>, vector<16xf32>,
        %ge3A_3238 = arith.cmpf oge, %get3A_3237, %bitcast_convert_type3A_725 : vector<16xf32>
        %mul3A_3239 = arith.constant 16 : i32
        %mul3A_3240 = arith.muli %add3A_3234, %mul3A_3239 : i32
        %add3A_3241 = vector.broadcast %mul3A_3240 : i32 to vector<16xi32>
        %add3A_3242 = arith.addi %iota3A, %add3A_3241 : vector<16xi32>
        %swap3A_3243 = arith.index_cast %min3A_3230 : i32 to index
        %swap3A_3244 = tpu.vector_load %arg11[%swap3A_3243] masked %ge3A_3238 {strides = array<i32>} : memref<256xi32, #tpu.memory_space<vmem>>, vector<16xi32>, vector<16xi1>
        tpu.vector_store %arg11[%swap3A_3243], %add3A_3242 masked %ge3A_3238 {strides = array<i32>} : memref<256xi32, #tpu.memory_space<vmem>>, vector<16xi32>, vector<16xi1>
        %all_reduce_population_count3A_3245 = tpu.all_reduce %ge3A_3238 {dim = 0 : i64, kind = #tpu.reduction_kind<sum>} : vector<16xi1> -> vector<16xi32>
        %slice3A_3246 = vector.extract_strided_slice %all_reduce_population_count3A_3245 {offsets = [0], sizes = [1], strides = [1]} : vector<16xi32> to vector<1xi32>
        %squeeze3A_3247 = vector.extract %slice3A_3246[0] : i32 from vector<1xi32>
        %add3A_3248 = arith.addi %min3A_3230, %squeeze3A_3247 : i32
        %min3A_3249 = arith.constant 240 : i32
        %min3A_3250 = arith.minsi %add3A_3248, %min3A_3249 : i32
        scf.yield %min3A_3250 : i32
      }
      %get3A_2524 = arith.constant 0 : index
      %get3A_2525 = tpu.vector_load %arg11[%get3A_2524] {strides = array<i32>} : memref<256xi32, #tpu.memory_space<vmem>>, vector<16xi32>,
      %add3A_2526 = arith.constant 0 : i32
      %add3A_2527 = vector.broadcast %add3A_2526 : i32 to vector<16xi32>
      %add3A_2528 = arith.addi %iota3A, %add3A_2527 : vector<16xi32>
      %lt3A = vector.broadcast %while3A_2523 : i32 to vector<16xi32>
      %lt3A_2529 = arith.cmpi slt, %add3A_2528, %lt3A : vector<16xi32>
      %jit3A_2530 = arith.constant 0 : i32
      %broadcast_in_dim3A_2531 = vector.broadcast %jit3A_2530 : i32 to vector<16xi32>
      %select_n3A_2532 = arith.select %lt3A_2529, %get3A_2525, %broadcast_in_dim3A_2531 : vector<16xi1>, vector<16xi32>
      %shift_right_arithmetic3A_2533 = arith.constant 7 : i32
      %shift_right_arithmetic3A_2534 = vector.broadcast %shift_right_arithmetic3A_2533 : i32 to vector<16xi32>
      %shift_right_arithmetic3A_2535 = arith.shrsi %select_n3A_2532, %shift_right_arithmetic3A_2534 : vector<16xi32>
      %gather3A_2536 = tpu.vector_load_idx %arg8[%shift_right_arithmetic3A_2535] : memref<80xi32, #tpu.memory_space<vmem>>[vector<16xi32>], vector<16xi32>,
      %mul3A_2537 = arith.constant 128 : i32
      %mul3A_2538 = vector.broadcast %mul3A_2537 : i32 to vector<16xi32>
      %mul3A_2539 = arith.muli %gather3A_2536, %mul3A_2538 : vector<16xi32>
      %and3A_2540 = arith.constant 127 : i32
      %and3A_2541 = vector.broadcast %and3A_2540 : i32 to vector<16xi32>
      %and3A_2542 = arith.andi %select_n3A_2532, %and3A_2541 : vector<16xi32>
      %add3A_2543 = arith.addi %mul3A_2539, %and3A_2542 : vector<16xi32>
      %shift_right_arithmetic3A_2544 = arith.constant 4 : i32
      %shift_right_arithmetic3A_2545 = vector.broadcast %shift_right_arithmetic3A_2544 : i32 to vector<16xi32>
      %shift_right_arithmetic3A_2546 = arith.shrsi %select_n3A_2532, %shift_right_arithmetic3A_2545 : vector<16xi32>
      %and3A_2547 = arith.constant 15 : i32
      %and3A_2548 = vector.broadcast %and3A_2547 : i32 to vector<16xi32>
      %and3A_2549 = arith.andi %select_n3A_2532, %and3A_2548 : vector<16xi32>
      %gather3A_2550 = tpu.vector_load_idx %arg10[%shift_right_arithmetic3A_2546, %and3A_2549] : memref<512x16xf32, #tpu.memory_space<vmem>>[vector<16xi32>, vector<16xi32>], vector<16xf32>,
      %lt3A_2551 = arith.constant 100000 : i32
      %lt3A_2552 = vector.broadcast %lt3A_2551 : i32 to vector<16xi32>
      %lt3A_2553 = arith.cmpi slt, %add3A_2543, %lt3A_2552 : vector<16xi32>
      %and3A_2554 = arith.andi %lt3A_2529, %lt3A_2553 : vector<16xi1>
      %swap3A_2555 = arith.constant 0 : i32
      %swap3A_2556 = arith.index_cast %swap3A_2555 : i32 to index
      %swap3A_2557 = tpu.vector_load %arg12[%swap3A_2556] masked %and3A_2554 {strides = array<i32>} : memref<136xf32, #tpu.memory_space<vmem>>, vector<16xf32>, vector<16xi1>
      tpu.vector_store %arg12[%swap3A_2556], %gather3A_2550 masked %and3A_2554 {strides = array<i32>} : memref<136xf32, #tpu.memory_space<vmem>>, vector<16xf32>, vector<16xi1>
      %swap3A_2558 = arith.constant 0 : i32
      %swap3A_2559 = arith.index_cast %swap3A_2558 : i32 to index
      %swap3A_2560 = tpu.vector_load %arg13[%swap3A_2559] masked %and3A_2554 {strides = array<i32>} : memref<136xi32, #tpu.memory_space<vmem>>, vector<16xi32>, vector<16xi1>
      tpu.vector_store %arg13[%swap3A_2559], %add3A_2543 masked %and3A_2554 {strides = array<i32>} : memref<136xi32, #tpu.memory_space<vmem>>, vector<16xi32>, vector<16xi1>
      %all_reduce_population_count3A_2561 = tpu.all_reduce %and3A_2554 {dim = 0 : i64, kind = #tpu.reduction_kind<sum>} : vector<16xi1> -> vector<16xi32>
      %slice3A_2562 = vector.extract_strided_slice %all_reduce_population_count3A_2561 {offsets = [0], sizes = [1], strides = [1]} : vector<16xi32> to vector<1xi32>
      %squeeze3A_2563 = vector.extract %slice3A_2562[0] : i32 from vector<1xi32>
      %add3A_2564 = arith.constant 0 : i32
      %add3A_2565 = arith.addi %add3A_2564, %squeeze3A_2563 : i32
      %min3A_2566 = arith.constant 120 : i32
      %min3A_2567 = arith.minsi %add3A_2565, %min3A_2566 : i32
      %get3A_2568 = arith.constant 16 : index
      %get3A_2569 = tpu.vector_load %arg11[%get3A_2568] {strides = array<i32>} : memref<256xi32, #tpu.memory_space<vmem>>, vector<16xi32>,
      %add3A_2570 = arith.constant 16 : i32
      %add3A_2571 = vector.broadcast %add3A_2570 : i32 to vector<16xi32>
      %add3A_2572 = arith.addi %iota3A, %add3A_2571 : vector<16xi32>
      %lt3A_2573 = vector.broadcast %while3A_2523 : i32 to vector<16xi32>
      %lt3A_2574 = arith.cmpi slt, %add3A_2572, %lt3A_2573 : vector<16xi32>
      %jit3A_2575 = arith.constant 0 : i32
      %broadcast_in_dim3A_2576 = vector.broadcast %jit3A_2575 : i32 to vector<16xi32>
      %select_n3A_2577 = arith.select %lt3A_2574, %get3A_2569, %broadcast_in_dim3A_2576 : vector<16xi1>, vector<16xi32>
      %shift_right_arithmetic3A_2578 = arith.constant 7 : i32
      %shift_right_arithmetic3A_2579 = vector.broadcast %shift_right_arithmetic3A_2578 : i32 to vector<16xi32>
      %shift_right_arithmetic3A_2580 = arith.shrsi %select_n3A_2577, %shift_right_arithmetic3A_2579 : vector<16xi32>
      %gather3A_2581 = tpu.vector_load_idx %arg8[%shift_right_arithmetic3A_2580] : memref<80xi32, #tpu.memory_space<vmem>>[vector<16xi32>], vector<16xi32>,
      %mul3A_2582 = arith.constant 128 : i32
      %mul3A_2583 = vector.broadcast %mul3A_2582 : i32 to vector<16xi32>
      %mul3A_2584 = arith.muli %gather3A_2581, %mul3A_2583 : vector<16xi32>
      %and3A_2585 = arith.constant 127 : i32
      %and3A_2586 = vector.broadcast %and3A_2585 : i32 to vector<16xi32>
      %and3A_2587 = arith.andi %select_n3A_2577, %and3A_2586 : vector<16xi32>
      %add3A_2588 = arith.addi %mul3A_2584, %and3A_2587 : vector<16xi32>
      %shift_right_arithmetic3A_2589 = arith.constant 4 : i32
      %shift_right_arithmetic3A_2590 = vector.broadcast %shift_right_arithmetic3A_2589 : i32 to vector<16xi32>
      %shift_right_arithmetic3A_2591 = arith.shrsi %select_n3A_2577, %shift_right_arithmetic3A_2590 : vector<16xi32>
      %and3A_2592 = arith.constant 15 : i32
      %and3A_2593 = vector.broadcast %and3A_2592 : i32 to vector<16xi32>
      %and3A_2594 = arith.andi %select_n3A_2577, %and3A_2593 : vector<16xi32>
      %gather3A_2595 = tpu.vector_load_idx %arg10[%shift_right_arithmetic3A_2591, %and3A_2594] : memref<512x16xf32, #tpu.memory_space<vmem>>[vector<16xi32>, vector<16xi32>], vector<16xf32>,
      %lt3A_2596 = arith.constant 100000 : i32
      %lt3A_2597 = vector.broadcast %lt3A_2596 : i32 to vector<16xi32>
      %lt3A_2598 = arith.cmpi slt, %add3A_2588, %lt3A_2597 : vector<16xi32>
      %and3A_2599 = arith.andi %lt3A_2574, %lt3A_2598 : vector<16xi1>
      %swap3A_2600 = arith.index_cast %min3A_2567 : i32 to index
      %swap3A_2601 = tpu.vector_load %arg12[%swap3A_2600] masked %and3A_2599 {strides = array<i32>} : memref<136xf32, #tpu.memory_space<vmem>>, vector<16xf32>, vector<16xi1>
      tpu.vector_store %arg12[%swap3A_2600], %gather3A_2595 masked %and3A_2599 {strides = array<i32>} : memref<136xf32, #tpu.memory_space<vmem>>, vector<16xf32>, vector<16xi1>
      %swap3A_2602 = arith.index_cast %min3A_2567 : i32 to index
      %swap3A_2603 = tpu.vector_load %arg13[%swap3A_2602] masked %and3A_2599 {strides = array<i32>} : memref<136xi32, #tpu.memory_space<vmem>>, vector<16xi32>, vector<16xi1>
      tpu.vector_store %arg13[%swap3A_2602], %add3A_2588 masked %and3A_2599 {strides = array<i32>} : memref<136xi32, #tpu.memory_space<vmem>>, vector<16xi32>, vector<16xi1>
      %all_reduce_population_count3A_2604 = tpu.all_reduce %and3A_2599 {dim = 0 : i64, kind = #tpu.reduction_kind<sum>} : vector<16xi1> -> vector<16xi32>
      %slice3A_2605 = vector.extract_strided_slice %all_reduce_population_count3A_2604 {offsets = [0], sizes = [1], strides = [1]} : vector<16xi32> to vector<1xi32>
      %squeeze3A_2606 = vector.extract %slice3A_2605[0] : i32 from vector<1xi32>
      %add3A_2607 = arith.addi %min3A_2567, %squeeze3A_2606 : i32
      %min3A_2608 = arith.constant 120 : i32
      %min3A_2609 = arith.minsi %add3A_2607, %min3A_2608 : i32
      %get3A_2610 = arith.constant 32 : index
      %get3A_2611 = tpu.vector_load %arg11[%get3A_2610] {strides = array<i32>} : memref<256xi32, #tpu.memory_space<vmem>>, vector<16xi32>,
      %add3A_2612 = arith.constant 32 : i32
      %add3A_2613 = vector.broadcast %add3A_2612 : i32 to vector<16xi32>
      %add3A_2614 = arith.addi %iota3A, %add3A_2613 : vector<16xi32>
      %lt3A_2615 = vector.broadcast %while3A_2523 : i32 to vector<16xi32>
      %lt3A_2616 = arith.cmpi slt, %add3A_2614, %lt3A_2615 : vector<16xi32>
      %jit3A_2617 = arith.constant 0 : i32
      %broadcast_in_dim3A_2618 = vector.broadcast %jit3A_2617 : i32 to vector<16xi32>
      %select_n3A_2619 = arith.select %lt3A_2616, %get3A_2611, %broadcast_in_dim3A_2618 : vector<16xi1>, vector<16xi32>
      %shift_right_arithmetic3A_2620 = arith.constant 7 : i32
      %shift_right_arithmetic3A_2621 = vector.broadcast %shift_right_arithmetic3A_2620 : i32 to vector<16xi32>
      %shift_right_arithmetic3A_2622 = arith.shrsi %select_n3A_2619, %shift_right_arithmetic3A_2621 : vector<16xi32>
      %gather3A_2623 = tpu.vector_load_idx %arg8[%shift_right_arithmetic3A_2622] : memref<80xi32, #tpu.memory_space<vmem>>[vector<16xi32>], vector<16xi32>,
      %mul3A_2624 = arith.constant 128 : i32
      %mul3A_2625 = vector.broadcast %mul3A_2624 : i32 to vector<16xi32>
      %mul3A_2626 = arith.muli %gather3A_2623, %mul3A_2625 : vector<16xi32>
      %and3A_2627 = arith.constant 127 : i32
      %and3A_2628 = vector.broadcast %and3A_2627 : i32 to vector<16xi32>
      %and3A_2629 = arith.andi %select_n3A_2619, %and3A_2628 : vector<16xi32>
      %add3A_2630 = arith.addi %mul3A_2626, %and3A_2629 : vector<16xi32>
      %shift_right_arithmetic3A_2631 = arith.constant 4 : i32
      %shift_right_arithmetic3A_2632 = vector.broadcast %shift_right_arithmetic3A_2631 : i32 to vector<16xi32>
      %shift_right_arithmetic3A_2633 = arith.shrsi %select_n3A_2619, %shift_right_arithmetic3A_2632 : vector<16xi32>
      %and3A_2634 = arith.constant 15 : i32
      %and3A_2635 = vector.broadcast %and3A_2634 : i32 to vector<16xi32>
      %and3A_2636 = arith.andi %select_n3A_2619, %and3A_2635 : vector<16xi32>
      %gather3A_2637 = tpu.vector_load_idx %arg10[%shift_right_arithmetic3A_2633, %and3A_2636] : memref<512x16xf32, #tpu.memory_space<vmem>>[vector<16xi32>, vector<16xi32>], vector<16xf32>,
      %lt3A_2638 = arith.constant 100000 : i32
      %lt3A_2639 = vector.broadcast %lt3A_2638 : i32 to vector<16xi32>
      %lt3A_2640 = arith.cmpi slt, %add3A_2630, %lt3A_2639 : vector<16xi32>
      %and3A_2641 = arith.andi %lt3A_2616, %lt3A_2640 : vector<16xi1>
      %swap3A_2642 = arith.index_cast %min3A_2609 : i32 to index
      %swap3A_2643 = tpu.vector_load %arg12[%swap3A_2642] masked %and3A_2641 {strides = array<i32>} : memref<136xf32, #tpu.memory_space<vmem>>, vector<16xf32>, vector<16xi1>
      tpu.vector_store %arg12[%swap3A_2642], %gather3A_2637 masked %and3A_2641 {strides = array<i32>} : memref<136xf32, #tpu.memory_space<vmem>>, vector<16xf32>, vector<16xi1>
      %swap3A_2644 = arith.index_cast %min3A_2609 : i32 to index
      %swap3A_2645 = tpu.vector_load %arg13[%swap3A_2644] masked %and3A_2641 {strides = array<i32>} : memref<136xi32, #tpu.memory_space<vmem>>, vector<16xi32>, vector<16xi1>
      tpu.vector_store %arg13[%swap3A_2644], %add3A_2630 masked %and3A_2641 {strides = array<i32>} : memref<136xi32, #tpu.memory_space<vmem>>, vector<16xi32>, vector<16xi1>
      %all_reduce_population_count3A_2646 = tpu.all_reduce %and3A_2641 {dim = 0 : i64, kind = #tpu.reduction_kind<sum>} : vector<16xi1> -> vector<16xi32>
      %slice3A_2647 = vector.extract_strided_slice %all_reduce_population_count3A_2646 {offsets = [0], sizes = [1], strides = [1]} : vector<16xi32> to vector<1xi32>
      %squeeze3A_2648 = vector.extract %slice3A_2647[0] : i32 from vector<1xi32>
      %add3A_2649 = arith.addi %min3A_2609, %squeeze3A_2648 : i32
      %min3A_2650 = arith.constant 120 : i32
      %min3A_2651 = arith.minsi %add3A_2649, %min3A_2650 : i32
      %get3A_2652 = arith.constant 48 : index
      %get3A_2653 = tpu.vector_load %arg11[%get3A_2652] {strides = array<i32>} : memref<256xi32, #tpu.memory_space<vmem>>, vector<16xi32>,
      %add3A_2654 = arith.constant 48 : i32
      %add3A_2655 = vector.broadcast %add3A_2654 : i32 to vector<16xi32>
      %add3A_2656 = arith.addi %iota3A, %add3A_2655 : vector<16xi32>
      %lt3A_2657 = vector.broadcast %while3A_2523 : i32 to vector<16xi32>
      %lt3A_2658 = arith.cmpi slt, %add3A_2656, %lt3A_2657 : vector<16xi32>
      %jit3A_2659 = arith.constant 0 : i32
      %broadcast_in_dim3A_2660 = vector.broadcast %jit3A_2659 : i32 to vector<16xi32>
      %select_n3A_2661 = arith.select %lt3A_2658, %get3A_2653, %broadcast_in_dim3A_2660 : vector<16xi1>, vector<16xi32>
      %shift_right_arithmetic3A_2662 = arith.constant 7 : i32
      %shift_right_arithmetic3A_2663 = vector.broadcast %shift_right_arithmetic3A_2662 : i32 to vector<16xi32>
      %shift_right_arithmetic3A_2664 = arith.shrsi %select_n3A_2661, %shift_right_arithmetic3A_2663 : vector<16xi32>
      %gather3A_2665 = tpu.vector_load_idx %arg8[%shift_right_arithmetic3A_2664] : memref<80xi32, #tpu.memory_space<vmem>>[vector<16xi32>], vector<16xi32>,
      %mul3A_2666 = arith.constant 128 : i32
      %mul3A_2667 = vector.broadcast %mul3A_2666 : i32 to vector<16xi32>
      %mul3A_2668 = arith.muli %gather3A_2665, %mul3A_2667 : vector<16xi32>
      %and3A_2669 = arith.constant 127 : i32
      %and3A_2670 = vector.broadcast %and3A_2669 : i32 to vector<16xi32>
      %and3A_2671 = arith.andi %select_n3A_2661, %and3A_2670 : vector<16xi32>
      %add3A_2672 = arith.addi %mul3A_2668, %and3A_2671 : vector<16xi32>
      %shift_right_arithmetic3A_2673 = arith.constant 4 : i32
      %shift_right_arithmetic3A_2674 = vector.broadcast %shift_right_arithmetic3A_2673 : i32 to vector<16xi32>
      %shift_right_arithmetic3A_2675 = arith.shrsi %select_n3A_2661, %shift_right_arithmetic3A_2674 : vector<16xi32>
      %and3A_2676 = arith.constant 15 : i32
      %and3A_2677 = vector.broadcast %and3A_2676 : i32 to vector<16xi32>
      %and3A_2678 = arith.andi %select_n3A_2661, %and3A_2677 : vector<16xi32>
      %gather3A_2679 = tpu.vector_load_idx %arg10[%shift_right_arithmetic3A_2675, %and3A_2678] : memref<512x16xf32, #tpu.memory_space<vmem>>[vector<16xi32>, vector<16xi32>], vector<16xf32>,
      %lt3A_2680 = arith.constant 100000 : i32
      %lt3A_2681 = vector.broadcast %lt3A_2680 : i32 to vector<16xi32>
      %lt3A_2682 = arith.cmpi slt, %add3A_2672, %lt3A_2681 : vector<16xi32>
      %and3A_2683 = arith.andi %lt3A_2658, %lt3A_2682 : vector<16xi1>
      %swap3A_2684 = arith.index_cast %min3A_2651 : i32 to index
      %swap3A_2685 = tpu.vector_load %arg12[%swap3A_2684] masked %and3A_2683 {strides = array<i32>} : memref<136xf32, #tpu.memory_space<vmem>>, vector<16xf32>, vector<16xi1>
      tpu.vector_store %arg12[%swap3A_2684], %gather3A_2679 masked %and3A_2683 {strides = array<i32>} : memref<136xf32, #tpu.memory_space<vmem>>, vector<16xf32>, vector<16xi1>
      %swap3A_2686 = arith.index_cast %min3A_2651 : i32 to index
      %swap3A_2687 = tpu.vector_load %arg13[%swap3A_2686] masked %and3A_2683 {strides = array<i32>} : memref<136xi32, #tpu.memory_space<vmem>>, vector<16xi32>, vector<16xi1>
      tpu.vector_store %arg13[%swap3A_2686], %add3A_2672 masked %and3A_2683 {strides = array<i32>} : memref<136xi32, #tpu.memory_space<vmem>>, vector<16xi32>, vector<16xi1>
      %all_reduce_population_count3A_2688 = tpu.all_reduce %and3A_2683 {dim = 0 : i64, kind = #tpu.reduction_kind<sum>} : vector<16xi1> -> vector<16xi32>
      %slice3A_2689 = vector.extract_strided_slice %all_reduce_population_count3A_2688 {offsets = [0], sizes = [1], strides = [1]} : vector<16xi32> to vector<1xi32>
      %squeeze3A_2690 = vector.extract %slice3A_2689[0] : i32 from vector<1xi32>
      %add3A_2691 = arith.addi %min3A_2651, %squeeze3A_2690 : i32
      %min3A_2692 = arith.constant 120 : i32
      %min3A_2693 = arith.minsi %add3A_2691, %min3A_2692 : i32
      %get3A_2694 = arith.constant 64 : index
      %get3A_2695 = tpu.vector_load %arg11[%get3A_2694] {strides = array<i32>} : memref<256xi32, #tpu.memory_space<vmem>>, vector<16xi32>,
      %add3A_2696 = arith.constant 64 : i32
      %add3A_2697 = vector.broadcast %add3A_2696 : i32 to vector<16xi32>
      %add3A_2698 = arith.addi %iota3A, %add3A_2697 : vector<16xi32>
      %lt3A_2699 = vector.broadcast %while3A_2523 : i32 to vector<16xi32>
      %lt3A_2700 = arith.cmpi slt, %add3A_2698, %lt3A_2699 : vector<16xi32>
      %jit3A_2701 = arith.constant 0 : i32
      %broadcast_in_dim3A_2702 = vector.broadcast %jit3A_2701 : i32 to vector<16xi32>
      %select_n3A_2703 = arith.select %lt3A_2700, %get3A_2695, %broadcast_in_dim3A_2702 : vector<16xi1>, vector<16xi32>
      %shift_right_arithmetic3A_2704 = arith.constant 7 : i32
      %shift_right_arithmetic3A_2705 = vector.broadcast %shift_right_arithmetic3A_2704 : i32 to vector<16xi32>
      %shift_right_arithmetic3A_2706 = arith.shrsi %select_n3A_2703, %shift_right_arithmetic3A_2705 : vector<16xi32>
      %gather3A_2707 = tpu.vector_load_idx %arg8[%shift_right_arithmetic3A_2706] : memref<80xi32, #tpu.memory_space<vmem>>[vector<16xi32>], vector<16xi32>,
      %mul3A_2708 = arith.constant 128 : i32
      %mul3A_2709 = vector.broadcast %mul3A_2708 : i32 to vector<16xi32>
      %mul3A_2710 = arith.muli %gather3A_2707, %mul3A_2709 : vector<16xi32>
      %and3A_2711 = arith.constant 127 : i32
      %and3A_2712 = vector.broadcast %and3A_2711 : i32 to vector<16xi32>
      %and3A_2713 = arith.andi %select_n3A_2703, %and3A_2712 : vector<16xi32>
      %add3A_2714 = arith.addi %mul3A_2710, %and3A_2713 : vector<16xi32>
      %shift_right_arithmetic3A_2715 = arith.constant 4 : i32
      %shift_right_arithmetic3A_2716 = vector.broadcast %shift_right_arithmetic3A_2715 : i32 to vector<16xi32>
      %shift_right_arithmetic3A_2717 = arith.shrsi %select_n3A_2703, %shift_right_arithmetic3A_2716 : vector<16xi32>
      %and3A_2718 = arith.constant 15 : i32
      %and3A_2719 = vector.broadcast %and3A_2718 : i32 to vector<16xi32>
      %and3A_2720 = arith.andi %select_n3A_2703, %and3A_2719 : vector<16xi32>
      %gather3A_2721 = tpu.vector_load_idx %arg10[%shift_right_arithmetic3A_2717, %and3A_2720] : memref<512x16xf32, #tpu.memory_space<vmem>>[vector<16xi32>, vector<16xi32>], vector<16xf32>,
      %lt3A_2722 = arith.constant 100000 : i32
      %lt3A_2723 = vector.broadcast %lt3A_2722 : i32 to vector<16xi32>
      %lt3A_2724 = arith.cmpi slt, %add3A_2714, %lt3A_2723 : vector<16xi32>
      %and3A_2725 = arith.andi %lt3A_2700, %lt3A_2724 : vector<16xi1>
      %swap3A_2726 = arith.index_cast %min3A_2693 : i32 to index
      %swap3A_2727 = tpu.vector_load %arg12[%swap3A_2726] masked %and3A_2725 {strides = array<i32>} : memref<136xf32, #tpu.memory_space<vmem>>, vector<16xf32>, vector<16xi1>
      tpu.vector_store %arg12[%swap3A_2726], %gather3A_2721 masked %and3A_2725 {strides = array<i32>} : memref<136xf32, #tpu.memory_space<vmem>>, vector<16xf32>, vector<16xi1>
      %swap3A_2728 = arith.index_cast %min3A_2693 : i32 to index
      %swap3A_2729 = tpu.vector_load %arg13[%swap3A_2728] masked %and3A_2725 {strides = array<i32>} : memref<136xi32, #tpu.memory_space<vmem>>, vector<16xi32>, vector<16xi1>
      tpu.vector_store %arg13[%swap3A_2728], %add3A_2714 masked %and3A_2725 {strides = array<i32>} : memref<136xi32, #tpu.memory_space<vmem>>, vector<16xi32>, vector<16xi1>
      %all_reduce_population_count3A_2730 = tpu.all_reduce %and3A_2725 {dim = 0 : i64, kind = #tpu.reduction_kind<sum>} : vector<16xi1> -> vector<16xi32>
      %slice3A_2731 = vector.extract_strided_slice %all_reduce_population_count3A_2730 {offsets = [0], sizes = [1], strides = [1]} : vector<16xi32> to vector<1xi32>
      %squeeze3A_2732 = vector.extract %slice3A_2731[0] : i32 from vector<1xi32>
      %add3A_2733 = arith.addi %min3A_2693, %squeeze3A_2732 : i32
      %min3A_2734 = arith.constant 120 : i32
      %min3A_2735 = arith.minsi %add3A_2733, %min3A_2734 : i32
      %get3A_2736 = arith.constant 80 : index
      %get3A_2737 = tpu.vector_load %arg11[%get3A_2736] {strides = array<i32>} : memref<256xi32, #tpu.memory_space<vmem>>, vector<16xi32>,
      %add3A_2738 = arith.constant 80 : i32
      %add3A_2739 = vector.broadcast %add3A_2738 : i32 to vector<16xi32>
      %add3A_2740 = arith.addi %iota3A, %add3A_2739 : vector<16xi32>
      %lt3A_2741 = vector.broadcast %while3A_2523 : i32 to vector<16xi32>
      %lt3A_2742 = arith.cmpi slt, %add3A_2740, %lt3A_2741 : vector<16xi32>
      %jit3A_2743 = arith.constant 0 : i32
      %broadcast_in_dim3A_2744 = vector.broadcast %jit3A_2743 : i32 to vector<16xi32>
      %select_n3A_2745 = arith.select %lt3A_2742, %get3A_2737, %broadcast_in_dim3A_2744 : vector<16xi1>, vector<16xi32>
      %shift_right_arithmetic3A_2746 = arith.constant 7 : i32
      %shift_right_arithmetic3A_2747 = vector.broadcast %shift_right_arithmetic3A_2746 : i32 to vector<16xi32>
      %shift_right_arithmetic3A_2748 = arith.shrsi %select_n3A_2745, %shift_right_arithmetic3A_2747 : vector<16xi32>
      %gather3A_2749 = tpu.vector_load_idx %arg8[%shift_right_arithmetic3A_2748] : memref<80xi32, #tpu.memory_space<vmem>>[vector<16xi32>], vector<16xi32>,
      %mul3A_2750 = arith.constant 128 : i32
      %mul3A_2751 = vector.broadcast %mul3A_2750 : i32 to vector<16xi32>
      %mul3A_2752 = arith.muli %gather3A_2749, %mul3A_2751 : vector<16xi32>
      %and3A_2753 = arith.constant 127 : i32
      %and3A_2754 = vector.broadcast %and3A_2753 : i32 to vector<16xi32>
      %and3A_2755 = arith.andi %select_n3A_2745, %and3A_2754 : vector<16xi32>
      %add3A_2756 = arith.addi %mul3A_2752, %and3A_2755 : vector<16xi32>
      %shift_right_arithmetic3A_2757 = arith.constant 4 : i32
      %shift_right_arithmetic3A_2758 = vector.broadcast %shift_right_arithmetic3A_2757 : i32 to vector<16xi32>
      %shift_right_arithmetic3A_2759 = arith.shrsi %select_n3A_2745, %shift_right_arithmetic3A_2758 : vector<16xi32>
      %and3A_2760 = arith.constant 15 : i32
      %and3A_2761 = vector.broadcast %and3A_2760 : i32 to vector<16xi32>
      %and3A_2762 = arith.andi %select_n3A_2745, %and3A_2761 : vector<16xi32>
      %gather3A_2763 = tpu.vector_load_idx %arg10[%shift_right_arithmetic3A_2759, %and3A_2762] : memref<512x16xf32, #tpu.memory_space<vmem>>[vector<16xi32>, vector<16xi32>], vector<16xf32>,
      %lt3A_2764 = arith.constant 100000 : i32
      %lt3A_2765 = vector.broadcast %lt3A_2764 : i32 to vector<16xi32>
      %lt3A_2766 = arith.cmpi slt, %add3A_2756, %lt3A_2765 : vector<16xi32>
      %and3A_2767 = arith.andi %lt3A_2742, %lt3A_2766 : vector<16xi1>
      %swap3A_2768 = arith.index_cast %min3A_2735 : i32 to index
      %swap3A_2769 = tpu.vector_load %arg12[%swap3A_2768] masked %and3A_2767 {strides = array<i32>} : memref<136xf32, #tpu.memory_space<vmem>>, vector<16xf32>, vector<16xi1>
      tpu.vector_store %arg12[%swap3A_2768], %gather3A_2763 masked %and3A_2767 {strides = array<i32>} : memref<136xf32, #tpu.memory_space<vmem>>, vector<16xf32>, vector<16xi1>
      %swap3A_2770 = arith.index_cast %min3A_2735 : i32 to index
      %swap3A_2771 = tpu.vector_load %arg13[%swap3A_2770] masked %and3A_2767 {strides = array<i32>} : memref<136xi32, #tpu.memory_space<vmem>>, vector<16xi32>, vector<16xi1>
      tpu.vector_store %arg13[%swap3A_2770], %add3A_2756 masked %and3A_2767 {strides = array<i32>} : memref<136xi32, #tpu.memory_space<vmem>>, vector<16xi32>, vector<16xi1>
      %all_reduce_population_count3A_2772 = tpu.all_reduce %and3A_2767 {dim = 0 : i64, kind = #tpu.reduction_kind<sum>} : vector<16xi1> -> vector<16xi32>
      %slice3A_2773 = vector.extract_strided_slice %all_reduce_population_count3A_2772 {offsets = [0], sizes = [1], strides = [1]} : vector<16xi32> to vector<1xi32>
      %squeeze3A_2774 = vector.extract %slice3A_2773[0] : i32 from vector<1xi32>
      %add3A_2775 = arith.addi %min3A_2735, %squeeze3A_2774 : i32
      %min3A_2776 = arith.constant 120 : i32
      %min3A_2777 = arith.minsi %add3A_2775, %min3A_2776 : i32
      %get3A_2778 = arith.constant 96 : index
      %get3A_2779 = tpu.vector_load %arg11[%get3A_2778] {strides = array<i32>} : memref<256xi32, #tpu.memory_space<vmem>>, vector<16xi32>,
      %add3A_2780 = arith.constant 96 : i32
      %add3A_2781 = vector.broadcast %add3A_2780 : i32 to vector<16xi32>
      %add3A_2782 = arith.addi %iota3A, %add3A_2781 : vector<16xi32>
      %lt3A_2783 = vector.broadcast %while3A_2523 : i32 to vector<16xi32>
      %lt3A_2784 = arith.cmpi slt, %add3A_2782, %lt3A_2783 : vector<16xi32>
      %jit3A_2785 = arith.constant 0 : i32
      %broadcast_in_dim3A_2786 = vector.broadcast %jit3A_2785 : i32 to vector<16xi32>
      %select_n3A_2787 = arith.select %lt3A_2784, %get3A_2779, %broadcast_in_dim3A_2786 : vector<16xi1>, vector<16xi32>
      %shift_right_arithmetic3A_2788 = arith.constant 7 : i32
      %shift_right_arithmetic3A_2789 = vector.broadcast %shift_right_arithmetic3A_2788 : i32 to vector<16xi32>
      %shift_right_arithmetic3A_2790 = arith.shrsi %select_n3A_2787, %shift_right_arithmetic3A_2789 : vector<16xi32>
      %gather3A_2791 = tpu.vector_load_idx %arg8[%shift_right_arithmetic3A_2790] : memref<80xi32, #tpu.memory_space<vmem>>[vector<16xi32>], vector<16xi32>,
      %mul3A_2792 = arith.constant 128 : i32
      %mul3A_2793 = vector.broadcast %mul3A_2792 : i32 to vector<16xi32>
      %mul3A_2794 = arith.muli %gather3A_2791, %mul3A_2793 : vector<16xi32>
      %and3A_2795 = arith.constant 127 : i32
      %and3A_2796 = vector.broadcast %and3A_2795 : i32 to vector<16xi32>
      %and3A_2797 = arith.andi %select_n3A_2787, %and3A_2796 : vector<16xi32>
      %add3A_2798 = arith.addi %mul3A_2794, %and3A_2797 : vector<16xi32>
      %shift_right_arithmetic3A_2799 = arith.constant 4 : i32
      %shift_right_arithmetic3A_2800 = vector.broadcast %shift_right_arithmetic3A_2799 : i32 to vector<16xi32>
      %shift_right_arithmetic3A_2801 = arith.shrsi %select_n3A_2787, %shift_right_arithmetic3A_2800 : vector<16xi32>
      %and3A_2802 = arith.constant 15 : i32
      %and3A_2803 = vector.broadcast %and3A_2802 : i32 to vector<16xi32>
      %and3A_2804 = arith.andi %select_n3A_2787, %and3A_2803 : vector<16xi32>
      %gather3A_2805 = tpu.vector_load_idx %arg10[%shift_right_arithmetic3A_2801, %and3A_2804] : memref<512x16xf32, #tpu.memory_space<vmem>>[vector<16xi32>, vector<16xi32>], vector<16xf32>,
      %lt3A_2806 = arith.constant 100000 : i32
      %lt3A_2807 = vector.broadcast %lt3A_2806 : i32 to vector<16xi32>
      %lt3A_2808 = arith.cmpi slt, %add3A_2798, %lt3A_2807 : vector<16xi32>
      %and3A_2809 = arith.andi %lt3A_2784, %lt3A_2808 : vector<16xi1>
      %swap3A_2810 = arith.index_cast %min3A_2777 : i32 to index
      %swap3A_2811 = tpu.vector_load %arg12[%swap3A_2810] masked %and3A_2809 {strides = array<i32>} : memref<136xf32, #tpu.memory_space<vmem>>, vector<16xf32>, vector<16xi1>
      tpu.vector_store %arg12[%swap3A_2810], %gather3A_2805 masked %and3A_2809 {strides = array<i32>} : memref<136xf32, #tpu.memory_space<vmem>>, vector<16xf32>, vector<16xi1>
      %swap3A_2812 = arith.index_cast %min3A_2777 : i32 to index
      %swap3A_2813 = tpu.vector_load %arg13[%swap3A_2812] masked %and3A_2809 {strides = array<i32>} : memref<136xi32, #tpu.memory_space<vmem>>, vector<16xi32>, vector<16xi1>
      tpu.vector_store %arg13[%swap3A_2812], %add3A_2798 masked %and3A_2809 {strides = array<i32>} : memref<136xi32, #tpu.memory_space<vmem>>, vector<16xi32>, vector<16xi1>
      %all_reduce_population_count3A_2814 = tpu.all_reduce %and3A_2809 {dim = 0 : i64, kind = #tpu.reduction_kind<sum>} : vector<16xi1> -> vector<16xi32>
      %slice3A_2815 = vector.extract_strided_slice %all_reduce_population_count3A_2814 {offsets = [0], sizes = [1], strides = [1]} : vector<16xi32> to vector<1xi32>
      %squeeze3A_2816 = vector.extract %slice3A_2815[0] : i32 from vector<1xi32>
      %add3A_2817 = arith.addi %min3A_2777, %squeeze3A_2816 : i32
      %min3A_2818 = arith.constant 120 : i32
      %min3A_2819 = arith.minsi %add3A_2817, %min3A_2818 : i32
      %get3A_2820 = arith.constant 112 : index
      %get3A_2821 = tpu.vector_load %arg11[%get3A_2820] {strides = array<i32>} : memref<256xi32, #tpu.memory_space<vmem>>, vector<16xi32>,
      %add3A_2822 = arith.constant 112 : i32
      %add3A_2823 = vector.broadcast %add3A_2822 : i32 to vector<16xi32>
      %add3A_2824 = arith.addi %iota3A, %add3A_2823 : vector<16xi32>
      %lt3A_2825 = vector.broadcast %while3A_2523 : i32 to vector<16xi32>
      %lt3A_2826 = arith.cmpi slt, %add3A_2824, %lt3A_2825 : vector<16xi32>
      %jit3A_2827 = arith.constant 0 : i32
      %broadcast_in_dim3A_2828 = vector.broadcast %jit3A_2827 : i32 to vector<16xi32>
      %select_n3A_2829 = arith.select %lt3A_2826, %get3A_2821, %broadcast_in_dim3A_2828 : vector<16xi1>, vector<16xi32>
      %shift_right_arithmetic3A_2830 = arith.constant 7 : i32
      %shift_right_arithmetic3A_2831 = vector.broadcast %shift_right_arithmetic3A_2830 : i32 to vector<16xi32>
      %shift_right_arithmetic3A_2832 = arith.shrsi %select_n3A_2829, %shift_right_arithmetic3A_2831 : vector<16xi32>
      %gather3A_2833 = tpu.vector_load_idx %arg8[%shift_right_arithmetic3A_2832] : memref<80xi32, #tpu.memory_space<vmem>>[vector<16xi32>], vector<16xi32>,
      %mul3A_2834 = arith.constant 128 : i32
      %mul3A_2835 = vector.broadcast %mul3A_2834 : i32 to vector<16xi32>
      %mul3A_2836 = arith.muli %gather3A_2833, %mul3A_2835 : vector<16xi32>
      %and3A_2837 = arith.constant 127 : i32
      %and3A_2838 = vector.broadcast %and3A_2837 : i32 to vector<16xi32>
      %and3A_2839 = arith.andi %select_n3A_2829, %and3A_2838 : vector<16xi32>
      %add3A_2840 = arith.addi %mul3A_2836, %and3A_2839 : vector<16xi32>
      %shift_right_arithmetic3A_2841 = arith.constant 4 : i32
      %shift_right_arithmetic3A_2842 = vector.broadcast %shift_right_arithmetic3A_2841 : i32 to vector<16xi32>
      %shift_right_arithmetic3A_2843 = arith.shrsi %select_n3A_2829, %shift_right_arithmetic3A_2842 : vector<16xi32>
      %and3A_2844 = arith.constant 15 : i32
      %and3A_2845 = vector.broadcast %and3A_2844 : i32 to vector<16xi32>
      %and3A_2846 = arith.andi %select_n3A_2829, %and3A_2845 : vector<16xi32>
      %gather3A_2847 = tpu.vector_load_idx %arg10[%shift_right_arithmetic3A_2843, %and3A_2846] : memref<512x16xf32, #tpu.memory_space<vmem>>[vector<16xi32>, vector<16xi32>], vector<16xf32>,
      %lt3A_2848 = arith.constant 100000 : i32
      %lt3A_2849 = vector.broadcast %lt3A_2848 : i32 to vector<16xi32>
      %lt3A_2850 = arith.cmpi slt, %add3A_2840, %lt3A_2849 : vector<16xi32>
      %and3A_2851 = arith.andi %lt3A_2826, %lt3A_2850 : vector<16xi1>
      %swap3A_2852 = arith.index_cast %min3A_2819 : i32 to index
      %swap3A_2853 = tpu.vector_load %arg12[%swap3A_2852] masked %and3A_2851 {strides = array<i32>} : memref<136xf32, #tpu.memory_space<vmem>>, vector<16xf32>, vector<16xi1>
      tpu.vector_store %arg12[%swap3A_2852], %gather3A_2847 masked %and3A_2851 {strides = array<i32>} : memref<136xf32, #tpu.memory_space<vmem>>, vector<16xf32>, vector<16xi1>
      %swap3A_2854 = arith.index_cast %min3A_2819 : i32 to index
      %swap3A_2855 = tpu.vector_load %arg13[%swap3A_2854] masked %and3A_2851 {strides = array<i32>} : memref<136xi32, #tpu.memory_space<vmem>>, vector<16xi32>, vector<16xi1>
      tpu.vector_store %arg13[%swap3A_2854], %add3A_2840 masked %and3A_2851 {strides = array<i32>} : memref<136xi32, #tpu.memory_space<vmem>>, vector<16xi32>, vector<16xi1>
      %all_reduce_population_count3A_2856 = tpu.all_reduce %and3A_2851 {dim = 0 : i64, kind = #tpu.reduction_kind<sum>} : vector<16xi1> -> vector<16xi32>
      %slice3A_2857 = vector.extract_strided_slice %all_reduce_population_count3A_2856 {offsets = [0], sizes = [1], strides = [1]} : vector<16xi32> to vector<1xi32>
      %squeeze3A_2858 = vector.extract %slice3A_2857[0] : i32 from vector<1xi32>
      %add3A_2859 = arith.addi %min3A_2819, %squeeze3A_2858 : i32
      %min3A_2860 = arith.constant 120 : i32
      %min3A_2861 = arith.minsi %add3A_2859, %min3A_2860 : i32
      %get3A_2862 = arith.constant 128 : index
      %get3A_2863 = tpu.vector_load %arg11[%get3A_2862] {strides = array<i32>} : memref<256xi32, #tpu.memory_space<vmem>>, vector<16xi32>,
      %add3A_2864 = arith.constant 128 : i32
      %add3A_2865 = vector.broadcast %add3A_2864 : i32 to vector<16xi32>
      %add3A_2866 = arith.addi %iota3A, %add3A_2865 : vector<16xi32>
      %lt3A_2867 = vector.broadcast %while3A_2523 : i32 to vector<16xi32>
      %lt3A_2868 = arith.cmpi slt, %add3A_2866, %lt3A_2867 : vector<16xi32>
      %jit3A_2869 = arith.constant 0 : i32
      %broadcast_in_dim3A_2870 = vector.broadcast %jit3A_2869 : i32 to vector<16xi32>
      %select_n3A_2871 = arith.select %lt3A_2868, %get3A_2863, %broadcast_in_dim3A_2870 : vector<16xi1>, vector<16xi32>
      %shift_right_arithmetic3A_2872 = arith.constant 7 : i32
      %shift_right_arithmetic3A_2873 = vector.broadcast %shift_right_arithmetic3A_2872 : i32 to vector<16xi32>
      %shift_right_arithmetic3A_2874 = arith.shrsi %select_n3A_2871, %shift_right_arithmetic3A_2873 : vector<16xi32>
      %gather3A_2875 = tpu.vector_load_idx %arg8[%shift_right_arithmetic3A_2874] : memref<80xi32, #tpu.memory_space<vmem>>[vector<16xi32>], vector<16xi32>,
      %mul3A_2876 = arith.constant 128 : i32
      %mul3A_2877 = vector.broadcast %mul3A_2876 : i32 to vector<16xi32>
      %mul3A_2878 = arith.muli %gather3A_2875, %mul3A_2877 : vector<16xi32>
      %and3A_2879 = arith.constant 127 : i32
      %and3A_2880 = vector.broadcast %and3A_2879 : i32 to vector<16xi32>
      %and3A_2881 = arith.andi %select_n3A_2871, %and3A_2880 : vector<16xi32>
      %add3A_2882 = arith.addi %mul3A_2878, %and3A_2881 : vector<16xi32>
      %shift_right_arithmetic3A_2883 = arith.constant 4 : i32
      %shift_right_arithmetic3A_2884 = vector.broadcast %shift_right_arithmetic3A_2883 : i32 to vector<16xi32>
      %shift_right_arithmetic3A_2885 = arith.shrsi %select_n3A_2871, %shift_right_arithmetic3A_2884 : vector<16xi32>
      %and3A_2886 = arith.constant 15 : i32
      %and3A_2887 = vector.broadcast %and3A_2886 : i32 to vector<16xi32>
      %and3A_2888 = arith.andi %select_n3A_2871, %and3A_2887 : vector<16xi32>
      %gather3A_2889 = tpu.vector_load_idx %arg10[%shift_right_arithmetic3A_2885, %and3A_2888] : memref<512x16xf32, #tpu.memory_space<vmem>>[vector<16xi32>, vector<16xi32>], vector<16xf32>,
      %lt3A_2890 = arith.constant 100000 : i32
      %lt3A_2891 = vector.broadcast %lt3A_2890 : i32 to vector<16xi32>
      %lt3A_2892 = arith.cmpi slt, %add3A_2882, %lt3A_2891 : vector<16xi32>
      %and3A_2893 = arith.andi %lt3A_2868, %lt3A_2892 : vector<16xi1>
      %swap3A_2894 = arith.index_cast %min3A_2861 : i32 to index
      %swap3A_2895 = tpu.vector_load %arg12[%swap3A_2894] masked %and3A_2893 {strides = array<i32>} : memref<136xf32, #tpu.memory_space<vmem>>, vector<16xf32>, vector<16xi1>
      tpu.vector_store %arg12[%swap3A_2894], %gather3A_2889 masked %and3A_2893 {strides = array<i32>} : memref<136xf32, #tpu.memory_space<vmem>>, vector<16xf32>, vector<16xi1>
      %swap3A_2896 = arith.index_cast %min3A_2861 : i32 to index
      %swap3A_2897 = tpu.vector_load %arg13[%swap3A_2896] masked %and3A_2893 {strides = array<i32>} : memref<136xi32, #tpu.memory_space<vmem>>, vector<16xi32>, vector<16xi1>
      tpu.vector_store %arg13[%swap3A_2896], %add3A_2882 masked %and3A_2893 {strides = array<i32>} : memref<136xi32, #tpu.memory_space<vmem>>, vector<16xi32>, vector<16xi1>
      %all_reduce_population_count3A_2898 = tpu.all_reduce %and3A_2893 {dim = 0 : i64, kind = #tpu.reduction_kind<sum>} : vector<16xi1> -> vector<16xi32>
      %slice3A_2899 = vector.extract_strided_slice %all_reduce_population_count3A_2898 {offsets = [0], sizes = [1], strides = [1]} : vector<16xi32> to vector<1xi32>
      %squeeze3A_2900 = vector.extract %slice3A_2899[0] : i32 from vector<1xi32>
      %add3A_2901 = arith.addi %min3A_2861, %squeeze3A_2900 : i32
      %min3A_2902 = arith.constant 120 : i32
      %min3A_2903 = arith.minsi %add3A_2901, %min3A_2902 : i32
      %get3A_2904 = arith.constant 144 : index
      %get3A_2905 = tpu.vector_load %arg11[%get3A_2904] {strides = array<i32>} : memref<256xi32, #tpu.memory_space<vmem>>, vector<16xi32>,
      %add3A_2906 = arith.constant 144 : i32
      %add3A_2907 = vector.broadcast %add3A_2906 : i32 to vector<16xi32>
      %add3A_2908 = arith.addi %iota3A, %add3A_2907 : vector<16xi32>
      %lt3A_2909 = vector.broadcast %while3A_2523 : i32 to vector<16xi32>
      %lt3A_2910 = arith.cmpi slt, %add3A_2908, %lt3A_2909 : vector<16xi32>
      %jit3A_2911 = arith.constant 0 : i32
      %broadcast_in_dim3A_2912 = vector.broadcast %jit3A_2911 : i32 to vector<16xi32>
      %select_n3A_2913 = arith.select %lt3A_2910, %get3A_2905, %broadcast_in_dim3A_2912 : vector<16xi1>, vector<16xi32>
      %shift_right_arithmetic3A_2914 = arith.constant 7 : i32
      %shift_right_arithmetic3A_2915 = vector.broadcast %shift_right_arithmetic3A_2914 : i32 to vector<16xi32>
      %shift_right_arithmetic3A_2916 = arith.shrsi %select_n3A_2913, %shift_right_arithmetic3A_2915 : vector<16xi32>
      %gather3A_2917 = tpu.vector_load_idx %arg8[%shift_right_arithmetic3A_2916] : memref<80xi32, #tpu.memory_space<vmem>>[vector<16xi32>], vector<16xi32>,
      %mul3A_2918 = arith.constant 128 : i32
      %mul3A_2919 = vector.broadcast %mul3A_2918 : i32 to vector<16xi32>
      %mul3A_2920 = arith.muli %gather3A_2917, %mul3A_2919 : vector<16xi32>
      %and3A_2921 = arith.constant 127 : i32
      %and3A_2922 = vector.broadcast %and3A_2921 : i32 to vector<16xi32>
      %and3A_2923 = arith.andi %select_n3A_2913, %and3A_2922 : vector<16xi32>
      %add3A_2924 = arith.addi %mul3A_2920, %and3A_2923 : vector<16xi32>
      %shift_right_arithmetic3A_2925 = arith.constant 4 : i32
      %shift_right_arithmetic3A_2926 = vector.broadcast %shift_right_arithmetic3A_2925 : i32 to vector<16xi32>
      %shift_right_arithmetic3A_2927 = arith.shrsi %select_n3A_2913, %shift_right_arithmetic3A_2926 : vector<16xi32>
      %and3A_2928 = arith.constant 15 : i32
      %and3A_2929 = vector.broadcast %and3A_2928 : i32 to vector<16xi32>
      %and3A_2930 = arith.andi %select_n3A_2913, %and3A_2929 : vector<16xi32>
      %gather3A_2931 = tpu.vector_load_idx %arg10[%shift_right_arithmetic3A_2927, %and3A_2930] : memref<512x16xf32, #tpu.memory_space<vmem>>[vector<16xi32>, vector<16xi32>], vector<16xf32>,
      %lt3A_2932 = arith.constant 100000 : i32
      %lt3A_2933 = vector.broadcast %lt3A_2932 : i32 to vector<16xi32>
      %lt3A_2934 = arith.cmpi slt, %add3A_2924, %lt3A_2933 : vector<16xi32>
      %and3A_2935 = arith.andi %lt3A_2910, %lt3A_2934 : vector<16xi1>
      %swap3A_2936 = arith.index_cast %min3A_2903 : i32 to index
      %swap3A_2937 = tpu.vector_load %arg12[%swap3A_2936] masked %and3A_2935 {strides = array<i32>} : memref<136xf32, #tpu.memory_space<vmem>>, vector<16xf32>, vector<16xi1>
      tpu.vector_store %arg12[%swap3A_2936], %gather3A_2931 masked %and3A_2935 {strides = array<i32>} : memref<136xf32, #tpu.memory_space<vmem>>, vector<16xf32>, vector<16xi1>
      %swap3A_2938 = arith.index_cast %min3A_2903 : i32 to index
      %swap3A_2939 = tpu.vector_load %arg13[%swap3A_2938] masked %and3A_2935 {strides = array<i32>} : memref<136xi32, #tpu.memory_space<vmem>>, vector<16xi32>, vector<16xi1>
      tpu.vector_store %arg13[%swap3A_2938], %add3A_2924 masked %and3A_2935 {strides = array<i32>} : memref<136xi32, #tpu.memory_space<vmem>>, vector<16xi32>, vector<16xi1>
      %all_reduce_population_count3A_2940 = tpu.all_reduce %and3A_2935 {dim = 0 : i64, kind = #tpu.reduction_kind<sum>} : vector<16xi1> -> vector<16xi32>
      %slice3A_2941 = vector.extract_strided_slice %all_reduce_population_count3A_2940 {offsets = [0], sizes = [1], strides = [1]} : vector<16xi32> to vector<1xi32>
      %squeeze3A_2942 = vector.extract %slice3A_2941[0] : i32 from vector<1xi32>
      %add3A_2943 = arith.addi %min3A_2903, %squeeze3A_2942 : i32
      %min3A_2944 = arith.constant 120 : i32
      %min3A_2945 = arith.minsi %add3A_2943, %min3A_2944 : i32
      %get3A_2946 = arith.constant 160 : index
      %get3A_2947 = tpu.vector_load %arg11[%get3A_2946] {strides = array<i32>} : memref<256xi32, #tpu.memory_space<vmem>>, vector<16xi32>,
      %add3A_2948 = arith.constant 160 : i32
      %add3A_2949 = vector.broadcast %add3A_2948 : i32 to vector<16xi32>
      %add3A_2950 = arith.addi %iota3A, %add3A_2949 : vector<16xi32>
      %lt3A_2951 = vector.broadcast %while3A_2523 : i32 to vector<16xi32>
      %lt3A_2952 = arith.cmpi slt, %add3A_2950, %lt3A_2951 : vector<16xi32>
      %jit3A_2953 = arith.constant 0 : i32
      %broadcast_in_dim3A_2954 = vector.broadcast %jit3A_2953 : i32 to vector<16xi32>
      %select_n3A_2955 = arith.select %lt3A_2952, %get3A_2947, %broadcast_in_dim3A_2954 : vector<16xi1>, vector<16xi32>
      %shift_right_arithmetic3A_2956 = arith.constant 7 : i32
      %shift_right_arithmetic3A_2957 = vector.broadcast %shift_right_arithmetic3A_2956 : i32 to vector<16xi32>
      %shift_right_arithmetic3A_2958 = arith.shrsi %select_n3A_2955, %shift_right_arithmetic3A_2957 : vector<16xi32>
      %gather3A_2959 = tpu.vector_load_idx %arg8[%shift_right_arithmetic3A_2958] : memref<80xi32, #tpu.memory_space<vmem>>[vector<16xi32>], vector<16xi32>,
      %mul3A_2960 = arith.constant 128 : i32
      %mul3A_2961 = vector.broadcast %mul3A_2960 : i32 to vector<16xi32>
      %mul3A_2962 = arith.muli %gather3A_2959, %mul3A_2961 : vector<16xi32>
      %and3A_2963 = arith.constant 127 : i32
      %and3A_2964 = vector.broadcast %and3A_2963 : i32 to vector<16xi32>
      %and3A_2965 = arith.andi %select_n3A_2955, %and3A_2964 : vector<16xi32>
      %add3A_2966 = arith.addi %mul3A_2962, %and3A_2965 : vector<16xi32>
      %shift_right_arithmetic3A_2967 = arith.constant 4 : i32
      %shift_right_arithmetic3A_2968 = vector.broadcast %shift_right_arithmetic3A_2967 : i32 to vector<16xi32>
      %shift_right_arithmetic3A_2969 = arith.shrsi %select_n3A_2955, %shift_right_arithmetic3A_2968 : vector<16xi32>
      %and3A_2970 = arith.constant 15 : i32
      %and3A_2971 = vector.broadcast %and3A_2970 : i32 to vector<16xi32>
      %and3A_2972 = arith.andi %select_n3A_2955, %and3A_2971 : vector<16xi32>
      %gather3A_2973 = tpu.vector_load_idx %arg10[%shift_right_arithmetic3A_2969, %and3A_2972] : memref<512x16xf32, #tpu.memory_space<vmem>>[vector<16xi32>, vector<16xi32>], vector<16xf32>,
      %lt3A_2974 = arith.constant 100000 : i32
      %lt3A_2975 = vector.broadcast %lt3A_2974 : i32 to vector<16xi32>
      %lt3A_2976 = arith.cmpi slt, %add3A_2966, %lt3A_2975 : vector<16xi32>
      %and3A_2977 = arith.andi %lt3A_2952, %lt3A_2976 : vector<16xi1>
      %swap3A_2978 = arith.index_cast %min3A_2945 : i32 to index
      %swap3A_2979 = tpu.vector_load %arg12[%swap3A_2978] masked %and3A_2977 {strides = array<i32>} : memref<136xf32, #tpu.memory_space<vmem>>, vector<16xf32>, vector<16xi1>
      tpu.vector_store %arg12[%swap3A_2978], %gather3A_2973 masked %and3A_2977 {strides = array<i32>} : memref<136xf32, #tpu.memory_space<vmem>>, vector<16xf32>, vector<16xi1>
      %swap3A_2980 = arith.index_cast %min3A_2945 : i32 to index
      %swap3A_2981 = tpu.vector_load %arg13[%swap3A_2980] masked %and3A_2977 {strides = array<i32>} : memref<136xi32, #tpu.memory_space<vmem>>, vector<16xi32>, vector<16xi1>
      tpu.vector_store %arg13[%swap3A_2980], %add3A_2966 masked %and3A_2977 {strides = array<i32>} : memref<136xi32, #tpu.memory_space<vmem>>, vector<16xi32>, vector<16xi1>
      %all_reduce_population_count3A_2982 = tpu.all_reduce %and3A_2977 {dim = 0 : i64, kind = #tpu.reduction_kind<sum>} : vector<16xi1> -> vector<16xi32>
      %slice3A_2983 = vector.extract_strided_slice %all_reduce_population_count3A_2982 {offsets = [0], sizes = [1], strides = [1]} : vector<16xi32> to vector<1xi32>
      %squeeze3A_2984 = vector.extract %slice3A_2983[0] : i32 from vector<1xi32>
      %add3A_2985 = arith.addi %min3A_2945, %squeeze3A_2984 : i32
      %min3A_2986 = arith.constant 120 : i32
      %min3A_2987 = arith.minsi %add3A_2985, %min3A_2986 : i32
      %get3A_2988 = arith.constant 176 : index
      %get3A_2989 = tpu.vector_load %arg11[%get3A_2988] {strides = array<i32>} : memref<256xi32, #tpu.memory_space<vmem>>, vector<16xi32>,
      %add3A_2990 = arith.constant 176 : i32
      %add3A_2991 = vector.broadcast %add3A_2990 : i32 to vector<16xi32>
      %add3A_2992 = arith.addi %iota3A, %add3A_2991 : vector<16xi32>
      %lt3A_2993 = vector.broadcast %while3A_2523 : i32 to vector<16xi32>
      %lt3A_2994 = arith.cmpi slt, %add3A_2992, %lt3A_2993 : vector<16xi32>
      %jit3A_2995 = arith.constant 0 : i32
      %broadcast_in_dim3A_2996 = vector.broadcast %jit3A_2995 : i32 to vector<16xi32>
      %select_n3A_2997 = arith.select %lt3A_2994, %get3A_2989, %broadcast_in_dim3A_2996 : vector<16xi1>, vector<16xi32>
      %shift_right_arithmetic3A_2998 = arith.constant 7 : i32
      %shift_right_arithmetic3A_2999 = vector.broadcast %shift_right_arithmetic3A_2998 : i32 to vector<16xi32>
      %shift_right_arithmetic3A_3000 = arith.shrsi %select_n3A_2997, %shift_right_arithmetic3A_2999 : vector<16xi32>
      %gather3A_3001 = tpu.vector_load_idx %arg8[%shift_right_arithmetic3A_3000] : memref<80xi32, #tpu.memory_space<vmem>>[vector<16xi32>], vector<16xi32>,
      %mul3A_3002 = arith.constant 128 : i32
      %mul3A_3003 = vector.broadcast %mul3A_3002 : i32 to vector<16xi32>
      %mul3A_3004 = arith.muli %gather3A_3001, %mul3A_3003 : vector<16xi32>
      %and3A_3005 = arith.constant 127 : i32
      %and3A_3006 = vector.broadcast %and3A_3005 : i32 to vector<16xi32>
      %and3A_3007 = arith.andi %select_n3A_2997, %and3A_3006 : vector<16xi32>
      %add3A_3008 = arith.addi %mul3A_3004, %and3A_3007 : vector<16xi32>
      %shift_right_arithmetic3A_3009 = arith.constant 4 : i32
      %shift_right_arithmetic3A_3010 = vector.broadcast %shift_right_arithmetic3A_3009 : i32 to vector<16xi32>
      %shift_right_arithmetic3A_3011 = arith.shrsi %select_n3A_2997, %shift_right_arithmetic3A_3010 : vector<16xi32>
      %and3A_3012 = arith.constant 15 : i32
      %and3A_3013 = vector.broadcast %and3A_3012 : i32 to vector<16xi32>
      %and3A_3014 = arith.andi %select_n3A_2997, %and3A_3013 : vector<16xi32>
      %gather3A_3015 = tpu.vector_load_idx %arg10[%shift_right_arithmetic3A_3011, %and3A_3014] : memref<512x16xf32, #tpu.memory_space<vmem>>[vector<16xi32>, vector<16xi32>], vector<16xf32>,
      %lt3A_3016 = arith.constant 100000 : i32
      %lt3A_3017 = vector.broadcast %lt3A_3016 : i32 to vector<16xi32>
      %lt3A_3018 = arith.cmpi slt, %add3A_3008, %lt3A_3017 : vector<16xi32>
      %and3A_3019 = arith.andi %lt3A_2994, %lt3A_3018 : vector<16xi1>
      %swap3A_3020 = arith.index_cast %min3A_2987 : i32 to index
      %swap3A_3021 = tpu.vector_load %arg12[%swap3A_3020] masked %and3A_3019 {strides = array<i32>} : memref<136xf32, #tpu.memory_space<vmem>>, vector<16xf32>, vector<16xi1>
      tpu.vector_store %arg12[%swap3A_3020], %gather3A_3015 masked %and3A_3019 {strides = array<i32>} : memref<136xf32, #tpu.memory_space<vmem>>, vector<16xf32>, vector<16xi1>
      %swap3A_3022 = arith.index_cast %min3A_2987 : i32 to index
      %swap3A_3023 = tpu.vector_load %arg13[%swap3A_3022] masked %and3A_3019 {strides = array<i32>} : memref<136xi32, #tpu.memory_space<vmem>>, vector<16xi32>, vector<16xi1>
      tpu.vector_store %arg13[%swap3A_3022], %add3A_3008 masked %and3A_3019 {strides = array<i32>} : memref<136xi32, #tpu.memory_space<vmem>>, vector<16xi32>, vector<16xi1>
      %all_reduce_population_count3A_3024 = tpu.all_reduce %and3A_3019 {dim = 0 : i64, kind = #tpu.reduction_kind<sum>} : vector<16xi1> -> vector<16xi32>
      %slice3A_3025 = vector.extract_strided_slice %all_reduce_population_count3A_3024 {offsets = [0], sizes = [1], strides = [1]} : vector<16xi32> to vector<1xi32>
      %squeeze3A_3026 = vector.extract %slice3A_3025[0] : i32 from vector<1xi32>
      %add3A_3027 = arith.addi %min3A_2987, %squeeze3A_3026 : i32
      %min3A_3028 = arith.constant 120 : i32
      %min3A_3029 = arith.minsi %add3A_3027, %min3A_3028 : i32
      %get3A_3030 = arith.constant 192 : index
      %get3A_3031 = tpu.vector_load %arg11[%get3A_3030] {strides = array<i32>} : memref<256xi32, #tpu.memory_space<vmem>>, vector<16xi32>,
      %add3A_3032 = arith.constant 192 : i32
      %add3A_3033 = vector.broadcast %add3A_3032 : i32 to vector<16xi32>
      %add3A_3034 = arith.addi %iota3A, %add3A_3033 : vector<16xi32>
      %lt3A_3035 = vector.broadcast %while3A_2523 : i32 to vector<16xi32>
      %lt3A_3036 = arith.cmpi slt, %add3A_3034, %lt3A_3035 : vector<16xi32>
      %jit3A_3037 = arith.constant 0 : i32
      %broadcast_in_dim3A_3038 = vector.broadcast %jit3A_3037 : i32 to vector<16xi32>
      %select_n3A_3039 = arith.select %lt3A_3036, %get3A_3031, %broadcast_in_dim3A_3038 : vector<16xi1>, vector<16xi32>
      %shift_right_arithmetic3A_3040 = arith.constant 7 : i32
      %shift_right_arithmetic3A_3041 = vector.broadcast %shift_right_arithmetic3A_3040 : i32 to vector<16xi32>
      %shift_right_arithmetic3A_3042 = arith.shrsi %select_n3A_3039, %shift_right_arithmetic3A_3041 : vector<16xi32>
      %gather3A_3043 = tpu.vector_load_idx %arg8[%shift_right_arithmetic3A_3042] : memref<80xi32, #tpu.memory_space<vmem>>[vector<16xi32>], vector<16xi32>,
      %mul3A_3044 = arith.constant 128 : i32
      %mul3A_3045 = vector.broadcast %mul3A_3044 : i32 to vector<16xi32>
      %mul3A_3046 = arith.muli %gather3A_3043, %mul3A_3045 : vector<16xi32>
      %and3A_3047 = arith.constant 127 : i32
      %and3A_3048 = vector.broadcast %and3A_3047 : i32 to vector<16xi32>
      %and3A_3049 = arith.andi %select_n3A_3039, %and3A_3048 : vector<16xi32>
      %add3A_3050 = arith.addi %mul3A_3046, %and3A_3049 : vector<16xi32>
      %shift_right_arithmetic3A_3051 = arith.constant 4 : i32
      %shift_right_arithmetic3A_3052 = vector.broadcast %shift_right_arithmetic3A_3051 : i32 to vector<16xi32>
      %shift_right_arithmetic3A_3053 = arith.shrsi %select_n3A_3039, %shift_right_arithmetic3A_3052 : vector<16xi32>
      %and3A_3054 = arith.constant 15 : i32
      %and3A_3055 = vector.broadcast %and3A_3054 : i32 to vector<16xi32>
      %and3A_3056 = arith.andi %select_n3A_3039, %and3A_3055 : vector<16xi32>
      %gather3A_3057 = tpu.vector_load_idx %arg10[%shift_right_arithmetic3A_3053, %and3A_3056] : memref<512x16xf32, #tpu.memory_space<vmem>>[vector<16xi32>, vector<16xi32>], vector<16xf32>,
      %lt3A_3058 = arith.constant 100000 : i32
      %lt3A_3059 = vector.broadcast %lt3A_3058 : i32 to vector<16xi32>
      %lt3A_3060 = arith.cmpi slt, %add3A_3050, %lt3A_3059 : vector<16xi32>
      %and3A_3061 = arith.andi %lt3A_3036, %lt3A_3060 : vector<16xi1>
      %swap3A_3062 = arith.index_cast %min3A_3029 : i32 to index
      %swap3A_3063 = tpu.vector_load %arg12[%swap3A_3062] masked %and3A_3061 {strides = array<i32>} : memref<136xf32, #tpu.memory_space<vmem>>, vector<16xf32>, vector<16xi1>
      tpu.vector_store %arg12[%swap3A_3062], %gather3A_3057 masked %and3A_3061 {strides = array<i32>} : memref<136xf32, #tpu.memory_space<vmem>>, vector<16xf32>, vector<16xi1>
      %swap3A_3064 = arith.index_cast %min3A_3029 : i32 to index
      %swap3A_3065 = tpu.vector_load %arg13[%swap3A_3064] masked %and3A_3061 {strides = array<i32>} : memref<136xi32, #tpu.memory_space<vmem>>, vector<16xi32>, vector<16xi1>
      tpu.vector_store %arg13[%swap3A_3064], %add3A_3050 masked %and3A_3061 {strides = array<i32>} : memref<136xi32, #tpu.memory_space<vmem>>, vector<16xi32>, vector<16xi1>
      %all_reduce_population_count3A_3066 = tpu.all_reduce %and3A_3061 {dim = 0 : i64, kind = #tpu.reduction_kind<sum>} : vector<16xi1> -> vector<16xi32>
      %slice3A_3067 = vector.extract_strided_slice %all_reduce_population_count3A_3066 {offsets = [0], sizes = [1], strides = [1]} : vector<16xi32> to vector<1xi32>
      %squeeze3A_3068 = vector.extract %slice3A_3067[0] : i32 from vector<1xi32>
      %add3A_3069 = arith.addi %min3A_3029, %squeeze3A_3068 : i32
      %min3A_3070 = arith.constant 120 : i32
      %min3A_3071 = arith.minsi %add3A_3069, %min3A_3070 : i32
      %get3A_3072 = arith.constant 208 : index
      %get3A_3073 = tpu.vector_load %arg11[%get3A_3072] {strides = array<i32>} : memref<256xi32, #tpu.memory_space<vmem>>, vector<16xi32>,
      %add3A_3074 = arith.constant 208 : i32
      %add3A_3075 = vector.broadcast %add3A_3074 : i32 to vector<16xi32>
      %add3A_3076 = arith.addi %iota3A, %add3A_3075 : vector<16xi32>
      %lt3A_3077 = vector.broadcast %while3A_2523 : i32 to vector<16xi32>
      %lt3A_3078 = arith.cmpi slt, %add3A_3076, %lt3A_3077 : vector<16xi32>
      %jit3A_3079 = arith.constant 0 : i32
      %broadcast_in_dim3A_3080 = vector.broadcast %jit3A_3079 : i32 to vector<16xi32>
      %select_n3A_3081 = arith.select %lt3A_3078, %get3A_3073, %broadcast_in_dim3A_3080 : vector<16xi1>, vector<16xi32>
      %shift_right_arithmetic3A_3082 = arith.constant 7 : i32
      %shift_right_arithmetic3A_3083 = vector.broadcast %shift_right_arithmetic3A_3082 : i32 to vector<16xi32>
      %shift_right_arithmetic3A_3084 = arith.shrsi %select_n3A_3081, %shift_right_arithmetic3A_3083 : vector<16xi32>
      %gather3A_3085 = tpu.vector_load_idx %arg8[%shift_right_arithmetic3A_3084] : memref<80xi32, #tpu.memory_space<vmem>>[vector<16xi32>], vector<16xi32>,
      %mul3A_3086 = arith.constant 128 : i32
      %mul3A_3087 = vector.broadcast %mul3A_3086 : i32 to vector<16xi32>
      %mul3A_3088 = arith.muli %gather3A_3085, %mul3A_3087 : vector<16xi32>
      %and3A_3089 = arith.constant 127 : i32
      %and3A_3090 = vector.broadcast %and3A_3089 : i32 to vector<16xi32>
      %and3A_3091 = arith.andi %select_n3A_3081, %and3A_3090 : vector<16xi32>
      %add3A_3092 = arith.addi %mul3A_3088, %and3A_3091 : vector<16xi32>
      %shift_right_arithmetic3A_3093 = arith.constant 4 : i32
      %shift_right_arithmetic3A_3094 = vector.broadcast %shift_right_arithmetic3A_3093 : i32 to vector<16xi32>
      %shift_right_arithmetic3A_3095 = arith.shrsi %select_n3A_3081, %shift_right_arithmetic3A_3094 : vector<16xi32>
      %and3A_3096 = arith.constant 15 : i32
      %and3A_3097 = vector.broadcast %and3A_3096 : i32 to vector<16xi32>
      %and3A_3098 = arith.andi %select_n3A_3081, %and3A_3097 : vector<16xi32>
      %gather3A_3099 = tpu.vector_load_idx %arg10[%shift_right_arithmetic3A_3095, %and3A_3098] : memref<512x16xf32, #tpu.memory_space<vmem>>[vector<16xi32>, vector<16xi32>], vector<16xf32>,
      %lt3A_3100 = arith.constant 100000 : i32
      %lt3A_3101 = vector.broadcast %lt3A_3100 : i32 to vector<16xi32>
      %lt3A_3102 = arith.cmpi slt, %add3A_3092, %lt3A_3101 : vector<16xi32>
      %and3A_3103 = arith.andi %lt3A_3078, %lt3A_3102 : vector<16xi1>
      %swap3A_3104 = arith.index_cast %min3A_3071 : i32 to index
      %swap3A_3105 = tpu.vector_load %arg12[%swap3A_3104] masked %and3A_3103 {strides = array<i32>} : memref<136xf32, #tpu.memory_space<vmem>>, vector<16xf32>, vector<16xi1>
      tpu.vector_store %arg12[%swap3A_3104], %gather3A_3099 masked %and3A_3103 {strides = array<i32>} : memref<136xf32, #tpu.memory_space<vmem>>, vector<16xf32>, vector<16xi1>
      %swap3A_3106 = arith.index_cast %min3A_3071 : i32 to index
      %swap3A_3107 = tpu.vector_load %arg13[%swap3A_3106] masked %and3A_3103 {strides = array<i32>} : memref<136xi32, #tpu.memory_space<vmem>>, vector<16xi32>, vector<16xi1>
      tpu.vector_store %arg13[%swap3A_3106], %add3A_3092 masked %and3A_3103 {strides = array<i32>} : memref<136xi32, #tpu.memory_space<vmem>>, vector<16xi32>, vector<16xi1>
      %all_reduce_population_count3A_3108 = tpu.all_reduce %and3A_3103 {dim = 0 : i64, kind = #tpu.reduction_kind<sum>} : vector<16xi1> -> vector<16xi32>
      %slice3A_3109 = vector.extract_strided_slice %all_reduce_population_count3A_3108 {offsets = [0], sizes = [1], strides = [1]} : vector<16xi32> to vector<1xi32>
      %squeeze3A_3110 = vector.extract %slice3A_3109[0] : i32 from vector<1xi32>
      %add3A_3111 = arith.addi %min3A_3071, %squeeze3A_3110 : i32
      %min3A_3112 = arith.constant 120 : i32
      %min3A_3113 = arith.minsi %add3A_3111, %min3A_3112 : i32
      %get3A_3114 = arith.constant 224 : index
      %get3A_3115 = tpu.vector_load %arg11[%get3A_3114] {strides = array<i32>} : memref<256xi32, #tpu.memory_space<vmem>>, vector<16xi32>,
      %add3A_3116 = arith.constant 224 : i32
      %add3A_3117 = vector.broadcast %add3A_3116 : i32 to vector<16xi32>
      %add3A_3118 = arith.addi %iota3A, %add3A_3117 : vector<16xi32>
      %lt3A_3119 = vector.broadcast %while3A_2523 : i32 to vector<16xi32>
      %lt3A_3120 = arith.cmpi slt, %add3A_3118, %lt3A_3119 : vector<16xi32>
      %jit3A_3121 = arith.constant 0 : i32
      %broadcast_in_dim3A_3122 = vector.broadcast %jit3A_3121 : i32 to vector<16xi32>
      %select_n3A_3123 = arith.select %lt3A_3120, %get3A_3115, %broadcast_in_dim3A_3122 : vector<16xi1>, vector<16xi32>
      %shift_right_arithmetic3A_3124 = arith.constant 7 : i32
      %shift_right_arithmetic3A_3125 = vector.broadcast %shift_right_arithmetic3A_3124 : i32 to vector<16xi32>
      %shift_right_arithmetic3A_3126 = arith.shrsi %select_n3A_3123, %shift_right_arithmetic3A_3125 : vector<16xi32>
      %gather3A_3127 = tpu.vector_load_idx %arg8[%shift_right_arithmetic3A_3126] : memref<80xi32, #tpu.memory_space<vmem>>[vector<16xi32>], vector<16xi32>,
      %mul3A_3128 = arith.constant 128 : i32
      %mul3A_3129 = vector.broadcast %mul3A_3128 : i32 to vector<16xi32>
      %mul3A_3130 = arith.muli %gather3A_3127, %mul3A_3129 : vector<16xi32>
      %and3A_3131 = arith.constant 127 : i32
      %and3A_3132 = vector.broadcast %and3A_3131 : i32 to vector<16xi32>
      %and3A_3133 = arith.andi %select_n3A_3123, %and3A_3132 : vector<16xi32>
      %add3A_3134 = arith.addi %mul3A_3130, %and3A_3133 : vector<16xi32>
      %shift_right_arithmetic3A_3135 = arith.constant 4 : i32
      %shift_right_arithmetic3A_3136 = vector.broadcast %shift_right_arithmetic3A_3135 : i32 to vector<16xi32>
      %shift_right_arithmetic3A_3137 = arith.shrsi %select_n3A_3123, %shift_right_arithmetic3A_3136 : vector<16xi32>
      %and3A_3138 = arith.constant 15 : i32
      %and3A_3139 = vector.broadcast %and3A_3138 : i32 to vector<16xi32>
      %and3A_3140 = arith.andi %select_n3A_3123, %and3A_3139 : vector<16xi32>
      %gather3A_3141 = tpu.vector_load_idx %arg10[%shift_right_arithmetic3A_3137, %and3A_3140] : memref<512x16xf32, #tpu.memory_space<vmem>>[vector<16xi32>, vector<16xi32>], vector<16xf32>,
      %lt3A_3142 = arith.constant 100000 : i32
      %lt3A_3143 = vector.broadcast %lt3A_3142 : i32 to vector<16xi32>
      %lt3A_3144 = arith.cmpi slt, %add3A_3134, %lt3A_3143 : vector<16xi32>
      %and3A_3145 = arith.andi %lt3A_3120, %lt3A_3144 : vector<16xi1>
      %swap3A_3146 = arith.index_cast %min3A_3113 : i32 to index
      %swap3A_3147 = tpu.vector_load %arg12[%swap3A_3146] masked %and3A_3145 {strides = array<i32>} : memref<136xf32, #tpu.memory_space<vmem>>, vector<16xf32>, vector<16xi1>
      tpu.vector_store %arg12[%swap3A_3146], %gather3A_3141 masked %and3A_3145 {strides = array<i32>} : memref<136xf32, #tpu.memory_space<vmem>>, vector<16xf32>, vector<16xi1>
      %swap3A_3148 = arith.index_cast %min3A_3113 : i32 to index
      %swap3A_3149 = tpu.vector_load %arg13[%swap3A_3148] masked %and3A_3145 {strides = array<i32>} : memref<136xi32, #tpu.memory_space<vmem>>, vector<16xi32>, vector<16xi1>
      tpu.vector_store %arg13[%swap3A_3148], %add3A_3134 masked %and3A_3145 {strides = array<i32>} : memref<136xi32, #tpu.memory_space<vmem>>, vector<16xi32>, vector<16xi1>
      %all_reduce_population_count3A_3150 = tpu.all_reduce %and3A_3145 {dim = 0 : i64, kind = #tpu.reduction_kind<sum>} : vector<16xi1> -> vector<16xi32>
      %slice3A_3151 = vector.extract_strided_slice %all_reduce_population_count3A_3150 {offsets = [0], sizes = [1], strides = [1]} : vector<16xi32> to vector<1xi32>
      %squeeze3A_3152 = vector.extract %slice3A_3151[0] : i32 from vector<1xi32>
      %add3A_3153 = arith.addi %min3A_3113, %squeeze3A_3152 : i32
      %min3A_3154 = arith.constant 120 : i32
      %min3A_3155 = arith.minsi %add3A_3153, %min3A_3154 : i32
      %while3A_3156 = arith.constant 0 : i32
      %while3A_3157 = arith.constant 0 : i32
      %while3A_3158 = arith.subi %min3A_3155, %while3A_3156 : i32
      %while3A_3159 = arith.addi %while3A_3156, %while3A_3158 : i32
      %while3A_3160 = arith.constant 1 : i32
      %while3A_3161 = arith.divsi %while3A_3158, %while3A_3160 : i32
      %while3A_3162 = arith.muli %while3A_3161, %while3A_3160 : i32
      %while3A_3163 = arith.addi %while3A_3156, %while3A_3162 : i32
      %while3A_3164 = arith.constant 1 : i32
      %while3A_3165 = scf.for %while3A_3169 = %while3A_3156 to %while3A_3163 step %while3A_3164 iter_args(%while3A_3170 = %while3A_3157) -> (i32)  : i32 {
        %broadcast_in_dim3A_3171 = vector.broadcast %while3A_3169 : i32 to vector<16xi32>
        %gather3A_3172 = tpu.vector_load_idx %arg12[%broadcast_in_dim3A_3171] : memref<136xf32, #tpu.memory_space<vmem>>[vector<16xi32>], vector<16xf32>,
        %broadcast_in_dim3A_3173 = vector.broadcast %while3A_3169 : i32 to vector<16xi32>
        %gather3A_3174 = tpu.vector_load_idx %arg13[%broadcast_in_dim3A_3173] : memref<136xi32, #tpu.memory_space<vmem>>[vector<16xi32>], vector<16xi32>,
        %broadcast_in_dim3A_3175 = arith.constant 0 : i32
        %broadcast_in_dim3A_3176 = vector.broadcast %broadcast_in_dim3A_3175 : i32 to vector<16xi32>
        %get3A_3177 = arith.constant 0 : index
        %get3A_3178 = tpu.vector_load %arg12[%get3A_3177] {strides = array<i32>} : memref<136xf32, #tpu.memory_space<vmem>>, vector<16xf32>,
        %get3A_3179 = arith.constant 0 : index
        %get3A_3180 = tpu.vector_load %arg13[%get3A_3179] {strides = array<i32>} : memref<136xi32, #tpu.memory_space<vmem>>, vector<16xi32>,
        %add3A_3181 = arith.constant 0 : i32
        %add3A_3182 = vector.broadcast %add3A_3181 : i32 to vector<16xi32>
        %add3A_3183 = arith.addi %iota3A, %add3A_3182 : vector<16xi32>
        %lt3A_3184 = vector.broadcast %min3A_3155 : i32 to vector<16xi32>
        %lt3A_3185 = arith.cmpi slt, %add3A_3183, %lt3A_3184 : vector<16xi32>
        %gt3A = arith.cmpf ogt, %get3A_3178, %gather3A_3172 : vector<16xf32>
        %eq3A = arith.cmpf oeq, %get3A_3178, %gather3A_3172 : vector<16xf32>
        %lt3A_3186 = arith.cmpi slt, %get3A_3180, %gather3A_3174 : vector<16xi32>
        %and3A_3187 = arith.andi %eq3A, %lt3A_3186 : vector<16xi1>
        %or3A = arith.ori %gt3A, %and3A_3187 : vector<16xi1>
        %and3A_3188 = arith.andi %or3A, %lt3A_3185 : vector<16xi1>
        %jit3A_3189 = arith.constant 1 : i32
        %jit3A_3190 = arith.constant 0 : i32
        %broadcast_in_dim3A_3191 = vector.broadcast %jit3A_3189 : i32 to vector<16xi32>
        %broadcast_in_dim3A_3192 = vector.broadcast %jit3A_3190 : i32 to vector<16xi32>
        %select_n3A_3193 = arith.select %and3A_3188, %broadcast_in_dim3A_3191, %broadcast_in_dim3A_3192 : vector<16xi1>, vector<16xi32>
        %add3A_3194 = arith.addi %broadcast_in_dim3A_3176, %select_n3A_3193 : vector<16xi32>
        %get3A_3195 = arith.constant 16 : index
        %get3A_3196 = tpu.vector_load %arg12[%get3A_3195] {strides = array<i32>} : memref<136xf32, #tpu.memory_space<vmem>>, vector<16xf32>,
        %get3A_3197 = arith.constant 16 : index
        %get3A_3198 = tpu.vector_load %arg13[%get3A_3197] {strides = array<i32>} : memref<136xi32, #tpu.memory_space<vmem>>, vector<16xi32>,
        %add3A_3199 = arith.constant 16 : i32
        %add3A_3200 = vector.broadcast %add3A_3199 : i32 to vector<16xi32>
        %add3A_3201 = arith.addi %iota3A, %add3A_3200 : vector<16xi32>
        %lt3A_3202 = vector.broadcast %min3A_3155 : i32 to vector<16xi32>
        %lt3A_3203 = arith.cmpi slt, %add3A_3201, %lt3A_3202 : vector<16xi32>
        %gt3A_3204 = arith.cmpf ogt, %get3A_3196, %gather3A_3172 : vector<16xf32>
        %eq3A_3205 = arith.cmpf oeq, %get3A_3196, %gather3A_3172 : vector<16xf32>
        %lt3A_3206 = arith.cmpi slt, %get3A_3198, %gather3A_3174 : vector<16xi32>
        %and3A_3207 = arith.andi %eq3A_3205, %lt3A_3206 : vector<16xi1>
        %or3A_3208 = arith.ori %gt3A_3204, %and3A_3207 : vector<16xi1>
        %and3A_3209 = arith.andi %or3A_3208, %lt3A_3203 : vector<16xi1>
        %jit3A_3210 = arith.constant 1 : i32
        %jit3A_3211 = arith.constant 0 : i32
        %broadcast_in_dim3A_3212 = vector.broadcast %jit3A_3210 : i32 to vector<16xi32>
        %broadcast_in_dim3A_3213 = vector.broadcast %jit3A_3211 : i32 to vector<16xi32>
        %select_n3A_3214 = arith.select %and3A_3209, %broadcast_in_dim3A_3212, %broadcast_in_dim3A_3213 : vector<16xi1>, vector<16xi32>
        %add3A_3215 = arith.addi %add3A_3194, %select_n3A_3214 : vector<16xi32>
        %get3A_3216 = arith.constant 32 : index
        %get3A_3217 = tpu.vector_load %arg12[%get3A_3216] {strides = array<i32>} : memref<136xf32, #tpu.memory_space<vmem>>, vector<16xf32>,
        %get3A_3218 = arith.constant 32 : index
        %get3A_3219 = tpu.vector_load %arg13[%get3A_3218] {strides = array<i32>} : memref<136xi32, #tpu.memory_space<vmem>>, vector<16xi32>,
        %add3A_3220 = arith.constant 32 : i32
        %add3A_3221 = vector.broadcast %add3A_3220 : i32 to vector<16xi32>
        %add3A_3222 = arith.addi %iota3A, %add3A_3221 : vector<16xi32>
        %lt3A_3223 = vector.broadcast %min3A_3155 : i32 to vector<16xi32>
        %lt3A_3224 = arith.cmpi slt, %add3A_3222, %lt3A_3223 : vector<16xi32>
        %gt3A_3225 = arith.cmpf ogt, %get3A_3217, %gather3A_3172 : vector<16xf32>
        %eq3A_3226 = arith.cmpf oeq, %get3A_3217, %gather3A_3172 : vector<16xf32>
        %lt3A_3227 = arith.cmpi slt, %get3A_3219, %gather3A_3174 : vector<16xi32>
        %and3A_3228 = arith.andi %eq3A_3226, %lt3A_3227 : vector<16xi1>
        %or3A_3229 = arith.ori %gt3A_3225, %and3A_3228 : vector<16xi1>
        %and3A_3230 = arith.andi %or3A_3229, %lt3A_3224 : vector<16xi1>
        %jit3A_3231 = arith.constant 1 : i32
        %jit3A_3232 = arith.constant 0 : i32
        %broadcast_in_dim3A_3233 = vector.broadcast %jit3A_3231 : i32 to vector<16xi32>
        %broadcast_in_dim3A_3234 = vector.broadcast %jit3A_3232 : i32 to vector<16xi32>
        %select_n3A_3235 = arith.select %and3A_3230, %broadcast_in_dim3A_3233, %broadcast_in_dim3A_3234 : vector<16xi1>, vector<16xi32>
        %add3A_3236 = arith.addi %add3A_3215, %select_n3A_3235 : vector<16xi32>
        %get3A_3237 = arith.constant 48 : index
        %get3A_3238 = tpu.vector_load %arg12[%get3A_3237] {strides = array<i32>} : memref<136xf32, #tpu.memory_space<vmem>>, vector<16xf32>,
        %get3A_3239 = arith.constant 48 : index
        %get3A_3240 = tpu.vector_load %arg13[%get3A_3239] {strides = array<i32>} : memref<136xi32, #tpu.memory_space<vmem>>, vector<16xi32>,
        %add3A_3241 = arith.constant 48 : i32
        %add3A_3242 = vector.broadcast %add3A_3241 : i32 to vector<16xi32>
        %add3A_3243 = arith.addi %iota3A, %add3A_3242 : vector<16xi32>
        %lt3A_3244 = vector.broadcast %min3A_3155 : i32 to vector<16xi32>
        %lt3A_3245 = arith.cmpi slt, %add3A_3243, %lt3A_3244 : vector<16xi32>
        %gt3A_3246 = arith.cmpf ogt, %get3A_3238, %gather3A_3172 : vector<16xf32>
        %eq3A_3247 = arith.cmpf oeq, %get3A_3238, %gather3A_3172 : vector<16xf32>
        %lt3A_3248 = arith.cmpi slt, %get3A_3240, %gather3A_3174 : vector<16xi32>
        %and3A_3249 = arith.andi %eq3A_3247, %lt3A_3248 : vector<16xi1>
        %or3A_3250 = arith.ori %gt3A_3246, %and3A_3249 : vector<16xi1>
        %and3A_3251 = arith.andi %or3A_3250, %lt3A_3245 : vector<16xi1>
        %jit3A_3252 = arith.constant 1 : i32
        %jit3A_3253 = arith.constant 0 : i32
        %broadcast_in_dim3A_3254 = vector.broadcast %jit3A_3252 : i32 to vector<16xi32>
        %broadcast_in_dim3A_3255 = vector.broadcast %jit3A_3253 : i32 to vector<16xi32>
        %select_n3A_3256 = arith.select %and3A_3251, %broadcast_in_dim3A_3254, %broadcast_in_dim3A_3255 : vector<16xi1>, vector<16xi32>
        %add3A_3257 = arith.addi %add3A_3236, %select_n3A_3256 : vector<16xi32>
        %get3A_3258 = arith.constant 64 : index
        %get3A_3259 = tpu.vector_load %arg12[%get3A_3258] {strides = array<i32>} : memref<136xf32, #tpu.memory_space<vmem>>, vector<16xf32>,
        %get3A_3260 = arith.constant 64 : index
        %get3A_3261 = tpu.vector_load %arg13[%get3A_3260] {strides = array<i32>} : memref<136xi32, #tpu.memory_space<vmem>>, vector<16xi32>,
        %add3A_3262 = arith.constant 64 : i32
        %add3A_3263 = vector.broadcast %add3A_3262 : i32 to vector<16xi32>
        %add3A_3264 = arith.addi %iota3A, %add3A_3263 : vector<16xi32>
        %lt3A_3265 = vector.broadcast %min3A_3155 : i32 to vector<16xi32>
        %lt3A_3266 = arith.cmpi slt, %add3A_3264, %lt3A_3265 : vector<16xi32>
        %gt3A_3267 = arith.cmpf ogt, %get3A_3259, %gather3A_3172 : vector<16xf32>
        %eq3A_3268 = arith.cmpf oeq, %get3A_3259, %gather3A_3172 : vector<16xf32>
        %lt3A_3269 = arith.cmpi slt, %get3A_3261, %gather3A_3174 : vector<16xi32>
        %and3A_3270 = arith.andi %eq3A_3268, %lt3A_3269 : vector<16xi1>
        %or3A_3271 = arith.ori %gt3A_3267, %and3A_3270 : vector<16xi1>
        %and3A_3272 = arith.andi %or3A_3271, %lt3A_3266 : vector<16xi1>
        %jit3A_3273 = arith.constant 1 : i32
        %jit3A_3274 = arith.constant 0 : i32
        %broadcast_in_dim3A_3275 = vector.broadcast %jit3A_3273 : i32 to vector<16xi32>
        %broadcast_in_dim3A_3276 = vector.broadcast %jit3A_3274 : i32 to vector<16xi32>
        %select_n3A_3277 = arith.select %and3A_3272, %broadcast_in_dim3A_3275, %broadcast_in_dim3A_3276 : vector<16xi1>, vector<16xi32>
        %add3A_3278 = arith.addi %add3A_3257, %select_n3A_3277 : vector<16xi32>
        %get3A_3279 = arith.constant 80 : index
        %get3A_3280 = tpu.vector_load %arg12[%get3A_3279] {strides = array<i32>} : memref<136xf32, #tpu.memory_space<vmem>>, vector<16xf32>,
        %get3A_3281 = arith.constant 80 : index
        %get3A_3282 = tpu.vector_load %arg13[%get3A_3281] {strides = array<i32>} : memref<136xi32, #tpu.memory_space<vmem>>, vector<16xi32>,
        %add3A_3283 = arith.constant 80 : i32
        %add3A_3284 = vector.broadcast %add3A_3283 : i32 to vector<16xi32>
        %add3A_3285 = arith.addi %iota3A, %add3A_3284 : vector<16xi32>
        %lt3A_3286 = vector.broadcast %min3A_3155 : i32 to vector<16xi32>
        %lt3A_3287 = arith.cmpi slt, %add3A_3285, %lt3A_3286 : vector<16xi32>
        %gt3A_3288 = arith.cmpf ogt, %get3A_3280, %gather3A_3172 : vector<16xf32>
        %eq3A_3289 = arith.cmpf oeq, %get3A_3280, %gather3A_3172 : vector<16xf32>
        %lt3A_3290 = arith.cmpi slt, %get3A_3282, %gather3A_3174 : vector<16xi32>
        %and3A_3291 = arith.andi %eq3A_3289, %lt3A_3290 : vector<16xi1>
        %or3A_3292 = arith.ori %gt3A_3288, %and3A_3291 : vector<16xi1>
        %and3A_3293 = arith.andi %or3A_3292, %lt3A_3287 : vector<16xi1>
        %jit3A_3294 = arith.constant 1 : i32
        %jit3A_3295 = arith.constant 0 : i32
        %broadcast_in_dim3A_3296 = vector.broadcast %jit3A_3294 : i32 to vector<16xi32>
        %broadcast_in_dim3A_3297 = vector.broadcast %jit3A_3295 : i32 to vector<16xi32>
        %select_n3A_3298 = arith.select %and3A_3293, %broadcast_in_dim3A_3296, %broadcast_in_dim3A_3297 : vector<16xi1>, vector<16xi32>
        %add3A_3299 = arith.addi %add3A_3278, %select_n3A_3298 : vector<16xi32>
        %get3A_3300 = arith.constant 96 : index
        %get3A_3301 = tpu.vector_load %arg12[%get3A_3300] {strides = array<i32>} : memref<136xf32, #tpu.memory_space<vmem>>, vector<16xf32>,
        %get3A_3302 = arith.constant 96 : index
        %get3A_3303 = tpu.vector_load %arg13[%get3A_3302] {strides = array<i32>} : memref<136xi32, #tpu.memory_space<vmem>>, vector<16xi32>,
        %add3A_3304 = arith.constant 96 : i32
        %add3A_3305 = vector.broadcast %add3A_3304 : i32 to vector<16xi32>
        %add3A_3306 = arith.addi %iota3A, %add3A_3305 : vector<16xi32>
        %lt3A_3307 = vector.broadcast %min3A_3155 : i32 to vector<16xi32>
        %lt3A_3308 = arith.cmpi slt, %add3A_3306, %lt3A_3307 : vector<16xi32>
        %gt3A_3309 = arith.cmpf ogt, %get3A_3301, %gather3A_3172 : vector<16xf32>
        %eq3A_3310 = arith.cmpf oeq, %get3A_3301, %gather3A_3172 : vector<16xf32>
        %lt3A_3311 = arith.cmpi slt, %get3A_3303, %gather3A_3174 : vector<16xi32>
        %and3A_3312 = arith.andi %eq3A_3310, %lt3A_3311 : vector<16xi1>
        %or3A_3313 = arith.ori %gt3A_3309, %and3A_3312 : vector<16xi1>
        %and3A_3314 = arith.andi %or3A_3313, %lt3A_3308 : vector<16xi1>
        %jit3A_3315 = arith.constant 1 : i32
        %jit3A_3316 = arith.constant 0 : i32
        %broadcast_in_dim3A_3317 = vector.broadcast %jit3A_3315 : i32 to vector<16xi32>
        %broadcast_in_dim3A_3318 = vector.broadcast %jit3A_3316 : i32 to vector<16xi32>
        %select_n3A_3319 = arith.select %and3A_3314, %broadcast_in_dim3A_3317, %broadcast_in_dim3A_3318 : vector<16xi1>, vector<16xi32>
        %add3A_3320 = arith.addi %add3A_3299, %select_n3A_3319 : vector<16xi32>
        %get3A_3321 = arith.constant 112 : index
        %get3A_3322 = tpu.vector_load %arg12[%get3A_3321] {strides = array<i32>} : memref<136xf32, #tpu.memory_space<vmem>>, vector<16xf32>,
        %get3A_3323 = arith.constant 112 : index
        %get3A_3324 = tpu.vector_load %arg13[%get3A_3323] {strides = array<i32>} : memref<136xi32, #tpu.memory_space<vmem>>, vector<16xi32>,
        %add3A_3325 = arith.constant 112 : i32
        %add3A_3326 = vector.broadcast %add3A_3325 : i32 to vector<16xi32>
        %add3A_3327 = arith.addi %iota3A, %add3A_3326 : vector<16xi32>
        %lt3A_3328 = vector.broadcast %min3A_3155 : i32 to vector<16xi32>
        %lt3A_3329 = arith.cmpi slt, %add3A_3327, %lt3A_3328 : vector<16xi32>
        %gt3A_3330 = arith.cmpf ogt, %get3A_3322, %gather3A_3172 : vector<16xf32>
        %eq3A_3331 = arith.cmpf oeq, %get3A_3322, %gather3A_3172 : vector<16xf32>
        %lt3A_3332 = arith.cmpi slt, %get3A_3324, %gather3A_3174 : vector<16xi32>
        %and3A_3333 = arith.andi %eq3A_3331, %lt3A_3332 : vector<16xi1>
        %or3A_3334 = arith.ori %gt3A_3330, %and3A_3333 : vector<16xi1>
        %and3A_3335 = arith.andi %or3A_3334, %lt3A_3329 : vector<16xi1>
        %jit3A_3336 = arith.constant 1 : i32
        %jit3A_3337 = arith.constant 0 : i32
        %broadcast_in_dim3A_3338 = vector.broadcast %jit3A_3336 : i32 to vector<16xi32>
        %broadcast_in_dim3A_3339 = vector.broadcast %jit3A_3337 : i32 to vector<16xi32>
        %select_n3A_3340 = arith.select %and3A_3335, %broadcast_in_dim3A_3338, %broadcast_in_dim3A_3339 : vector<16xi1>, vector<16xi32>
        %add3A_3341 = arith.addi %add3A_3320, %select_n3A_3340 : vector<16xi32>
        %reduce_sum3A = arith.constant true
        %reduce_sum3A_3342 = vector.broadcast %reduce_sum3A : i1 to vector<16xi1>
        %reduce_sum3A_3343 = tpu.scan <sum>, %add3A_3341 masked %reduce_sum3A_3342 : vector<16xi32>, vector<16xi1> -> vector<16xi32>
        %reduce_sum3A_3344 = vector.extract %reduce_sum3A_3343[15] : i32 from vector<16xi32>
        %broadcast_in_dim3A_3345 = vector.broadcast %reduce_sum3A_3344 : i32 to vector<16xi32>
        %eq3A_3346 = arith.constant 0 : i32
        %eq3A_3347 = vector.broadcast %eq3A_3346 : i32 to vector<16xi32>
        %eq3A_3348 = arith.cmpi eq, %iota3A, %eq3A_3347 : vector<16xi32>
        tpu.vector_store_idx %arg14[%broadcast_in_dim3A_3345], %gather3A_3172 masked %eq3A_3348 : memref<136xf32, #tpu.memory_space<vmem>>[vector<16xi32>], vector<16xf32>, vector<16xi1>
        tpu.vector_store_idx %arg15[%broadcast_in_dim3A_3345], %gather3A_3174 masked %eq3A_3348 : memref<136xi32, #tpu.memory_space<vmem>>[vector<16xi32>], vector<16xi32>, vector<16xi1>
        %while3A_3349 = arith.constant 0 : i32
        scf.yield %while3A_3349 : i32
      }
      %while3A_3166 = arith.constant 1 : i32
      %while3A_3167 = scf.for %while3A_3169 = %while3A_3163 to %while3A_3159 step %while3A_3166 iter_args(%while3A_3170 = %while3A_3165) -> (i32)  : i32 {
        %broadcast_in_dim3A_3171 = vector.broadcast %while3A_3169 : i32 to vector<16xi32>
        %gather3A_3172 = tpu.vector_load_idx %arg12[%broadcast_in_dim3A_3171] : memref<136xf32, #tpu.memory_space<vmem>>[vector<16xi32>], vector<16xf32>,
        %broadcast_in_dim3A_3173 = vector.broadcast %while3A_3169 : i32 to vector<16xi32>
        %gather3A_3174 = tpu.vector_load_idx %arg13[%broadcast_in_dim3A_3173] : memref<136xi32, #tpu.memory_space<vmem>>[vector<16xi32>], vector<16xi32>,
        %broadcast_in_dim3A_3175 = arith.constant 0 : i32
        %broadcast_in_dim3A_3176 = vector.broadcast %broadcast_in_dim3A_3175 : i32 to vector<16xi32>
        %get3A_3177 = arith.constant 0 : index
        %get3A_3178 = tpu.vector_load %arg12[%get3A_3177] {strides = array<i32>} : memref<136xf32, #tpu.memory_space<vmem>>, vector<16xf32>,
        %get3A_3179 = arith.constant 0 : index
        %get3A_3180 = tpu.vector_load %arg13[%get3A_3179] {strides = array<i32>} : memref<136xi32, #tpu.memory_space<vmem>>, vector<16xi32>,
        %add3A_3181 = arith.constant 0 : i32
        %add3A_3182 = vector.broadcast %add3A_3181 : i32 to vector<16xi32>
        %add3A_3183 = arith.addi %iota3A, %add3A_3182 : vector<16xi32>
        %lt3A_3184 = vector.broadcast %min3A_3155 : i32 to vector<16xi32>
        %lt3A_3185 = arith.cmpi slt, %add3A_3183, %lt3A_3184 : vector<16xi32>
        %gt3A = arith.cmpf ogt, %get3A_3178, %gather3A_3172 : vector<16xf32>
        %eq3A = arith.cmpf oeq, %get3A_3178, %gather3A_3172 : vector<16xf32>
        %lt3A_3186 = arith.cmpi slt, %get3A_3180, %gather3A_3174 : vector<16xi32>
        %and3A_3187 = arith.andi %eq3A, %lt3A_3186 : vector<16xi1>
        %or3A = arith.ori %gt3A, %and3A_3187 : vector<16xi1>
        %and3A_3188 = arith.andi %or3A, %lt3A_3185 : vector<16xi1>
        %jit3A_3189 = arith.constant 1 : i32
        %jit3A_3190 = arith.constant 0 : i32
        %broadcast_in_dim3A_3191 = vector.broadcast %jit3A_3189 : i32 to vector<16xi32>
        %broadcast_in_dim3A_3192 = vector.broadcast %jit3A_3190 : i32 to vector<16xi32>
        %select_n3A_3193 = arith.select %and3A_3188, %broadcast_in_dim3A_3191, %broadcast_in_dim3A_3192 : vector<16xi1>, vector<16xi32>
        %add3A_3194 = arith.addi %broadcast_in_dim3A_3176, %select_n3A_3193 : vector<16xi32>
        %get3A_3195 = arith.constant 16 : index
        %get3A_3196 = tpu.vector_load %arg12[%get3A_3195] {strides = array<i32>} : memref<136xf32, #tpu.memory_space<vmem>>, vector<16xf32>,
        %get3A_3197 = arith.constant 16 : index
        %get3A_3198 = tpu.vector_load %arg13[%get3A_3197] {strides = array<i32>} : memref<136xi32, #tpu.memory_space<vmem>>, vector<16xi32>,
        %add3A_3199 = arith.constant 16 : i32
        %add3A_3200 = vector.broadcast %add3A_3199 : i32 to vector<16xi32>
        %add3A_3201 = arith.addi %iota3A, %add3A_3200 : vector<16xi32>
        %lt3A_3202 = vector.broadcast %min3A_3155 : i32 to vector<16xi32>
        %lt3A_3203 = arith.cmpi slt, %add3A_3201, %lt3A_3202 : vector<16xi32>
        %gt3A_3204 = arith.cmpf ogt, %get3A_3196, %gather3A_3172 : vector<16xf32>
        %eq3A_3205 = arith.cmpf oeq, %get3A_3196, %gather3A_3172 : vector<16xf32>
        %lt3A_3206 = arith.cmpi slt, %get3A_3198, %gather3A_3174 : vector<16xi32>
        %and3A_3207 = arith.andi %eq3A_3205, %lt3A_3206 : vector<16xi1>
        %or3A_3208 = arith.ori %gt3A_3204, %and3A_3207 : vector<16xi1>
        %and3A_3209 = arith.andi %or3A_3208, %lt3A_3203 : vector<16xi1>
        %jit3A_3210 = arith.constant 1 : i32
        %jit3A_3211 = arith.constant 0 : i32
        %broadcast_in_dim3A_3212 = vector.broadcast %jit3A_3210 : i32 to vector<16xi32>
        %broadcast_in_dim3A_3213 = vector.broadcast %jit3A_3211 : i32 to vector<16xi32>
        %select_n3A_3214 = arith.select %and3A_3209, %broadcast_in_dim3A_3212, %broadcast_in_dim3A_3213 : vector<16xi1>, vector<16xi32>
        %add3A_3215 = arith.addi %add3A_3194, %select_n3A_3214 : vector<16xi32>
        %get3A_3216 = arith.constant 32 : index
        %get3A_3217 = tpu.vector_load %arg12[%get3A_3216] {strides = array<i32>} : memref<136xf32, #tpu.memory_space<vmem>>, vector<16xf32>,
        %get3A_3218 = arith.constant 32 : index
        %get3A_3219 = tpu.vector_load %arg13[%get3A_3218] {strides = array<i32>} : memref<136xi32, #tpu.memory_space<vmem>>, vector<16xi32>,
        %add3A_3220 = arith.constant 32 : i32
        %add3A_3221 = vector.broadcast %add3A_3220 : i32 to vector<16xi32>
        %add3A_3222 = arith.addi %iota3A, %add3A_3221 : vector<16xi32>
        %lt3A_3223 = vector.broadcast %min3A_3155 : i32 to vector<16xi32>
        %lt3A_3224 = arith.cmpi slt, %add3A_3222, %lt3A_3223 : vector<16xi32>
        %gt3A_3225 = arith.cmpf ogt, %get3A_3217, %gather3A_3172 : vector<16xf32>
        %eq3A_3226 = arith.cmpf oeq, %get3A_3217, %gather3A_3172 : vector<16xf32>
        %lt3A_3227 = arith.cmpi slt, %get3A_3219, %gather3A_3174 : vector<16xi32>
        %and3A_3228 = arith.andi %eq3A_3226, %lt3A_3227 : vector<16xi1>
        %or3A_3229 = arith.ori %gt3A_3225, %and3A_3228 : vector<16xi1>
        %and3A_3230 = arith.andi %or3A_3229, %lt3A_3224 : vector<16xi1>
        %jit3A_3231 = arith.constant 1 : i32
        %jit3A_3232 = arith.constant 0 : i32
        %broadcast_in_dim3A_3233 = vector.broadcast %jit3A_3231 : i32 to vector<16xi32>
        %broadcast_in_dim3A_3234 = vector.broadcast %jit3A_3232 : i32 to vector<16xi32>
        %select_n3A_3235 = arith.select %and3A_3230, %broadcast_in_dim3A_3233, %broadcast_in_dim3A_3234 : vector<16xi1>, vector<16xi32>
        %add3A_3236 = arith.addi %add3A_3215, %select_n3A_3235 : vector<16xi32>
        %get3A_3237 = arith.constant 48 : index
        %get3A_3238 = tpu.vector_load %arg12[%get3A_3237] {strides = array<i32>} : memref<136xf32, #tpu.memory_space<vmem>>, vector<16xf32>,
        %get3A_3239 = arith.constant 48 : index
        %get3A_3240 = tpu.vector_load %arg13[%get3A_3239] {strides = array<i32>} : memref<136xi32, #tpu.memory_space<vmem>>, vector<16xi32>,
        %add3A_3241 = arith.constant 48 : i32
        %add3A_3242 = vector.broadcast %add3A_3241 : i32 to vector<16xi32>
        %add3A_3243 = arith.addi %iota3A, %add3A_3242 : vector<16xi32>
        %lt3A_3244 = vector.broadcast %min3A_3155 : i32 to vector<16xi32>
        %lt3A_3245 = arith.cmpi slt, %add3A_3243, %lt3A_3244 : vector<16xi32>
        %gt3A_3246 = arith.cmpf ogt, %get3A_3238, %gather3A_3172 : vector<16xf32>
        %eq3A_3247 = arith.cmpf oeq, %get3A_3238, %gather3A_3172 : vector<16xf32>
        %lt3A_3248 = arith.cmpi slt, %get3A_3240, %gather3A_3174 : vector<16xi32>
        %and3A_3249 = arith.andi %eq3A_3247, %lt3A_3248 : vector<16xi1>
        %or3A_3250 = arith.ori %gt3A_3246, %and3A_3249 : vector<16xi1>
        %and3A_3251 = arith.andi %or3A_3250, %lt3A_3245 : vector<16xi1>
        %jit3A_3252 = arith.constant 1 : i32
        %jit3A_3253 = arith.constant 0 : i32
        %broadcast_in_dim3A_3254 = vector.broadcast %jit3A_3252 : i32 to vector<16xi32>
        %broadcast_in_dim3A_3255 = vector.broadcast %jit3A_3253 : i32 to vector<16xi32>
        %select_n3A_3256 = arith.select %and3A_3251, %broadcast_in_dim3A_3254, %broadcast_in_dim3A_3255 : vector<16xi1>, vector<16xi32>
        %add3A_3257 = arith.addi %add3A_3236, %select_n3A_3256 : vector<16xi32>
        %get3A_3258 = arith.constant 64 : index
        %get3A_3259 = tpu.vector_load %arg12[%get3A_3258] {strides = array<i32>} : memref<136xf32, #tpu.memory_space<vmem>>, vector<16xf32>,
        %get3A_3260 = arith.constant 64 : index
        %get3A_3261 = tpu.vector_load %arg13[%get3A_3260] {strides = array<i32>} : memref<136xi32, #tpu.memory_space<vmem>>, vector<16xi32>,
        %add3A_3262 = arith.constant 64 : i32
        %add3A_3263 = vector.broadcast %add3A_3262 : i32 to vector<16xi32>
        %add3A_3264 = arith.addi %iota3A, %add3A_3263 : vector<16xi32>
        %lt3A_3265 = vector.broadcast %min3A_3155 : i32 to vector<16xi32>
        %lt3A_3266 = arith.cmpi slt, %add3A_3264, %lt3A_3265 : vector<16xi32>
        %gt3A_3267 = arith.cmpf ogt, %get3A_3259, %gather3A_3172 : vector<16xf32>
        %eq3A_3268 = arith.cmpf oeq, %get3A_3259, %gather3A_3172 : vector<16xf32>
        %lt3A_3269 = arith.cmpi slt, %get3A_3261, %gather3A_3174 : vector<16xi32>
        %and3A_3270 = arith.andi %eq3A_3268, %lt3A_3269 : vector<16xi1>
        %or3A_3271 = arith.ori %gt3A_3267, %and3A_3270 : vector<16xi1>
        %and3A_3272 = arith.andi %or3A_3271, %lt3A_3266 : vector<16xi1>
        %jit3A_3273 = arith.constant 1 : i32
        %jit3A_3274 = arith.constant 0 : i32
        %broadcast_in_dim3A_3275 = vector.broadcast %jit3A_3273 : i32 to vector<16xi32>
        %broadcast_in_dim3A_3276 = vector.broadcast %jit3A_3274 : i32 to vector<16xi32>
        %select_n3A_3277 = arith.select %and3A_3272, %broadcast_in_dim3A_3275, %broadcast_in_dim3A_3276 : vector<16xi1>, vector<16xi32>
        %add3A_3278 = arith.addi %add3A_3257, %select_n3A_3277 : vector<16xi32>
        %get3A_3279 = arith.constant 80 : index
        %get3A_3280 = tpu.vector_load %arg12[%get3A_3279] {strides = array<i32>} : memref<136xf32, #tpu.memory_space<vmem>>, vector<16xf32>,
        %get3A_3281 = arith.constant 80 : index
        %get3A_3282 = tpu.vector_load %arg13[%get3A_3281] {strides = array<i32>} : memref<136xi32, #tpu.memory_space<vmem>>, vector<16xi32>,
        %add3A_3283 = arith.constant 80 : i32
        %add3A_3284 = vector.broadcast %add3A_3283 : i32 to vector<16xi32>
        %add3A_3285 = arith.addi %iota3A, %add3A_3284 : vector<16xi32>
        %lt3A_3286 = vector.broadcast %min3A_3155 : i32 to vector<16xi32>
        %lt3A_3287 = arith.cmpi slt, %add3A_3285, %lt3A_3286 : vector<16xi32>
        %gt3A_3288 = arith.cmpf ogt, %get3A_3280, %gather3A_3172 : vector<16xf32>
        %eq3A_3289 = arith.cmpf oeq, %get3A_3280, %gather3A_3172 : vector<16xf32>
        %lt3A_3290 = arith.cmpi slt, %get3A_3282, %gather3A_3174 : vector<16xi32>
        %and3A_3291 = arith.andi %eq3A_3289, %lt3A_3290 : vector<16xi1>
        %or3A_3292 = arith.ori %gt3A_3288, %and3A_3291 : vector<16xi1>
        %and3A_3293 = arith.andi %or3A_3292, %lt3A_3287 : vector<16xi1>
        %jit3A_3294 = arith.constant 1 : i32
        %jit3A_3295 = arith.constant 0 : i32
        %broadcast_in_dim3A_3296 = vector.broadcast %jit3A_3294 : i32 to vector<16xi32>
        %broadcast_in_dim3A_3297 = vector.broadcast %jit3A_3295 : i32 to vector<16xi32>
        %select_n3A_3298 = arith.select %and3A_3293, %broadcast_in_dim3A_3296, %broadcast_in_dim3A_3297 : vector<16xi1>, vector<16xi32>
        %add3A_3299 = arith.addi %add3A_3278, %select_n3A_3298 : vector<16xi32>
        %get3A_3300 = arith.constant 96 : index
        %get3A_3301 = tpu.vector_load %arg12[%get3A_3300] {strides = array<i32>} : memref<136xf32, #tpu.memory_space<vmem>>, vector<16xf32>,
        %get3A_3302 = arith.constant 96 : index
        %get3A_3303 = tpu.vector_load %arg13[%get3A_3302] {strides = array<i32>} : memref<136xi32, #tpu.memory_space<vmem>>, vector<16xi32>,
        %add3A_3304 = arith.constant 96 : i32
        %add3A_3305 = vector.broadcast %add3A_3304 : i32 to vector<16xi32>
        %add3A_3306 = arith.addi %iota3A, %add3A_3305 : vector<16xi32>
        %lt3A_3307 = vector.broadcast %min3A_3155 : i32 to vector<16xi32>
        %lt3A_3308 = arith.cmpi slt, %add3A_3306, %lt3A_3307 : vector<16xi32>
        %gt3A_3309 = arith.cmpf ogt, %get3A_3301, %gather3A_3172 : vector<16xf32>
        %eq3A_3310 = arith.cmpf oeq, %get3A_3301, %gather3A_3172 : vector<16xf32>
        %lt3A_3311 = arith.cmpi slt, %get3A_3303, %gather3A_3174 : vector<16xi32>
        %and3A_3312 = arith.andi %eq3A_3310, %lt3A_3311 : vector<16xi1>
        %or3A_3313 = arith.ori %gt3A_3309, %and3A_3312 : vector<16xi1>
        %and3A_3314 = arith.andi %or3A_3313, %lt3A_3308 : vector<16xi1>
        %jit3A_3315 = arith.constant 1 : i32
        %jit3A_3316 = arith.constant 0 : i32
        %broadcast_in_dim3A_3317 = vector.broadcast %jit3A_3315 : i32 to vector<16xi32>
        %broadcast_in_dim3A_3318 = vector.broadcast %jit3A_3316 : i32 to vector<16xi32>
        %select_n3A_3319 = arith.select %and3A_3314, %broadcast_in_dim3A_3317, %broadcast_in_dim3A_3318 : vector<16xi1>, vector<16xi32>
        %add3A_3320 = arith.addi %add3A_3299, %select_n3A_3319 : vector<16xi32>
        %get3A_3321 = arith.constant 112 : index
        %get3A_3322 = tpu.vector_load %arg12[%get3A_3321] {strides = array<i32>} : memref<136xf32, #tpu.memory_space<vmem>>, vector<16xf32>,
        %get3A_3323 = arith.constant 112 : index
        %get3A_3324 = tpu.vector_load %arg13[%get3A_3323] {strides = array<i32>} : memref<136xi32, #tpu.memory_space<vmem>>, vector<16xi32>,
        %add3A_3325 = arith.constant 112 : i32
        %add3A_3326 = vector.broadcast %add3A_3325 : i32 to vector<16xi32>
        %add3A_3327 = arith.addi %iota3A, %add3A_3326 : vector<16xi32>
        %lt3A_3328 = vector.broadcast %min3A_3155 : i32 to vector<16xi32>
        %lt3A_3329 = arith.cmpi slt, %add3A_3327, %lt3A_3328 : vector<16xi32>
        %gt3A_3330 = arith.cmpf ogt, %get3A_3322, %gather3A_3172 : vector<16xf32>
        %eq3A_3331 = arith.cmpf oeq, %get3A_3322, %gather3A_3172 : vector<16xf32>
        %lt3A_3332 = arith.cmpi slt, %get3A_3324, %gather3A_3174 : vector<16xi32>
        %and3A_3333 = arith.andi %eq3A_3331, %lt3A_3332 : vector<16xi1>
        %or3A_3334 = arith.ori %gt3A_3330, %and3A_3333 : vector<16xi1>
        %and3A_3335 = arith.andi %or3A_3334, %lt3A_3329 : vector<16xi1>
        %jit3A_3336 = arith.constant 1 : i32
        %jit3A_3337 = arith.constant 0 : i32
        %broadcast_in_dim3A_3338 = vector.broadcast %jit3A_3336 : i32 to vector<16xi32>
        %broadcast_in_dim3A_3339 = vector.broadcast %jit3A_3337 : i32 to vector<16xi32>
        %select_n3A_3340 = arith.select %and3A_3335, %broadcast_in_dim3A_3338, %broadcast_in_dim3A_3339 : vector<16xi1>, vector<16xi32>
        %add3A_3341 = arith.addi %add3A_3320, %select_n3A_3340 : vector<16xi32>
        %reduce_sum3A = arith.constant true
        %reduce_sum3A_3342 = vector.broadcast %reduce_sum3A : i1 to vector<16xi1>
        %reduce_sum3A_3343 = tpu.scan <sum>, %add3A_3341 masked %reduce_sum3A_3342 : vector<16xi32>, vector<16xi1> -> vector<16xi32>
        %reduce_sum3A_3344 = vector.extract %reduce_sum3A_3343[15] : i32 from vector<16xi32>
        %broadcast_in_dim3A_3345 = vector.broadcast %reduce_sum3A_3344 : i32 to vector<16xi32>
        %eq3A_3346 = arith.constant 0 : i32
        %eq3A_3347 = vector.broadcast %eq3A_3346 : i32 to vector<16xi32>
        %eq3A_3348 = arith.cmpi eq, %iota3A, %eq3A_3347 : vector<16xi32>
        tpu.vector_store_idx %arg14[%broadcast_in_dim3A_3345], %gather3A_3172 masked %eq3A_3348 : memref<136xf32, #tpu.memory_space<vmem>>[vector<16xi32>], vector<16xf32>, vector<16xi1>
        tpu.vector_store_idx %arg15[%broadcast_in_dim3A_3345], %gather3A_3174 masked %eq3A_3348 : memref<136xi32, #tpu.memory_space<vmem>>[vector<16xi32>], vector<16xi32>, vector<16xi1>
        %while3A_3349 = arith.constant 0 : i32
        scf.yield %while3A_3349 : i32
      }
      "tpu.region"() ({
        %run_scoped3A = tpu.sem_alloc : memref<!tpu.dma_semaphore, #tpu.memory_space<semaphore_mem>>
        %dma_start3A_3169 = arith.constant 0 : i32
        %dma_start3A_3170 = tpu.memref_slice %arg14[%dma_start3A_3169] : memref<136xf32, #tpu.memory_space<vmem>> -> memref<64xf32, #tpu.memory_space<vmem>>
        %dma_start3A_3171 = arith.constant 0 : i32
        %dma_start3A_3172 = tpu.memref_slice %arg4[%add3A_11, %dma_start3A_3171] : memref<256x64xf32, #tpu.memory_space<hbm>> -> memref<1x64xf32, #tpu.memory_space<hbm>>
        %dma_start3A_3173 = tpu.memref_squeeze %dma_start3A_3172 : memref<1x64xf32, #tpu.memory_space<hbm>> -> memref<64xf32, #tpu.memory_space<hbm>>
        %dma_start3A_3174 = arith.constant 0 : i32
        %dma_start3A_3175 = tpu.memref_slice %arg4[%add3A_11, %dma_start3A_3174] : memref<256x64xf32, #tpu.memory_space<hbm>> -> memref<1x64xf32, #tpu.memory_space<hbm>>
        %dma_start3A_3176 = tpu.memref_squeeze %dma_start3A_3175 : memref<1x64xf32, #tpu.memory_space<hbm>> -> memref<64xf32, #tpu.memory_space<hbm>>
        %dma_start3A_3177 = arith.constant 0 : i32
        %dma_start3A_3178 = tpu.memref_slice %arg14[%dma_start3A_3177] : memref<136xf32, #tpu.memory_space<vmem>> -> memref<64xf32, #tpu.memory_space<vmem>>
        tpu.enqueue_dma source(%dma_start3A_3178 : memref<64xf32, #tpu.memory_space<vmem>>) target(%dma_start3A_3176 : memref<64xf32, #tpu.memory_space<hbm>>) target_semaphore(%run_scoped3A : memref<!tpu.dma_semaphore, #tpu.memory_space<semaphore_mem>>)
        %dma_wait3A_3179 = arith.constant 0 : i32
        %dma_wait3A_3180 = tpu.memref_slice %arg14[%dma_wait3A_3179] : memref<136xf32, #tpu.memory_space<vmem>> -> memref<64xf32, #tpu.memory_space<vmem>>
        %dma_wait3A_3181 = arith.constant 0 : i32
        %dma_wait3A_3182 = tpu.memref_slice %arg4[%add3A_11, %dma_wait3A_3181] : memref<256x64xf32, #tpu.memory_space<hbm>> -> memref<1x64xf32, #tpu.memory_space<hbm>>
        %dma_wait3A_3183 = tpu.memref_squeeze %dma_wait3A_3182 : memref<1x64xf32, #tpu.memory_space<hbm>> -> memref<64xf32, #tpu.memory_space<hbm>>
        %dma_wait3A_3184 = arith.constant 0 : i32
        %dma_wait3A_3185 = tpu.memref_slice %arg4[%add3A_11, %dma_wait3A_3184] : memref<256x64xf32, #tpu.memory_space<hbm>> -> memref<1x64xf32, #tpu.memory_space<hbm>>
        %dma_wait3A_3186 = tpu.memref_squeeze %dma_wait3A_3185 : memref<1x64xf32, #tpu.memory_space<hbm>> -> memref<64xf32, #tpu.memory_space<hbm>>
        %dma_wait3A_3187 = arith.constant 0 : i32
        %dma_wait3A_3188 = tpu.memref_slice %arg14[%dma_wait3A_3187] : memref<136xf32, #tpu.memory_space<vmem>> -> memref<64xf32, #tpu.memory_space<vmem>>
        tpu.wait_dma2 semaphore(%run_scoped3A : memref<!tpu.dma_semaphore, #tpu.memory_space<semaphore_mem>>) src(%dma_wait3A_3188 : memref<64xf32, #tpu.memory_space<vmem>>) dst(%dma_wait3A_3186 : memref<64xf32, #tpu.memory_space<hbm>>)
        tpu.yield
      }) : () -> ()
      "tpu.region"() ({
        %run_scoped3A = tpu.sem_alloc : memref<!tpu.dma_semaphore, #tpu.memory_space<semaphore_mem>>
        %dma_start3A_3169 = arith.constant 0 : i32
        %dma_start3A_3170 = tpu.memref_slice %arg15[%dma_start3A_3169] : memref<136xi32, #tpu.memory_space<vmem>> -> memref<64xi32, #tpu.memory_space<vmem>>
        %dma_start3A_3171 = arith.constant 0 : i32
        %dma_start3A_3172 = tpu.memref_slice %arg5[%add3A_11, %dma_start3A_3171] : memref<256x64xi32, #tpu.memory_space<hbm>> -> memref<1x64xi32, #tpu.memory_space<hbm>>
        %dma_start3A_3173 = tpu.memref_squeeze %dma_start3A_3172 : memref<1x64xi32, #tpu.memory_space<hbm>> -> memref<64xi32, #tpu.memory_space<hbm>>
        %dma_start3A_3174 = arith.constant 0 : i32
        %dma_start3A_3175 = tpu.memref_slice %arg5[%add3A_11, %dma_start3A_3174] : memref<256x64xi32, #tpu.memory_space<hbm>> -> memref<1x64xi32, #tpu.memory_space<hbm>>
        %dma_start3A_3176 = tpu.memref_squeeze %dma_start3A_3175 : memref<1x64xi32, #tpu.memory_space<hbm>> -> memref<64xi32, #tpu.memory_space<hbm>>
        %dma_start3A_3177 = arith.constant 0 : i32
        %dma_start3A_3178 = tpu.memref_slice %arg15[%dma_start3A_3177] : memref<136xi32, #tpu.memory_space<vmem>> -> memref<64xi32, #tpu.memory_space<vmem>>
        tpu.enqueue_dma source(%dma_start3A_3178 : memref<64xi32, #tpu.memory_space<vmem>>) target(%dma_start3A_3176 : memref<64xi32, #tpu.memory_space<hbm>>) target_semaphore(%run_scoped3A : memref<!tpu.dma_semaphore, #tpu.memory_space<semaphore_mem>>)
        %dma_wait3A_3179 = arith.constant 0 : i32
        %dma_wait3A_3180 = tpu.memref_slice %arg15[%dma_wait3A_3179] : memref<136xi32, #tpu.memory_space<vmem>> -> memref<64xi32, #tpu.memory_space<vmem>>
        %dma_wait3A_3181 = arith.constant 0 : i32
        %dma_wait3A_3182 = tpu.memref_slice %arg5[%add3A_11, %dma_wait3A_3181] : memref<256x64xi32, #tpu.memory_space<hbm>> -> memref<1x64xi32, #tpu.memory_space<hbm>>
        %dma_wait3A_3183 = tpu.memref_squeeze %dma_wait3A_3182 : memref<1x64xi32, #tpu.memory_space<hbm>> -> memref<64xi32, #tpu.memory_space<hbm>>
        %dma_wait3A_3184 = arith.constant 0 : i32
        %dma_wait3A_3185 = tpu.memref_slice %arg5[%add3A_11, %dma_wait3A_3184] : memref<256x64xi32, #tpu.memory_space<hbm>> -> memref<1x64xi32, #tpu.memory_space<hbm>>
        %dma_wait3A_3186 = tpu.memref_squeeze %dma_wait3A_3185 : memref<1x64xi32, #tpu.memory_space<hbm>> -> memref<64xi32, #tpu.memory_space<hbm>>
        %dma_wait3A_3187 = arith.constant 0 : i32
        %dma_wait3A_3188 = tpu.memref_slice %arg15[%dma_wait3A_3187] : memref<136xi32, #tpu.memory_space<vmem>> -> memref<64xi32, #tpu.memory_space<vmem>>
        tpu.wait_dma2 semaphore(%run_scoped3A : memref<!tpu.dma_semaphore, #tpu.memory_space<semaphore_mem>>) src(%dma_wait3A_3188 : memref<64xi32, #tpu.memory_space<vmem>>) dst(%dma_wait3A_3186 : memref<64xi32, #tpu.memory_space<hbm>>)
        tpu.yield
      }) : () -> ()
      %scan3A_3168 = arith.constant 0 : i32
      scf.yield %scan3A_3168 : i32
    }
    %scan3A_6 = arith.constant 8 : i32
    return
  }
}

module attributes {stable_mosaic.version = 14 : i64} {
  func.func @_tc1_body(%arg0: i32, %arg1: memref<8x100000xf32, #tpu.memory_space<vmem>>, %arg2: memref<8x896xf32, #tpu.memory_space<vmem>>) attributes {dimension_semantics = [#tpu.dimension_semantics<arbitrary>], iteration_bounds = array<i64: 32>, scalar_prefetch = 0 : i64, scratch_operands = 0 : i64, tpu.core_type = #tpu.core_type<tc>, window_params = [{transform_indices = @transform_0, window_bounds = array<i64: 8, 100000>}, {transform_indices = @transform_1, window_bounds = array<i64: 8, 896>}]} {
    %get3A = arith.constant 0 : index
    %get3A_0 = arith.constant 0 : index
    %get3A_1 = vector.load %arg1[%get3A, %get3A_0] : memref<8x100000xf32, #tpu.memory_space<vmem>>, vector<8x100000xf32>
    %slice3A = vector.extract_strided_slice %get3A_1 {offsets = [0, 0], sizes = [8, 99968], strides = [1, 1]} : vector<8x100000xf32> to vector<8x99968xf32>
    %reshape3A = vector.shape_cast %slice3A : vector<8x99968xf32> to vector<8x781x128xf32>
    %reduce_max3A = arith.constant dense<0xFF800000> : vector<8x781xf32>
    %reduce_max3A_2 = vector.multi_reduction <maximumf>, %reshape3A, %reduce_max3A [2] : vector<8x781x128xf32> to vector<8x781xf32>
    %slice3A_3 = vector.extract_strided_slice %get3A_1 {offsets = [0, 99968], sizes = [8, 32], strides = [1, 1]} : vector<8x100000xf32> to vector<8x32xf32>
    %reduce_max3A_4 = arith.constant dense<0xFF800000> : vector<8xf32>
    %reduce_max3A_5 = vector.multi_reduction <maximumf>, %slice3A_3, %reduce_max3A_4 [1] : vector<8x32xf32> to vector<8xf32>
    %broadcast_in_dim3A = vector.shape_cast %reduce_max3A_5 : vector<8xf32> to vector<8x1xf32>
    %broadcast_in_dim3A_6 = arith.constant -3.000000e+38 : f32
    %broadcast_in_dim3A_7 = vector.broadcast %broadcast_in_dim3A_6 : f32 to vector<8x114xf32>
    %concatenate3A = tpu.concatenate %reduce_max3A_2, %broadcast_in_dim3A, %broadcast_in_dim3A_7 in 1 : vector<8x781xf32>, vector<8x1xf32>, vector<8x114xf32> -> vector<8x896xf32>
    %swap3A = arith.constant 0 : index
    %swap3A_8 = arith.constant 0 : index
    %swap3A_9 = vector.load %arg2[%swap3A, %swap3A_8] : memref<8x896xf32, #tpu.memory_space<vmem>>, vector<8x896xf32>
    tpu.vector_store %arg2[%swap3A, %swap3A_8], %concatenate3A {strides = array<i32>} : memref<8x896xf32, #tpu.memory_space<vmem>>, vector<8x896xf32>,
    return
  }
  func.func @transform_0(%arg0: i32) -> (i32, i32) {
    %c0_i32 = arith.constant 0 : i32
    %c0_i32_0 = arith.constant 0 : i32
    return %arg0, %c0_i32 : i32, i32
  }
  func.func @transform_1(%arg0: i32) -> (i32, i32) {
    %c0_i32 = arith.constant 0 : i32
    %c0_i32_0 = arith.constant 0 : i32
    return %arg0, %c0_i32 : i32, i32
  }
}

module attributes {stable_mosaic.version = 14 : i64} {
  func.func @_tc2_body(%arg0: i32, %arg1: memref<8x100000xf32, #tpu.memory_space<vmem>>, %arg2: memref<8x64xf32, #tpu.memory_space<vmem>>, %arg3: memref<8x64xi32, #tpu.memory_space<vmem>>, %arg4: memref<8x100000xf32, #tpu.memory_space<vmem>>, %arg5: memref<8x64xi32, #tpu.memory_space<vmem>>, %arg6: memref<8x64xf32, #tpu.memory_space<vmem>>) attributes {dimension_semantics = [#tpu.dimension_semantics<arbitrary>], iteration_bounds = array<i64: 32>, scalar_prefetch = 0 : i64, scratch_operands = 0 : i64, tpu.core_type = #tpu.core_type<tc>, window_params = [{transform_indices = @transform_0, window_bounds = array<i64: 8, 100000>}, {transform_indices = @transform_1, window_bounds = array<i64: 8, 64>}, {transform_indices = @transform_2, window_bounds = array<i64: 8, 64>}, {transform_indices = @transform_3, window_bounds = array<i64: 8, 100000>}, {transform_indices = @transform_4, window_bounds = array<i64: 8, 64>}, {transform_indices = @transform_5, window_bounds = array<i64: 8, 64>}]} {
    %get3A = arith.constant 0 : index
    %get3A_0 = arith.constant 0 : index
    %get3A_1 = vector.load %arg2[%get3A, %get3A_0] : memref<8x64xf32, #tpu.memory_space<vmem>>, vector<8x64xf32>
    %get3A_2 = arith.constant 0 : index
    %get3A_3 = arith.constant 0 : index
    %get3A_4 = vector.load %arg3[%get3A_2, %get3A_3] : memref<8x64xi32, #tpu.memory_space<vmem>>, vector<8x64xi32>
    %max3A = arith.constant -1.000000e+30 : f32
    %max3A_5 = vector.broadcast %max3A : f32 to vector<8x64xf32>
    %max3A_6 = arith.maximumf %get3A_1, %max3A_5 : vector<8x64xf32>
    %mul3A = arith.constant 1.250000e+00 : f32
    %mul3A_7 = vector.broadcast %mul3A : f32 to vector<8x64xf32>
    %mul3A_8 = arith.mulf %max3A_6, %mul3A_7 : vector<8x64xf32>
    %slice3A = vector.extract_strided_slice %mul3A_8 {offsets = [0, 0], sizes = [8, 1], strides = [1, 1]} : vector<8x64xf32> to vector<8x1xf32>
    %iota3A = tpu.iota {dimensions = array<i32: 1>} : vector<8x64xi32>
    %slice3A_9 = vector.extract_strided_slice %get3A_1 {offsets = [0, 49], sizes = [8, 1], strides = [1, 1]} : vector<8x64xf32> to vector<8x1xf32>
    %ge3A = vector.broadcast %slice3A_9 : vector<8x1xf32> to vector<8x64xf32>
    %ge3A_10 = arith.cmpf oge, %get3A_1, %ge3A : vector<8x64xf32>
    %convert_element_type3A = arith.extui %ge3A_10 : vector<8x64xi1> to vector<8x64xi32>
    %reduce_sum3A = arith.constant dense<0> : vector<8xi32>
    %reduce_sum3A_11 = vector.multi_reduction <add>, %convert_element_type3A, %reduce_sum3A [1] : vector<8x64xi32> to vector<8xi32>
    %broadcast_in_dim3A = vector.shape_cast %reduce_sum3A_11 : vector<8xi32> to vector<8x1xi32>
    %min3A = arith.constant 64 : i32
    %min3A_12 = vector.broadcast %min3A : i32 to vector<8x1xi32>
    %min3A_13 = arith.minsi %broadcast_in_dim3A, %min3A_12 : vector<8x1xi32>
    %lt3A = vector.broadcast %min3A_13 : vector<8x1xi32> to vector<8x64xi32>
    %lt3A_14 = arith.cmpi slt, %iota3A, %lt3A : vector<8x64xi32>
    %sub3A = vector.broadcast %slice3A : vector<8x1xf32> to vector<8x64xf32>
    %sub3A_15 = arith.subf %mul3A_8, %sub3A : vector<8x64xf32>
    %exp3A = math.exp %sub3A_15 : vector<8x64xf32>
    %jit3A = arith.constant 0.000000e+00 : f32
    %broadcast_in_dim3A_16 = vector.broadcast %jit3A : f32 to vector<8x64xf32>
    %select_n3A = arith.select %lt3A_14, %exp3A, %broadcast_in_dim3A_16 : vector<8x64xi1>, vector<8x64xf32>
    %iota3A_17 = tpu.iota {dimensions = array<i32: 0>} : vector<64x64xi32>
    %iota3A_18 = tpu.iota {dimensions = array<i32: 1>} : vector<64x64xi32>
    %le3A = arith.cmpi sle, %iota3A_17, %iota3A_18 : vector<64x64xi32>
    %convert_element_type3A_19 = arith.extui %le3A : vector<64x64xi1> to vector<64x64xi32>
    %convert_element_type3A_20 = arith.sitofp %convert_element_type3A_19 : vector<64x64xi32> to vector<64x64xf32>
    %dot_general3A = arith.constant dense<0.000000e+00> : vector<8x64xf32>
    %dot_general3A_21 = tpu.matmul %select_n3A, %convert_element_type3A_20, %dot_general3A {dimension_numbers = #tpu.dot_dimension_numbers<[1], [0], [0], [1], [0, 0, 1, 1], [], []>, transpose_lhs_hint = false} : vector<8x64xf32>, vector<64x64xf32>, vector<8x64xf32> -> vector<8x64xf32>
    %reduce_max3A = arith.constant dense<0xFF800000> : vector<8xf32>
    %reduce_max3A_22 = vector.multi_reduction <maximumf>, %dot_general3A_21, %reduce_max3A [1] : vector<8x64xf32> to vector<8xf32>
    %broadcast_in_dim3A_23 = vector.shape_cast %reduce_max3A_22 : vector<8xf32> to vector<8x1xf32>
    %div3A = vector.broadcast %broadcast_in_dim3A_23 : vector<8x1xf32> to vector<8x64xf32>
    %div3A_24 = arith.divf %dot_general3A_21, %div3A : vector<8x64xf32>
    %le3A_25 = arith.constant 0.899999976 : f32
    %le3A_26 = vector.broadcast %le3A_25 : f32 to vector<8x64xf32>
    %le3A_27 = arith.cmpf ole, %div3A_24, %le3A_26 : vector<8x64xf32>
    %sub3A_28 = arith.constant 1 : i32
    %sub3A_29 = vector.broadcast %sub3A_28 : i32 to vector<8x1xi32>
    %sub3A_30 = arith.subi %min3A_13, %sub3A_29 : vector<8x1xi32>
    %lt3A_31 = vector.broadcast %sub3A_30 : vector<8x1xi32> to vector<8x64xi32>
    %lt3A_32 = arith.cmpi slt, %iota3A, %lt3A_31 : vector<8x64xi32>
    %and3A = arith.andi %le3A_27, %lt3A_32 : vector<8x64xi1>
    %convert_element_type3A_33 = arith.extui %and3A : vector<8x64xi1> to vector<8x64xi32>
    %reduce_sum3A_34 = arith.constant dense<0> : vector<8xi32>
    %reduce_sum3A_35 = vector.multi_reduction <add>, %convert_element_type3A_33, %reduce_sum3A_34 [1] : vector<8x64xi32> to vector<8xi32>
    %broadcast_in_dim3A_36 = vector.shape_cast %reduce_sum3A_35 : vector<8xi32> to vector<8x1xi32>
    %add3A = arith.constant 1 : i32
    %add3A_37 = vector.broadcast %add3A : i32 to vector<8x1xi32>
    %add3A_38 = arith.addi %add3A_37, %broadcast_in_dim3A_36 : vector<8x1xi32>
    %sub3A_39 = arith.constant 1 : i32
    %sub3A_40 = vector.broadcast %sub3A_39 : i32 to vector<8x1xi32>
    %sub3A_41 = arith.subi %add3A_38, %sub3A_40 : vector<8x1xi32>
    %eq3A = vector.broadcast %sub3A_41 : vector<8x1xi32> to vector<8x64xi32>
    %eq3A_42 = arith.cmpi eq, %iota3A, %eq3A : vector<8x64xi32>
    %jit3A_43 = arith.constant 0.000000e+00 : f32
    %broadcast_in_dim3A_44 = vector.broadcast %jit3A_43 : f32 to vector<8x64xf32>
    %select_n3A_45 = arith.select %eq3A_42, %dot_general3A_21, %broadcast_in_dim3A_44 : vector<8x64xi1>, vector<8x64xf32>
    %reduce_sum3A_46 = arith.constant dense<0.000000e+00> : vector<8xf32>
    %reduce_sum3A_47 = vector.multi_reduction <add>, %select_n3A_45, %reduce_sum3A_46 [1] : vector<8x64xf32> to vector<8xf32>
    %broadcast_in_dim3A_48 = vector.shape_cast %reduce_sum3A_47 : vector<8xf32> to vector<8x1xf32>
    %jit3A_49 = arith.constant 0.000000e+00 : f32
    %broadcast_in_dim3A_50 = vector.broadcast %jit3A_49 : f32 to vector<8x64xf32>
    %select_n3A_51 = arith.select %eq3A_42, %mul3A_8, %broadcast_in_dim3A_50 : vector<8x64xi1>, vector<8x64xf32>
    %reduce_sum3A_52 = arith.constant dense<0.000000e+00> : vector<8xf32>
    %reduce_sum3A_53 = vector.multi_reduction <add>, %select_n3A_51, %reduce_sum3A_52 [1] : vector<8x64xf32> to vector<8xf32>
    %broadcast_in_dim3A_54 = vector.shape_cast %reduce_sum3A_53 : vector<8xf32> to vector<8x1xf32>
    %jit3A_55 = arith.constant 0 : i32
    %broadcast_in_dim3A_56 = vector.broadcast %jit3A_55 : i32 to vector<8x64xi32>
    %select_n3A_57 = arith.select %eq3A_42, %get3A_4, %broadcast_in_dim3A_56 : vector<8x64xi1>, vector<8x64xi32>
    %reduce_sum3A_58 = arith.constant dense<0> : vector<8xi32>
    %reduce_sum3A_59 = vector.multi_reduction <add>, %select_n3A_57, %reduce_sum3A_58 [1] : vector<8x64xi32> to vector<8xi32>
    %broadcast_in_dim3A_60 = vector.shape_cast %reduce_sum3A_59 : vector<8xi32> to vector<8x1xi32>
    %slice3A_61 = vector.extract_strided_slice %get3A_4 {offsets = [0, 0], sizes = [8, 1], strides = [1, 1]} : vector<8x64xi32> to vector<8x1xi32>
    %slice3A_62 = vector.extract_strided_slice %get3A_4 {offsets = [0, 1], sizes = [8, 1], strides = [1, 1]} : vector<8x64xi32> to vector<8x1xi32>
    %slice3A_63 = vector.extract_strided_slice %get3A_4 {offsets = [0, 2], sizes = [8, 1], strides = [1, 1]} : vector<8x64xi32> to vector<8x1xi32>
    %ge3A_64 = arith.constant 2 : i32
    %ge3A_65 = vector.broadcast %ge3A_64 : i32 to vector<8x1xi32>
    %ge3A_66 = arith.cmpi sge, %add3A_38, %ge3A_65 : vector<8x1xi32>
    %ne3A = arith.constant 0 : i32
    %ne3A_67 = vector.broadcast %ne3A : i32 to vector<8x1xi32>
    %ne3A_68 = arith.cmpi ne, %slice3A_61, %ne3A_67 : vector<8x1xi32>
    %not3A = arith.constant dense<true> : vector<8x1xi1>
    %not3A_69 = arith.xori %ge3A_66, %not3A : vector<8x1xi1>
    %ne3A_70 = arith.constant 0 : i32
    %ne3A_71 = vector.broadcast %ne3A_70 : i32 to vector<8x1xi32>
    %ne3A_72 = arith.cmpi ne, %slice3A_62, %ne3A_71 : vector<8x1xi32>
    %or3A = arith.ori %not3A_69, %ne3A_72 : vector<8x1xi1>
    %and3A_73 = arith.andi %ne3A_68, %or3A : vector<8x1xi1>
    %ne3A_74 = arith.constant 1 : i32
    %ne3A_75 = vector.broadcast %ne3A_74 : i32 to vector<8x1xi32>
    %ne3A_76 = arith.cmpi ne, %slice3A_61, %ne3A_75 : vector<8x1xi32>
    %not3A_77 = arith.constant dense<true> : vector<8x1xi1>
    %not3A_78 = arith.xori %ge3A_66, %not3A_77 : vector<8x1xi1>
    %ne3A_79 = arith.constant 1 : i32
    %ne3A_80 = vector.broadcast %ne3A_79 : i32 to vector<8x1xi32>
    %ne3A_81 = arith.cmpi ne, %slice3A_62, %ne3A_80 : vector<8x1xi32>
    %or3A_82 = arith.ori %not3A_78, %ne3A_81 : vector<8x1xi1>
    %and3A_83 = arith.andi %ne3A_76, %or3A_82 : vector<8x1xi1>
    %ne3A_84 = arith.constant 2 : i32
    %ne3A_85 = vector.broadcast %ne3A_84 : i32 to vector<8x1xi32>
    %ne3A_86 = arith.cmpi ne, %slice3A_61, %ne3A_85 : vector<8x1xi32>
    %not3A_87 = arith.constant dense<true> : vector<8x1xi1>
    %not3A_88 = arith.xori %ge3A_66, %not3A_87 : vector<8x1xi1>
    %ne3A_89 = arith.constant 2 : i32
    %ne3A_90 = vector.broadcast %ne3A_89 : i32 to vector<8x1xi32>
    %ne3A_91 = arith.cmpi ne, %slice3A_62, %ne3A_90 : vector<8x1xi32>
    %or3A_92 = arith.ori %not3A_88, %ne3A_91 : vector<8x1xi1>
    %and3A_93 = arith.andi %ne3A_86, %or3A_92 : vector<8x1xi1>
    %jit3A_94 = arith.constant 2 : i32
    %jit3A_95 = arith.constant 3 : i32
    %broadcast_in_dim3A_96 = vector.broadcast %jit3A_94 : i32 to vector<8x1xi32>
    %broadcast_in_dim3A_97 = vector.broadcast %jit3A_95 : i32 to vector<8x1xi32>
    %select_n3A_98 = arith.select %and3A_93, %broadcast_in_dim3A_96, %broadcast_in_dim3A_97 : vector<8x1xi1>, vector<8x1xi32>
    %jit3A_99 = arith.constant 1 : i32
    %broadcast_in_dim3A_100 = vector.broadcast %jit3A_99 : i32 to vector<8x1xi32>
    %select_n3A_101 = arith.select %and3A_83, %broadcast_in_dim3A_100, %select_n3A_98 : vector<8x1xi1>, vector<8x1xi32>
    %jit3A_102 = arith.constant 0 : i32
    %broadcast_in_dim3A_103 = vector.broadcast %jit3A_102 : i32 to vector<8x1xi32>
    %select_n3A_104 = arith.select %and3A_73, %broadcast_in_dim3A_103, %select_n3A_101 : vector<8x1xi1>, vector<8x1xi32>
    %convert_element_type3A_105 = arith.extui %and3A_73 : vector<8x1xi1> to vector<8x1xi32>
    %convert_element_type3A_106 = arith.extui %and3A_83 : vector<8x1xi1> to vector<8x1xi32>
    %add3A_107 = arith.addi %convert_element_type3A_105, %convert_element_type3A_106 : vector<8x1xi32>
    %and3A_108 = arith.andi %and3A_73, %and3A_83 : vector<8x1xi1>
    %eq3A_109 = arith.constant 1 : i32
    %eq3A_110 = vector.broadcast %eq3A_109 : i32 to vector<8x1xi32>
    %eq3A_111 = arith.cmpi eq, %add3A_107, %eq3A_110 : vector<8x1xi32>
    %and3A_112 = arith.andi %and3A_93, %eq3A_111 : vector<8x1xi1>
    %jit3A_113 = arith.constant 2 : i32
    %jit3A_114 = arith.constant 3 : i32
    %broadcast_in_dim3A_115 = vector.broadcast %jit3A_113 : i32 to vector<8x1xi32>
    %broadcast_in_dim3A_116 = vector.broadcast %jit3A_114 : i32 to vector<8x1xi32>
    %select_n3A_117 = arith.select %and3A_112, %broadcast_in_dim3A_115, %broadcast_in_dim3A_116 : vector<8x1xi1>, vector<8x1xi32>
    %jit3A_118 = arith.constant 1 : i32
    %broadcast_in_dim3A_119 = vector.broadcast %jit3A_118 : i32 to vector<8x1xi32>
    %select_n3A_120 = arith.select %and3A_108, %broadcast_in_dim3A_119, %select_n3A_117 : vector<8x1xi1>, vector<8x1xi32>
    %select_n3A_121 = arith.select %ge3A_66, %slice3A_62, %select_n3A_104 : vector<8x1xi1>, vector<8x1xi32>
    %ge3A_122 = arith.constant 3 : i32
    %ge3A_123 = vector.broadcast %ge3A_122 : i32 to vector<8x1xi32>
    %ge3A_124 = arith.cmpi sge, %add3A_38, %ge3A_123 : vector<8x1xi32>
    %eq3A_125 = arith.constant 2 : i32
    %eq3A_126 = vector.broadcast %eq3A_125 : i32 to vector<8x1xi32>
    %eq3A_127 = arith.cmpi eq, %add3A_38, %eq3A_126 : vector<8x1xi32>
    %select_n3A_128 = arith.select %eq3A_127, %select_n3A_104, %select_n3A_120 : vector<8x1xi1>, vector<8x1xi32>
    %select_n3A_129 = arith.select %ge3A_124, %slice3A_63, %select_n3A_128 : vector<8x1xi1>, vector<8x1xi32>
    %slice3A_130 = vector.extract_strided_slice %select_n3A {offsets = [0, 0], sizes = [8, 1], strides = [1, 1]} : vector<8x64xf32> to vector<8x1xf32>
    %div3A_131 = arith.divf %slice3A_130, %broadcast_in_dim3A_48 : vector<8x1xf32>
    %slice3A_132 = vector.extract_strided_slice %select_n3A {offsets = [0, 1], sizes = [8, 1], strides = [1, 1]} : vector<8x64xf32> to vector<8x1xf32>
    %div3A_133 = arith.divf %slice3A_132, %broadcast_in_dim3A_48 : vector<8x1xf32>
    %jit3A_134 = arith.constant 0.000000e+00 : f32
    %broadcast_in_dim3A_135 = vector.broadcast %jit3A_134 : f32 to vector<8x1xf32>
    %select_n3A_136 = arith.select %ge3A_66, %div3A_133, %broadcast_in_dim3A_135 : vector<8x1xi1>, vector<8x1xf32>
    %ge3A_137 = arith.constant 3 : i32
    %ge3A_138 = vector.broadcast %ge3A_137 : i32 to vector<8x1xi32>
    %ge3A_139 = arith.cmpi sge, %add3A_38, %ge3A_138 : vector<8x1xi32>
    %slice3A_140 = vector.extract_strided_slice %select_n3A {offsets = [0, 2], sizes = [8, 1], strides = [1, 1]} : vector<8x64xf32> to vector<8x1xf32>
    %div3A_141 = arith.divf %slice3A_140, %broadcast_in_dim3A_48 : vector<8x1xf32>
    %jit3A_142 = arith.constant 0.000000e+00 : f32
    %broadcast_in_dim3A_143 = vector.broadcast %jit3A_142 : f32 to vector<8x1xf32>
    %select_n3A_144 = arith.select %ge3A_139, %div3A_141, %broadcast_in_dim3A_143 : vector<8x1xi1>, vector<8x1xf32>
    %eq3A_145 = arith.constant 0 : i32
    %eq3A_146 = vector.broadcast %eq3A_145 : i32 to vector<8x64xi32>
    %eq3A_147 = arith.cmpi eq, %iota3A, %eq3A_146 : vector<8x64xi32>
    %eq3A_148 = arith.constant 1 : i32
    %eq3A_149 = vector.broadcast %eq3A_148 : i32 to vector<8x64xi32>
    %eq3A_150 = arith.cmpi eq, %iota3A, %eq3A_149 : vector<8x64xi32>
    %eq3A_151 = arith.constant 2 : i32
    %eq3A_152 = vector.broadcast %eq3A_151 : i32 to vector<8x64xi32>
    %eq3A_153 = arith.cmpi eq, %iota3A, %eq3A_152 : vector<8x64xi32>
    %jit3A_154 = arith.constant 0 : i32
    %broadcast_in_dim3A_155 = vector.shape_cast %select_n3A_129 : vector<8x1xi32> to vector<8x1xi32>
    %broadcast_in_dim3A_156 = vector.broadcast %broadcast_in_dim3A_155 : vector<8x1xi32> to vector<8x64xi32>
    %broadcast_in_dim3A_157 = vector.broadcast %jit3A_154 : i32 to vector<8x64xi32>
    %select_n3A_158 = arith.select %eq3A_153, %broadcast_in_dim3A_156, %broadcast_in_dim3A_157 : vector<8x64xi1>, vector<8x64xi32>
    %broadcast_in_dim3A_159 = vector.shape_cast %select_n3A_121 : vector<8x1xi32> to vector<8x1xi32>
    %broadcast_in_dim3A_160 = vector.broadcast %broadcast_in_dim3A_159 : vector<8x1xi32> to vector<8x64xi32>
    %select_n3A_161 = arith.select %eq3A_150, %broadcast_in_dim3A_160, %select_n3A_158 : vector<8x64xi1>, vector<8x64xi32>
    %broadcast_in_dim3A_162 = vector.shape_cast %slice3A_61 : vector<8x1xi32> to vector<8x1xi32>
    %broadcast_in_dim3A_163 = vector.broadcast %broadcast_in_dim3A_162 : vector<8x1xi32> to vector<8x64xi32>
    %select_n3A_164 = arith.select %eq3A_147, %broadcast_in_dim3A_163, %select_n3A_161 : vector<8x64xi1>, vector<8x64xi32>
    %swap3A = arith.constant 0 : index
    %swap3A_165 = arith.constant 0 : index
    %swap3A_166 = vector.load %arg5[%swap3A, %swap3A_165] : memref<8x64xi32, #tpu.memory_space<vmem>>, vector<8x64xi32>
    tpu.vector_store %arg5[%swap3A, %swap3A_165], %select_n3A_164 {strides = array<i32>} : memref<8x64xi32, #tpu.memory_space<vmem>>, vector<8x64xi32>,
    %eq3A_167 = arith.constant 0 : i32
    %eq3A_168 = vector.broadcast %eq3A_167 : i32 to vector<8x64xi32>
    %eq3A_169 = arith.cmpi eq, %iota3A, %eq3A_168 : vector<8x64xi32>
    %eq3A_170 = arith.constant 1 : i32
    %eq3A_171 = vector.broadcast %eq3A_170 : i32 to vector<8x64xi32>
    %eq3A_172 = arith.cmpi eq, %iota3A, %eq3A_171 : vector<8x64xi32>
    %eq3A_173 = arith.constant 2 : i32
    %eq3A_174 = vector.broadcast %eq3A_173 : i32 to vector<8x64xi32>
    %eq3A_175 = arith.cmpi eq, %iota3A, %eq3A_174 : vector<8x64xi32>
    %jit3A_176 = arith.constant 0.000000e+00 : f32
    %broadcast_in_dim3A_177 = vector.shape_cast %select_n3A_144 : vector<8x1xf32> to vector<8x1xf32>
    %broadcast_in_dim3A_178 = vector.broadcast %broadcast_in_dim3A_177 : vector<8x1xf32> to vector<8x64xf32>
    %broadcast_in_dim3A_179 = vector.broadcast %jit3A_176 : f32 to vector<8x64xf32>
    %select_n3A_180 = arith.select %eq3A_175, %broadcast_in_dim3A_178, %broadcast_in_dim3A_179 : vector<8x64xi1>, vector<8x64xf32>
    %broadcast_in_dim3A_181 = vector.shape_cast %select_n3A_136 : vector<8x1xf32> to vector<8x1xf32>
    %broadcast_in_dim3A_182 = vector.broadcast %broadcast_in_dim3A_181 : vector<8x1xf32> to vector<8x64xf32>
    %select_n3A_183 = arith.select %eq3A_172, %broadcast_in_dim3A_182, %select_n3A_180 : vector<8x64xi1>, vector<8x64xf32>
    %broadcast_in_dim3A_184 = vector.shape_cast %div3A_131 : vector<8x1xf32> to vector<8x1xf32>
    %broadcast_in_dim3A_185 = vector.broadcast %broadcast_in_dim3A_184 : vector<8x1xf32> to vector<8x64xf32>
    %select_n3A_186 = arith.select %eq3A_169, %broadcast_in_dim3A_185, %select_n3A_183 : vector<8x64xi1>, vector<8x64xf32>
    %swap3A_187 = arith.constant 0 : index
    %swap3A_188 = arith.constant 0 : index
    %swap3A_189 = vector.load %arg6[%swap3A_187, %swap3A_188] : memref<8x64xf32, #tpu.memory_space<vmem>>, vector<8x64xf32>
    tpu.vector_store %arg6[%swap3A_187, %swap3A_188], %select_n3A_186 {strides = array<i32>} : memref<8x64xf32, #tpu.memory_space<vmem>>, vector<8x64xf32>,
    %get3A_190 = arith.constant 0 : index
    %get3A_191 = arith.constant 0 : index
    %get3A_192 = vector.load %arg1[%get3A_190, %get3A_191] : memref<8x100000xf32, #tpu.memory_space<vmem>>, vector<8x100000xf32>
    %mul3A_193 = arith.constant 1.250000e+00 : f32
    %mul3A_194 = vector.broadcast %mul3A_193 : f32 to vector<8x100000xf32>
    %mul3A_195 = arith.mulf %get3A_192, %mul3A_194 : vector<8x100000xf32>
    %iota3A_196 = tpu.iota {dimensions = array<i32: 1>} : vector<8x100000xi32>
    %gt3A = vector.broadcast %broadcast_in_dim3A_54 : vector<8x1xf32> to vector<8x100000xf32>
    %gt3A_197 = arith.cmpf ogt, %mul3A_195, %gt3A : vector<8x100000xf32>
    %eq3A_198 = vector.broadcast %broadcast_in_dim3A_54 : vector<8x1xf32> to vector<8x100000xf32>
    %eq3A_199 = arith.cmpf oeq, %mul3A_195, %eq3A_198 : vector<8x100000xf32>
    %le3A_200 = vector.broadcast %broadcast_in_dim3A_60 : vector<8x1xi32> to vector<8x100000xi32>
    %le3A_201 = arith.cmpi sle, %iota3A_196, %le3A_200 : vector<8x100000xi32>
    %and3A_202 = arith.andi %eq3A_199, %le3A_201 : vector<8x100000xi1>
    %or3A_203 = arith.ori %gt3A_197, %and3A_202 : vector<8x100000xi1>
    %sub3A_204 = vector.broadcast %slice3A : vector<8x1xf32> to vector<8x100000xf32>
    %sub3A_205 = arith.subf %mul3A_195, %sub3A_204 : vector<8x100000xf32>
    %exp3A_206 = math.exp %sub3A_205 : vector<8x100000xf32>
    %div3A_207 = arith.constant 1.000000e+00 : f32
    %div3A_208 = vector.broadcast %div3A_207 : f32 to vector<8x1xf32>
    %div3A_209 = arith.divf %div3A_208, %broadcast_in_dim3A_48 : vector<8x1xf32>
    %mul3A_210 = vector.broadcast %div3A_209 : vector<8x1xf32> to vector<8x100000xf32>
    %mul3A_211 = arith.mulf %exp3A_206, %mul3A_210 : vector<8x100000xf32>
    %jit3A_212 = arith.constant 0.000000e+00 : f32
    %broadcast_in_dim3A_213 = vector.broadcast %jit3A_212 : f32 to vector<8x100000xf32>
    %select_n3A_214 = arith.select %or3A_203, %mul3A_211, %broadcast_in_dim3A_213 : vector<8x100000xi1>, vector<8x100000xf32>
    %swap3A_215 = arith.constant 0 : index
    %swap3A_216 = arith.constant 0 : index
    %swap3A_217 = vector.load %arg4[%swap3A_215, %swap3A_216] : memref<8x100000xf32, #tpu.memory_space<vmem>>, vector<8x100000xf32>
    tpu.vector_store %arg4[%swap3A_215, %swap3A_216], %select_n3A_214 {strides = array<i32>} : memref<8x100000xf32, #tpu.memory_space<vmem>>, vector<8x100000xf32>,
    return
  }
  func.func @transform_0(%arg0: i32) -> (i32, i32) {
    %c0_i32 = arith.constant 0 : i32
    %c0_i32_0 = arith.constant 0 : i32
    return %arg0, %c0_i32 : i32, i32
  }
  func.func @transform_1(%arg0: i32) -> (i32, i32) {
    %c0_i32 = arith.constant 0 : i32
    %c0_i32_0 = arith.constant 0 : i32
    return %arg0, %c0_i32 : i32, i32
  }
  func.func @transform_2(%arg0: i32) -> (i32, i32) {
    %c0_i32 = arith.constant 0 : i32
    %c0_i32_0 = arith.constant 0 : i32
    return %arg0, %c0_i32 : i32, i32
  }
  func.func @transform_3(%arg0: i32) -> (i32, i32) {
    %c0_i32 = arith.constant 0 : i32
    %c0_i32_0 = arith.constant 0 : i32
    return %arg0, %c0_i32 : i32, i32
  }
  func.func @transform_4(%arg0: i32) -> (i32, i32) {
    %c0_i32 = arith.constant 0 : i32
    %c0_i32_0 = arith.constant 0 : i32
    return %arg0, %c0_i32 : i32, i32
  }
  func.func @transform_5(%arg0: i32) -> (i32, i32) {
    %c0_i32 = arith.constant 0 : i32
    %c0_i32_0 = arith.constant 0 : i32
    return %arg0, %c0_i32 : i32, i32
  }
}

</mosaic_0001>

<sc_bundles>
// kernel: kernel.5.cloned.1.call-start
scs
__scs_entry_jumppad:
0x0: {  	(pc) =	sbr.rel $0x88, $3  }
0x1: {  	(tag) =	ssettag $0x0;
	lr =	simm.s32 $0x1  }
0x2: {  	[smem:$0x3FA0] =	sst lr;
	_ =	strace $0xD0000000  }
0x3: {  	_ = 	snop  }
0x4: {  	_ = 	snop  }
0x5: {  	_ = 	snop  }
0x6: {  	_ = 	snop  }
0x7: {  	_ = 	snop  }
__scs_overlays_trampoline_lowered:
0x8: {  	[smem:$0x3FAF] =	sst s0  }
0x9: {  	[smem:$0x3FB0] =	sst s1  }
0xa: {  	[smem:$0x3FB1] =	sst s2  }
0xb: {  	[smem:$0x3FB2] =	sst s3  }
0xc: {  	[smem:$0x3FB3] =	sst s4  }
0xd: {  	[smem:$0x3FB4] =	sst s5  }
0xe: {  	[smem:$0x3FB5] =	sst s6  }
0xf: {  	[smem:$0x3FB6] =	sst s7  }
0x10: {  	[smem:$0x3FB7] =	sst s8  }
0x11: {  	[smem:$0x3FB8] =	sst s9;
	s0 =	simm.s32 @!p0 $0x0  }
0x12: {  	s1 =	sld [smem:$0x3F9E];
	s0 =	simm.s32 @p0 $0x1  }
0x13: {  	[smem:$0x3FB9] =	sst s0;
	s0 =	simm.s32 @!p1 $0x0  }
0x14: {  	s2 =	sld [smem:$0x3F9D];
	s0 =	simm.s32 @p1 $0x1  }
0x15: {  	[smem:$0x3FBA] =	sst s0;
	s0 =	simm.s32 @!p2 $0x0  }
0x16: {  	s3 =	sld [smem:$0x3FDB];
	s0 =	simm.s32 @p2 $0x1  }
0x17: {  	s4 =	simm.s32 $0x1BF5;
	[smem:$0x3FBC] =	sst s0  }
0x18: {  	s0 =	sld [smem:$0x3F9F];
	_ =	swait.ge [sflag:s4], $0x0  }
0x19: {  	s7 =	sld [smem:$0x3FA0]  }
0x1a: {  	s8 =	sadd.s32 $0xFFFFE003, lr  }
0x1b: {  	s9 =	sadd.s32 $0xFFFFFEF7, lr;
	s5 =	simm.s32 $0xFFFFFFFF;
	p2 =	slt.u32 s8, $0xFFFFF086  }
0x1c: {  	p1 =	slt.u32 s9, $0xF7A;
	s5 =	simm.s32 @!p2 $0x0  }
0x1d: {  	s5 =	simm.s32 @p1 $0x1;
	p0 =	seq.s32 s7, s2  }
0x1e: {  	s7 =	smul.u32 @!p0 $0xF7A, s2;
	p2 =	seq.s32 @!p0 s5, $0x0  }
0x1f: {  	s9 =	smul.u32 $0xF7A, s1;
	s8 =	simm.s32 @!p0 $0x1BF5;
	p2 =	por !p2, p0  }
0x20: {  	[sflag:s8] =	ssyncset.s32 @!p0 $0xFFFFF086;
	s6 =	sadd.s32 @!p0 s3, s7;
	s7 =	simm.s32 @!p0 $0x108  }
0x21: {  	s3 =	sadd.s32 s3, s9;
	s6 =	sadd.s32 @!p0 $0x88, s6;
	s7 =	simm.s32 @p2 $0x1082  }
0x22: {  	[simem:s7], [sflag:s8] =	dma.local @!p0 [hbm:s6], $0xF7A  }
0x23: {  	s9 =	sor.u32 $0xD0000000, s2;
	s6 =	simm.s32 $0x108;
	_ =	swait.ge @!p0 [sflag:s8], $0x0  }
0x24: {  	s3 =	sadd.s32 $0x88, s3;
	s6 =	simm.s32 @!p1 $0x1082;
	[sflag:s4] =	ssyncset.s32 $0xFFFFF086  }
0x25: {  	[simem:s6], [sflag:s4] =	dma.local [hbm:s3], $0xF7A  }
0x26: {  	[smem:$0x3FA0] =	sst s1;
	(tag) =	ssettag s2;
	_ =	strace s9  }
0x27: {  	s1 =	sld [smem:$0x3FB0]  }
0x28: {  	s2 =	sld [smem:$0x3FB1]  }
0x29: {  	s4 =	sld [smem:$0x3FB3]  }
0x2a: {  	p0 =	seq.s32 s5, $0x0;
	s5 =	sld [smem:$0x3FB4]  }
0x2b: {  	s6 =	sld [smem:$0x3FB5]  }
0x2c: {  	s7 =	sld [smem:$0x3FB6]  }
0x2d: {  	s3 =	simm.s32 $0x108;
	s8 =	sld [smem:$0x3FB7]  }
0x2e: {  	s3 =	simm.s32 @!p0 $0x1082;
	s9 =	sld [smem:$0x3FB8]  }
0x2f: {  	lr =	sadd.s32 s0, s3;
	s0 =	sld [smem:$0x3FAF]  }
0x30: {  	s3 =	sld [smem:$0x3FB2]  }
0x31: {  	[smem:$0x3FBB] =	sst s10  }
0x32: {  	s10 =	sld [smem:$0x3FB9];
	_ =	sdelay $0x3  }
0x33: {  	p0 =	seq.s32 s10, $0x1;
	s10 =	sld [smem:$0x3FBB];
	_ =	sdelay $0x3  }
0x34: {  	[smem:$0x3FBB] =	sst s10  }
0x35: {  	s10 =	sld [smem:$0x3FBA];
	_ =	sdelay $0x3  }
0x36: {  	p1 =	seq.s32 s10, $0x1;
	s10 =	sld [smem:$0x3FBB];
	_ =	sdelay $0x3  }
0x37: {  	[smem:$0x3FBB] =	sst s10  }
0x38: {  	s10 =	sld [smem:$0x3FBC]  }
0x39: {  	_ = 	snop;
	(pc) =	sbr.ind lr, $3  }
0x3a: {  	_ = 	snop  }
0x3b: {  	_ = 	snop  }
0x3c: {  	p2 =	seq.s32 s10, $0x1;
	s10 =	sld [smem:$0x3FBB]  }
0x3d: {  	_ =	shalt  }
0x3e: {  	_ =	shalt  }
0x3f: {  	_ =	shalt  }
0x40: {  	_ =	shalt  }
0x41: {  	_ =	shalt  }
0x42: {  	_ =	shalt  }
0x43: {  	_ =	shalt  }
0x44: {  	_ =	shalt  }
0x45: {  	_ =	shalt  }
0x46: {  	_ =	shalt  }
0x47: {  	_ =	shalt  }
0x48: {  	_ =	shalt  }
0x49: {  	_ =	shalt  }
0x4a: {  	_ =	shalt  }
0x4b: {  	_ =	shalt  }
0x4c: {  	_ =	shalt  }
0x4d: {  	_ =	shalt  }
0x4e: {  	_ =	shalt  }
0x4f: {  	_ =	shalt  }
0x50: {  	_ =	shalt  }
0x51: {  	_ =	shalt  }
0x52: {  	_ =	shalt  }
0x53: {  	_ =	shalt  }
0x54: {  	_ =	shalt  }
0x55: {  	_ =	shalt  }
0x56: {  	_ =	shalt  }
0x57: {  	_ =	shalt  }
0x58: {  	_ =	shalt  }
0x59: {  	_ =	shalt  }
0x5a: {  	_ =	shalt  }
0x5b: {  	_ =	shalt  }
0x5c: {  	_ =	shalt  }
0x5d: {  	_ =	shalt  }
0x5e: {  	_ =	shalt  }
0x5f: {  	_ =	shalt  }
0x60: {  	_ =	shalt  }
0x61: {  	_ =	shalt  }
0x62: {  	_ =	shalt  }
0x63: {  	_ =	shalt  }
0x64: {  	_ =	shalt  }
0x65: {  	_ =	shalt  }
0x66: {  	_ =	shalt  }
0x67: {  	_ =	shalt  }
0x68: {  	_ =	shalt  }
0x69: {  	_ =	shalt  }
0x6a: {  	_ =	shalt  }
0x6b: {  	_ =	shalt  }
0x6c: {  	_ =	shalt  }
0x6d: {  	_ =	shalt  }
0x6e: {  	_ =	shalt  }
0x6f: {  	_ =	shalt  }
0x70: {  	_ =	shalt  }
0x71: {  	_ =	shalt  }
0x72: {  	_ =	shalt  }
0x73: {  	_ =	shalt  }
0x74: {  	_ =	shalt  }
0x75: {  	_ =	shalt  }
0x76: {  	_ =	shalt  }
0x77: {  	_ =	shalt  }
0x78: {  	_ =	shalt  }
0x79: {  	_ =	shalt  }
0x7a: {  	_ =	shalt  }
0x7b: {  	_ =	shalt  }
0x7c: {  	_ =	shalt  }
0x7d: {  	_ =	shalt  }
0x7e: {  	_ =	shalt  }
0x7f: {  	_ =	shalt  }
0x80: {  	_ =	shalt  }
0x81: {  	_ =	shalt  }
0x82: {  	_ =	shalt  }
0x83: {  	_ =	shalt  }
0x84: {  	_ =	shalt  }
0x85: {  	_ =	shalt  }
0x86: {  	_ =	shalt  }
0x87: {  	_ =	shalt  }
.Lfunc_end0:
.L_simem_size_0:
called_computation_lowered:
.L_overlay_start_0:
0x88: {  	s2 =	sld [smem:$0x3FD9]  }
0x89: {  	s3 =	sld [smem:$0x3FFE];
	_ =	sdelay $0x1  }
0x8a: {  	s1 =	srdreg.scid  }
0x8b: {  	s0 =	sand.u32 $0x1, s1  }
0x8c: {  	s14 =	sshll.u32 s0, $0xA;
	s2 =	sadd.s32 s3, s2  }
0x8d: {  	s2 =	sadd.s32 s2, s14  }
0x8e: {  	[smem:$0x3FC7] =	sst s2  }
0x8f: {  	_ = 	snop  }
0x90: {  	s2 =	sld [smem:$0x3FD0];
	_ =	sdelay $0x2  }
0x91: {  	s15 =	simm.s32 $0xA;
	s4 =	simm.s32 $0x10  }
0x92: {  	[smem:s4], [sflag:s15] =	dma.local [hbm:s2], $0x1  }
0x93: {  	_ =	swait.eq [sflag:s15], $0x1  }
0x94: {  	[sflag:s15] =	ssyncset.done $0x0  }
0x95: {  	[sflag:s15] =	ssyncadd.s32 $0xFFFFFFFF  }
0x96: {  	s16 =	sld [smem:$0x12];
	(tm) =	ssettm $0x1  }
0x97: {  	s17 =	sld [smem:$0x3FFB];
	_ =	sdelay $0x3  }
0x98: {  	_ =	strace s17  }
0x99: {  	s3 =	sld [smem:$0x3FFC];
	_ =	sdelay $0x3  }
0x9a: {  	_ =	strace s3  }
0x9b: {  	s3 =	sld [smem:$0x3FFD];
	_ =	sdelay $0x3  }
0x9c: {  	_ =	strace s3  }
0x9d: {  	_ =	strace $0x8FFFFFFF  }
0x9e: {  	s18 =	sld [smem:$0x3FDB];
	_ =	sdelay $0x1  }
0x9f: {  	s19 =	simm.s32 $_scs_section_size  }
0xa0: {  	s5 =	simm.s32 $_size__tile_overlayer_lowered;
	s6 =	simm.s32 $_tile_overlayer_lowered  }
0xa1: {  	s22 =	simm.s32 $0x1BFF;
	s21 =	sshll.u32 s6, $0x1;
	s3 =	sadd.s32 s19, s18  }
0xa2: {  	s7 =	simm.s32 $0x0;
	s20 =	sshll.u32 s5, $0x1;
	s5 =	sadd.s32 s21, s3  }
0xa3: {  	[timem:s7], [sflag:s22] =	dma.local [hbm:s5], s20  }
0xa4: {  	_ =	swait.ge [sflag:s22], s20  }
0xa5: {  	s4 =	ssub.s32 $0x0, s20;
	[sflag:s22] =	ssyncset.done $0x0  }
0xa6: {  	[sflag:s22] =	ssyncadd.s32 s4;
	_ =	sdelay $0x1  }
0xa7: {  	s23 =	simm.s32 $0x1B8B  }
0xa8: {  	_ =	swait.ge [sflag:s23], $0x1  }
0xa9: {  	[sflag:s23] =	ssyncset.done $0x0  }
0xaa: {  	s25 =	simm.s32 $0x1B8E;
	s24 =	sld [smem:$0x3FFE];
	[sflag:s23] =	ssyncadd.s32 $0xFFFFFFFF  }
0xab: {  	s26 =	simm.s32 $execute0_lowered;
	[smem:$0x3FD2] =	sst s25  }
0xac: {  	s5 =	sshll.u32 s26, $0x1;
	_ =	strace $0x80000046;
	[dreg:$0x1] =	wrdreg $0xFFFFFFFF  }
0xad: {  	s28 =	simm.s32 $_size_execute0_lowered;
	s3 =	sadd.s32 s3, s5;
	[dreg:$0x0] =	wrdreg $0x0  }
0xae: {  	s5 =	sshll.u32 s28, $0x1;
	[dreg:$0x2] =	wrdreg s3  }
0xaf: {  	[dreg:$0x3] =	wrdreg s5  }
0xb0: {  	[dreg:$0x4] =	wrdreg $0xC0  }
0xb1: {  	_ =	task [dreg:s7], $0x5FFFF  }
0xb2: {  	[dreg:$0x1] =	wrdreg $0xFFFFFFFF  }
0xb3: {  	[dreg:$0x0] =	wrdreg $0x60  }
0xb4: {  	[dreg:$0x2] =	wrdreg s16  }
0xb5: {  	[dreg:$0x3] =	wrdreg s24  }
0xb6: {  	[dreg:$0x4] =	wrdreg $0x9  }
0xb7: {  	_ =	task.clear_ibuf [dreg:s7], $0x5FFFF;
	_ =	strace $0x90000046  }
0xb8: {  	s29 =	simm.s32 $0x9;
	_ =	strace $0x80000048  }
0xb9: {  	_ =	swait.ge [sflag:s29], $0x1  }
0xba: {  	[sflag:s29] =	ssyncadd.s32 $0xFFFFFFFF  }
0xbb: {  	_ =	strace $0x90000048  }
0xbc: {  	_ =	sfence  }
0xbd: {  	s30 =	sld [smem:$0x0];
	_ =	sdelay $0x2  }
0xbe: {  	s31 =	sshll.u32 s1, $0xD;
	s1 =	sshrl.u32 s1, $0x2  }
0xbf: {  	s3 =	sand.u32 $0x4000, s31;
	s1 =	sadd.s32 s1, s30  }
0xc0: {  	s0 =	sor.u32 s3, s0;
	s1 =	sshll.u32 s1, $0x11  }
0xc1: {  	s0 =	sor.u32 s1, s0  }
0xc2: {  	s0 =	sadd.s32 $0x8F2B, s0  }
0xc3: {  	[sflag:s0] =	ssyncadd.remote.s32 $0x1  }
0xc4: {  	_ =	sfence.sel $0xFFFF  }
0xc5: {  	[dreg:$0x0] =	wrdreg $0xFFFFFFFF;
	(pc) =	sbr.abs _section_cstart, $3  }
0xc6: {  	[dreg:$0x1] =	wrdreg $0xFFFFFFFF  }
0xc7: {  	_ =	task.clear_ibuf [dreg:s7], $0x2FFFF;
	_ =	strace $0x9FFFFFFF  }
0xc8: {  	(tm) =	ssettm $0x7FFFFFFF  }
0xc9: {  	_ =	shalt  }
tec
execute0_lowered:
.L_overlay_start_1:
0x0: {  	(tag) =	ssettag $0x1  }
0x1: {  	s1 =	rddreg [dreg:$0x0]  }
0x2: {  	s0 =	rddreg [dreg:$0x1];
	s2 =	simm.s32 $0x0;
	s3 =	srdreg.scid  }
0x3: {  	s6 =	stileid.u32;
	s10 =	simm.s32 $0x700;
	s11 =	simm.s32 $0x80  }
0x4: {  	s12 =	simm.s32 $0x750;
	s13 =	simm.s32 $0x950;
	s14 =	simm.s32 $0x7D0  }
0x5: {  	s15 =	simm.s32 $0x1150;
	s16 =	simm.s32 $0x850;
	s17 =	simm.s32 $0x1950  }
0x6: {  	s18 =	simm.s32 $0x8D0;
	s19 =	simm.s32 $0x2150;
	s20 =	simm.s32 $0x1  }
0x7: {  	s21 =	simm.s32 $0x2A50;
	s22 =	simm.s32 $0x2AD8;
	s23 =	simm.s32 $0x2B60  }
0x8: {  	s24 =	simm.s32 $0x2BE8;
	s25 =	simm.s32 $0x0;
	s3 =	sand.u32 $0x1, s3  }
.Ltmp0:
0x9: {  	[smem:$0x7FF] =	sst s2;
	s7 =	ssub.s32 $0x2, s3;
	(pc) =	sbr.rel .LBB2_1-.Ltmp0, $4  }
0xa: {  	s4 =	sadd.s32 $0xA00, s0;
	s5 =	sadd.s32 $0x8200, s0;
	s8 =	sshrl.u32 s7, $0x1  }
0xb: {  	s9 =	sshll.u32 s6, $0x4;
	s6 =	sadd.s32 $0x7A00, s0;
	s31 =	ssub.s32 s7, s8  }
0xc: {  	_ =	strace $0x80000047;
	s3 =	sshll.u32 s3, $0x3;
	s0 =	smax.u32 s31, $0x1  }
0xd: {  	v0 =	vimm.f32 $-3.000000010e+38;
	v1 =	vimm.s32 $0x0;
	v2 =	vlaneseq.u32;
	s7 =	sor.u32 s3, s9;
	s9 =	simm.s32 $0x2;
	[dreg:$0x3] =	wrdreg s0  }
.LBB2_17:
0xe: {  	s25 =	sadd.s32 $0x1, s25;
	s0 =	rddreg [dreg:$0x3]  }
0xf: {  	p0 =	sne.s32 s25, s0  }
.Ltmp1:
0x10: {  	_ = 	snop;
	(pc) =	sbr.rel @!p0 .LBB2_18-.Ltmp1, $1  }
0x11: {  	_ =	sdelay $0x3  }
.LBB2_1:
.Ltmp2:
0x12: {  	(pc) =	sbr.rel .LBB2_2-.Ltmp2, $2  }
0x13: {  	_ =	sdelay $0x2  }
0x14: {  	s26 =	simm.s32 $0x0  }
.LBB2_12:
0x15: {  	v8 =	vld [tilespmem:$0x1FFC0];
	_ =	sdelay $0x3  }
0x16: {  	vm7 =	vmmov vm0;
	vm5 =	vmmov vm6  }
0x17: {  	vm2 =	vmmov vm3;
	vm4 =	vmmov vm1;
	vm13 =	vnez.u8 v8  }
.LBB2_15:
0x18: {  	vm0 =	vgt.f32 v7, v10;
	vm1 =	veq.f32 v7, v10;
	vm6 =	vlt.s32 v6, v11  }
0x19: {  	vm3 =	vmand vm7, vm12;
	vm15 =	vgt.f32 v5, v10;
	v58 =	vsel vm11, $0x1, v1  }
0x1a: {  	vm11 =	vmand vm13, vm8;
	vm12 =	veq.f32 v5, v10;
	v59 =	vsel vm3, $0x1, v1  }
0x1b: {  	vm13 =	vmand vm5, vm9;
	vm1 =	vmand vm1, vm6;
	v6 =	vadd.s32 v58, v59  }
0x1c: {  	vm6 =	vmand vm12, vm10;
	v60 =	vsel vm13, $0x1, v1;
	v3 =	vadd.s32 v3, v6  }
0x1d: {  	v61 =	vsel vm11, $0x1, v1;
	vm14 =	vmor vm15, vm6;
	v3 =	vadd.s32 v4, v3  }
0x1e: {  	vm0 =	vmor vm0, vm1;
	vm15 =	vmand vm2, vm14;
	v3 =	vadd.s32 v60, v3  }
0x1f: {  	vm0 =	vmand vm4, vm0;
	v62 =	vsel vm15, $0x1, v1;
	v3 =	vadd.s32 v61, v3  }
0x20: {  	v63 =	vsel vm0, $0x1, v1;
	v3 =	vadd.s32 v62, v3  }
0x21: {  	v3 =	vadd.s32 v63, v3  }
0x22: {  	(xrf0) =	vadd.scan.msk.s32 $0xffff, v3;
	_ =	sdelay $0x5  }
0x23: {  	v3, _, _ =	vpop (xrf0)  }
0x24: {  	v3 =	vbroadcast v3, $0xF;
	_ =	sdelay $0x5  }
0x25: {  	[tilespmem:v3+s23+$0x0] =	vst.idx.msk $0x1, v10  }
0x26: {  	[tilespmem:v3+s24+$0x0] =	vst.idx.msk $0x1, v11  }
.LBB2_16:
0x27: {  	s0 =	sshll.u32 s28, $0x3  }
0x28: {  	s3 =	sadd.s32 s5, s0  }
0x29: {  	[hbm4b:s3+s2] =	stream.linear.scatter [tilespmem:s23], [sflag:$0x2], $0x40, $0x38;
	[tilespmem:$0x2C70] =	vst v63  }
0x2a: {  	s26 =	sadd.s32 $0x1, s26;
	_ =	swait.ge [sflag:s9], $0x40  }
0x2b: {  	p0 =	sne.s32 s26, $0x8;
	[sflag:s9] =	ssyncset.done $0x0  }
.Ltmp3:
0x2c: {  	s0 =	sadd.s32 s6, s0;
	[sflag:s9] =	ssyncadd.s32 $0xFFFFFFC0;
	(pc) =	sbr.rel @!p0 .LBB2_17-.Ltmp3, $4  }
0x2d: {  	[hbm4b:s0+s2] =	stream.linear.scatter [tilespmem:s24], [sflag:$0x2], $0x40, $0x38;
	[tilespmem:$0x2C70] =	vst v63  }
0x2e: {  	_ =	swait.ge [sflag:s9], $0x40  }
0x2f: {  	[sflag:s9] =	ssyncset.done $0x0  }
0x30: {  	[sflag:s9] =	ssyncadd.s32 $0xFFFFFFC0  }
.LBB2_2:
0x31: {  	[tilespmem:$0x2B60] =	vst v0  }
0x32: {  	[tilespmem:$0x2BE8] =	vst v1  }
0x33: {  	[tilespmem:$0x2B70] =	vst v0  }
0x34: {  	[tilespmem:$0x2BF8] =	vst v1  }
0x35: {  	s28 =	sadd.s32 s7, s26;
	[tilespmem:$0x2B80] =	vst v0  }
0x36: {  	[tilespmem:$0x2C08] =	vst v1;
	s0 =	smul.u32 $0x70, s28  }
0x37: {  	[tilespmem:$0x2B90] =	vst v0  }
0x38: {  	[tilespmem:$0x2C18] =	vst v1;
	s0 =	sadd.s32 s4, s0  }
0x39: {  	[tilespmem:s2], [sflag:$0x2] =	stream.linear.gather [hbm4b:s0+s2], $0x380, $0x38;
	[tilespmem:$0x2C70] =	vst v63  }
0x3a: {  	_ =	swait.ge [sflag:s9], $0x380  }
0x3b: {  	[sflag:s9] =	ssyncset.done $0x0  }
0x3c: {  	[sflag:s9] =	ssyncadd.s32 $0xFFFFFC80  }
0x3d: {  	v3 =	vld [tilespmem:$0x0]  }
0x3e: {  	v4 =	vld [tilespmem:$0x10]  }
0x3f: {  	v5 =	vld [tilespmem:$0x20]  }
0x40: {  	v6 =	vld [tilespmem:$0x30]  }
0x41: {  	v7 =	vld [tilespmem:$0x40]  }
0x42: {  	v9 =	vld [tilespmem:$0x50];
	v8 =	vsub.s32 $0x80000000, v3;
	vm0 =	vlt.s32 v3, $0x0  }
0x43: {  	v10 =	vld [tilespmem:$0x60];
	vm9 =	vlt.s32 v4, $0x0;
	v3 =	vsel vm0, v8, v3;
	v8 =	vsub.s32 $0x80000000, v4  }
0x44: {  	v11 =	vld [tilespmem:$0x70];
	vm10 =	vlt.s32 v5, $0x0;
	[tilespmem:$0x380] =	vst v3;
	v4 =	vsel vm9, v8, v4;
	v8 =	vsub.s32 $0x80000000, v5  }
0x45: {  	v12 =	vld [tilespmem:$0x80];
	vm11 =	vlt.s32 v6, $0x0;
	[tilespmem:$0x390] =	vst v4;
	v5 =	vsel vm10, v8, v5;
	v8 =	vsub.s32 $0x80000000, v6  }
0x46: {  	v13 =	vld [tilespmem:$0x90];
	vm12 =	vlt.s32 v7, $0x0;
	[tilespmem:$0x3A0] =	vst v5;
	v6 =	vsel vm11, v8, v6;
	v8 =	vsub.s32 $0x80000000, v7  }
0x47: {  	v14 =	vld [tilespmem:$0xA0];
	vm13 =	vlt.s32 v9, $0x0;
	[tilespmem:$0x3B0] =	vst v6;
	v7 =	vsel vm12, v8, v7;
	v8 =	vsub.s32 $0x80000000, v9  }
0x48: {  	v15 =	vld [tilespmem:$0xB0];
	vm14 =	vlt.s32 v10, $0x0;
	[tilespmem:$0x3C0] =	vst v7;
	v8 =	vsel vm13, v8, v9;
	v9 =	vsub.s32 $0x80000000, v10  }
0x49: {  	v16 =	vld [tilespmem:$0xC0];
	vm15 =	vlt.s32 v11, $0x0;
	[tilespmem:$0x3D0] =	vst v8;
	v9 =	vsel vm14, v9, v10;
	v10 =	vsub.s32 $0x80000000, v11  }
0x4a: {  	v17 =	vld [tilespmem:$0xD0];
	vm4 =	vlt.s32 v12, $0x0;
	[tilespmem:$0x3E0] =	vst v9;
	v10 =	vsel vm15, v10, v11;
	v11 =	vsub.s32 $0x80000000, v12  }
0x4b: {  	v18 =	vld [tilespmem:$0xE0];
	vm5 =	vlt.s32 v13, $0x0;
	[tilespmem:$0x3F0] =	vst v10;
	v11 =	vsel vm4, v11, v12;
	v12 =	vsub.s32 $0x80000000, v13  }
0x4c: {  	v19 =	vld [tilespmem:$0xF0];
	vm6 =	vlt.s32 v14, $0x0;
	[tilespmem:$0x400] =	vst v11;
	v12 =	vsel vm5, v12, v13;
	v13 =	vsub.s32 $0x80000000, v14  }
0x4d: {  	v20 =	vld [tilespmem:$0x100];
	vm7 =	vlt.s32 v15, $0x0;
	[tilespmem:$0x410] =	vst v12;
	v13 =	vsel vm6, v13, v14;
	v14 =	vsub.s32 $0x80000000, v15  }
0x4e: {  	v21 =	vld [tilespmem:$0x110];
	vm8 =	vlt.s32 v16, $0x0;
	[tilespmem:$0x420] =	vst v13;
	v14 =	vsel vm7, v14, v15;
	v15 =	vsub.s32 $0x80000000, v16  }
0x4f: {  	v22 =	vld [tilespmem:$0x120];
	vm9 =	vlt.s32 v17, $0x0;
	[tilespmem:$0x430] =	vst v14;
	v15 =	vsel vm8, v15, v16;
	v16 =	vsub.s32 $0x80000000, v17  }
0x50: {  	v23 =	vld [tilespmem:$0x130];
	vm10 =	vlt.s32 v18, $0x0;
	[tilespmem:$0x440] =	vst v15;
	v16 =	vsel vm9, v16, v17;
	v17 =	vsub.s32 $0x80000000, v18  }
0x51: {  	v24 =	vld [tilespmem:$0x140];
	vm11 =	vlt.s32 v19, $0x0;
	[tilespmem:$0x450] =	vst v16;
	v17 =	vsel vm10, v17, v18;
	v18 =	vsub.s32 $0x80000000, v19  }
0x52: {  	v25 =	vld [tilespmem:$0x150];
	vm12 =	vlt.s32 v20, $0x0;
	[tilespmem:$0x460] =	vst v17;
	v18 =	vsel vm11, v18, v19;
	v19 =	vsub.s32 $0x80000000, v20  }
0x53: {  	v26 =	vld [tilespmem:$0x160];
	vm13 =	vlt.s32 v21, $0x0;
	[tilespmem:$0x470] =	vst v18;
	v19 =	vsel vm12, v19, v20;
	v20 =	vsub.s32 $0x80000000, v21  }
0x54: {  	v27 =	vld [tilespmem:$0x170];
	vm14 =	vlt.s32 v22, $0x0;
	[tilespmem:$0x480] =	vst v19;
	v20 =	vsel vm13, v20, v21;
	v21 =	vsub.s32 $0x80000000, v22  }
0x55: {  	v28 =	vld [tilespmem:$0x180];
	vm15 =	vlt.s32 v23, $0x0;
	[tilespmem:$0x490] =	vst v20;
	v21 =	vsel vm14, v21, v22;
	v22 =	vsub.s32 $0x80000000, v23  }
0x56: {  	v29 =	vld [tilespmem:$0x190];
	vm4 =	vlt.s32 v24, $0x0;
	[tilespmem:$0x4A0] =	vst v21;
	v22 =	vsel vm15, v22, v23;
	v23 =	vsub.s32 $0x80000000, v24  }
0x57: {  	v30 =	vld [tilespmem:$0x1A0];
	vm5 =	vlt.s32 v25, $0x0;
	[tilespmem:$0x4B0] =	vst v22;
	v23 =	vsel vm4, v23, v24;
	v24 =	vsub.s32 $0x80000000, v25  }
0x58: {  	v31 =	vld [tilespmem:$0x1B0];
	vm6 =	vlt.s32 v26, $0x0;
	[tilespmem:$0x4C0] =	vst v23;
	v24 =	vsel vm5, v24, v25;
	v25 =	vsub.s32 $0x80000000, v26  }
0x59: {  	v32 =	vld [tilespmem:$0x1C0];
	vm7 =	vlt.s32 v27, $0x0;
	[tilespmem:$0x4D0] =	vst v24;
	v25 =	vsel vm6, v25, v26;
	v26 =	vsub.s32 $0x80000000, v27  }
0x5a: {  	v33 =	vld [tilespmem:$0x1D0];
	vm8 =	vlt.s32 v28, $0x0;
	[tilespmem:$0x4E0] =	vst v25;
	v26 =	vsel vm7, v26, v27;
	v27 =	vsub.s32 $0x80000000, v28  }
0x5b: {  	v34 =	vld [tilespmem:$0x1E0];
	vm9 =	vlt.s32 v29, $0x0;
	[tilespmem:$0x4F0] =	vst v26;
	v27 =	vsel vm8, v27, v28;
	v28 =	vsub.s32 $0x80000000, v29  }
0x5c: {  	v35 =	vld [tilespmem:$0x1F0];
	vm10 =	vlt.s32 v30, $0x0;
	[tilespmem:$0x500] =	vst v27;
	v28 =	vsel vm9, v28, v29;
	v29 =	vsub.s32 $0x80000000, v30  }
0x5d: {  	v36 =	vld [tilespmem:$0x200];
	vm11 =	vlt.s32 v31, $0x0;
	[tilespmem:$0x510] =	vst v28;
	v29 =	vsel vm10, v29, v30;
	v30 =	vsub.s32 $0x80000000, v31  }
0x5e: {  	v37 =	vld [tilespmem:$0x210];
	vm12 =	vlt.s32 v32, $0x0;
	[tilespmem:$0x520] =	vst v29;
	v30 =	vsel vm11, v30, v31;
	v31 =	vsub.s32 $0x80000000, v32  }
0x5f: {  	v38 =	vld [tilespmem:$0x220];
	v45 =	vsub.s32 $0x80000000, v33;
	vm13 =	vlt.s32 v33, $0x0;
	[tilespmem:$0x530] =	vst v30;
	v31 =	vsel vm12, v31, v32  }
0x60: {  	v39 =	vld [tilespmem:$0x230];
	v46 =	vsub.s32 $0x80000000, v34;
	vm14 =	vlt.s32 v34, $0x0;
	v32 =	vsel vm13, v45, v33;
	[tilespmem:$0x540] =	vst v31  }
0x61: {  	v40 =	vld [tilespmem:$0x240];
	v47 =	vsub.s32 $0x80000000, v35;
	vm15 =	vlt.s32 v35, $0x0;
	v33 =	vsel vm14, v46, v34;
	[tilespmem:$0x550] =	vst v32  }
0x62: {  	v41 =	vld [tilespmem:$0x250];
	v48 =	vsub.s32 $0x80000000, v36;
	vm4 =	vlt.s32 v36, $0x0;
	v34 =	vsel vm15, v47, v35;
	[tilespmem:$0x560] =	vst v33  }
0x63: {  	v42 =	vld [tilespmem:$0x260];
	v49 =	vsub.s32 $0x80000000, v37;
	vm5 =	vlt.s32 v37, $0x0;
	v35 =	vsel vm4, v48, v36;
	[tilespmem:$0x570] =	vst v34  }
0x64: {  	v43 =	vld [tilespmem:$0x270];
	v50 =	vsub.s32 $0x80000000, v38;
	vm6 =	vlt.s32 v38, $0x0;
	v36 =	vsel vm5, v49, v37;
	[tilespmem:$0x580] =	vst v35  }
0x65: {  	v44 =	vld [tilespmem:$0x280];
	v51 =	vsub.s32 $0x80000000, v39;
	vm7 =	vlt.s32 v39, $0x0;
	v37 =	vsel vm6, v50, v38;
	[tilespmem:$0x590] =	vst v36  }
0x66: {  	v52 =	vsub.s32 $0x80000000, v40;
	vm8 =	vlt.s32 v40, $0x0;
	v38 =	vsel vm7, v51, v39;
	v45 =	vld [tilespmem:$0x290];
	[tilespmem:$0x5A0] =	vst v37  }
0x67: {  	v53 =	vsub.s32 $0x80000000, v41;
	vm9 =	vlt.s32 v41, $0x0;
	v39 =	vsel vm8, v52, v40;
	v46 =	vld [tilespmem:$0x2A0];
	[tilespmem:$0x5B0] =	vst v38  }
0x68: {  	v54 =	vsub.s32 $0x80000000, v42;
	vm10 =	vlt.s32 v42, $0x0;
	v40 =	vsel vm9, v53, v41;
	v47 =	vld [tilespmem:$0x2B0];
	[tilespmem:$0x5C0] =	vst v39  }
0x69: {  	v55 =	vsub.s32 $0x80000000, v43;
	vm11 =	vlt.s32 v43, $0x0;
	v41 =	vsel vm10, v54, v42;
	v48 =	vld [tilespmem:$0x2C0];
	[tilespmem:$0x5D0] =	vst v40  }
0x6a: {  	v56 =	vsub.s32 $0x80000000, v44;
	v42 =	vsel vm11, v55, v43;
	vm12 =	vlt.s32 v44, $0x0;
	v49 =	vld [tilespmem:$0x2D0];
	[tilespmem:$0x5E0] =	vst v41  }
0x6b: {  	v50 =	vld [tilespmem:$0x2E0];
	[tilespmem:$0x5F0] =	vst v42;
	v43 =	vsel vm12, v56, v44;
	v57 =	vsub.s32 $0x80000000, v45;
	vm13 =	vlt.s32 v45, $0x0  }
0x6c: {  	v51 =	vld [tilespmem:$0x2F0];
	[tilespmem:$0x600] =	vst v43;
	v58 =	vsub.s32 $0x80000000, v46;
	vm14 =	vlt.s32 v46, $0x0;
	v44 =	vsel vm13, v57, v45  }
0x6d: {  	v52 =	vld [tilespmem:$0x300];
	v59 =	vsub.s32 $0x80000000, v47;
	vm15 =	vlt.s32 v47, $0x0;
	v45 =	vsel vm14, v58, v46;
	[tilespmem:$0x610] =	vst v44  }
0x6e: {  	v53 =	vld [tilespmem:$0x310];
	v60 =	vsub.s32 $0x80000000, v48;
	vm4 =	vlt.s32 v48, $0x0;
	v46 =	vsel vm15, v59, v47;
	[tilespmem:$0x620] =	vst v45  }
0x6f: {  	v54 =	vld [tilespmem:$0x320];
	v61 =	vsub.s32 $0x80000000, v49;
	vm5 =	vlt.s32 v49, $0x0;
	v47 =	vsel vm4, v60, v48;
	[tilespmem:$0x630] =	vst v46  }
0x70: {  	v55 =	vld [tilespmem:$0x330];
	v62 =	vsub.s32 $0x80000000, v50;
	vm6 =	vlt.s32 v50, $0x0;
	v48 =	vsel vm5, v61, v49;
	[tilespmem:$0x640] =	vst v47  }
0x71: {  	v56 =	vld [tilespmem:$0x340];
	v63 =	vsub.s32 $0x80000000, v51;
	vm7 =	vlt.s32 v51, $0x0;
	v49 =	vsel vm6, v62, v50;
	[tilespmem:$0x650] =	vst v48  }
0x72: {  	vm8 =	vlt.s32 v52, $0x0;
	v50 =	vsel vm7, v63, v51;
	v60 =	vsub.s32 $0x80000000, v52;
	v57 =	vld [tilespmem:$0x350];
	[tilespmem:$0x660] =	vst v49  }
0x73: {  	vm9 =	vlt.s32 v53, $0x0;
	v61 =	vsub.s32 $0x80000000, v53;
	v58 =	vld [tilespmem:$0x360];
	[tilespmem:$0x670] =	vst v50;
	v51 =	vsel vm8, v60, v52  }
0x74: {  	vm10 =	vlt.s32 v54, $0x0;
	v62 =	vsub.s32 $0x80000000, v54;
	v59 =	vld [tilespmem:$0x370];
	v52 =	vsel vm9, v61, v53;
	[tilespmem:$0x680] =	vst v51  }
0x75: {  	vm11 =	vlt.s32 v55, $0x0;
	v63 =	vsub.s32 $0x80000000, v55;
	v53 =	vsel vm10, v62, v54;
	[tilespmem:$0x690] =	vst v52  }
0x76: {  	vm12 =	vlt.s32 v56, $0x0;
	v54 =	vsel vm11, v63, v55;
	v60 =	vsub.s32 $0x80000000, v56;
	[tilespmem:$0x6A0] =	vst v53  }
0x77: {  	[tilespmem:$0x6B0] =	vst v54;
	v55 =	vsel vm12, v60, v56;
	v61 =	vsub.s32 $0x80000000, v57;
	vm13 =	vlt.s32 v57, $0x0  }
0x78: {  	[tilespmem:$0x6C0] =	vst v55;
	v62 =	vsub.s32 $0x80000000, v58;
	vm14 =	vlt.s32 v58, $0x0;
	v56 =	vsel vm13, v61, v57  }
0x79: {  	v63 =	vsub.s32 $0x80000000, v59;
	vm15 =	vlt.s32 v59, $0x0;
	v57 =	vsel vm14, v62, v58;
	[tilespmem:$0x6D0] =	vst v56  }
0x7a: {  	s29 =	simm.s32 $0x80000000;
	s31 =	simm.s32 $0x7FFFFFFF;
	v58 =	vsel vm15, v63, v59;
	[tilespmem:$0x6E0] =	vst v57  }
0x7b: {  	s30 =	simm.s32 $0x1F;
	s3 =	sand.u32 s31, s29;
	s8 =	sxor.u32 s31, s29;
	[tilespmem:$0x6F0] =	vst v58  }
.LBB2_3:
0x7c: {  	s0 =	smov.u32 s31  }
0x7d: {  	p0 =	sne.s32 s30, $0x1;
	s8 =	sshra.s32 s8, $0x1  }
0x7e: {  	s31 =	sadd.s32 s8, s3  }
0x7f: {  	vm0 =	vge.s32 v3, s31;
	vm1 =	vge.s32 v4, s31  }
0x80: {  	v59 =	vsel vm0, $0x1, v1;
	v60 =	vsel vm1, $0x1, v1;
	vm0 =	vge.s32 v5, s31  }
0x81: {  	v59 =	vadd.s32 v60, v59;
	v60 =	vsel vm0, $0x1, v1;
	vm0 =	vge.s32 v6, s31  }
0x82: {  	v59 =	vadd.s32 v60, v59;
	v60 =	vsel vm0, $0x1, v1;
	vm0 =	vge.s32 v7, s31  }
0x83: {  	v59 =	vadd.s32 v60, v59;
	v60 =	vsel vm0, $0x1, v1;
	vm0 =	vge.s32 v8, s31  }
0x84: {  	v59 =	vadd.s32 v60, v59;
	v60 =	vsel vm0, $0x1, v1;
	vm0 =	vge.s32 v9, s31  }
0x85: {  	v59 =	vadd.s32 v60, v59;
	v60 =	vsel vm0, $0x1, v1;
	vm0 =	vge.s32 v10, s31  }
0x86: {  	v59 =	vadd.s32 v60, v59;
	v60 =	vsel vm0, $0x1, v1;
	vm0 =	vge.s32 v11, s31  }
0x87: {  	v59 =	vadd.s32 v60, v59;
	v60 =	vsel vm0, $0x1, v1;
	vm0 =	vge.s32 v12, s31  }
0x88: {  	v59 =	vadd.s32 v60, v59;
	v60 =	vsel vm0, $0x1, v1;
	vm0 =	vge.s32 v13, s31  }
0x89: {  	v59 =	vadd.s32 v60, v59;
	v60 =	vsel vm0, $0x1, v1;
	vm0 =	vge.s32 v14, s31  }
0x8a: {  	v59 =	vadd.s32 v60, v59;
	v60 =	vsel vm0, $0x1, v1;
	vm0 =	vge.s32 v15, s31  }
0x8b: {  	v59 =	vadd.s32 v60, v59;
	v60 =	vsel vm0, $0x1, v1;
	vm0 =	vge.s32 v16, s31  }
0x8c: {  	v59 =	vadd.s32 v60, v59;
	v60 =	vsel vm0, $0x1, v1;
	vm0 =	vge.s32 v17, s31  }
0x8d: {  	v59 =	vadd.s32 v60, v59;
	v60 =	vsel vm0, $0x1, v1;
	vm0 =	vge.s32 v18, s31  }
0x8e: {  	v59 =	vadd.s32 v60, v59;
	v60 =	vsel vm0, $0x1, v1;
	vm0 =	vge.s32 v19, s31  }
0x8f: {  	v59 =	vadd.s32 v60, v59;
	v60 =	vsel vm0, $0x1, v1;
	vm0 =	vge.s32 v20, s31  }
0x90: {  	v59 =	vadd.s32 v60, v59;
	v60 =	vsel vm0, $0x1, v1;
	vm0 =	vge.s32 v21, s31  }
0x91: {  	v59 =	vadd.s32 v60, v59;
	v60 =	vsel vm0, $0x1, v1;
	vm0 =	vge.s32 v22, s31  }
0x92: {  	v59 =	vadd.s32 v60, v59;
	v60 =	vsel vm0, $0x1, v1;
	vm0 =	vge.s32 v23, s31  }
0x93: {  	v59 =	vadd.s32 v60, v59;
	v60 =	vsel vm0, $0x1, v1;
	vm0 =	vge.s32 v24, s31  }
0x94: {  	v59 =	vadd.s32 v60, v59;
	v60 =	vsel vm0, $0x1, v1;
	vm0 =	vge.s32 v25, s31  }
0x95: {  	v59 =	vadd.s32 v60, v59;
	v60 =	vsel vm0, $0x1, v1;
	vm0 =	vge.s32 v26, s31  }
0x96: {  	v59 =	vadd.s32 v60, v59;
	v60 =	vsel vm0, $0x1, v1;
	vm0 =	vge.s32 v27, s31  }
0x97: {  	v59 =	vadd.s32 v60, v59;
	v60 =	vsel vm0, $0x1, v1;
	vm0 =	vge.s32 v28, s31  }
0x98: {  	v59 =	vadd.s32 v60, v59;
	v60 =	vsel vm0, $0x1, v1;
	vm0 =	vge.s32 v29, s31  }
0x99: {  	v59 =	vadd.s32 v60, v59;
	v60 =	vsel vm0, $0x1, v1;
	vm0 =	vge.s32 v30, s31  }
0x9a: {  	v59 =	vadd.s32 v60, v59;
	v60 =	vsel vm0, $0x1, v1;
	vm0 =	vge.s32 v31, s31  }
0x9b: {  	v59 =	vadd.s32 v60, v59;
	v60 =	vsel vm0, $0x1, v1;
	vm0 =	vge.s32 v32, s31  }
0x9c: {  	v59 =	vadd.s32 v60, v59;
	v60 =	vsel vm0, $0x1, v1;
	vm0 =	vge.s32 v33, s31  }
0x9d: {  	v59 =	vadd.s32 v60, v59;
	v60 =	vsel vm0, $0x1, v1;
	vm0 =	vge.s32 v34, s31  }
0x9e: {  	v59 =	vadd.s32 v60, v59;
	v60 =	vsel vm0, $0x1, v1;
	vm0 =	vge.s32 v35, s31  }
0x9f: {  	v59 =	vadd.s32 v60, v59;
	v60 =	vsel vm0, $0x1, v1;
	vm0 =	vge.s32 v36, s31  }
0xa0: {  	v59 =	vadd.s32 v60, v59;
	v60 =	vsel vm0, $0x1, v1;
	vm0 =	vge.s32 v37, s31  }
0xa1: {  	v59 =	vadd.s32 v60, v59;
	v60 =	vsel vm0, $0x1, v1;
	vm0 =	vge.s32 v38, s31  }
0xa2: {  	v59 =	vadd.s32 v60, v59;
	v60 =	vsel vm0, $0x1, v1;
	vm0 =	vge.s32 v39, s31  }
0xa3: {  	v59 =	vadd.s32 v60, v59;
	v60 =	vsel vm0, $0x1, v1;
	vm0 =	vge.s32 v40, s31  }
0xa4: {  	v59 =	vadd.s32 v60, v59;
	v60 =	vsel vm0, $0x1, v1;
	vm0 =	vge.s32 v41, s31  }
0xa5: {  	v59 =	vadd.s32 v60, v59;
	v60 =	vsel vm0, $0x1, v1;
	vm0 =	vge.s32 v42, s31  }
0xa6: {  	v59 =	vadd.s32 v60, v59;
	v60 =	vsel vm0, $0x1, v1;
	vm0 =	vge.s32 v43, s31  }
0xa7: {  	v59 =	vadd.s32 v60, v59;
	v60 =	vsel vm0, $0x1, v1;
	vm0 =	vge.s32 v44, s31  }
0xa8: {  	v59 =	vadd.s32 v60, v59;
	v60 =	vsel vm0, $0x1, v1;
	vm0 =	vge.s32 v45, s31  }
0xa9: {  	v59 =	vadd.s32 v60, v59;
	v60 =	vsel vm0, $0x1, v1;
	vm0 =	vge.s32 v46, s31  }
0xaa: {  	v59 =	vadd.s32 v60, v59;
	v60 =	vsel vm0, $0x1, v1;
	vm0 =	vge.s32 v47, s31  }
0xab: {  	v59 =	vadd.s32 v60, v59;
	v60 =	vsel vm0, $0x1, v1;
	vm0 =	vge.s32 v48, s31  }
0xac: {  	v59 =	vadd.s32 v60, v59;
	v60 =	vsel vm0, $0x1, v1;
	vm0 =	vge.s32 v49, s31  }
0xad: {  	v59 =	vadd.s32 v60, v59;
	v60 =	vsel vm0, $0x1, v1;
	vm0 =	vge.s32 v50, s31  }
0xae: {  	v59 =	vadd.s32 v60, v59;
	v60 =	vsel vm0, $0x1, v1;
	vm0 =	vge.s32 v51, s31  }
0xaf: {  	v59 =	vadd.s32 v60, v59;
	v60 =	vsel vm0, $0x1, v1;
	vm0 =	vge.s32 v52, s31  }
0xb0: {  	v59 =	vadd.s32 v60, v59;
	v60 =	vsel vm0, $0x1, v1;
	vm0 =	vge.s32 v53, s31  }
0xb1: {  	v59 =	vadd.s32 v60, v59;
	v60 =	vsel vm0, $0x1, v1;
	vm0 =	vge.s32 v54, s31  }
0xb2: {  	v59 =	vadd.s32 v60, v59;
	v60 =	vsel vm0, $0x1, v1;
	vm0 =	vge.s32 v55, s31  }
0xb3: {  	v59 =	vadd.s32 v60, v59;
	v60 =	vsel vm0, $0x1, v1;
	vm0 =	vge.s32 v56, s31  }
0xb4: {  	v59 =	vadd.s32 v60, v59;
	v60 =	vsel vm0, $0x1, v1;
	vm0 =	vge.s32 v57, s31  }
0xb5: {  	v59 =	vadd.s32 v60, v59;
	v60 =	vsel vm0, $0x1, v1;
	vm0 =	vge.s32 v58, s31  }
0xb6: {  	v59 =	vadd.s32 v60, v59;
	v60 =	vsel vm0, $0x1, v1  }
0xb7: {  	v59 =	vadd.s32 v60, v59  }
0xb8: {  	(xrf0) =	vadd.scan.msk.s32 $0xffff, v59;
	_ =	sdelay $0x5  }
0xb9: {  	v59, _, _ =	vpop (xrf0)  }
0xba: {  	(v2sf) =	vpush v59, $0xF;
	_ =	sdelay $0xd  }
.Ltmp4:
0xbb: {  	(pc) =	sbr.rel @p0 .LBB2_3-.Ltmp4, $4  }
0xbc: {  	s3 =	spop (v2sf)  }
0xbd: {  	p1 =	sgt.s32 s3, $0x31  }
0xbe: {  	s29 =	smov.u32 @p1 s31;
	s31 =	smov.u32 @p1 s0  }
0xbf: {  	s30 =	sadd.s32 $0xFFFFFFFF, s30;
	s3 =	sand.u32 s31, s29;
	s8 =	sxor.u32 s31, s29  }
0xc0: {  	s0 =	sshra.s32 s8, $0x1  }
0xc1: {  	s0 =	sadd.s32 s0, s3  }
0xc2: {  	vm0 =	vge.s32 v3, s0;
	vm1 =	vge.s32 v4, s0  }
0xc3: {  	vm11 =	vge.s32 v5, s0;
	v3 =	vsel vm0, $0x1, v1;
	v4 =	vsel vm1, $0x1, v1  }
0xc4: {  	vm12 =	vge.s32 v6, s0;
	v3 =	vadd.s32 v4, v3;
	v4 =	vsel vm11, $0x1, v1  }
0xc5: {  	vm13 =	vge.s32 v7, s0;
	v3 =	vadd.s32 v4, v3;
	v4 =	vsel vm12, $0x1, v1  }
0xc6: {  	vm14 =	vge.s32 v8, s0;
	v3 =	vadd.s32 v4, v3;
	v4 =	vsel vm13, $0x1, v1  }
0xc7: {  	vm15 =	vge.s32 v9, s0;
	v3 =	vadd.s32 v4, v3;
	v4 =	vsel vm14, $0x1, v1  }
0xc8: {  	vm4 =	vge.s32 v10, s0;
	v3 =	vadd.s32 v4, v3;
	v4 =	vsel vm15, $0x1, v1  }
0xc9: {  	vm5 =	vge.s32 v11, s0;
	v3 =	vadd.s32 v4, v3;
	v4 =	vsel vm4, $0x1, v1  }
0xca: {  	vm6 =	vge.s32 v12, s0;
	v3 =	vadd.s32 v4, v3;
	v4 =	vsel vm5, $0x1, v1  }
0xcb: {  	vm7 =	vge.s32 v13, s0;
	v3 =	vadd.s32 v4, v3;
	v4 =	vsel vm6, $0x1, v1  }
0xcc: {  	vm8 =	vge.s32 v14, s0;
	v3 =	vadd.s32 v4, v3;
	v4 =	vsel vm7, $0x1, v1  }
0xcd: {  	vm9 =	vge.s32 v15, s0;
	v3 =	vadd.s32 v4, v3;
	v4 =	vsel vm8, $0x1, v1  }
0xce: {  	vm10 =	vge.s32 v16, s0;
	v3 =	vadd.s32 v4, v3;
	v4 =	vsel vm9, $0x1, v1  }
0xcf: {  	vm11 =	vge.s32 v17, s0;
	v3 =	vadd.s32 v4, v3;
	v4 =	vsel vm10, $0x1, v1  }
0xd0: {  	vm12 =	vge.s32 v18, s0;
	v3 =	vadd.s32 v4, v3;
	v4 =	vsel vm11, $0x1, v1  }
0xd1: {  	vm13 =	vge.s32 v19, s0;
	v3 =	vadd.s32 v4, v3;
	v4 =	vsel vm12, $0x1, v1  }
0xd2: {  	vm14 =	vge.s32 v20, s0;
	v3 =	vadd.s32 v4, v3;
	v4 =	vsel vm13, $0x1, v1  }
0xd3: {  	vm15 =	vge.s32 v21, s0;
	v3 =	vadd.s32 v4, v3;
	v4 =	vsel vm14, $0x1, v1  }
0xd4: {  	vm4 =	vge.s32 v22, s0;
	v3 =	vadd.s32 v4, v3;
	v4 =	vsel vm15, $0x1, v1  }
0xd5: {  	vm5 =	vge.s32 v23, s0;
	v3 =	vadd.s32 v4, v3;
	v4 =	vsel vm4, $0x1, v1  }
0xd6: {  	vm6 =	vge.s32 v24, s0;
	v3 =	vadd.s32 v4, v3;
	v4 =	vsel vm5, $0x1, v1  }
0xd7: {  	vm7 =	vge.s32 v25, s0;
	v3 =	vadd.s32 v4, v3;
	v4 =	vsel vm6, $0x1, v1  }
0xd8: {  	vm8 =	vge.s32 v26, s0;
	v3 =	vadd.s32 v4, v3;
	v4 =	vsel vm7, $0x1, v1  }
0xd9: {  	vm9 =	vge.s32 v27, s0;
	v3 =	vadd.s32 v4, v3;
	v4 =	vsel vm8, $0x1, v1  }
0xda: {  	vm10 =	vge.s32 v28, s0;
	v3 =	vadd.s32 v4, v3;
	v4 =	vsel vm9, $0x1, v1  }
0xdb: {  	vm11 =	vge.s32 v29, s0;
	v3 =	vadd.s32 v4, v3;
	v4 =	vsel vm10, $0x1, v1  }
0xdc: {  	vm12 =	vge.s32 v30, s0;
	v3 =	vadd.s32 v4, v3;
	v4 =	vsel vm11, $0x1, v1  }
0xdd: {  	vm13 =	vge.s32 v31, s0;
	v3 =	vadd.s32 v4, v3;
	v4 =	vsel vm12, $0x1, v1  }
0xde: {  	vm14 =	vge.s32 v32, s0;
	v3 =	vadd.s32 v4, v3;
	v4 =	vsel vm13, $0x1, v1  }
0xdf: {  	vm15 =	vge.s32 v33, s0;
	v3 =	vadd.s32 v4, v3;
	v4 =	vsel vm14, $0x1, v1  }
0xe0: {  	vm4 =	vge.s32 v34, s0;
	v3 =	vadd.s32 v4, v3;
	v4 =	vsel vm15, $0x1, v1  }
0xe1: {  	vm5 =	vge.s32 v35, s0;
	v3 =	vadd.s32 v4, v3;
	v4 =	vsel vm4, $0x1, v1  }
0xe2: {  	vm6 =	vge.s32 v36, s0;
	v3 =	vadd.s32 v4, v3;
	v4 =	vsel vm5, $0x1, v1  }
0xe3: {  	vm7 =	vge.s32 v37, s0;
	v3 =	vadd.s32 v4, v3;
	v4 =	vsel vm6, $0x1, v1  }
0xe4: {  	vm8 =	vge.s32 v38, s0;
	v3 =	vadd.s32 v4, v3;
	v4 =	vsel vm7, $0x1, v1  }
0xe5: {  	vm9 =	vge.s32 v39, s0;
	v3 =	vadd.s32 v4, v3;
	v4 =	vsel vm8, $0x1, v1  }
0xe6: {  	vm10 =	vge.s32 v40, s0;
	v3 =	vadd.s32 v4, v3;
	v4 =	vsel vm9, $0x1, v1  }
0xe7: {  	vm11 =	vge.s32 v41, s0;
	v3 =	vadd.s32 v4, v3;
	v4 =	vsel vm10, $0x1, v1  }
0xe8: {  	vm12 =	vge.s32 v42, s0;
	v3 =	vadd.s32 v4, v3;
	v4 =	vsel vm11, $0x1, v1  }
0xe9: {  	vm13 =	vge.s32 v43, s0;
	v3 =	vadd.s32 v4, v3;
	v4 =	vsel vm12, $0x1, v1  }
0xea: {  	vm14 =	vge.s32 v44, s0;
	v3 =	vadd.s32 v4, v3;
	v4 =	vsel vm13, $0x1, v1  }
0xeb: {  	vm15 =	vge.s32 v45, s0;
	v3 =	vadd.s32 v4, v3;
	v4 =	vsel vm14, $0x1, v1  }
0xec: {  	vm4 =	vge.s32 v46, s0;
	v3 =	vadd.s32 v4, v3;
	v4 =	vsel vm15, $0x1, v1  }
0xed: {  	vm5 =	vge.s32 v47, s0;
	v3 =	vadd.s32 v4, v3;
	v4 =	vsel vm4, $0x1, v1  }
0xee: {  	vm6 =	vge.s32 v48, s0;
	v3 =	vadd.s32 v4, v3;
	v4 =	vsel vm5, $0x1, v1  }
0xef: {  	vm7 =	vge.s32 v49, s0;
	v3 =	vadd.s32 v4, v3;
	v4 =	vsel vm6, $0x1, v1  }
0xf0: {  	vm8 =	vge.s32 v50, s0;
	v3 =	vadd.s32 v4, v3;
	v4 =	vsel vm7, $0x1, v1  }
0xf1: {  	vm9 =	vge.s32 v51, s0;
	v3 =	vadd.s32 v4, v3;
	v4 =	vsel vm8, $0x1, v1  }
0xf2: {  	vm10 =	vge.s32 v52, s0;
	v3 =	vadd.s32 v4, v3;
	v4 =	vsel vm9, $0x1, v1  }
0xf3: {  	vm11 =	vge.s32 v53, s0;
	v3 =	vadd.s32 v4, v3;
	v4 =	vsel vm10, $0x1, v1  }
0xf4: {  	vm12 =	vge.s32 v54, s0;
	v3 =	vadd.s32 v4, v3;
	v4 =	vsel vm11, $0x1, v1  }
0xf5: {  	vm13 =	vge.s32 v55, s0;
	v3 =	vadd.s32 v4, v3;
	v4 =	vsel vm12, $0x1, v1  }
0xf6: {  	vm14 =	vge.s32 v56, s0;
	v3 =	vadd.s32 v4, v3;
	v4 =	vsel vm13, $0x1, v1  }
0xf7: {  	vm15 =	vge.s32 v57, s0;
	v3 =	vadd.s32 v4, v3;
	v4 =	vsel vm14, $0x1, v1  }
0xf8: {  	vm4 =	vge.s32 v58, s0;
	v3 =	vadd.s32 v4, v3;
	v4 =	vsel vm15, $0x1, v1  }
0xf9: {  	v3 =	vadd.s32 v4, v3;
	v4 =	vsel vm4, $0x1, v1  }
0xfa: {  	v3 =	vadd.s32 v4, v3  }
0xfb: {  	(xrf0) =	vadd.scan.msk.s32 $0xffff, v3;
	_ =	sdelay $0x5  }
0xfc: {  	v3, _, _ =	vpop (xrf0)  }
0xfd: {  	(v2sf) =	vpush v3, $0xF;
	_ =	sdelay $0xe  }
0xfe: {  	s8 =	spop (v2sf)  }
0xff: {  	v3 =	vld [tilespmem:$0x0];
	p0 =	sgt.s32 s8, $0x31  }
0x100: {  	s29 =	smov.u32 @p0 s0  }
0x101: {  	v4 =	vmov s29  }
0x102: {  	v5 =	vsub.s32 $0x80000000, v4;
	vm5 =	vlt.s32 v4, $0x0  }
0x103: {  	v17 =	vnsel vm5, s29, v5  }
0x104: {  	vm0 =	vge.f32 v3, v17  }
0x105: {  	v3 =	vmpcnt.ones.xlane vm0;
	_ =	sdelay $0x1  }
0x106: {  	(v2sf) =	vpush v3, $0x0;
	_ =	sdelay $0xa  }
0x107: {  	[tilespmem:s10+$0x0] =	vst.msk vm0, v2  }
0x108: {  	v3 =	vld [tilespmem:$0x10];
	_ =	sdelay $0x2  }
0x109: {  	s0 =	spop (v2sf)  }
0x10a: {  	p0 =	slt.s32 s0, $0x40  }
0x10b: {  	vm6 =	vge.f32 v3, v17;
	v3 =	vor.u32 $0x10, v2;
	s0 =	simm.s32 @!p0 $0x40  }
0x10c: {  	v4 =	vmpcnt.ones.xlane vm6;
	[tilespmem:s0+$0x700] =	vst.msk vm6, v3  }
0x10d: {  	v5 =	vld [tilespmem:$0x20]  }
0x10e: {  	(v2sf) =	vpush v4, $0x0;
	_ =	sdelay $0x3  }
0x10f: {  	vm7 =	vge.f32 v5, v17  }
0x110: {  	v4 =	vmpcnt.ones.xlane vm7;
	_ =	sdelay $0x1  }
0x111: {  	(v2sf) =	vpush v4, $0x0;
	_ =	sdelay $0x7  }
0x112: {  	s30 =	spop (v2sf)  }
0x113: {  	s0 =	sadd.s32 s0, s30  }
0x114: {  	p0 =	slt.s32 s0, $0x40  }
0x115: {  	s0 =	simm.s32 @!p0 $0x40;
	v4 =	vor.u32 $0x20, v2  }
0x116: {  	[tilespmem:s0+$0x700] =	vst.msk vm7, v4  }
0x117: {  	v5 =	vld [tilespmem:$0x30];
	_ =	sdelay $0x1  }
0x118: {  	s31 =	spop (v2sf)  }
0x119: {  	s0 =	sadd.s32 s0, s31  }
0x11a: {  	p0 =	slt.s32 s0, $0x40  }
0x11b: {  	vm8 =	vge.f32 v5, v17;
	v5 =	vor.u32 $0x30, v2;
	s0 =	simm.s32 @!p0 $0x40  }
0x11c: {  	v6 =	vmpcnt.ones.xlane vm8;
	[tilespmem:s0+$0x700] =	vst.msk vm8, v5  }
0x11d: {  	v7 =	vld [tilespmem:$0x40]  }
0x11e: {  	(v2sf) =	vpush v6, $0x0;
	_ =	sdelay $0x3  }
0x11f: {  	vm9 =	vge.f32 v7, v17  }
0x120: {  	v6 =	vmpcnt.ones.xlane vm9;
	_ =	sdelay $0x1  }
0x121: {  	(v2sf) =	vpush v6, $0x0;
	_ =	sdelay $0x7  }
0x122: {  	s8 =	spop (v2sf)  }
0x123: {  	s0 =	sadd.s32 s0, s8  }
0x124: {  	p0 =	slt.s32 s0, $0x40  }
0x125: {  	s0 =	simm.s32 @!p0 $0x40;
	v6 =	vor.u32 $0x40, v2  }
0x126: {  	[tilespmem:s0+$0x700] =	vst.msk vm9, v6  }
0x127: {  	v7 =	vld [tilespmem:$0x50];
	_ =	sdelay $0x1  }
0x128: {  	s30 =	spop (v2sf)  }
0x129: {  	s0 =	sadd.s32 s0, s30  }
0x12a: {  	p0 =	slt.s32 s0, $0x40  }
0x12b: {  	vm10 =	vge.f32 v7, v17;
	v7 =	vor.u32 $0x50, v2;
	s0 =	simm.s32 @!p0 $0x40  }
0x12c: {  	v8 =	vmpcnt.ones.xlane vm10;
	[tilespmem:s0+$0x700] =	vst.msk vm10, v7  }
0x12d: {  	v9 =	vld [tilespmem:$0x60]  }
0x12e: {  	(v2sf) =	vpush v8, $0x0;
	_ =	sdelay $0x3  }
0x12f: {  	vm11 =	vge.f32 v9, v17  }
0x130: {  	v8 =	vmpcnt.ones.xlane vm11;
	_ =	sdelay $0x1  }
0x131: {  	(v2sf) =	vpush v8, $0x0;
	_ =	sdelay $0x7  }
0x132: {  	s31 =	spop (v2sf)  }
0x133: {  	s0 =	sadd.s32 s0, s31  }
0x134: {  	p0 =	slt.s32 s0, $0x40  }
0x135: {  	s0 =	simm.s32 @!p0 $0x40;
	v8 =	vor.u32 $0x60, v2  }
0x136: {  	[tilespmem:s0+$0x700] =	vst.msk vm11, v8  }
0x137: {  	v9 =	vld [tilespmem:$0x70];
	_ =	sdelay $0x1  }
0x138: {  	s8 =	spop (v2sf)  }
0x139: {  	s0 =	sadd.s32 s0, s8  }
0x13a: {  	p0 =	slt.s32 s0, $0x40  }
0x13b: {  	vm12 =	vge.f32 v9, v17;
	v9 =	vor.u32 $0x70, v2;
	s0 =	simm.s32 @!p0 $0x40  }
0x13c: {  	v10 =	vmpcnt.ones.xlane vm12;
	[tilespmem:s0+$0x700] =	vst.msk vm12, v9  }
0x13d: {  	v11 =	vld [tilespmem:$0x80]  }
0x13e: {  	(v2sf) =	vpush v10, $0x0;
	_ =	sdelay $0x3  }
0x13f: {  	vm13 =	vge.f32 v11, v17  }
0x140: {  	v10 =	vmpcnt.ones.xlane vm13;
	_ =	sdelay $0x1  }
0x141: {  	(v2sf) =	vpush v10, $0x0;
	_ =	sdelay $0x7  }
0x142: {  	s30 =	spop (v2sf)  }
0x143: {  	s0 =	sadd.s32 s0, s30  }
0x144: {  	p0 =	slt.s32 s0, $0x40  }
0x145: {  	v16 =	vor.u32 $0x80, v2;
	s0 =	simm.s32 @!p0 $0x40  }
0x146: {  	[tilespmem:s0+$0x700] =	vst.msk vm13, v16  }
0x147: {  	v10 =	vld [tilespmem:$0x90];
	_ =	sdelay $0x1  }
0x148: {  	s31 =	spop (v2sf)  }
0x149: {  	s0 =	sadd.s32 s0, s31  }
0x14a: {  	p0 =	slt.s32 s0, $0x40  }
0x14b: {  	v15 =	vor.u32 $0x90, v2;
	vm14 =	vge.f32 v10, v17;
	s0 =	simm.s32 @!p0 $0x40  }
0x14c: {  	v10 =	vmpcnt.ones.xlane vm14;
	[tilespmem:s0+$0x700] =	vst.msk vm14, v15  }
0x14d: {  	v11 =	vld [tilespmem:$0xA0]  }
0x14e: {  	(v2sf) =	vpush v10, $0x0;
	_ =	sdelay $0x3  }
0x14f: {  	vm15 =	vge.f32 v11, v17  }
0x150: {  	v10 =	vmpcnt.ones.xlane vm15;
	_ =	sdelay $0x1  }
0x151: {  	(v2sf) =	vpush v10, $0x0;
	_ =	sdelay $0x7  }
0x152: {  	s8 =	spop (v2sf)  }
0x153: {  	s0 =	sadd.s32 s0, s8  }
0x154: {  	p0 =	slt.s32 s0, $0x40  }
0x155: {  	v14 =	vor.u32 $0xA0, v2;
	s0 =	simm.s32 @!p0 $0x40  }
0x156: {  	[tilespmem:s0+$0x700] =	vst.msk vm15, v14  }
0x157: {  	v10 =	vld [tilespmem:$0xB0];
	_ =	sdelay $0x1  }
0x158: {  	s30 =	spop (v2sf)  }
0x159: {  	s0 =	sadd.s32 s0, s30  }
0x15a: {  	p0 =	slt.s32 s0, $0x40  }
0x15b: {  	v13 =	vor.u32 $0xB0, v2;
	vm4 =	vge.f32 v10, v17;
	s0 =	simm.s32 @!p0 $0x40  }
0x15c: {  	v10 =	vmpcnt.ones.xlane vm4;
	[tilespmem:s0+$0x700] =	vst.msk vm4, v13  }
0x15d: {  	v11 =	vld [tilespmem:$0xC0]  }
0x15e: {  	(v2sf) =	vpush v10, $0x0;
	_ =	sdelay $0x3  }
0x15f: {  	vm5 =	vge.f32 v11, v17  }
0x160: {  	v10 =	vmpcnt.ones.xlane vm5;
	_ =	sdelay $0x1  }
0x161: {  	(v2sf) =	vpush v10, $0x0;
	_ =	sdelay $0x7  }
0x162: {  	s31 =	spop (v2sf)  }
0x163: {  	s0 =	sadd.s32 s0, s31  }
0x164: {  	p0 =	slt.s32 s0, $0x40  }
0x165: {  	v12 =	vor.u32 $0xC0, v2;
	s0 =	simm.s32 @!p0 $0x40  }
0x166: {  	[tilespmem:s0+$0x700] =	vst.msk vm5, v12  }
0x167: {  	v10 =	vld [tilespmem:$0xD0];
	_ =	sdelay $0x1  }
0x168: {  	s8 =	spop (v2sf)  }
0x169: {  	s0 =	sadd.s32 s0, s8  }
0x16a: {  	p0 =	slt.s32 s0, $0x40  }
0x16b: {  	v11 =	vor.u32 $0xD0, v2;
	vm6 =	vge.f32 v10, v17;
	s0 =	simm.s32 @!p0 $0x40  }
0x16c: {  	v10 =	vmpcnt.ones.xlane vm6;
	[tilespmem:s0+$0x700] =	vst.msk vm6, v11  }
0x16d: {  	v18 =	vld [tilespmem:$0xE0]  }
0x16e: {  	(v2sf) =	vpush v10, $0x0;
	_ =	sdelay $0x3  }
0x16f: {  	vm7 =	vge.f32 v18, v17  }
0x170: {  	v10 =	vmpcnt.ones.xlane vm7;
	_ =	sdelay $0x1  }
0x171: {  	(v2sf) =	vpush v10, $0x0;
	_ =	sdelay $0x7  }
0x172: {  	s30 =	spop (v2sf)  }
0x173: {  	s0 =	sadd.s32 s0, s30  }
0x174: {  	p0 =	slt.s32 s0, $0x40  }
0x175: {  	s0 =	simm.s32 @!p0 $0x40;
	v10 =	vor.u32 $0xE0, v2  }
0x176: {  	[tilespmem:s0+$0x700] =	vst.msk vm7, v10  }
0x177: {  	v18 =	vld [tilespmem:$0xF0];
	_ =	sdelay $0x1  }
0x178: {  	s31 =	spop (v2sf)  }
0x179: {  	s0 =	sadd.s32 s0, s31  }
0x17a: {  	p0 =	slt.s32 s0, $0x40  }
0x17b: {  	vm8 =	vge.f32 v18, v17;
	v18 =	vor.u32 $0xF0, v2;
	s0 =	simm.s32 @!p0 $0x40  }
0x17c: {  	[tilespmem:s0+$0x700] =	vst.msk vm8, v18;
	v18 =	vmpcnt.ones.xlane vm8  }
0x17d: {  	v19 =	vld [tilespmem:$0x100]  }
0x17e: {  	(v2sf) =	vpush v18, $0x0;
	_ =	sdelay $0x3  }
0x17f: {  	vm9 =	vge.f32 v19, v17  }
0x180: {  	v18 =	vmpcnt.ones.xlane vm9;
	_ =	sdelay $0x1  }
0x181: {  	(v2sf) =	vpush v18, $0x0;
	_ =	sdelay $0x7  }
0x182: {  	s8 =	spop (v2sf)  }
0x183: {  	s0 =	sadd.s32 s0, s8  }
0x184: {  	p0 =	slt.s32 s0, $0x40  }
0x185: {  	v18 =	vor.u32 $0x100, v2;
	s0 =	simm.s32 @!p0 $0x40  }
0x186: {  	[tilespmem:s0+$0x700] =	vst.msk vm9, v18  }
0x187: {  	v18 =	vld [tilespmem:$0x110];
	_ =	sdelay $0x1  }
0x188: {  	s30 =	spop (v2sf)  }
0x189: {  	s0 =	sadd.s32 s0, s30  }
0x18a: {  	p0 =	slt.s32 s0, $0x40  }
0x18b: {  	s0 =	simm.s32 @!p0 $0x40;
	vm10 =	vge.f32 v18, v17;
	v18 =	vor.u32 $0x110, v2  }
0x18c: {  	[tilespmem:s0+$0x700] =	vst.msk vm10, v18;
	v18 =	vmpcnt.ones.xlane vm10  }
0x18d: {  	v19 =	vld [tilespmem:$0x120]  }
0x18e: {  	(v2sf) =	vpush v18, $0x0;
	_ =	sdelay $0x3  }
0x18f: {  	vm11 =	vge.f32 v19, v17  }
0x190: {  	v18 =	vmpcnt.ones.xlane vm11;
	_ =	sdelay $0x1  }
0x191: {  	(v2sf) =	vpush v18, $0x0;
	_ =	sdelay $0x7  }
0x192: {  	s31 =	spop (v2sf)  }
0x193: {  	s0 =	sadd.s32 s0, s31  }
0x194: {  	p0 =	slt.s32 s0, $0x40  }
0x195: {  	v18 =	vor.u32 $0x120, v2;
	s0 =	simm.s32 @!p0 $0x40  }
0x196: {  	[tilespmem:s0+$0x700] =	vst.msk vm11, v18  }
0x197: {  	v18 =	vld [tilespmem:$0x130];
	_ =	sdelay $0x1  }
0x198: {  	s8 =	spop (v2sf)  }
0x199: {  	s0 =	sadd.s32 s0, s8  }
0x19a: {  	p0 =	slt.s32 s0, $0x40  }
0x19b: {  	s0 =	simm.s32 @!p0 $0x40;
	vm12 =	vge.f32 v18, v17;
	v18 =	vor.u32 $0x130, v2  }
0x19c: {  	[tilespmem:s0+$0x700] =	vst.msk vm12, v18;
	v18 =	vmpcnt.ones.xlane vm12  }
0x19d: {  	v19 =	vld [tilespmem:$0x140]  }
0x19e: {  	(v2sf) =	vpush v18, $0x0;
	_ =	sdelay $0x3  }
0x19f: {  	vm13 =	vge.f32 v19, v17  }
0x1a0: {  	v18 =	vmpcnt.ones.xlane vm13;
	_ =	sdelay $0x1  }
0x1a1: {  	(v2sf) =	vpush v18, $0x0;
	_ =	sdelay $0x7  }
0x1a2: {  	s30 =	spop (v2sf)  }
0x1a3: {  	s0 =	sadd.s32 s0, s30  }
0x1a4: {  	p0 =	slt.s32 s0, $0x40  }
0x1a5: {  	v18 =	vor.u32 $0x140, v2;
	s0 =	simm.s32 @!p0 $0x40  }
0x1a6: {  	[tilespmem:s0+$0x700] =	vst.msk vm13, v18  }
0x1a7: {  	v18 =	vld [tilespmem:$0x150];
	_ =	sdelay $0x1  }
0x1a8: {  	s31 =	spop (v2sf)  }
0x1a9: {  	s0 =	sadd.s32 s0, s31  }
0x1aa: {  	p0 =	slt.s32 s0, $0x40  }
0x1ab: {  	s0 =	simm.s32 @!p0 $0x40;
	vm14 =	vge.f32 v18, v17;
	v18 =	vor.u32 $0x150, v2  }
0x1ac: {  	[tilespmem:s0+$0x700] =	vst.msk vm14, v18;
	v18 =	vmpcnt.ones.xlane vm14  }
0x1ad: {  	v19 =	vld [tilespmem:$0x160]  }
0x1ae: {  	(v2sf) =	vpush v18, $0x0;
	_ =	sdelay $0x3  }
0x1af: {  	vm15 =	vge.f32 v19, v17  }
0x1b0: {  	v18 =	vmpcnt.ones.xlane vm15;
	_ =	sdelay $0x1  }
0x1b1: {  	(v2sf) =	vpush v18, $0x0;
	_ =	sdelay $0x7  }
0x1b2: {  	s8 =	spop (v2sf)  }
0x1b3: {  	s0 =	sadd.s32 s0, s8  }
0x1b4: {  	p0 =	slt.s32 s0, $0x40  }
0x1b5: {  	v18 =	vor.u32 $0x160, v2;
	s0 =	simm.s32 @!p0 $0x40  }
0x1b6: {  	[tilespmem:s0+$0x700] =	vst.msk vm15, v18  }
0x1b7: {  	v18 =	vld [tilespmem:$0x170];
	_ =	sdelay $0x1  }
0x1b8: {  	s30 =	spop (v2sf)  }
0x1b9: {  	s0 =	sadd.s32 s0, s30  }
0x1ba: {  	p0 =	slt.s32 s0, $0x40  }
0x1bb: {  	s0 =	simm.s32 @!p0 $0x40;
	vm4 =	vge.f32 v18, v17;
	v18 =	vor.u32 $0x170, v2  }
0x1bc: {  	[tilespmem:s0+$0x700] =	vst.msk vm4, v18;
	v18 =	vmpcnt.ones.xlane vm4  }
0x1bd: {  	v19 =	vld [tilespmem:$0x180]  }
0x1be: {  	(v2sf) =	vpush v18, $0x0;
	_ =	sdelay $0x3  }
0x1bf: {  	vm5 =	vge.f32 v19, v17  }
0x1c0: {  	v18 =	vmpcnt.ones.xlane vm5;
	_ =	sdelay $0x1  }
0x1c1: {  	(v2sf) =	vpush v18, $0x0;
	_ =	sdelay $0x7  }
0x1c2: {  	s31 =	spop (v2sf)  }
0x1c3: {  	s0 =	sadd.s32 s0, s31  }
0x1c4: {  	p0 =	slt.s32 s0, $0x40  }
0x1c5: {  	v18 =	vor.u32 $0x180, v2;
	s0 =	simm.s32 @!p0 $0x40  }
0x1c6: {  	[tilespmem:s0+$0x700] =	vst.msk vm5, v18  }
0x1c7: {  	v18 =	vld [tilespmem:$0x190];
	_ =	sdelay $0x1  }
0x1c8: {  	s8 =	spop (v2sf)  }
0x1c9: {  	s0 =	sadd.s32 s0, s8  }
0x1ca: {  	p0 =	slt.s32 s0, $0x40  }
0x1cb: {  	s0 =	simm.s32 @!p0 $0x40;
	vm6 =	vge.f32 v18, v17;
	v18 =	vor.u32 $0x190, v2  }
0x1cc: {  	[tilespmem:s0+$0x700] =	vst.msk vm6, v18;
	v18 =	vmpcnt.ones.xlane vm6  }
0x1cd: {  	v19 =	vld [tilespmem:$0x1A0]  }
0x1ce: {  	(v2sf) =	vpush v18, $0x0;
	_ =	sdelay $0x3  }
0x1cf: {  	vm7 =	vge.f32 v19, v17  }
0x1d0: {  	v18 =	vmpcnt.ones.xlane vm7;
	_ =	sdelay $0x1  }
0x1d1: {  	(v2sf) =	vpush v18, $0x0;
	_ =	sdelay $0x7  }
0x1d2: {  	s30 =	spop (v2sf)  }
0x1d3: {  	s0 =	sadd.s32 s0, s30  }
0x1d4: {  	p0 =	slt.s32 s0, $0x40  }
0x1d5: {  	v18 =	vor.u32 $0x1A0, v2;
	s0 =	simm.s32 @!p0 $0x40  }
0x1d6: {  	[tilespmem:s0+$0x700] =	vst.msk vm7, v18  }
0x1d7: {  	v18 =	vld [tilespmem:$0x1B0];
	_ =	sdelay $0x1  }
0x1d8: {  	s31 =	spop (v2sf)  }
0x1d9: {  	s0 =	sadd.s32 s0, s31  }
0x1da: {  	p0 =	slt.s32 s0, $0x40  }
0x1db: {  	s0 =	simm.s32 @!p0 $0x40;
	vm8 =	vge.f32 v18, v17;
	v18 =	vor.u32 $0x1B0, v2  }
0x1dc: {  	[tilespmem:s0+$0x700] =	vst.msk vm8, v18;
	v18 =	vmpcnt.ones.xlane vm8  }
0x1dd: {  	v19 =	vld [tilespmem:$0x1C0]  }
0x1de: {  	(v2sf) =	vpush v18, $0x0;
	_ =	sdelay $0x3  }
0x1df: {  	vm9 =	vge.f32 v19, v17  }
0x1e0: {  	v18 =	vmpcnt.ones.xlane vm9;
	_ =	sdelay $0x1  }
0x1e1: {  	(v2sf) =	vpush v18, $0x0;
	_ =	sdelay $0x7  }
0x1e2: {  	s8 =	spop (v2sf)  }
0x1e3: {  	s0 =	sadd.s32 s0, s8  }
0x1e4: {  	p0 =	slt.s32 s0, $0x40  }
0x1e5: {  	v18 =	vor.u32 $0x1C0, v2;
	s0 =	simm.s32 @!p0 $0x40  }
0x1e6: {  	[tilespmem:s0+$0x700] =	vst.msk vm9, v18  }
0x1e7: {  	v18 =	vld [tilespmem:$0x1D0];
	_ =	sdelay $0x1  }
0x1e8: {  	s30 =	spop (v2sf)  }
0x1e9: {  	s0 =	sadd.s32 s0, s30  }
0x1ea: {  	p0 =	slt.s32 s0, $0x40  }
0x1eb: {  	s0 =	simm.s32 @!p0 $0x40;
	vm10 =	vge.f32 v18, v17;
	v18 =	vor.u32 $0x1D0, v2  }
0x1ec: {  	[tilespmem:s0+$0x700] =	vst.msk vm10, v18;
	v18 =	vmpcnt.ones.xlane vm10  }
0x1ed: {  	v19 =	vld [tilespmem:$0x1E0]  }
0x1ee: {  	(v2sf) =	vpush v18, $0x0;
	_ =	sdelay $0x3  }
0x1ef: {  	vm11 =	vge.f32 v19, v17  }
0x1f0: {  	v18 =	vmpcnt.ones.xlane vm11;
	_ =	sdelay $0x1  }
0x1f1: {  	(v2sf) =	vpush v18, $0x0;
	_ =	sdelay $0x7  }
0x1f2: {  	s31 =	spop (v2sf)  }
0x1f3: {  	s0 =	sadd.s32 s0, s31  }
0x1f4: {  	p0 =	slt.s32 s0, $0x40  }
0x1f5: {  	v18 =	vor.u32 $0x1E0, v2;
	s0 =	simm.s32 @!p0 $0x40  }
0x1f6: {  	[tilespmem:s0+$0x700] =	vst.msk vm11, v18  }
0x1f7: {  	v18 =	vld [tilespmem:$0x1F0];
	_ =	sdelay $0x1  }
0x1f8: {  	s8 =	spop (v2sf)  }
0x1f9: {  	s0 =	sadd.s32 s0, s8  }
0x1fa: {  	p0 =	slt.s32 s0, $0x40  }
0x1fb: {  	s0 =	simm.s32 @!p0 $0x40;
	vm12 =	vge.f32 v18, v17;
	v18 =	vor.u32 $0x1F0, v2  }
0x1fc: {  	[tilespmem:s0+$0x700] =	vst.msk vm12, v18;
	v18 =	vmpcnt.ones.xlane vm12  }
0x1fd: {  	v19 =	vld [tilespmem:$0x200]  }
0x1fe: {  	(v2sf) =	vpush v18, $0x0;
	_ =	sdelay $0x3  }
0x1ff: {  	vm13 =	vge.f32 v19, v17  }
0x200: {  	v18 =	vmpcnt.ones.xlane vm13;
	_ =	sdelay $0x1  }
0x201: {  	(v2sf) =	vpush v18, $0x0;
	_ =	sdelay $0x7  }
0x202: {  	s30 =	spop (v2sf)  }
0x203: {  	s0 =	sadd.s32 s0, s30  }
0x204: {  	p0 =	slt.s32 s0, $0x40  }
0x205: {  	v18 =	vor.u32 $0x200, v2;
	s0 =	simm.s32 @!p0 $0x40  }
0x206: {  	[tilespmem:s0+$0x700] =	vst.msk vm13, v18  }
0x207: {  	v18 =	vld [tilespmem:$0x210];
	_ =	sdelay $0x1  }
0x208: {  	s31 =	spop (v2sf)  }
0x209: {  	s0 =	sadd.s32 s0, s31  }
0x20a: {  	p0 =	slt.s32 s0, $0x40  }
0x20b: {  	s0 =	simm.s32 @!p0 $0x40;
	vm14 =	vge.f32 v18, v17;
	v18 =	vor.u32 $0x210, v2  }
0x20c: {  	[tilespmem:s0+$0x700] =	vst.msk vm14, v18;
	v18 =	vmpcnt.ones.xlane vm14  }
0x20d: {  	v19 =	vld [tilespmem:$0x220]  }
0x20e: {  	(v2sf) =	vpush v18, $0x0;
	_ =	sdelay $0x3  }
0x20f: {  	vm15 =	vge.f32 v19, v17  }
0x210: {  	v18 =	vmpcnt.ones.xlane vm15;
	_ =	sdelay $0x1  }
0x211: {  	(v2sf) =	vpush v18, $0x0;
	_ =	sdelay $0x7  }
0x212: {  	s8 =	spop (v2sf)  }
0x213: {  	s0 =	sadd.s32 s0, s8  }
0x214: {  	p0 =	slt.s32 s0, $0x40  }
0x215: {  	v18 =	vor.u32 $0x220, v2;
	s0 =	simm.s32 @!p0 $0x40  }
0x216: {  	[tilespmem:s0+$0x700] =	vst.msk vm15, v18  }
0x217: {  	v18 =	vld [tilespmem:$0x230];
	_ =	sdelay $0x1  }
0x218: {  	s30 =	spop (v2sf)  }
0x219: {  	s0 =	sadd.s32 s0, s30  }
0x21a: {  	p0 =	slt.s32 s0, $0x40  }
0x21b: {  	s0 =	simm.s32 @!p0 $0x40;
	vm4 =	vge.f32 v18, v17;
	v18 =	vor.u32 $0x230, v2  }
0x21c: {  	[tilespmem:s0+$0x700] =	vst.msk vm4, v18;
	v18 =	vmpcnt.ones.xlane vm4  }
0x21d: {  	v19 =	vld [tilespmem:$0x240]  }
0x21e: {  	(v2sf) =	vpush v18, $0x0;
	_ =	sdelay $0x3  }
0x21f: {  	vm5 =	vge.f32 v19, v17  }
0x220: {  	v18 =	vmpcnt.ones.xlane vm5;
	_ =	sdelay $0x1  }
0x221: {  	(v2sf) =	vpush v18, $0x0;
	_ =	sdelay $0x7  }
0x222: {  	s31 =	spop (v2sf)  }
0x223: {  	s0 =	sadd.s32 s0, s31  }
0x224: {  	p0 =	slt.s32 s0, $0x40  }
0x225: {  	v18 =	vor.u32 $0x240, v2;
	s0 =	simm.s32 @!p0 $0x40  }
0x226: {  	[tilespmem:s0+$0x700] =	vst.msk vm5, v18  }
0x227: {  	v18 =	vld [tilespmem:$0x250];
	_ =	sdelay $0x1  }
0x228: {  	s8 =	spop (v2sf)  }
0x229: {  	s0 =	sadd.s32 s0, s8  }
0x22a: {  	p0 =	slt.s32 s0, $0x40  }
0x22b: {  	s0 =	simm.s32 @!p0 $0x40;
	vm6 =	vge.f32 v18, v17;
	v18 =	vor.u32 $0x250, v2  }
0x22c: {  	[tilespmem:s0+$0x700] =	vst.msk vm6, v18;
	v18 =	vmpcnt.ones.xlane vm6  }
0x22d: {  	v19 =	vld [tilespmem:$0x260]  }
0x22e: {  	(v2sf) =	vpush v18, $0x0;
	_ =	sdelay $0x3  }
0x22f: {  	vm7 =	vge.f32 v19, v17  }
0x230: {  	v18 =	vmpcnt.ones.xlane vm7;
	_ =	sdelay $0x1  }
0x231: {  	(v2sf) =	vpush v18, $0x0;
	_ =	sdelay $0x7  }
0x232: {  	s30 =	spop (v2sf)  }
0x233: {  	s0 =	sadd.s32 s0, s30  }
0x234: {  	p0 =	slt.s32 s0, $0x40  }
0x235: {  	v18 =	vor.u32 $0x260, v2;
	s0 =	simm.s32 @!p0 $0x40  }
0x236: {  	[tilespmem:s0+$0x700] =	vst.msk vm7, v18  }
0x237: {  	v18 =	vld [tilespmem:$0x270];
	_ =	sdelay $0x1  }
0x238: {  	s31 =	spop (v2sf)  }
0x239: {  	s0 =	sadd.s32 s0, s31  }
0x23a: {  	p0 =	slt.s32 s0, $0x40  }
0x23b: {  	s0 =	simm.s32 @!p0 $0x40;
	vm8 =	vge.f32 v18, v17;
	v18 =	vor.u32 $0x270, v2  }
0x23c: {  	[tilespmem:s0+$0x700] =	vst.msk vm8, v18;
	v18 =	vmpcnt.ones.xlane vm8  }
0x23d: {  	v19 =	vld [tilespmem:$0x280]  }
0x23e: {  	(v2sf) =	vpush v18, $0x0;
	_ =	sdelay $0x3  }
0x23f: {  	vm9 =	vge.f32 v19, v17  }
0x240: {  	v18 =	vmpcnt.ones.xlane vm9;
	_ =	sdelay $0x1  }
0x241: {  	(v2sf) =	vpush v18, $0x0;
	_ =	sdelay $0x7  }
0x242: {  	s8 =	spop (v2sf)  }
0x243: {  	s0 =	sadd.s32 s0, s8  }
0x244: {  	p0 =	slt.s32 s0, $0x40  }
0x245: {  	v18 =	vor.u32 $0x280, v2;
	s0 =	simm.s32 @!p0 $0x40  }
0x246: {  	[tilespmem:s0+$0x700] =	vst.msk vm9, v18  }
0x247: {  	v18 =	vld [tilespmem:$0x290];
	_ =	sdelay $0x1  }
0x248: {  	s30 =	spop (v2sf)  }
0x249: {  	s0 =	sadd.s32 s0, s30  }
0x24a: {  	p0 =	slt.s32 s0, $0x40  }
0x24b: {  	s0 =	simm.s32 @!p0 $0x40;
	vm10 =	vge.f32 v18, v17;
	v18 =	vor.u32 $0x290, v2  }
0x24c: {  	[tilespmem:s0+$0x700] =	vst.msk vm10, v18;
	v18 =	vmpcnt.ones.xlane vm10  }
0x24d: {  	v19 =	vld [tilespmem:$0x2A0]  }
0x24e: {  	(v2sf) =	vpush v18, $0x0;
	_ =	sdelay $0x3  }
0x24f: {  	vm11 =	vge.f32 v19, v17  }
0x250: {  	v18 =	vmpcnt.ones.xlane vm11;
	_ =	sdelay $0x1  }
0x251: {  	(v2sf) =	vpush v18, $0x0;
	_ =	sdelay $0x7  }
0x252: {  	s31 =	spop (v2sf)  }
0x253: {  	s0 =	sadd.s32 s0, s31  }
0x254: {  	p0 =	slt.s32 s0, $0x40  }
0x255: {  	v18 =	vor.u32 $0x2A0, v2;
	s0 =	simm.s32 @!p0 $0x40  }
0x256: {  	[tilespmem:s0+$0x700] =	vst.msk vm11, v18  }
0x257: {  	v18 =	vld [tilespmem:$0x2B0];
	_ =	sdelay $0x1  }
0x258: {  	s8 =	spop (v2sf)  }
0x259: {  	s0 =	sadd.s32 s0, s8  }
0x25a: {  	p0 =	slt.s32 s0, $0x40  }
0x25b: {  	s0 =	simm.s32 @!p0 $0x40;
	vm12 =	vge.f32 v18, v17;
	v18 =	vor.u32 $0x2B0, v2  }
0x25c: {  	[tilespmem:s0+$0x700] =	vst.msk vm12, v18;
	v18 =	vmpcnt.ones.xlane vm12  }
0x25d: {  	v19 =	vld [tilespmem:$0x2C0]  }
0x25e: {  	(v2sf) =	vpush v18, $0x0;
	_ =	sdelay $0x3  }
0x25f: {  	vm13 =	vge.f32 v19, v17  }
0x260: {  	v18 =	vmpcnt.ones.xlane vm13;
	_ =	sdelay $0x1  }
0x261: {  	(v2sf) =	vpush v18, $0x0;
	_ =	sdelay $0x7  }
0x262: {  	s30 =	spop (v2sf)  }
0x263: {  	s0 =	sadd.s32 s0, s30  }
0x264: {  	p0 =	slt.s32 s0, $0x40  }
0x265: {  	v18 =	vor.u32 $0x2C0, v2;
	s0 =	simm.s32 @!p0 $0x40  }
0x266: {  	[tilespmem:s0+$0x700] =	vst.msk vm13, v18  }
0x267: {  	v18 =	vld [tilespmem:$0x2D0];
	_ =	sdelay $0x1  }
0x268: {  	s31 =	spop (v2sf)  }
0x269: {  	s0 =	sadd.s32 s0, s31  }
0x26a: {  	p0 =	slt.s32 s0, $0x40  }
0x26b: {  	s0 =	simm.s32 @!p0 $0x40;
	vm14 =	vge.f32 v18, v17;
	v18 =	vor.u32 $0x2D0, v2  }
0x26c: {  	[tilespmem:s0+$0x700] =	vst.msk vm14, v18;
	v18 =	vmpcnt.ones.xlane vm14  }
0x26d: {  	v19 =	vld [tilespmem:$0x2E0]  }
0x26e: {  	(v2sf) =	vpush v18, $0x0;
	_ =	sdelay $0x3  }
0x26f: {  	vm15 =	vge.f32 v19, v17  }
0x270: {  	v18 =	vmpcnt.ones.xlane vm15;
	_ =	sdelay $0x1  }
0x271: {  	(v2sf) =	vpush v18, $0x0;
	_ =	sdelay $0x7  }
0x272: {  	s8 =	spop (v2sf)  }
0x273: {  	s0 =	sadd.s32 s0, s8  }
0x274: {  	p0 =	slt.s32 s0, $0x40  }
0x275: {  	v18 =	vor.u32 $0x2E0, v2;
	s0 =	simm.s32 @!p0 $0x40  }
0x276: {  	[tilespmem:s0+$0x700] =	vst.msk vm15, v18  }
0x277: {  	v18 =	vld [tilespmem:$0x2F0];
	_ =	sdelay $0x1  }
0x278: {  	s30 =	spop (v2sf)  }
0x279: {  	s0 =	sadd.s32 s0, s30  }
0x27a: {  	p0 =	slt.s32 s0, $0x40  }
0x27b: {  	s0 =	simm.s32 @!p0 $0x40;
	vm4 =	vge.f32 v18, v17;
	v18 =	vor.u32 $0x2F0, v2  }
0x27c: {  	[tilespmem:s0+$0x700] =	vst.msk vm4, v18;
	v18 =	vmpcnt.ones.xlane vm4  }
0x27d: {  	v19 =	vld [tilespmem:$0x300]  }
0x27e: {  	(v2sf) =	vpush v18, $0x0;
	_ =	sdelay $0x3  }
0x27f: {  	vm5 =	vge.f32 v19, v17  }
0x280: {  	v18 =	vmpcnt.ones.xlane vm5;
	_ =	sdelay $0x1  }
0x281: {  	(v2sf) =	vpush v18, $0x0;
	_ =	sdelay $0x7  }
0x282: {  	s31 =	spop (v2sf)  }
0x283: {  	s0 =	sadd.s32 s0, s31  }
0x284: {  	p0 =	slt.s32 s0, $0x40  }
0x285: {  	v18 =	vor.u32 $0x300, v2;
	s0 =	simm.s32 @!p0 $0x40  }
0x286: {  	[tilespmem:s0+$0x700] =	vst.msk vm5, v18  }
0x287: {  	v18 =	vld [tilespmem:$0x310];
	_ =	sdelay $0x1  }
0x288: {  	s8 =	spop (v2sf)  }
0x289: {  	s0 =	sadd.s32 s0, s8  }
0x28a: {  	p0 =	slt.s32 s0, $0x40  }
0x28b: {  	s0 =	simm.s32 @!p0 $0x40;
	vm6 =	vge.f32 v18, v17;
	v18 =	vor.u32 $0x310, v2  }
0x28c: {  	[tilespmem:s0+$0x700] =	vst.msk vm6, v18;
	v18 =	vmpcnt.ones.xlane vm6  }
0x28d: {  	v19 =	vld [tilespmem:$0x320]  }
0x28e: {  	(v2sf) =	vpush v18, $0x0;
	_ =	sdelay $0x3  }
0x28f: {  	vm7 =	vge.f32 v19, v17  }
0x290: {  	v18 =	vmpcnt.ones.xlane vm7;
	_ =	sdelay $0x1  }
0x291: {  	(v2sf) =	vpush v18, $0x0;
	_ =	sdelay $0x7  }
0x292: {  	s30 =	spop (v2sf)  }
0x293: {  	s0 =	sadd.s32 s0, s30  }
0x294: {  	p0 =	slt.s32 s0, $0x40  }
0x295: {  	v18 =	vor.u32 $0x320, v2;
	s0 =	simm.s32 @!p0 $0x40  }
0x296: {  	[tilespmem:s0+$0x700] =	vst.msk vm7, v18  }
0x297: {  	v18 =	vld [tilespmem:$0x330];
	_ =	sdelay $0x1  }
0x298: {  	s31 =	spop (v2sf)  }
0x299: {  	s0 =	sadd.s32 s0, s31  }
0x29a: {  	p0 =	slt.s32 s0, $0x40  }
0x29b: {  	s0 =	simm.s32 @!p0 $0x40;
	vm8 =	vge.f32 v18, v17;
	v18 =	vor.u32 $0x330, v2  }
0x29c: {  	[tilespmem:s0+$0x700] =	vst.msk vm8, v18;
	v18 =	vmpcnt.ones.xlane vm8  }
0x29d: {  	v19 =	vld [tilespmem:$0x340]  }
0x29e: {  	(v2sf) =	vpush v18, $0x0;
	_ =	sdelay $0x3  }
0x29f: {  	vm9 =	vge.f32 v19, v17  }
0x2a0: {  	v18 =	vmpcnt.ones.xlane vm9;
	_ =	sdelay $0x1  }
0x2a1: {  	(v2sf) =	vpush v18, $0x0;
	_ =	sdelay $0x7  }
0x2a2: {  	s8 =	spop (v2sf)  }
0x2a3: {  	s0 =	sadd.s32 s0, s8  }
0x2a4: {  	p0 =	slt.s32 s0, $0x40  }
0x2a5: {  	v18 =	vor.u32 $0x340, v2;
	s0 =	simm.s32 @!p0 $0x40  }
0x2a6: {  	[tilespmem:s0+$0x700] =	vst.msk vm9, v18  }
0x2a7: {  	v18 =	vld [tilespmem:$0x350];
	_ =	sdelay $0x1  }
0x2a8: {  	s30 =	spop (v2sf)  }
0x2a9: {  	s0 =	sadd.s32 s0, s30  }
0x2aa: {  	p0 =	slt.s32 s0, $0x40  }
0x2ab: {  	s0 =	simm.s32 @!p0 $0x40;
	vm10 =	vge.f32 v18, v17;
	v18 =	vor.u32 $0x350, v2  }
0x2ac: {  	[tilespmem:s0+$0x700] =	vst.msk vm10, v18;
	v18 =	vmpcnt.ones.xlane vm10  }
0x2ad: {  	v19 =	vld [tilespmem:$0x360]  }
0x2ae: {  	(v2sf) =	vpush v18, $0x0;
	_ =	sdelay $0x3  }
0x2af: {  	vm11 =	vge.f32 v19, v17  }
0x2b0: {  	v18 =	vmpcnt.ones.xlane vm11;
	_ =	sdelay $0x1  }
0x2b1: {  	(v2sf) =	vpush v18, $0x0;
	_ =	sdelay $0x7  }
0x2b2: {  	s31 =	spop (v2sf)  }
0x2b3: {  	s0 =	sadd.s32 s0, s31  }
0x2b4: {  	p0 =	slt.s32 s0, $0x40  }
0x2b5: {  	v18 =	vor.u32 $0x360, v2;
	s0 =	simm.s32 @!p0 $0x40  }
0x2b6: {  	[tilespmem:s0+$0x700] =	vst.msk vm11, v18  }
0x2b7: {  	v19 =	vld [tilespmem:$0x370];
	_ =	sdelay $0x1  }
0x2b8: {  	v18 =	vshrl.u32 v2, $0x3;
	s8 =	spop (v2sf)  }
0x2b9: {  	s29 =	sadd.s32 s0, s8  }
0x2ba: {  	p0 =	slt.s32 s29, $0x40  }
0x2bb: {  	s29 =	simm.s32 @!p0 $0x40;
	vm0 =	vge.f32 v19, v17;
	v19 =	vor.u32 $0x370, v2  }
0x2bc: {  	[tilespmem:s29+$0x700] =	vst.msk vm0, v19  }
0x2bd: {  	v19 =	vld.idx.msk [tilespmem:v18+s10+$0x0], $0xffff;
	_ =	sdelay $0x4  }
0x2be: {  	vm12 =	vgt.s32 v19, $0x0  }
0x2bf: {  	s30 =	smul.u32 $0x186A, s28;
	v19 =	vnsel vm12, $0x0, v19  }
0x2c0: {  	v31 =	vand.u32 $0x7, v2;
	v19 =	vmin.u32 v19, $0x30D  }
0x2c1: {  	v33 =	vor.u32 $0x2, v18;
	v32 =	vshll.u32 v19, $0x3;
	v19 =	vadd.s32 s30, v31  }
0x2c2: {  	v21 =	vadd.s32 v32, v19  }
0x2c3: {  	vm13 =	vlt.s32 v21, $0x1869FF  }
0x2c4: {  	v21 =	vnsel vm13, $0x1869FF, v21  }
0x2c5: {  	[tilespmem:$0x750] =	vst v21  }
0x2c6: {  	v20 =	vld.idx.msk [tilespmem:v33+s10+$0x0], $0xffff;
	_ =	sdelay $0x4  }
0x2c7: {  	vm14 =	vgt.s32 v20, $0x0  }
0x2c8: {  	v20 =	vnsel vm14, $0x0, v20  }
0x2c9: {  	v20 =	vmin.u32 v20, $0x30D  }
0x2ca: {  	v34 =	vor.u32 $0x4, v18;
	v20 =	vshll.u32 v20, $0x3  }
0x2cb: {  	v20 =	vadd.s32 v20, v19  }
0x2cc: {  	vm15 =	vlt.s32 v20, $0x1869FF  }
0x2cd: {  	v20 =	vnsel vm15, $0x1869FF, v20  }
0x2ce: {  	[tilespmem:$0x760] =	vst v20  }
0x2cf: {  	v20 =	vld.idx.msk [tilespmem:v34+s10+$0x0], $0xffff;
	_ =	sdelay $0x4  }
0x2d0: {  	vm4 =	vgt.s32 v20, $0x0  }
0x2d1: {  	v20 =	vnsel vm4, $0x0, v20  }
0x2d2: {  	v20 =	vmin.u32 v20, $0x30D  }
0x2d3: {  	v35 =	vor.u32 $0x6, v18;
	v20 =	vshll.u32 v20, $0x3  }
0x2d4: {  	v20 =	vadd.s32 v20, v19  }
0x2d5: {  	vm5 =	vlt.s32 v20, $0x1869FF  }
0x2d6: {  	v20 =	vnsel vm5, $0x1869FF, v20  }
0x2d7: {  	[tilespmem:$0x770] =	vst v20  }
0x2d8: {  	v20 =	vld.idx.msk [tilespmem:v35+s10+$0x0], $0xffff;
	_ =	sdelay $0x4  }
0x2d9: {  	vm6 =	vgt.s32 v20, $0x0  }
0x2da: {  	v20 =	vnsel vm6, $0x0, v20  }
0x2db: {  	v20 =	vmin.u32 v20, $0x30D  }
0x2dc: {  	v36 =	vor.u32 $0x8, v18;
	v20 =	vshll.u32 v20, $0x3  }
0x2dd: {  	v20 =	vadd.s32 v20, v19  }
0x2de: {  	vm7 =	vlt.s32 v20, $0x1869FF  }
0x2df: {  	v20 =	vnsel vm7, $0x1869FF, v20  }
0x2e0: {  	[tilespmem:$0x780] =	vst v20  }
0x2e1: {  	v20 =	vld.idx.msk [tilespmem:v36+s10+$0x0], $0xffff;
	_ =	sdelay $0x4  }
0x2e2: {  	vm8 =	vgt.s32 v20, $0x0  }
0x2e3: {  	v20 =	vnsel vm8, $0x0, v20  }
0x2e4: {  	v20 =	vmin.u32 v20, $0x30D  }
0x2e5: {  	v37 =	vor.u32 $0xA, v18;
	v20 =	vshll.u32 v20, $0x3  }
0x2e6: {  	v20 =	vadd.s32 v20, v19  }
0x2e7: {  	vm9 =	vlt.s32 v20, $0x1869FF  }
0x2e8: {  	v20 =	vnsel vm9, $0x1869FF, v20  }
0x2e9: {  	[tilespmem:$0x790] =	vst v20  }
0x2ea: {  	v20 =	vld.idx.msk [tilespmem:v37+s10+$0x0], $0xffff;
	_ =	sdelay $0x4  }
0x2eb: {  	vm10 =	vgt.s32 v20, $0x0  }
0x2ec: {  	v20 =	vnsel vm10, $0x0, v20  }
0x2ed: {  	v20 =	vmin.u32 v20, $0x30D  }
0x2ee: {  	v38 =	vor.u32 $0xC, v18;
	v20 =	vshll.u32 v20, $0x3  }
0x2ef: {  	v20 =	vadd.s32 v20, v19  }
0x2f0: {  	vm11 =	vlt.s32 v20, $0x1869FF  }
0x2f1: {  	v20 =	vnsel vm11, $0x1869FF, v20  }
0x2f2: {  	[tilespmem:$0x7A0] =	vst v20  }
0x2f3: {  	v20 =	vld.idx.msk [tilespmem:v38+s10+$0x0], $0xffff;
	_ =	sdelay $0x4  }
0x2f4: {  	vm12 =	vgt.s32 v20, $0x0  }
0x2f5: {  	v20 =	vnsel vm12, $0x0, v20  }
0x2f6: {  	v20 =	vmin.u32 v20, $0x30D  }
0x2f7: {  	v39 =	vor.u32 $0xE, v18;
	v20 =	vshll.u32 v20, $0x3  }
0x2f8: {  	v20 =	vadd.s32 v20, v19  }
0x2f9: {  	vm13 =	vlt.s32 v20, $0x1869FF  }
0x2fa: {  	v20 =	vnsel vm13, $0x1869FF, v20  }
0x2fb: {  	[tilespmem:$0x7B0] =	vst v20  }
0x2fc: {  	v20 =	vld.idx.msk [tilespmem:v39+s10+$0x0], $0xffff;
	_ =	sdelay $0x4  }
0x2fd: {  	vm14 =	vgt.s32 v20, $0x0  }
0x2fe: {  	v20 =	vnsel vm14, $0x0, v20  }
0x2ff: {  	v20 =	vmin.u32 v20, $0x30D  }
0x300: {  	v40 =	vor.u32 $0x10, v18;
	v20 =	vshll.u32 v20, $0x3  }
0x301: {  	v20 =	vadd.s32 v20, v19  }
0x302: {  	vm15 =	vlt.s32 v20, $0x1869FF  }
0x303: {  	v20 =	vnsel vm15, $0x1869FF, v20  }
0x304: {  	[tilespmem:$0x7C0] =	vst v20  }
0x305: {  	v20 =	vld.idx.msk [tilespmem:v40+s10+$0x0], $0xffff;
	_ =	sdelay $0x4  }
0x306: {  	vm4 =	vgt.s32 v20, $0x0  }
0x307: {  	v20 =	vnsel vm4, $0x0, v20  }
0x308: {  	v20 =	vmin.u32 v20, $0x30D  }
0x309: {  	v41 =	vor.u32 $0x12, v18;
	v20 =	vshll.u32 v20, $0x3  }
0x30a: {  	v20 =	vadd.s32 v20, v19  }
0x30b: {  	vm5 =	vlt.s32 v20, $0x1869FF  }
0x30c: {  	v20 =	vnsel vm5, $0x1869FF, v20  }
0x30d: {  	[tilespmem:$0x7D0] =	vst v20  }
0x30e: {  	v20 =	vld.idx.msk [tilespmem:v41+s10+$0x0], $0xffff;
	_ =	sdelay $0x4  }
0x30f: {  	vm6 =	vgt.s32 v20, $0x0  }
0x310: {  	v20 =	vnsel vm6, $0x0, v20  }
0x311: {  	v20 =	vmin.u32 v20, $0x30D  }
0x312: {  	v42 =	vor.u32 $0x14, v18;
	v20 =	vshll.u32 v20, $0x3  }
0x313: {  	v20 =	vadd.s32 v20, v19  }
0x314: {  	vm7 =	vlt.s32 v20, $0x1869FF  }
0x315: {  	v20 =	vnsel vm7, $0x1869FF, v20  }
0x316: {  	[tilespmem:$0x7E0] =	vst v20  }
0x317: {  	v20 =	vld.idx.msk [tilespmem:v42+s10+$0x0], $0xffff;
	_ =	sdelay $0x4  }
0x318: {  	vm8 =	vgt.s32 v20, $0x0  }
0x319: {  	v20 =	vnsel vm8, $0x0, v20  }
0x31a: {  	v20 =	vmin.u32 v20, $0x30D  }
0x31b: {  	v43 =	vor.u32 $0x16, v18;
	v20 =	vshll.u32 v20, $0x3  }
0x31c: {  	v20 =	vadd.s32 v20, v19  }
0x31d: {  	vm9 =	vlt.s32 v20, $0x1869FF  }
0x31e: {  	v20 =	vnsel vm9, $0x1869FF, v20  }
0x31f: {  	[tilespmem:$0x7F0] =	vst v20  }
0x320: {  	v20 =	vld.idx.msk [tilespmem:v43+s10+$0x0], $0xffff;
	_ =	sdelay $0x4  }
0x321: {  	vm10 =	vgt.s32 v20, $0x0  }
0x322: {  	v20 =	vnsel vm10, $0x0, v20  }
0x323: {  	v20 =	vmin.u32 v20, $0x30D  }
0x324: {  	v44 =	vor.u32 $0x18, v18;
	v20 =	vshll.u32 v20, $0x3  }
0x325: {  	v20 =	vadd.s32 v20, v19  }
0x326: {  	vm11 =	vlt.s32 v20, $0x1869FF  }
0x327: {  	v20 =	vnsel vm11, $0x1869FF, v20  }
0x328: {  	[tilespmem:$0x800] =	vst v20  }
0x329: {  	v20 =	vld.idx.msk [tilespmem:v44+s10+$0x0], $0xffff;
	_ =	sdelay $0x4  }
0x32a: {  	vm12 =	vgt.s32 v20, $0x0  }
0x32b: {  	v20 =	vnsel vm12, $0x0, v20  }
0x32c: {  	v20 =	vmin.u32 v20, $0x30D  }
0x32d: {  	v45 =	vor.u32 $0x1A, v18;
	v20 =	vshll.u32 v20, $0x3  }
0x32e: {  	v20 =	vadd.s32 v20, v19  }
0x32f: {  	vm13 =	vlt.s32 v20, $0x1869FF  }
0x330: {  	v20 =	vnsel vm13, $0x1869FF, v20  }
0x331: {  	[tilespmem:$0x810] =	vst v20  }
0x332: {  	v20 =	vld.idx.msk [tilespmem:v45+s10+$0x0], $0xffff;
	_ =	sdelay $0x4  }
0x333: {  	vm14 =	vgt.s32 v20, $0x0  }
0x334: {  	v20 =	vnsel vm14, $0x0, v20  }
0x335: {  	v20 =	vmin.u32 v20, $0x30D  }
0x336: {  	v46 =	vor.u32 $0x1C, v18;
	v20 =	vshll.u32 v20, $0x3  }
0x337: {  	v20 =	vadd.s32 v20, v19  }
0x338: {  	vm15 =	vlt.s32 v20, $0x1869FF  }
0x339: {  	v20 =	vnsel vm15, $0x1869FF, v20  }
0x33a: {  	[tilespmem:$0x820] =	vst v20  }
0x33b: {  	v20 =	vld.idx.msk [tilespmem:v46+s10+$0x0], $0xffff;
	_ =	sdelay $0x4  }
0x33c: {  	vm4 =	vgt.s32 v20, $0x0  }
0x33d: {  	v20 =	vnsel vm4, $0x0, v20  }
0x33e: {  	v20 =	vmin.u32 v20, $0x30D  }
0x33f: {  	v47 =	vor.u32 $0x1E, v18;
	v20 =	vshll.u32 v20, $0x3  }
0x340: {  	v20 =	vadd.s32 v20, v19  }
0x341: {  	vm5 =	vlt.s32 v20, $0x1869FF  }
0x342: {  	v20 =	vnsel vm5, $0x1869FF, v20  }
0x343: {  	[tilespmem:$0x830] =	vst v20  }
0x344: {  	v20 =	vld.idx.msk [tilespmem:v47+s10+$0x0], $0xffff;
	_ =	sdelay $0x4  }
0x345: {  	vm6 =	vgt.s32 v20, $0x0  }
0x346: {  	v20 =	vnsel vm6, $0x0, v20  }
0x347: {  	v20 =	vmin.u32 v20, $0x30D  }
0x348: {  	v48 =	vor.u32 $0x20, v18;
	v20 =	vshll.u32 v20, $0x3  }
0x349: {  	v20 =	vadd.s32 v20, v19  }
0x34a: {  	vm7 =	vlt.s32 v20, $0x1869FF  }
0x34b: {  	v20 =	vnsel vm7, $0x1869FF, v20  }
0x34c: {  	[tilespmem:$0x840] =	vst v20  }
0x34d: {  	v20 =	vld.idx.msk [tilespmem:v48+s10+$0x0], $0xffff;
	_ =	sdelay $0x4  }
0x34e: {  	vm8 =	vgt.s32 v20, $0x0  }
0x34f: {  	v20 =	vnsel vm8, $0x0, v20  }
0x350: {  	v20 =	vmin.u32 v20, $0x30D  }
0x351: {  	v49 =	vor.u32 $0x22, v18;
	v20 =	vshll.u32 v20, $0x3  }
0x352: {  	v20 =	vadd.s32 v20, v19  }
0x353: {  	vm9 =	vlt.s32 v20, $0x1869FF  }
0x354: {  	v20 =	vnsel vm9, $0x1869FF, v20  }
0x355: {  	[tilespmem:$0x850] =	vst v20  }
0x356: {  	v20 =	vld.idx.msk [tilespmem:v49+s10+$0x0], $0xffff;
	_ =	sdelay $0x4  }
0x357: {  	vm10 =	vgt.s32 v20, $0x0  }
0x358: {  	v20 =	vnsel vm10, $0x0, v20  }
0x359: {  	v20 =	vmin.u32 v20, $0x30D  }
0x35a: {  	v50 =	vor.u32 $0x24, v18;
	v20 =	vshll.u32 v20, $0x3  }
0x35b: {  	v20 =	vadd.s32 v20, v19  }
0x35c: {  	vm11 =	vlt.s32 v20, $0x1869FF  }
0x35d: {  	v20 =	vnsel vm11, $0x1869FF, v20  }
0x35e: {  	[tilespmem:$0x860] =	vst v20  }
0x35f: {  	v20 =	vld.idx.msk [tilespmem:v50+s10+$0x0], $0xffff;
	_ =	sdelay $0x4  }
0x360: {  	vm12 =	vgt.s32 v20, $0x0  }
0x361: {  	v20 =	vnsel vm12, $0x0, v20  }
0x362: {  	v20 =	vmin.u32 v20, $0x30D  }
0x363: {  	v51 =	vor.u32 $0x26, v18;
	v20 =	vshll.u32 v20, $0x3  }
0x364: {  	v20 =	vadd.s32 v20, v19  }
0x365: {  	vm13 =	vlt.s32 v20, $0x1869FF  }
0x366: {  	v20 =	vnsel vm13, $0x1869FF, v20  }
0x367: {  	[tilespmem:$0x870] =	vst v20  }
0x368: {  	v20 =	vld.idx.msk [tilespmem:v51+s10+$0x0], $0xffff;
	_ =	sdelay $0x4  }
0x369: {  	vm14 =	vgt.s32 v20, $0x0  }
0x36a: {  	v20 =	vnsel vm14, $0x0, v20  }
0x36b: {  	v20 =	vmin.u32 v20, $0x30D  }
0x36c: {  	v52 =	vor.u32 $0x28, v18;
	v20 =	vshll.u32 v20, $0x3  }
0x36d: {  	v20 =	vadd.s32 v20, v19  }
0x36e: {  	vm15 =	vlt.s32 v20, $0x1869FF  }
0x36f: {  	v20 =	vnsel vm15, $0x1869FF, v20  }
0x370: {  	[tilespmem:$0x880] =	vst v20  }
0x371: {  	v20 =	vld.idx.msk [tilespmem:v52+s10+$0x0], $0xffff;
	_ =	sdelay $0x4  }
0x372: {  	vm4 =	vgt.s32 v20, $0x0  }
0x373: {  	v20 =	vnsel vm4, $0x0, v20  }
0x374: {  	v20 =	vmin.u32 v20, $0x30D  }
0x375: {  	v53 =	vor.u32 $0x2A, v18;
	v20 =	vshll.u32 v20, $0x3  }
0x376: {  	v20 =	vadd.s32 v20, v19  }
0x377: {  	vm5 =	vlt.s32 v20, $0x1869FF  }
0x378: {  	v20 =	vnsel vm5, $0x1869FF, v20  }
0x379: {  	[tilespmem:$0x890] =	vst v20  }
0x37a: {  	v20 =	vld.idx.msk [tilespmem:v53+s10+$0x0], $0xffff;
	_ =	sdelay $0x4  }
0x37b: {  	vm6 =	vgt.s32 v20, $0x0  }
0x37c: {  	v20 =	vnsel vm6, $0x0, v20  }
0x37d: {  	v20 =	vmin.u32 v20, $0x30D  }
0x37e: {  	v54 =	vor.u32 $0x2C, v18;
	v20 =	vshll.u32 v20, $0x3  }
0x37f: {  	v20 =	vadd.s32 v20, v19  }
0x380: {  	vm7 =	vlt.s32 v20, $0x1869FF  }
0x381: {  	v20 =	vnsel vm7, $0x1869FF, v20  }
0x382: {  	[tilespmem:$0x8A0] =	vst v20  }
0x383: {  	v20 =	vld.idx.msk [tilespmem:v54+s10+$0x0], $0xffff;
	_ =	sdelay $0x4  }
0x384: {  	vm8 =	vgt.s32 v20, $0x0  }
0x385: {  	v20 =	vnsel vm8, $0x0, v20  }
0x386: {  	v20 =	vmin.u32 v20, $0x30D  }
0x387: {  	v55 =	vor.u32 $0x2E, v18;
	v20 =	vshll.u32 v20, $0x3  }
0x388: {  	v20 =	vadd.s32 v20, v19  }
0x389: {  	vm9 =	vlt.s32 v20, $0x1869FF  }
0x38a: {  	v20 =	vnsel vm9, $0x1869FF, v20  }
0x38b: {  	[tilespmem:$0x8B0] =	vst v20  }
0x38c: {  	v20 =	vld.idx.msk [tilespmem:v55+s10+$0x0], $0xffff;
	_ =	sdelay $0x4  }
0x38d: {  	vm10 =	vgt.s32 v20, $0x0  }
0x38e: {  	v20 =	vnsel vm10, $0x0, v20  }
0x38f: {  	v20 =	vmin.u32 v20, $0x30D  }
0x390: {  	v56 =	vor.u32 $0x30, v18;
	v20 =	vshll.u32 v20, $0x3  }
0x391: {  	v20 =	vadd.s32 v20, v19  }
0x392: {  	vm11 =	vlt.s32 v20, $0x1869FF  }
0x393: {  	v20 =	vnsel vm11, $0x1869FF, v20  }
0x394: {  	[tilespmem:$0x8C0] =	vst v20  }
0x395: {  	v20 =	vld.idx.msk [tilespmem:v56+s10+$0x0], $0xffff;
	_ =	sdelay $0x4  }
0x396: {  	vm12 =	vgt.s32 v20, $0x0  }
0x397: {  	v20 =	vnsel vm12, $0x0, v20  }
0x398: {  	v20 =	vmin.u32 v20, $0x30D  }
0x399: {  	v57 =	vor.u32 $0x32, v18;
	v20 =	vshll.u32 v20, $0x3  }
0x39a: {  	v20 =	vadd.s32 v20, v19  }
0x39b: {  	vm13 =	vlt.s32 v20, $0x1869FF  }
0x39c: {  	v20 =	vnsel vm13, $0x1869FF, v20  }
0x39d: {  	[tilespmem:$0x8D0] =	vst v20  }
0x39e: {  	v20 =	vld.idx.msk [tilespmem:v57+s10+$0x0], $0xffff;
	_ =	sdelay $0x4  }
0x39f: {  	vm14 =	vgt.s32 v20, $0x0  }
0x3a0: {  	v20 =	vnsel vm14, $0x0, v20  }
0x3a1: {  	v20 =	vmin.u32 v20, $0x30D  }
0x3a2: {  	v58 =	vor.u32 $0x34, v18;
	v20 =	vshll.u32 v20, $0x3  }
0x3a3: {  	v20 =	vadd.s32 v20, v19  }
0x3a4: {  	vm15 =	vlt.s32 v20, $0x1869FF  }
0x3a5: {  	v20 =	vnsel vm15, $0x1869FF, v20  }
0x3a6: {  	[tilespmem:$0x8E0] =	vst v20  }
0x3a7: {  	v20 =	vld.idx.msk [tilespmem:v58+s10+$0x0], $0xffff;
	_ =	sdelay $0x4  }
0x3a8: {  	vm4 =	vgt.s32 v20, $0x0  }
0x3a9: {  	v20 =	vnsel vm4, $0x0, v20  }
0x3aa: {  	v20 =	vmin.u32 v20, $0x30D  }
0x3ab: {  	v59 =	vor.u32 $0x36, v18;
	v20 =	vshll.u32 v20, $0x3  }
0x3ac: {  	v20 =	vadd.s32 v20, v19  }
0x3ad: {  	vm5 =	vlt.s32 v20, $0x1869FF  }
0x3ae: {  	v20 =	vnsel vm5, $0x1869FF, v20  }
0x3af: {  	[tilespmem:$0x8F0] =	vst v20  }
0x3b0: {  	v20 =	vld.idx.msk [tilespmem:v59+s10+$0x0], $0xffff;
	_ =	sdelay $0x4  }
0x3b1: {  	vm6 =	vgt.s32 v20, $0x0  }
0x3b2: {  	v20 =	vnsel vm6, $0x0, v20  }
0x3b3: {  	v20 =	vmin.u32 v20, $0x30D  }
0x3b4: {  	v60 =	vor.u32 $0x38, v18;
	v20 =	vshll.u32 v20, $0x3  }
0x3b5: {  	v20 =	vadd.s32 v20, v19  }
0x3b6: {  	vm7 =	vlt.s32 v20, $0x1869FF  }
0x3b7: {  	v20 =	vnsel vm7, $0x1869FF, v20  }
0x3b8: {  	[tilespmem:$0x900] =	vst v20  }
0x3b9: {  	v20 =	vld.idx.msk [tilespmem:v60+s10+$0x0], $0xffff;
	_ =	sdelay $0x4  }
0x3ba: {  	vm8 =	vgt.s32 v20, $0x0  }
0x3bb: {  	v20 =	vnsel vm8, $0x0, v20  }
0x3bc: {  	v20 =	vmin.u32 v20, $0x30D  }
0x3bd: {  	v61 =	vor.u32 $0x3A, v18;
	v20 =	vshll.u32 v20, $0x3  }
0x3be: {  	v20 =	vadd.s32 v20, v19  }
0x3bf: {  	vm9 =	vlt.s32 v20, $0x1869FF  }
0x3c0: {  	v20 =	vnsel vm9, $0x1869FF, v20  }
0x3c1: {  	[tilespmem:$0x910] =	vst v20  }
0x3c2: {  	v20 =	vld.idx.msk [tilespmem:v61+s10+$0x0], $0xffff;
	_ =	sdelay $0x4  }
0x3c3: {  	vm10 =	vgt.s32 v20, $0x0  }
0x3c4: {  	v20 =	vnsel vm10, $0x0, v20  }
0x3c5: {  	v20 =	vmin.u32 v20, $0x30D  }
0x3c6: {  	v62 =	vor.u32 $0x3C, v18;
	v20 =	vshll.u32 v20, $0x3  }
0x3c7: {  	v20 =	vadd.s32 v20, v19  }
0x3c8: {  	vm11 =	vlt.s32 v20, $0x1869FF  }
0x3c9: {  	v20 =	vnsel vm11, $0x1869FF, v20  }
0x3ca: {  	[tilespmem:$0x920] =	vst v20  }
0x3cb: {  	v20 =	vld.idx.msk [tilespmem:v62+s10+$0x0], $0xffff;
	_ =	sdelay $0x4  }
0x3cc: {  	vm12 =	vgt.s32 v20, $0x0  }
0x3cd: {  	v20 =	vnsel vm12, $0x0, v20  }
0x3ce: {  	v20 =	vmin.u32 v20, $0x30D  }
0x3cf: {  	v18 =	vor.u32 $0x3E, v18;
	v20 =	vshll.u32 v20, $0x3  }
0x3d0: {  	v20 =	vadd.s32 v20, v19  }
0x3d1: {  	vm13 =	vlt.s32 v20, $0x1869FF  }
0x3d2: {  	v20 =	vnsel vm13, $0x1869FF, v20  }
0x3d3: {  	[tilespmem:$0x930] =	vst v20  }
0x3d4: {  	v18 =	vld.idx.msk [tilespmem:v18+s10+$0x0], $0xffff  }
0x3d5: {  	v63 =	vmpcnt.ones.xlane vm0;
	_ =	sdelay $0x1  }
0x3d6: {  	(v2sf) =	vpush v63, $0x0;
	_ =	sdelay $0x1  }
0x3d7: {  	vm14 =	vgt.s32 v18, $0x0  }
0x3d8: {  	v18 =	vnsel vm14, $0x0, v18  }
0x3d9: {  	v18 =	vmin.u32 v18, $0x30D  }
0x3da: {  	v18 =	vshll.u32 v18, $0x3  }
0x3db: {  	v18 =	vadd.s32 v18, v19  }
0x3dc: {  	vm15 =	vlt.s32 v18, $0x1869FF  }
0x3dd: {  	v18 =	vnsel vm15, $0x1869FF, v18  }
0x3de: {  	[tilespmem:$0x940] =	vst v18  }
0x3df: {  	[tilespmem:s13], [sflag:$0x1] =	stream.indirect.gather [hbm4b:s1+s11], $0x10, s12, s11, $0xb8;
	[tilespmem:$0x2C70] =	vst v63  }
0x3e0: {  	_ = 	snop  }
0x3e1: {  	[tilespmem:s15], [sflag:$0x1] =	stream.indirect.gather [hbm4b:s1+s11], $0x10, s14, s11, $0xb8;
	[tilespmem:$0x2C70] =	vst v63  }
0x3e2: {  	_ = 	snop  }
0x3e3: {  	[tilespmem:s17], [sflag:$0x1] =	stream.indirect.gather [hbm4b:s1+s11], $0x10, s16, s11, $0xb8;
	[tilespmem:$0x2C70] =	vst v63  }
0x3e4: {  	s31 =	spop (v2sf)  }
0x3e5: {  	[tilespmem:s19], [sflag:$0x1] =	stream.indirect.gather [hbm4b:s1+s11], $0x10, s18, s11, $0xb8;
	[tilespmem:$0x2C70] =	vst v63  }
0x3e6: {  	_ =	swait.ge [sflag:s20], $0x800  }
0x3e7: {  	[sflag:s20] =	ssyncset.done $0x0  }
0x3e8: {  	s0 =	sadd.s32 s29, s31;
	[sflag:s20] =	ssyncadd.s32 $0xFFFFF800  }
0x3e9: {  	p0 =	slt.s32 s0, $0x40;
	_ =	swait.ge [sflag:s20], $0x800  }
0x3ea: {  	s0 =	simm.s32 @!p0 $0x40;
	[sflag:s20] =	ssyncset.done $0x0  }
0x3eb: {  	s3 =	sshll.u32 s0, $0x1;
	[sflag:s20] =	ssyncadd.s32 $0xFFFFF800  }
0x3ec: {  	p0 =	slt.s32 s3, $0x1;
	_ =	swait.ge [sflag:s20], $0x800  }
.Ltmp5:
0x3ed: {  	[sflag:s20] =	ssyncset.done $0x0;
	(pc) =	sbr.rel @p0 .LBB2_10-.Ltmp5, $4  }
0x3ee: {  	[sflag:s20] =	ssyncadd.s32 $0xFFFFF800  }
0x3ef: {  	_ =	swait.ge [sflag:s20], $0x800  }
0x3f0: {  	[sflag:s20] =	ssyncset.done $0x0  }
0x3f1: {  	s29 =	simm.s32 $0x0;
	[sflag:s20] =	ssyncadd.s32 $0xFFFFF800  }
0x3f2: {  	p1 =	sne.s32 s3, $0x1  }
.Ltmp6:
0x3f3: {  	_ = 	snop;
	(pc) =	sbr.rel @!p1 .LBB2_6-.Ltmp6, $3  }
0x3f4: {  	_ =	sdelay $0x1  }
0x3f5: {  	s0 =	simm.s32 $0x30;
	s30 =	simm.s32 $0x970  }
0x3f6: {  	s3 =	sadd.s32 $0xFFFFFFFF, s3;
	s8 =	simm.s32 $0x0;
	p0 =	por $0x0, $0x0;
	v18 =	vld [tilespmem:s30+$0xFFFFFFE0]  }
0x3f7: {  	_ =	sdelay $0x3  }
0x3f8: {  	vm0 =	vge.f32 v18, v17;
	v18 =	vor.u32 s8, v2  }
0x3f9: {  	[tilespmem:s29+$0x2950] =	vst.msk vm0, v18;
	v18 =	vmpcnt.ones.xlane vm0  }
0x3fa: {  	v19 =	vld [tilespmem:s30+$0xFFFFFFF0]  }
0x3fb: {  	(v2sf) =	vpush v18, $0x0;
	_ =	sdelay $0x3  }
0x3fc: {  	vm13 =	vge.f32 v19, v17  }
0x3fd: {  	v18 =	vmpcnt.ones.xlane vm13;
	_ =	sdelay $0x1  }
0x3fe: {  	(v2sf) =	vpush v18, $0x0;
	_ =	sdelay $0x7  }
0x3ff: {  	s8 =	spop (v2sf)  }
0x400: {  	s8 =	sadd.s32 $0x0, s8  }
0x401: {  	s31 =	simm.s32 $0x10;
	p0 =	slt.s32 s8, $0xF0  }
0x402: {  	v18 =	vor.u32 s31, v2;
	s8 =	simm.s32 @!p0 $0xF0  }
0x403: {  	[tilespmem:s8+$0x2950] =	vst.msk vm13, v18  }
0x404: {  	v18 =	vld [tilespmem:s30+$0x0];
	_ =	sdelay $0x1  }
0x405: {  	s31 =	spop (v2sf)  }
0x406: {  	s8 =	sadd.s32 s8, s31  }
0x407: {  	s31 =	simm.s32 $0x20;
	p0 =	slt.s32 s8, $0xF0  }
0x408: {  	s8 =	simm.s32 @!p0 $0xF0;
	vm14 =	vge.f32 v18, v17;
	v18 =	vor.u32 s31, v2  }
0x409: {  	[tilespmem:s8+$0x2950] =	vst.msk vm14, v18;
	v19 =	vmpcnt.ones.xlane vm14  }
0x40a: {  	v18 =	vld [tilespmem:s30+$0x10]  }
0x40b: {  	(v2sf) =	vpush v19, $0x0;
	_ =	sdelay $0x3  }
0x40c: {  	vm15 =	vge.f32 v18, v17  }
0x40d: {  	v18 =	vmpcnt.ones.xlane vm15;
	_ =	sdelay $0x1  }
0x40e: {  	(v2sf) =	vpush v18, $0x0;
	_ =	sdelay $0x7  }
0x40f: {  	s30 =	spop (v2sf)  }
0x410: {  	s8 =	sadd.s32 s8, s30  }
0x411: {  	p0 =	slt.s32 s8, $0xF0  }
0x412: {  	v18 =	vor.u32 s0, v2;
	s8 =	simm.s32 @!p0 $0xF0  }
0x413: {  	p1 =	sne.s32 s3, $0x1;
	s30 =	simm.s32 $0x9B0;
	[tilespmem:s8+$0x2950] =	vst.msk vm15, v18  }
.Ltmp7:
0x414: {  	v18 =	vld [tilespmem:s30+$0xFFFFFFE0];
	(pc) =	sbr.rel @!p1 .LBB2_9-.Ltmp7, $4  }
0x415: {  	_ = 	snop  }
0x416: {  	s31 =	sadd.s32 $0xFFFFFFFF, s3;
	s3 =	spop (v2sf)  }
0x417: {  	s0 =	simm.s32 $0x70;
	s3 =	sadd.s32 s8, s3  }
0x418: {  	p0 =	por $0x1, $0x1;
	s8 =	simm.s32 $0x40;
	p2 =	slt.s32 s3, $0xF0  }
.LBB2_8:
0x419: {  	p1 =	sne.s32 s31, $0x1;
	s31 =	sadd.s32 $0xFFFFFFFF, s31;
	vm0 =	vge.f32 v18, v17;
	v18 =	vor.u32 s8, v2;
	s3 =	simm.s32 @!p2 $0xF0  }
0x41a: {  	[tilespmem:s3+$0x2950] =	vst.msk vm0, v18;
	v18 =	vmpcnt.ones.xlane vm0  }
0x41b: {  	v19 =	vld [tilespmem:s30+$0xFFFFFFF0]  }
0x41c: {  	(v2sf) =	vpush v18, $0x0;
	_ =	sdelay $0x3  }
0x41d: {  	vm0 =	vge.f32 v19, v17  }
0x41e: {  	v18 =	vmpcnt.ones.xlane vm0;
	_ =	sdelay $0x1  }
0x41f: {  	(v2sf) =	vpush v18, $0x0;
	_ =	sdelay $0x7  }
0x420: {  	s8 =	spop (v2sf)  }
0x421: {  	s3 =	sadd.s32 s3, s8  }
0x422: {  	s8 =	sadd.s32 $0xFFFFFFE0, s0;
	p2 =	slt.s32 s3, $0xF0  }
0x423: {  	v18 =	vor.u32 s8, v2;
	s3 =	simm.s32 @!p2 $0xF0  }
0x424: {  	[tilespmem:s3+$0x2950] =	vst.msk vm0, v18  }
0x425: {  	v18 =	vld [tilespmem:s30+$0x0];
	_ =	sdelay $0x1  }
0x426: {  	s8 =	spop (v2sf)  }
0x427: {  	s3 =	sadd.s32 s3, s8  }
0x428: {  	s8 =	sadd.s32 $0xFFFFFFF0, s0;
	p2 =	slt.s32 s3, $0xF0  }
0x429: {  	s3 =	simm.s32 @!p2 $0xF0;
	vm0 =	vge.f32 v18, v17;
	v18 =	vor.u32 s8, v2  }
0x42a: {  	[tilespmem:s3+$0x2950] =	vst.msk vm0, v18;
	v18 =	vmpcnt.ones.xlane vm0  }
0x42b: {  	v19 =	vld [tilespmem:s30+$0x10]  }
0x42c: {  	(v2sf) =	vpush v18, $0x0;
	_ =	sdelay $0x3  }
0x42d: {  	vm0 =	vge.f32 v19, v17  }
0x42e: {  	v18 =	vmpcnt.ones.xlane vm0;
	_ =	sdelay $0x1  }
0x42f: {  	(v2sf) =	vpush v18, $0x0;
	_ =	sdelay $0x7  }
0x430: {  	s8 =	spop (v2sf)  }
0x431: {  	s3 =	sadd.s32 s3, s8  }
0x432: {  	p2 =	slt.s32 s3, $0xF0  }
0x433: {  	v18 =	vor.u32 s0, v2;
	s3 =	simm.s32 @!p2 $0xF0  }
0x434: {  	s30 =	sadd.s32 $0x40, s30;
	[tilespmem:s3+$0x2950] =	vst.msk vm0, v18  }
.Ltmp8:
0x435: {  	v18 =	vld [tilespmem:s30+$0xFFFFFFE0];
	(pc) =	sbr.rel @p1 .LBB2_8-.Ltmp8, $4  }
0x436: {  	_ = 	snop  }
0x437: {  	s8 =	spop (v2sf)  }
0x438: {  	s0 =	sadd.s32 $0x40, s0;
	s3 =	sadd.s32 s3, s8  }
0x439: {  	s8 =	sadd.s32 $0xFFFFFFD0, s0;
	p2 =	slt.s32 s3, $0xF0  }
.LBB2_9:
0x43a: {  	p1 =	por !p2, !p0  }
0x43b: {  	s3 =	simm.s32 @p1 $0xF0  }
0x43c: {  	vm0 =	vge.f32 v18, v17;
	v18 =	vor.u32 s8, v2;
	s29 =	smov.u32 @p0 s3  }
0x43d: {  	[tilespmem:s29+$0x2950] =	vst.msk vm0, v18;
	v18 =	vmpcnt.ones.xlane vm0  }
0x43e: {  	v19 =	vld [tilespmem:s30+$0xFFFFFFF0]  }
0x43f: {  	(v2sf) =	vpush v18, $0x0;
	_ =	sdelay $0x3  }
0x440: {  	vm13 =	vge.f32 v19, v17  }
0x441: {  	v18 =	vmpcnt.ones.xlane vm13;
	_ =	sdelay $0x1  }
0x442: {  	(v2sf) =	vpush v18, $0x0;
	_ =	sdelay $0x7  }
0x443: {  	s8 =	spop (v2sf)  }
0x444: {  	s3 =	sadd.s32 s29, s8  }
0x445: {  	s31 =	sadd.s32 $0xFFFFFFE0, s0;
	p0 =	slt.s32 s3, $0xF0  }
0x446: {  	v18 =	vor.u32 s31, v2;
	s3 =	simm.s32 @!p0 $0xF0  }
0x447: {  	[tilespmem:s3+$0x2950] =	vst.msk vm13, v18  }
0x448: {  	v18 =	vld [tilespmem:s30+$0x0];
	_ =	sdelay $0x1  }
0x449: {  	s31 =	spop (v2sf)  }
0x44a: {  	s3 =	sadd.s32 s3, s31  }
0x44b: {  	s31 =	sadd.s32 $0xFFFFFFF0, s0;
	p0 =	slt.s32 s3, $0xF0  }
0x44c: {  	s3 =	simm.s32 @!p0 $0xF0;
	vm14 =	vge.f32 v18, v17;
	v18 =	vor.u32 s31, v2  }
0x44d: {  	[tilespmem:s3+$0x2950] =	vst.msk vm14, v18  }
0x44e: {  	v18 =	vld [tilespmem:s30+$0x10];
	_ =	sdelay $0x2  }
0x44f: {  	v19 =	vmpcnt.ones.xlane vm14;
	_ =	sdelay $0x1  }
0x450: {  	(v2sf) =	vpush v19, $0x0;
	vm15 =	vge.f32 v18, v17  }
0x451: {  	v17 =	vmpcnt.ones.xlane vm15;
	_ =	sdelay $0x1  }
0x452: {  	(v2sf) =	vpush v17, $0x0;
	_ =	sdelay $0xb  }
0x453: {  	s30 =	spop (v2sf)  }
0x454: {  	s3 =	sadd.s32 s3, s30  }
0x455: {  	p0 =	slt.s32 s3, $0xF0  }
0x456: {  	s3 =	simm.s32 @!p0 $0xF0;
	s31 =	spop (v2sf)  }
0x457: {  	s29 =	sadd.s32 s3, s31  }
0x458: {  	v17 =	vor.u32 s0, v2;
	p0 =	slt.s32 s29, $0xF0  }
0x459: {  	[tilespmem:s3+$0x2950] =	vst.msk vm15, v17;
	s29 =	simm.s32 @!p0 $0xF0  }
.LBB2_10:
0x45a: {  	v18 =	vld [tilespmem:$0x2950];
	_ =	sdelay $0x2  }
0x45b: {  	v17 =	vmov s29  }
0x45c: {  	vm0 =	vgt.s32 v17, v2  }
0x45d: {  	v18 =	vnsel vm0, $0x0, v18  }
0x45e: {  	v19 =	vshra.s32 v18, $0x7;
	_ =	sdelay $0x4  }
0x45f: {  	v19 =	vld.idx.msk [tilespmem:v19+s10+$0x0], $0xffff;
	_ =	sdelay $0x3  }
0x460: {  	v20 =	vld.idx.msk [tilespmem:v18+s13+$0x0], $0xffff  }
0x461: {  	v18 =	vand.u32 $0x7F, v18;
	v19 =	vshll.u32 v19, $0x7  }
0x462: {  	v18 =	vor.u32 v18, v19  }
0x463: {  	vm1 =	vlt.s32 v18, $0x186A0  }
0x464: {  	vm0 =	vmand vm0, vm1  }
0x465: {  	[tilespmem:s21+$0x0] =	vst.msk vm0, v20  }
0x466: {  	[tilespmem:s22+$0x0] =	vst.msk vm0, v18  }
0x467: {  	v22 =	vmpcnt.ones.xlane vm0;
	v23 =	vld [tilespmem:$0x2960];
	_ =	sdelay $0x1  }
0x468: {  	(v2sf) =	vpush v22, $0x0;
	_ =	sdelay $0x1  }
0x469: {  	vm12 =	vgt.s32 v17, v3  }
0x46a: {  	v24 =	vnsel vm12, $0x0, v23  }
0x46b: {  	v19 =	vshra.s32 v24, $0x7;
	_ =	sdelay $0x4  }
0x46c: {  	v19 =	vld.idx.msk [tilespmem:v19+s10+$0x0], $0xffff;
	_ =	sdelay $0x3  }
0x46d: {  	v20 =	vld.idx.msk [tilespmem:v24+s13+$0x0], $0xffff  }
0x46e: {  	v18 =	vand.u32 $0x7F, v24;
	v19 =	vshll.u32 v19, $0x7  }
0x46f: {  	s0 =	spop (v2sf);
	v18 =	vor.u32 v18, v19  }
0x470: {  	p0 =	slt.s32 s0, $0x78;
	vm13 =	vlt.s32 v18, $0x186A0  }
0x471: {  	s0 =	simm.s32 @!p0 $0x78;
	vm0 =	vmand vm12, vm13  }
0x472: {  	[tilespmem:s0+$0x2A50] =	vst.msk vm0, v20  }
0x473: {  	v25 =	vmpcnt.ones.xlane vm0;
	[tilespmem:s0+$0x2AD8] =	vst.msk vm0, v18  }
0x474: {  	v26 =	vld [tilespmem:$0x2970]  }
0x475: {  	(v2sf) =	vpush v25, $0x0;
	_ =	sdelay $0x2  }
0x476: {  	vm14 =	vgt.s32 v17, v4  }
0x477: {  	v27 =	vnsel vm14, $0x0, v26  }
0x478: {  	v19 =	vshra.s32 v27, $0x7;
	_ =	sdelay $0x4  }
0x479: {  	v19 =	vld.idx.msk [tilespmem:v19+s10+$0x0], $0xffff;
	_ =	sdelay $0x3  }
0x47a: {  	v20 =	vld.idx.msk [tilespmem:v27+s13+$0x0], $0xffff  }
0x47b: {  	v18 =	vand.u32 $0x7F, v27;
	s3 =	spop (v2sf);
	v19 =	vshll.u32 v19, $0x7  }
0x47c: {  	s0 =	sadd.s32 s0, s3;
	v18 =	vor.u32 v18, v19  }
0x47d: {  	p0 =	slt.s32 s0, $0x78;
	vm15 =	vlt.s32 v18, $0x186A0  }
0x47e: {  	s0 =	simm.s32 @!p0 $0x78;
	vm0 =	vmand vm14, vm15  }
0x47f: {  	[tilespmem:s0+$0x2A50] =	vst.msk vm0, v20  }
0x480: {  	v28 =	vmpcnt.ones.xlane vm0;
	[tilespmem:s0+$0x2AD8] =	vst.msk vm0, v18  }
0x481: {  	v29 =	vld [tilespmem:$0x2980]  }
0x482: {  	(v2sf) =	vpush v28, $0x0;
	_ =	sdelay $0x2  }
0x483: {  	vm4 =	vgt.s32 v17, v5  }
0x484: {  	v30 =	vnsel vm4, $0x0, v29  }
0x485: {  	v19 =	vshra.s32 v30, $0x7;
	_ =	sdelay $0x4  }
0x486: {  	v19 =	vld.idx.msk [tilespmem:v19+s10+$0x0], $0xffff;
	_ =	sdelay $0x3  }
0x487: {  	v20 =	vld.idx.msk [tilespmem:v30+s13+$0x0], $0xffff  }
0x488: {  	v18 =	vand.u32 $0x7F, v30;
	s31 =	spop (v2sf);
	v19 =	vshll.u32 v19, $0x7  }
0x489: {  	s0 =	sadd.s32 s0, s31;
	v18 =	vor.u32 v18, v19  }
0x48a: {  	p0 =	slt.s32 s0, $0x78;
	vm5 =	vlt.s32 v18, $0x186A0  }
0x48b: {  	s0 =	simm.s32 @!p0 $0x78;
	vm0 =	vmand vm4, vm5  }
0x48c: {  	[tilespmem:s0+$0x2A50] =	vst.msk vm0, v20  }
0x48d: {  	v31 =	vmpcnt.ones.xlane vm0;
	[tilespmem:s0+$0x2AD8] =	vst.msk vm0, v18  }
0x48e: {  	v32 =	vld [tilespmem:$0x2990]  }
0x48f: {  	(v2sf) =	vpush v31, $0x0;
	_ =	sdelay $0x2  }
0x490: {  	vm6 =	vgt.s32 v17, v6  }
0x491: {  	v33 =	vnsel vm6, $0x0, v32  }
0x492: {  	v19 =	vshra.s32 v33, $0x7;
	_ =	sdelay $0x4  }
0x493: {  	v19 =	vld.idx.msk [tilespmem:v19+s10+$0x0], $0xffff;
	_ =	sdelay $0x3  }
0x494: {  	v20 =	vld.idx.msk [tilespmem:v33+s13+$0x0], $0xffff  }
0x495: {  	v18 =	vand.u32 $0x7F, v33;
	s8 =	spop (v2sf);
	v19 =	vshll.u32 v19, $0x7  }
0x496: {  	s0 =	sadd.s32 s0, s8;
	v18 =	vor.u32 v18, v19  }
0x497: {  	p0 =	slt.s32 s0, $0x78;
	vm7 =	vlt.s32 v18, $0x186A0  }
0x498: {  	s0 =	simm.s32 @!p0 $0x78;
	vm0 =	vmand vm6, vm7  }
0x499: {  	[tilespmem:s0+$0x2A50] =	vst.msk vm0, v20  }
0x49a: {  	v34 =	vmpcnt.ones.xlane vm0;
	[tilespmem:s0+$0x2AD8] =	vst.msk vm0, v18  }
0x49b: {  	v35 =	vld [tilespmem:$0x29A0]  }
0x49c: {  	(v2sf) =	vpush v34, $0x0;
	_ =	sdelay $0x2  }
0x49d: {  	vm8 =	vgt.s32 v17, v7  }
0x49e: {  	v36 =	vnsel vm8, $0x0, v35  }
0x49f: {  	v19 =	vshra.s32 v36, $0x7;
	_ =	sdelay $0x4  }
0x4a0: {  	v19 =	vld.idx.msk [tilespmem:v19+s10+$0x0], $0xffff;
	_ =	sdelay $0x3  }
0x4a1: {  	v20 =	vld.idx.msk [tilespmem:v36+s13+$0x0], $0xffff  }
0x4a2: {  	v18 =	vand.u32 $0x7F, v36;
	s29 =	spop (v2sf);
	v19 =	vshll.u32 v19, $0x7  }
0x4a3: {  	s0 =	sadd.s32 s0, s29;
	v18 =	vor.u32 v18, v19  }
0x4a4: {  	p0 =	slt.s32 s0, $0x78;
	vm9 =	vlt.s32 v18, $0x186A0  }
0x4a5: {  	s0 =	simm.s32 @!p0 $0x78;
	vm0 =	vmand vm8, vm9  }
0x4a6: {  	[tilespmem:s0+$0x2A50] =	vst.msk vm0, v20  }
0x4a7: {  	v37 =	vmpcnt.ones.xlane vm0;
	[tilespmem:s0+$0x2AD8] =	vst.msk vm0, v18  }
0x4a8: {  	v38 =	vld [tilespmem:$0x29B0]  }
0x4a9: {  	(v2sf) =	vpush v37, $0x0;
	_ =	sdelay $0x2  }
0x4aa: {  	vm10 =	vgt.s32 v17, v8  }
0x4ab: {  	v39 =	vnsel vm10, $0x0, v38  }
0x4ac: {  	v19 =	vshra.s32 v39, $0x7;
	_ =	sdelay $0x4  }
0x4ad: {  	v19 =	vld.idx.msk [tilespmem:v19+s10+$0x0], $0xffff;
	_ =	sdelay $0x3  }
0x4ae: {  	v20 =	vld.idx.msk [tilespmem:v39+s13+$0x0], $0xffff  }
0x4af: {  	v18 =	vand.u32 $0x7F, v39;
	s30 =	spop (v2sf);
	v19 =	vshll.u32 v19, $0x7  }
0x4b0: {  	s0 =	sadd.s32 s0, s30;
	v18 =	vor.u32 v18, v19  }
0x4b1: {  	p0 =	slt.s32 s0, $0x78;
	vm11 =	vlt.s32 v18, $0x186A0  }
0x4b2: {  	s0 =	simm.s32 @!p0 $0x78;
	vm0 =	vmand vm10, vm11  }
0x4b3: {  	[tilespmem:s0+$0x2A50] =	vst.msk vm0, v20  }
0x4b4: {  	v40 =	vmpcnt.ones.xlane vm0;
	[tilespmem:s0+$0x2AD8] =	vst.msk vm0, v18  }
0x4b5: {  	v41 =	vld [tilespmem:$0x29C0]  }
0x4b6: {  	(v2sf) =	vpush v40, $0x0;
	_ =	sdelay $0x2  }
0x4b7: {  	vm12 =	vgt.s32 v17, v9  }
0x4b8: {  	v42 =	vnsel vm12, $0x0, v41  }
0x4b9: {  	v19 =	vshra.s32 v42, $0x7;
	_ =	sdelay $0x4  }
0x4ba: {  	v19 =	vld.idx.msk [tilespmem:v19+s10+$0x0], $0xffff;
	_ =	sdelay $0x3  }
0x4bb: {  	v20 =	vld.idx.msk [tilespmem:v42+s13+$0x0], $0xffff  }
0x4bc: {  	v18 =	vand.u32 $0x7F, v42;
	s31 =	spop (v2sf);
	v19 =	vshll.u32 v19, $0x7  }
0x4bd: {  	s0 =	sadd.s32 s0, s31;
	v18 =	vor.u32 v18, v19  }
0x4be: {  	p0 =	slt.s32 s0, $0x78;
	vm13 =	vlt.s32 v18, $0x186A0  }
0x4bf: {  	s0 =	simm.s32 @!p0 $0x78;
	vm0 =	vmand vm12, vm13  }
0x4c0: {  	[tilespmem:s0+$0x2A50] =	vst.msk vm0, v20  }
0x4c1: {  	v43 =	vmpcnt.ones.xlane vm0;
	[tilespmem:s0+$0x2AD8] =	vst.msk vm0, v18  }
0x4c2: {  	v44 =	vld [tilespmem:$0x29D0]  }
0x4c3: {  	(v2sf) =	vpush v43, $0x0;
	_ =	sdelay $0x2  }
0x4c4: {  	vm14 =	vgt.s32 v17, v16  }
0x4c5: {  	v16 =	vnsel vm14, $0x0, v44  }
0x4c6: {  	v45 =	vshra.s32 v16, $0x7;
	_ =	sdelay $0x4  }
0x4c7: {  	v18 =	vld.idx.msk [tilespmem:v45+s10+$0x0], $0xffff;
	_ =	sdelay $0x3  }
0x4c8: {  	v19 =	vld.idx.msk [tilespmem:v16+s13+$0x0], $0xffff  }
0x4c9: {  	v16 =	vand.u32 $0x7F, v16;
	s8 =	spop (v2sf);
	v18 =	vshll.u32 v18, $0x7  }
0x4ca: {  	s0 =	sadd.s32 s0, s8;
	v16 =	vor.u32 v16, v18  }
0x4cb: {  	p0 =	slt.s32 s0, $0x78;
	vm15 =	vlt.s32 v16, $0x186A0  }
0x4cc: {  	s0 =	simm.s32 @!p0 $0x78;
	vm0 =	vmand vm14, vm15  }
0x4cd: {  	[tilespmem:s0+$0x2A50] =	vst.msk vm0, v19  }
0x4ce: {  	v46 =	vmpcnt.ones.xlane vm0;
	[tilespmem:s0+$0x2AD8] =	vst.msk vm0, v16  }
0x4cf: {  	v47 =	vld [tilespmem:$0x29E0]  }
0x4d0: {  	(v2sf) =	vpush v46, $0x0;
	_ =	sdelay $0x2  }
0x4d1: {  	vm4 =	vgt.s32 v17, v15  }
0x4d2: {  	v15 =	vnsel vm4, $0x0, v47  }
0x4d3: {  	v48 =	vshra.s32 v15, $0x7;
	_ =	sdelay $0x4  }
0x4d4: {  	v16 =	vld.idx.msk [tilespmem:v48+s10+$0x0], $0xffff;
	_ =	sdelay $0x3  }
0x4d5: {  	v18 =	vld.idx.msk [tilespmem:v15+s13+$0x0], $0xffff  }
0x4d6: {  	v15 =	vand.u32 $0x7F, v15;
	s29 =	spop (v2sf);
	v16 =	vshll.u32 v16, $0x7  }
0x4d7: {  	s0 =	sadd.s32 s0, s29;
	v15 =	vor.u32 v15, v16  }
0x4d8: {  	p0 =	slt.s32 s0, $0x78;
	vm5 =	vlt.s32 v15, $0x186A0  }
0x4d9: {  	s0 =	simm.s32 @!p0 $0x78;
	vm0 =	vmand vm4, vm5  }
0x4da: {  	[tilespmem:s0+$0x2A50] =	vst.msk vm0, v18  }
0x4db: {  	v49 =	vmpcnt.ones.xlane vm0;
	[tilespmem:s0+$0x2AD8] =	vst.msk vm0, v15  }
0x4dc: {  	v50 =	vld [tilespmem:$0x29F0]  }
0x4dd: {  	(v2sf) =	vpush v49, $0x0;
	_ =	sdelay $0x2  }
0x4de: {  	vm6 =	vgt.s32 v17, v14  }
0x4df: {  	v14 =	vnsel vm6, $0x0, v50  }
0x4e0: {  	v51 =	vshra.s32 v14, $0x7;
	_ =	sdelay $0x4  }
0x4e1: {  	v15 =	vld.idx.msk [tilespmem:v51+s10+$0x0], $0xffff;
	_ =	sdelay $0x3  }
0x4e2: {  	v16 =	vld.idx.msk [tilespmem:v14+s13+$0x0], $0xffff  }
0x4e3: {  	v14 =	vand.u32 $0x7F, v14;
	s30 =	spop (v2sf);
	v15 =	vshll.u32 v15, $0x7  }
0x4e4: {  	s0 =	sadd.s32 s0, s30;
	v14 =	vor.u32 v14, v15  }
0x4e5: {  	p0 =	slt.s32 s0, $0x78;
	vm7 =	vlt.s32 v14, $0x186A0  }
0x4e6: {  	s0 =	simm.s32 @!p0 $0x78;
	vm0 =	vmand vm6, vm7  }
0x4e7: {  	[tilespmem:s0+$0x2A50] =	vst.msk vm0, v16  }
0x4e8: {  	v52 =	vmpcnt.ones.xlane vm0;
	[tilespmem:s0+$0x2AD8] =	vst.msk vm0, v14  }
0x4e9: {  	v53 =	vld [tilespmem:$0x2A00]  }
0x4ea: {  	(v2sf) =	vpush v52, $0x0;
	_ =	sdelay $0x2  }
0x4eb: {  	vm8 =	vgt.s32 v17, v13  }
0x4ec: {  	v13 =	vnsel vm8, $0x0, v53  }
0x4ed: {  	v54 =	vshra.s32 v13, $0x7;
	_ =	sdelay $0x4  }
0x4ee: {  	v14 =	vld.idx.msk [tilespmem:v54+s10+$0x0], $0xffff;
	_ =	sdelay $0x3  }
0x4ef: {  	v15 =	vld.idx.msk [tilespmem:v13+s13+$0x0], $0xffff  }
0x4f0: {  	v13 =	vand.u32 $0x7F, v13;
	s31 =	spop (v2sf);
	v14 =	vshll.u32 v14, $0x7  }
0x4f1: {  	s0 =	sadd.s32 s0, s31;
	v13 =	vor.u32 v13, v14  }
0x4f2: {  	p0 =	slt.s32 s0, $0x78;
	vm9 =	vlt.s32 v13, $0x186A0  }
0x4f3: {  	s0 =	simm.s32 @!p0 $0x78;
	vm0 =	vmand vm8, vm9  }
0x4f4: {  	[tilespmem:s0+$0x2A50] =	vst.msk vm0, v15  }
0x4f5: {  	v55 =	vmpcnt.ones.xlane vm0;
	[tilespmem:s0+$0x2AD8] =	vst.msk vm0, v13  }
0x4f6: {  	v56 =	vld [tilespmem:$0x2A10]  }
0x4f7: {  	(v2sf) =	vpush v55, $0x0;
	_ =	sdelay $0x2  }
0x4f8: {  	vm10 =	vgt.s32 v17, v12  }
0x4f9: {  	v12 =	vnsel vm10, $0x0, v56  }
0x4fa: {  	v57 =	vshra.s32 v12, $0x7;
	_ =	sdelay $0x4  }
0x4fb: {  	v13 =	vld.idx.msk [tilespmem:v57+s10+$0x0], $0xffff;
	_ =	sdelay $0x3  }
0x4fc: {  	v14 =	vld.idx.msk [tilespmem:v12+s13+$0x0], $0xffff  }
0x4fd: {  	v12 =	vand.u32 $0x7F, v12;
	s8 =	spop (v2sf);
	v13 =	vshll.u32 v13, $0x7  }
0x4fe: {  	s0 =	sadd.s32 s0, s8;
	v12 =	vor.u32 v12, v13  }
0x4ff: {  	p0 =	slt.s32 s0, $0x78;
	vm11 =	vlt.s32 v12, $0x186A0  }
0x500: {  	s0 =	simm.s32 @!p0 $0x78;
	vm0 =	vmand vm10, vm11  }
0x501: {  	[tilespmem:s0+$0x2A50] =	vst.msk vm0, v14  }
0x502: {  	v58 =	vmpcnt.ones.xlane vm0;
	[tilespmem:s0+$0x2AD8] =	vst.msk vm0, v12  }
0x503: {  	v59 =	vld [tilespmem:$0x2A20]  }
0x504: {  	(v2sf) =	vpush v58, $0x0;
	_ =	sdelay $0x2  }
0x505: {  	vm12 =	vgt.s32 v17, v11  }
0x506: {  	v11 =	vnsel vm12, $0x0, v59  }
0x507: {  	v60 =	vshra.s32 v11, $0x7;
	_ =	sdelay $0x4  }
0x508: {  	v12 =	vld.idx.msk [tilespmem:v60+s10+$0x0], $0xffff;
	_ =	sdelay $0x3  }
0x509: {  	v13 =	vld.idx.msk [tilespmem:v11+s13+$0x0], $0xffff  }
0x50a: {  	v11 =	vand.u32 $0x7F, v11;
	s29 =	spop (v2sf);
	v12 =	vshll.u32 v12, $0x7  }
0x50b: {  	s0 =	sadd.s32 s0, s29;
	v11 =	vor.u32 v11, v12  }
0x50c: {  	p0 =	slt.s32 s0, $0x78;
	vm13 =	vlt.s32 v11, $0x186A0  }
0x50d: {  	s0 =	simm.s32 @!p0 $0x78;
	vm0 =	vmand vm12, vm13  }
0x50e: {  	[tilespmem:s0+$0x2A50] =	vst.msk vm0, v13  }
0x50f: {  	[tilespmem:s0+$0x2AD8] =	vst.msk vm0, v11  }
0x510: {  	v11 =	vld [tilespmem:$0x2A30];
	_ =	sdelay $0x3  }
0x511: {  	vm14 =	vgt.s32 v17, v10  }
0x512: {  	v10 =	vnsel vm14, $0x0, v11  }
0x513: {  	v11 =	vshra.s32 v10, $0x7;
	_ =	sdelay $0x4  }
0x514: {  	v11 =	vld.idx.msk [tilespmem:v11+s10+$0x0], $0xffff;
	_ =	sdelay $0x4  }
0x515: {  	v61 =	vand.u32 $0x7F, v10;
	v11 =	vshll.u32 v11, $0x7  }
0x516: {  	v62 =	vmpcnt.ones.xlane vm0;
	v11 =	vor.u32 v61, v11  }
0x517: {  	vm15 =	vlt.s32 v11, $0x186A0  }
0x518: {  	(v2sf) =	vpush v62, $0x0;
	vm0 =	vmand vm14, vm15  }
0x519: {  	v63 =	vmpcnt.ones.xlane vm0;
	_ =	sdelay $0x1  }
0x51a: {  	(v2sf) =	vpush v63, $0x0;
	_ =	sdelay $0xb  }
0x51b: {  	s30 =	spop (v2sf)  }
0x51c: {  	s3 =	sadd.s32 s0, s30  }
0x51d: {  	p0 =	slt.s32 s3, $0x78  }
0x51e: {  	s3 =	simm.s32 @!p0 $0x78;
	s31 =	spop (v2sf)  }
0x51f: {  	v10 =	vld.idx.msk [tilespmem:v10+s13+$0x0], $0xffff;
	s0 =	sadd.s32 s3, s31  }
0x520: {  	p0 =	slt.s32 s0, $0x1  }
.Ltmp9:
0x521: {  	_ = 	snop;
	(pc) =	sbr.rel @p0 .LBB2_16-.Ltmp9, $3  }
0x522: {  	_ =	sdelay $0x1  }
0x523: {  	[tilespmem:s3+$0x2A50] =	vst.msk vm0, v10  }
0x524: {  	[tilespmem:s3+$0x2AD8] =	vst.msk vm0, v11  }
0x525: {  	s3 =	simm.s32 $0x0  }
0x526: {  	v12 =	vld [tilespmem:$0x2A50];
	v11 =	vmov s3  }
0x527: {  	v13 =	vld [tilespmem:$0x2AD8]  }
0x528: {  	v14 =	vld [tilespmem:$0x2A60]  }
0x529: {  	v15 =	vld [tilespmem:$0x2AE8]  }
0x52a: {  	v16 =	vld [tilespmem:$0x2B08]  }
0x52b: {  	s0 =	smin.u32 s0, $0x78;
	v10 =	vld.idx.msk [tilespmem:v11+s21+$0x0], $0xffff  }
0x52c: {  	v17 =	vmov s0;
	v11 =	vld.idx.msk [tilespmem:v11+s22+$0x0], $0xffff  }
0x52d: {  	v18 =	vld [tilespmem:$0x2A70];
	vm0 =	vgt.u32 v17, v3;
	vm1 =	vgt.u32 v17, v9  }
0x52e: {  	v3 =	vld [tilespmem:$0x2AF8];
	vm3 =	vgt.u32 v17, v8;
	vm2 =	vgt.u32 v17, v7;
	v7 =	vimm.s32 $0x0  }
0x52f: {  	vm6 =	vgt.u32 v17, v6;
	vm4 =	vgt.u32 v17, v4;
	v4 =	vld [tilespmem:$0x2A80];
	v7 =	vsel vm2, $0xFFFFFFFF, v7  }
0x530: {  	vm2 =	vgt.u32 v17, v5;
	v5 =	vld [tilespmem:$0x2AA0];
	vm7 =	vgt.f32 v12, v10;
	vm8 =	veq.f32 v12, v10  }
0x531: {  	vm9 =	veq.f32 v14, v10;
	vm10 =	vlt.s32 v13, v11;
	vm11 =	vlt.s32 v15, v11  }
0x532: {  	vm12 =	vlt.s32 v16, v11;
	vm8 =	vmand vm8, vm10;
	vm9 =	vmand vm9, vm11  }
0x533: {  	v6 =	vld [tilespmem:$0x2B28];
	vm10 =	veq.f32 v18, v10;
	vm11 =	vlt.s32 v3, v11;
	v3 =	vimm.s32 $0x0  }
0x534: {  	[tilespmem:$0x1FFC0] =	vst v7;
	v7 =	vld [tilespmem:$0x2B18];
	vm13 =	vmor vm7, vm8;
	vm7 =	vgt.f32 v18, v10;
	vm8 =	vmand vm10, vm11  }
0x535: {  	v8 =	vld [tilespmem:$0x2A90];
	vm10 =	vgt.f32 v4, v10;
	vm11 =	veq.f32 v5, v10;
	v3 =	vsel vm4, $0xFFFFFFFF, v3  }
0x536: {  	vm7 =	vmor vm7, vm8;
	vm8 =	veq.f32 v4, v10;
	v4 =	vimm.s32 $0x0  }
0x537: {  	vm8 =	vmand vm8, vm12;
	vm7 =	vmand vm4, vm7;
	v4 =	vsel vm2, $0xFFFFFFFF, v4  }
0x538: {  	[tilespmem:$0x1FFD0] =	vst v3;
	vm8 =	vmor vm10, vm8;
	vm10 =	vlt.s32 v6, v11;
	v3 =	vsel vm7, $0x1, v1  }
0x539: {  	p0 =	sne.s32 s0, $0x1;
	v9 =	vld [tilespmem:$0x2B38];
	vm7 =	vlt.s32 v7, v11;
	vm8 =	vmand vm2, vm8;
	vm10 =	vmand vm11, vm10  }
.Ltmp10:
0x53a: {  	[tilespmem:$0x1FFE0] =	vst v4;
	vm11 =	veq.f32 v8, v10;
	vm2 =	vgt.u32 v17, v2;
	v4 =	vsel vm8, $0x1, v1;
	(pc) =	sbr.rel @!p0 .LBB2_12-.Ltmp10, $4  }
0x53b: {  	vm8 =	vgt.f32 v5, v10;
	vm14 =	vmand vm11, vm7;
	vm11 =	vgt.f32 v14, v10  }
0x53c: {  	v7 =	vld [tilespmem:$0x2AC0];
	vm12 =	vmor vm11, vm9;
	vm9 =	vgt.f32 v8, v10;
	v8 =	vimm.s32 $0x0  }
0x53d: {  	v6 =	vld [tilespmem:$0x2B48];
	vm8 =	vmor vm8, vm10;
	v8 =	vsel vm2, $0xFFFFFFFF, v8  }
0x53e: {  	s29 =	simm.s32 $0x1;
	v5 =	vld [tilespmem:$0x2AB0];
	vm11 =	vmand vm2, vm13;
	vm10 =	vlt.s32 v9, v11;
	vm9 =	vmor vm9, vm14;
	[tilespmem:$0x1FFF0] =	vst v8  }
.LBB2_13:
0x53f: {  	_ =	sdelay $0x1  }
0x540: {  	vm12 =	vmand vm0, vm12;
	vm13 =	vgt.f32 v7, v10;
	vm14 =	veq.f32 v7, v10  }
0x541: {  	vm15 =	vlt.s32 v6, v11;
	v6 =	vsel vm11, $0x1, v1;
	v7 =	vsel vm12, $0x1, v1  }
0x542: {  	v6 =	vadd.s32 v6, v7;
	v7 =	vld [tilespmem:$0x1FFC0];
	_ =	sdelay $0x1  }
0x543: {  	vm7 =	vmmov vm0  }
0x544: {  	vm9 =	vmand vm6, vm9;
	vm12 =	veq.f32 v5, v10;
	vm14 =	vmand vm14, vm15  }
0x545: {  	vm0 =	vgt.f32 v5, v10;
	vm10 =	vmand vm12, vm10;
	vm11 =	vmor vm13, vm14  }
0x546: {  	v3 =	vadd.s32 v3, v6;
	vm0 =	vmor vm0, vm10;
	vm2 =	vnez.u8 v7  }
0x547: {  	v3 =	vadd.s32 v4, v3;
	v4 =	vsel vm9, $0x1, v1;
	vm8 =	vmand vm2, vm8  }
0x548: {  	vm0 =	vmand vm3, vm0;
	v3 =	vadd.s32 v4, v3;
	v4 =	vsel vm8, $0x1, v1  }
0x549: {  	v3 =	vadd.s32 v4, v3;
	v4 =	vsel vm0, $0x1, v1;
	vm0 =	vmand vm1, vm11  }
0x54a: {  	v3 =	vadd.s32 v4, v3;
	v4 =	vsel vm0, $0x1, v1  }
0x54b: {  	v3 =	vadd.s32 v4, v3  }
0x54c: {  	(xrf0) =	vadd.scan.msk.s32 $0xffff, v3;
	_ =	sdelay $0x5  }
0x54d: {  	v4, _, _ =	vpop (xrf0)  }
0x54e: {  	v4 =	vbroadcast v4, $0xF;
	_ =	sdelay $0x3  }
0x54f: {  	s3 =	smov.u32 s29  }
0x550: {  	v3 =	vmov s3  }
0x551: {  	[tilespmem:v4+s23+$0x0] =	vst.idx.msk $0x1, v10  }
0x552: {  	[tilespmem:v4+s24+$0x0] =	vst.idx.msk $0x1, v11  }
0x553: {  	v6 =	vld [tilespmem:$0x2A50]  }
0x554: {  	v7 =	vld [tilespmem:$0x2AD8]  }
0x555: {  	v10 =	vld.idx.msk [tilespmem:v3+s21+$0x0], $0xffff  }
0x556: {  	v11 =	vld.idx.msk [tilespmem:v3+s22+$0x0], $0xffff;
	_ =	sdelay $0x1  }
0x557: {  	v5 =	vld [tilespmem:$0x2B18];
	_ =	sdelay $0x1  }
0x558: {  	v8 =	vld [tilespmem:$0x2A60]  }
0x559: {  	v9 =	vld [tilespmem:$0x2AE8];
	vm8 =	veq.f32 v6, v10;
	vm10 =	vlt.s32 v7, v11  }
0x55a: {  	v3 =	vld [tilespmem:$0x2B08];
	vm0 =	vgt.f32 v6, v10;
	vm8 =	vmand vm8, vm10  }
0x55b: {  	vm0 =	vmor vm0, vm8;
	vm8 =	vlt.s32 v5, v11;
	v5 =	vld [tilespmem:$0x1FFE0]  }
0x55c: {  	v12 =	vld [tilespmem:$0x2A70]  }
0x55d: {  	v14 =	vld [tilespmem:$0x2A80]  }
0x55e: {  	v6 =	vld [tilespmem:$0x2AF8];
	_ =	sdelay $0x1  }
0x55f: {  	vm4 =	vmmov vm1;
	vm9 =	veq.f32 v8, v10;
	vm2 =	vnez.u8 v5;
	v5 =	vld [tilespmem:$0x1FFD0]  }
0x560: {  	vm11 =	vlt.s32 v9, v11;
	vm12 =	vlt.s32 v3, v11;
	v3 =	vld [tilespmem:$0x2B28];
	vm13 =	veq.f32 v12, v10  }
0x561: {  	vm14 =	vgt.f32 v14, v10;
	vm15 =	veq.f32 v14, v10;
	vm9 =	vmand vm9, vm11  }
0x562: {  	v4 =	vld [tilespmem:$0x2AA0];
	vm11 =	vgt.f32 v12, v10;
	vm12 =	vmand vm15, vm12;
	vm1 =	vlt.s32 v6, v11  }
0x563: {  	v13 =	vld [tilespmem:$0x2A90];
	vm10 =	vgt.f32 v8, v10;
	vm12 =	vmor vm14, vm12;
	vm1 =	vmand vm13, vm1  }
0x564: {  	v8 =	vld [tilespmem:$0x2B38];
	vm1 =	vmor vm11, vm1;
	vm12 =	vmand vm2, vm12;
	vm2 =	vnez.u8 v5  }
0x565: {  	vm1 =	vmand vm2, vm1;
	vm2 =	vmmov vm3;
	vm3 =	vlt.s32 v3, v11;
	v3 =	vld [tilespmem:$0x1FFF0];
	_ =	sdelay $0x1  }
0x566: {  	s29 =	sadd.s32 $0x1, s29;
	vm5 =	vmmov vm6  }
0x567: {  	p0 =	sne.s32 s0, s29;
	vm6 =	vgt.f32 v4, v10;
	vm15 =	veq.f32 v4, v10;
	vm14 =	vgt.f32 v13, v10  }
.Ltmp11:
0x568: {  	vm13 =	veq.f32 v13, v10;
	v4 =	vsel vm12, $0x1, v1;
	vm12 =	vmor vm10, vm9;
	(pc) =	sbr.rel @p0 .LBB2_13-.Ltmp11, $4  }
0x569: {  	vm10 =	vlt.s32 v8, v11;
	vm11 =	vnez.u8 v3;
	v3 =	vsel vm1, $0x1, v1  }
0x56a: {  	v7 =	vld [tilespmem:$0x2AC0];
	vm1 =	vmand vm13, vm8;
	vm11 =	vmand vm11, vm0;
	vm0 =	vmand vm15, vm3  }
0x56b: {  	v6 =	vld [tilespmem:$0x2B48];
	vm3 =	vmmov vm2;
	vm9 =	vmor vm14, vm1;
	vm1 =	vmmov vm4  }
0x56c: {  	v5 =	vld [tilespmem:$0x2AB0];
	vm8 =	vmor vm6, vm0;
	vm0 =	vmmov vm7;
	vm6 =	vmmov vm5  }
0x56d: {  	v8 =	vld [tilespmem:$0x1FFC0]  }
.Ltmp12:
0x56e: {  	_ = 	snop;
	(pc) =	sbr.rel .LBB2_15-.Ltmp12, $2  }
0x56f: {  	_ =	sdelay $0x2  }
0x570: {  	vm13 =	vnez.u8 v8  }
.LBB2_6:
.Ltmp13:
0x571: {  	(pc) =	sbr.rel .LBB2_9-.Ltmp13, $2  }
0x572: {  	_ =	sdelay $0x2  }
0x573: {  	_ = 	snop  }
.LBB2_18:
0x574: {  	_ =	sfence.sel $0x180000  }
0x575: {  	[bflag:$0x0] =	sbarrier.arrive $0xFFFF  }
0x576: {  	_ =	strace $0x90000047  }
0x577: {  	s0 =	stileid.u32;
	[bflag:$0x2] =	sbarrier.arrive $0xFFFF  }
0x578: {  	p0 =	sne.s32 s0, $0x0;
	s0 =	rddreg [dreg:$0x2]  }
0x579: {  	s0 =	sadd.s32 @!p0 $0x100000, s0  }
0x57a: {  	[sflag:s0] =	ssyncadd.tile.s32 @!p0 $0x1;
	_ =	shalt  }
.Lfunc_end2:
_tile_overlayer_lowered:
.L_overlay_start_2:
0x57b: {  	(tag) =	ssettag $0x2  }
0x57c: {  	s0 =	rddreg [dreg:$0x0];
	s2 =	stileid.u32  }
0x57d: {  	s1 =	rddreg [dreg:$0x1];
	p0 =	sne.s32 s2, $0x0  }
0x57e: {  	s3 =	rddreg [dreg:$0x2];
	[bflag:$0x3] =	sbarrier.arrive $0xFFFF;
	s2 =	simm.s32 @!p0 $0x1C02  }
0x57f: {  	[timem:s3], [sflag:s2] =	dma.local @!p0 [hbm:s0], s1  }
0x580: {  	s0 =	simm.s32 @!p0 $0x2  }
0x581: {  	_ =	swait.ge @!p0 [sflag:s0], s1  }
0x582: {  	s1 =	ssub.s32 @!p0 $0x0, s1;
	[sflag:s0] =	ssyncset.done @!p0 $0x0  }
0x583: {  	[sflag:s0] =	ssyncadd.s32 @!p0 s1  }
0x584: {  	[bflag:$0x3] =	sbarrier.arrive $0xFFFF  }
0x585: {  	_ =	shalt  }

</sc_bundles>
